<compile_context>
chip_gen: v7x
topology: tpu7x:2x2x1
jax: 0.10.2.dev20260603
libtpu: 0.0.44.dev20260713+nightly
codegen_flags: <defaults>
</compile_context>

<pallas_src>
import functools

import jax
import jax.numpy as jnp
from jax import lax
from jax.experimental import pallas as pl
from jax.experimental.pallas import tpu as pltpu
from jax.experimental.pallas import tpu_sc as plsc

N = 50000
E = 1600000
FIN = 16
HID = 400
ZDIM = 50
NOUT = 5
ZC = 128
CW = 32
NCH = ZC // CW
NSC = 2
NSUB = 16
LANES = 16
EPW = E // (NSC * NSUB)
EB = 400
NSTEP = EPW // EB
DEB = 1000
DNSTEP = EPW // DEB
NP = 50048
RPS = NP // NSUB
ZB = 136
RB = 400

_sc_mesh = plsc.VectorSubcoreMesh(core_axis_name="c", subcore_axis_name="s")
_sc_params = pltpu.CompilerParams(use_tc_tiling_on_sc=False)


def _f32(*shape):
    return jax.ShapeDtypeStruct(shape, jnp.float32)


@functools.partial(
    pl.kernel,
    mesh=_sc_mesh,
    out_type=_f32(NSC, NP, LANES),
    scratch_types=[
        pltpu.VMEM((DNSTEP, DEB), jnp.int32),
        pltpu.VMEM((DEB, LANES), jnp.float32),
        pltpu.VMEM((ZB, LANES), jnp.float32),
        pltpu.VMEM_SHARED((NP, LANES), jnp.float32),
        pltpu.SemaphoreType.DMA,
    ],
    compiler_params=_sc_params,
)
def _sc_degree(dst_hbm, out_hbm, didx_v, ones_v, zbuf_v, acc_sh, sem):
    cid = lax.axis_index("c")
    sid = lax.axis_index("s")
    wid = cid * NSUB + sid

    @pl.loop(0, DEB)
    def _(i):
        ones_v.at[i][...] = jnp.ones((LANES,), jnp.float32)

    @pl.loop(0, ZB)
    def _(i):
        zbuf_v.at[i][...] = jnp.zeros((LANES,), jnp.float32)

    @pl.loop(0, RPS // ZB)
    def _(k):
        pltpu.sync_copy(zbuf_v, acc_sh.at[pl.ds(sid * RPS + k * ZB, ZB)])

    pltpu.sync_copy(dst_hbm.at[wid], didx_v)
    plsc.subcore_barrier()

    @pl.loop(0, DNSTEP)
    def _(t):
        @pl.when(t >= 2)
        def _():
            pltpu.make_async_copy(
                ones_v, acc_sh.at[didx_v.at[t - 2]], sem).wait()
        pltpu.async_copy(ones_v, acc_sh.at[didx_v.at[t]], sem, add=True)

    for t in (DNSTEP - 2, DNSTEP - 1):
        pltpu.make_async_copy(ones_v, acc_sh.at[didx_v.at[t]], sem).wait()

    plsc.subcore_barrier()
    pltpu.sync_copy(acc_sh.at[pl.ds(sid * RPS, RPS)],
                    out_hbm.at[cid, pl.ds(sid * RPS, RPS)])


def _make_sc_agg(nchunks, cw, eb):
    nstep = EPW // eb
    assert EPW % eb == 0 and nstep % 2 == 1 and eb % 8 == 0
    @functools.partial(
        pl.kernel,
        mesh=_sc_mesh,
        out_type=_f32(NSC, nchunks, NP, cw),
        scratch_types=[
            pltpu.VMEM((2, eb), jnp.int32),
            pltpu.VMEM((2, eb), jnp.int32),
            pltpu.VMEM((eb, cw), jnp.float32),
            pltpu.VMEM((eb, cw), jnp.float32),
            pltpu.VMEM_SHARED((NP, cw), jnp.float32),
            pltpu.SemaphoreType.DMA,
            pltpu.SemaphoreType.DMA,
            pltpu.SemaphoreType.DMA,
        ],
        compiler_params=_sc_params,
    )
    def _sc_agg(src_hbm, dst_hbm, y_hbm, out_hbm,
                sidx_v, didx_v, rows0_v, rows1_v, acc_sh,
                sem_g, sem_w, sem_i):
        cid = lax.axis_index("c")
        sid = lax.axis_index("s")
        wid = cid * NSUB + sid
        rows = (rows0_v, rows1_v)

        def issue_idx(t, b):
            pltpu.async_copy(src_hbm.at[wid, t], sidx_v.at[b], sem_i)
            pltpu.async_copy(dst_hbm.at[wid, t], didx_v.at[b], sem_i)

        def wait_idx(t, b):
            pltpu.make_async_copy(src_hbm.at[wid, t], sidx_v.at[b],
                                  sem_i).wait()
            pltpu.make_async_copy(dst_hbm.at[wid, t], didx_v.at[b],
                                  sem_i).wait()

        def issue_gather(c, t, b):
            pltpu.async_copy(y_hbm.at[c].at[sidx_v.at[b]], rows[b], sem_g)

        def wait_gather(c, t, b):
            pltpu.make_async_copy(
                y_hbm.at[c].at[sidx_v.at[b]], rows[b], sem_g).wait()

        def issue_scatter(t, b):
            pltpu.async_copy(rows[b], acc_sh.at[didx_v.at[b]], sem_w,
                             add=True)

        def wait_scatter(t, b):
            pltpu.make_async_copy(
                rows[b], acc_sh.at[didx_v.at[b]], sem_w).wait()

        zfull, zrem = divmod(RPS, eb)

        for c in range(nchunks):
            @pl.loop(0, eb)
            def _(i):
                for g in range(cw // LANES):
                    rows0_v.at[i, pl.ds(g * LANES, LANES)][...] = (
                        jnp.zeros((LANES,), jnp.float32))

            @pl.loop(0, zfull)
            def _(k):
                pltpu.sync_copy(rows0_v, acc_sh.at[pl.ds(sid * RPS + k * eb, eb)])
            if zrem:
                pltpu.sync_copy(rows0_v.at[pl.ds(0, zrem)],
                                acc_sh.at[pl.ds(sid * RPS + zfull * eb, zrem)])

            plsc.subcore_barrier()

            pltpu.sync_copy(src_hbm.at[wid, 0], sidx_v.at[0])
            pltpu.sync_copy(dst_hbm.at[wid, 0], didx_v.at[0])
            issue_gather(c, 0, 0)
            issue_idx(1, 1)

            @pl.loop(0, (nstep - 3) // 2)
            def _(i):
                t0 = 2 * i

                wait_gather(c, t0, 0)
                wait_idx(t0 + 1, 1)
                issue_gather(c, t0 + 1, 1)
                issue_scatter(t0, 0)
                wait_scatter(t0, 0)
                issue_idx(t0 + 2, 0)

                wait_gather(c, t0 + 1, 1)
                wait_idx(t0 + 2, 0)
                issue_gather(c, t0 + 2, 0)
                issue_scatter(t0 + 1, 1)
                wait_scatter(t0 + 1, 1)
                issue_idx(t0 + 3, 1)

            tail0 = nstep - 3
            wait_gather(c, tail0, 0)
            wait_idx(tail0 + 1, 1)
            issue_gather(c, tail0 + 1, 1)
            issue_scatter(tail0, 0)
            wait_scatter(tail0, 0)
            issue_idx(tail0 + 2, 0)

            wait_gather(c, tail0 + 1, 1)
            wait_idx(tail0 + 2, 0)
            issue_gather(c, tail0 + 2, 0)
            issue_scatter(tail0 + 1, 1)
            wait_scatter(tail0 + 1, 1)

            wait_gather(c, tail0 + 2, 0)
            issue_scatter(tail0 + 2, 0)
            wait_scatter(tail0 + 2, 0)

            plsc.subcore_barrier()
            pltpu.sync_copy(acc_sh.at[pl.ds(sid * RPS, RPS)],
                            out_hbm.at[cid, c, pl.ds(sid * RPS, RPS)])
            plsc.subcore_barrier()

    return _sc_agg


AEB = 2000
_sc_agg1 = _make_sc_agg(1, LANES, AEB)
_sc_agg2 = _make_sc_agg(NCH, CW, EB)


def _tc1_body(degp_ref, x_ref, dis_ref, y1_ref):
    deg = degp_ref[0] + degp_ref[1] + 1.0
    dis = lax.rsqrt(deg)
    dis_ref[...] = dis
    y1_ref[...] = x_ref[...] * dis


def _tc1(deg_p, x_pad):
    grid = (N // RB,)
    return pl.pallas_call(
        _tc1_body,
        grid=grid,
        in_specs=[
            pl.BlockSpec((NSC, RB, LANES), lambda i: (0, i, 0)),
            pl.BlockSpec((RB, LANES), lambda i: (i, 0)),
        ],
        out_specs=[
            pl.BlockSpec((RB, LANES), lambda i: (i, 0)),
            pl.BlockSpec((RB, LANES), lambda i: (i, 0)),
        ],
        out_shape=[_f32(N, LANES), _f32(N, LANES)],
    )(deg_p, x_pad)


def _tc2_body(aggp_ref, y1_ref, dis_ref, w1_ref, b1_ref, wc_ref, yc_ref):
    dis = dis_ref[...]
    h_in = (aggp_ref[0] + aggp_ref[1] + y1_ref[...]) * dis
    pre = jnp.dot(h_in, w1_ref[...], preferred_element_type=jnp.float32)
    hidden = jax.nn.softplus(pre + b1_ref[...])
    hc = jnp.dot(hidden, wc_ref[...], preferred_element_type=jnp.float32)
    hc = hc * dis[:, :1]
    for c in range(NCH):
        yc_ref[c] = hc[:, c * CW:(c + 1) * CW]


def _tc2(agg1_p, y1, dis, w1p, b1, wcat):
    grid = (N // RB,)
    return pl.pallas_call(
        _tc2_body,
        grid=grid,
        in_specs=[
            pl.BlockSpec((NSC, RB, LANES), lambda i: (0, i, 0)),
            pl.BlockSpec((RB, LANES), lambda i: (i, 0)),
            pl.BlockSpec((RB, LANES), lambda i: (i, 0)),
            pl.BlockSpec((FIN, HID), lambda i: (0, 0)),
            pl.BlockSpec((1, HID), lambda i: (0, 0)),
            pl.BlockSpec((HID, ZC), lambda i: (0, 0)),
        ],
        out_specs=[pl.BlockSpec((NCH, RB, CW), lambda i: (0, i, 0))],
        out_shape=[_f32(NCH, N, CW)],
    )(agg1_p.reshape(NSC, NP, LANES), y1, dis, w1p, b1, wcat)[0]


def _tc3_body(aggp_ref, yc_ref, dis_ref, bmu_ref, bsig_ref, eps_ref,
              dw1_ref, db1_ref, dw2_ref, db2_ref, out_ref):
    dis = dis_ref[...]
    cols = [
        (aggp_ref[0, c] + aggp_ref[1, c] + yc_ref[c]) * dis[:, :1]
        for c in range(NCH)
    ]
    zcat = jnp.concatenate(cols, axis=1)
    z_loc = zcat[:, :ZDIM] + bmu_ref[...]
    z_scale = jnp.exp(zcat[:, ZDIM:2 * ZDIM] + bsig_ref[...])
    z = z_loc + z_scale * eps_ref[...]
    h = jax.nn.softplus(
        jnp.dot(z, dw1_ref[...], preferred_element_type=jnp.float32)
        + db1_ref[...])
    o = jnp.dot(h, dw2_ref[...], preferred_element_type=jnp.float32)
    out_ref[...] = jax.nn.sigmoid(o + db2_ref[...])


def _tc3(agg2_p, ycat, dis, bmu, bsig, eps, dw1, db1, dw2, db2):
    grid = (N // RB,)
    return pl.pallas_call(
        _tc3_body,
        grid=grid,
        in_specs=[
            pl.BlockSpec((NSC, NCH, RB, CW), lambda i: (0, 0, i, 0)),
            pl.BlockSpec((NCH, RB, CW), lambda i: (0, i, 0)),
            pl.BlockSpec((RB, LANES), lambda i: (i, 0)),
            pl.BlockSpec((1, ZDIM), lambda i: (0, 0)),
            pl.BlockSpec((1, ZDIM), lambda i: (0, 0)),
            pl.BlockSpec((RB, ZDIM), lambda i: (i, 0)),
            pl.BlockSpec((ZDIM, HID), lambda i: (0, 0)),
            pl.BlockSpec((1, HID), lambda i: (0, 0)),
            pl.BlockSpec((HID, NOUT), lambda i: (0, 0)),
            pl.BlockSpec((1, NOUT), lambda i: (0, 0)),
        ],
        out_specs=[pl.BlockSpec((RB, NOUT), lambda i: (i, 0))],
        out_shape=[_f32(N, NOUT)],
    )(agg2_p, ycat, dis, bmu, bsig, eps, dw1, db1, dw2, db2)[0]


def kernel(x, adj, W1, b1, Wmu, bmu, Wsig, bsig, dW1, db1, dW2, db2):
    nw = NSC * NSUB
    src1 = adj[0].reshape(nw, EPW // AEB, AEB)
    dst1 = adj[1].reshape(nw, EPW // AEB, AEB)
    src2 = adj[0].reshape(nw, NSTEP, EB)
    dst2 = adj[1].reshape(nw, NSTEP, EB)
    dstd = adj[1].reshape(nw, DNSTEP, DEB)

    x_pad = jnp.pad(x, ((0, 0), (0, FIN - x.shape[1])))
    w1p = jnp.pad(W1, ((0, FIN - W1.shape[0]), (0, 0)))
    wcat = jnp.pad(jnp.concatenate([Wmu, Wsig], axis=1),
                   ((0, 0), (0, ZC - 2 * ZDIM)))
    eps = jax.random.normal(jax.random.key(42), (N, ZDIM), dtype=jnp.float32)

    deg_p = _sc_degree(dstd)
    dis, y1 = _tc1(deg_p, x_pad)
    agg1_p = _sc_agg1(src1, dst1, y1.reshape(1, N, LANES))
    ycat = _tc2(agg1_p, y1, dis, w1p, b1.reshape(1, HID), wcat)
    agg2_p = _sc_agg2(src2, dst2, ycat)
    out = _tc3(agg2_p, ycat, dis, bmu.reshape(1, ZDIM), bsig.reshape(1, ZDIM),
               eps, dW1, db1.reshape(1, HID), dW2, db2.reshape(1, NOUT))
    return out

# --- scband reference (transcript-rebuilt; emitter-appended) ---
"""Pipeline reference for scband-vae-30743375904799 (READ-ONLY COPY).

The authoritative reference and input builder live on the scoring server;
editing this copy changes nothing except your own understanding.
"""

import jax, jax.numpy as jnp
import numpy as np

N_NODES = 50000
N_EDGES = 1600000
N_FEAT = 13
HIDDEN = 400
Z_DIM = 50
NUM_OUT = 5


def gcn_conv(x, edge_index, W, b):
    n = x.shape[0]
    xw = x @ W
    src = edge_index[0]
    dst = edge_index[1]
    loops = jnp.arange(n, dtype=edge_index.dtype)
    src = jnp.concatenate([src, loops])
    dst = jnp.concatenate([dst, loops])
    ones = jnp.ones(src.shape[0], dtype=x.dtype)
    deg = jnp.zeros((n,), dtype=x.dtype).at[dst].add(ones)
    deg_inv_sqrt = jnp.where(deg > 0, 1.0 / jnp.sqrt(deg), 0.0)
    norm = deg_inv_sqrt[src] * deg_inv_sqrt[dst]
    msgs = xw[src] * norm[:, None]
    out = jnp.zeros((n, W.shape[1]), dtype=x.dtype).at[dst].add(msgs)
    return out + b


def setup_inputs(seed: int = 0) -> dict:
    key = jax.random.key(seed)
    ks = jax.random.split(key, 12)
    x = jax.random.normal(ks[0], (N_NODES, N_FEAT), dtype=jnp.float32)
    adj = jax.random.randint(ks[1], (2, N_EDGES), 0, N_NODES, dtype=jnp.int64 if jax.config.jax_enable_x64 else jnp.int32).astype(jnp.int32)
    W1 = jax.random.normal(ks[2], (N_FEAT, HIDDEN), dtype=jnp.float32) * 0.05
    b1 = jnp.zeros((HIDDEN,), dtype=jnp.float32)
    Wmu = jax.random.normal(ks[3], (HIDDEN, Z_DIM), dtype=jnp.float32) * 0.05
    bmu = jnp.zeros((Z_DIM,), dtype=jnp.float32)
    Wsig = jax.random.normal(ks[4], (HIDDEN, Z_DIM), dtype=jnp.float32) * 0.05
    bsig = jnp.zeros((Z_DIM,), dtype=jnp.float32)
    dW1 = jax.random.normal(ks[5], (Z_DIM, HIDDEN), dtype=jnp.float32) * 0.05
    db1 = jnp.zeros((HIDDEN,), dtype=jnp.float32)
    dW2 = jax.random.normal(ks[6], (HIDDEN, NUM_OUT), dtype=jnp.float32) * 0.05
    db2 = jnp.zeros((NUM_OUT,), dtype=jnp.float32)
    return {"x": x, "adj": adj, "W1": W1, "b1": b1, "Wmu": Wmu, "bmu": bmu,
            "Wsig": Wsig, "bsig": bsig, "dW1": dW1, "db1": db1, "dW2": dW2, "db2": db2}


def reference(x, adj, W1, b1, Wmu, bmu, Wsig, bsig, dW1, db1, dW2, db2):
    # Encoder: GCN -> softplus -> (GCN mu, exp(GCN sig))
    hidden = jax.nn.softplus(gcn_conv(x, adj, W1, b1))
    z_loc = gcn_conv(hidden, adj, Wmu, bmu)
    z_scale = jnp.exp(gcn_conv(hidden, adj, Wsig, bsig))
    # reparameterized sample with fixed noise (reconstruct_graph samples Normal)
    eps = jax.random.normal(jax.random.key(42), z_loc.shape, dtype=z_loc.dtype)
    z = z_loc + z_scale * eps
    # Decoder
    h = jax.nn.softplus(z @ dW1 + db1)
    loc_img = jax.nn.sigmoid(h @ dW2 + db2)
    return loc_img

if __name__ == "__main__":
    import jax
    _d = setup_inputs()
    print(jax.jit(kernel)(*tuple(_d.values())))

</pallas_src>

<mosaic_0001>
#map = affine_map<(d0, d1) -> (0, 0, 0)>
#map1 = affine_map<(d0, d1) -> (0, 0, 0, 0)>
module attributes {stable_mosaic.version = 14 : i64} {
  func.func @_sc_agg(%arg0: i32, %arg1: i32, %arg2: memref<32x25x2000xi32, #tpu.memory_space<hbm>>, %arg3: memref<32x25x2000xi32, #tpu.memory_space<hbm>>, %arg4: memref<1x50000x16xf32, #tpu.memory_space<hbm>>, %arg5: memref<2x1x50048x16xf32, #tpu.memory_space<hbm>>, %arg6: memref<2x2000xi32, #tpu.memory_space<vmem>>, %arg7: memref<2x2000xi32, #tpu.memory_space<vmem>>, %arg8: memref<2000x16xf32, #tpu.memory_space<vmem>>, %arg9: memref<2000x16xf32, #tpu.memory_space<vmem>>, %arg10: memref<50048x16xf32, #tpu.memory_space<vmem_shared>>, %arg11: memref<!tpu.dma_semaphore, #tpu.memory_space<semaphore_mem>>, %arg12: memref<!tpu.dma_semaphore, #tpu.memory_space<semaphore_mem>>, %arg13: memref<!tpu.dma_semaphore, #tpu.memory_space<semaphore_mem>>) attributes {dimension_semantics = [#tpu.dimension_semantics<core_parallel>, #tpu.dimension_semantics<subcore_parallel>], iteration_bounds = array<i64: 2, 16>, scalar_prefetch = 0 : i64, scratch_operands = 8 : i64, tpu.core_type = #tpu.core_type<sc_vector_subcore>, window_params = [{transform_indices = #map}, {transform_indices = #map}, {transform_indices = #map}, {transform_indices = #map1}]} {
    %mul3A = arith.constant 16 : i32
    %mul3A_0 = arith.muli %arg0, %mul3A : i32
    %add3A = arith.addi %mul3A_0, %arg1 : i32
    %scan3A = arith.constant 0 : i32
    %scan3A_1 = arith.constant 2000 : i32
    %scan3A_2 = arith.addi %scan3A, %scan3A_1 : i32
    %scan3A_3 = arith.constant 1 : i32
    scf.for %scan3A_259 = %scan3A to %scan3A_2 step %scan3A_3  : i32 {
      %mul3A_260 = arith.constant 1 : i32
      %mul3A_261 = arith.muli %scan3A_259, %mul3A_260 : i32
      %add3A_262 = arith.constant 0 : i32
      %add3A_263 = arith.addi %add3A_262, %mul3A_261 : i32
      %broadcast_in_dim3A = arith.constant 0.000000e+00 : f32
      %broadcast_in_dim3A_264 = vector.broadcast %broadcast_in_dim3A : f32 to vector<16xf32>
      %swap3A = arith.index_cast %add3A_263 : i32 to index
      %swap3A_265 = arith.constant 0 : index
      %swap3A_266 = tpu.vector_load %arg8[%swap3A, %swap3A_265] {strides = array<i32>} : memref<2000x16xf32, #tpu.memory_space<vmem>>, vector<1x16xf32>,
      %swap3A_267 = vector.shape_cast %swap3A_266 : vector<1x16xf32> to vector<16xf32>
      %swap3A_268 = vector.shape_cast %broadcast_in_dim3A_264 : vector<16xf32> to vector<1x16xf32>
      tpu.vector_store %arg8[%swap3A, %swap3A_265], %swap3A_268 {strides = array<i32>} : memref<2000x16xf32, #tpu.memory_space<vmem>>, vector<1x16xf32>,
    }
    %scan3A_4 = arith.constant 2000 : i32
    %scan3A_5 = arith.constant 0 : i32
    %mul3A_6 = arith.constant 1 : i32
    %mul3A_7 = arith.muli %scan3A_5, %mul3A_6 : i32
    %add3A_8 = arith.constant 0 : i32
    %add3A_9 = arith.addi %add3A_8, %mul3A_7 : i32
    %mul3A_10 = arith.constant 3128 : i32
    %mul3A_11 = arith.muli %arg1, %mul3A_10 : i32
    %mul3A_12 = arith.constant 2000 : i32
    %mul3A_13 = arith.muli %add3A_9, %mul3A_12 : i32
    %add3A_14 = arith.addi %mul3A_11, %mul3A_13 : i32
    "tpu.region"() ({
      %run_scoped3A_259 = tpu.sem_alloc : memref<!tpu.dma_semaphore, #tpu.memory_space<semaphore_mem>>
      %dma_start3A_260 = arith.constant 0 : i32
      %dma_start3A_261 = tpu.memref_slice %arg10[%add3A_14, %dma_start3A_260] : memref<50048x16xf32, #tpu.memory_space<vmem_shared>> -> memref<2000x16xf32, #tpu.memory_space<vmem_shared>>
      %dma_start3A_262 = arith.constant 0 : i32
      %dma_start3A_263 = tpu.memref_slice %arg10[%add3A_14, %dma_start3A_262] : memref<50048x16xf32, #tpu.memory_space<vmem_shared>> -> memref<2000x16xf32, #tpu.memory_space<vmem_shared>>
      tpu.enqueue_dma source(%arg8 : memref<2000x16xf32, #tpu.memory_space<vmem>>) target(%dma_start3A_263 : memref<2000x16xf32, #tpu.memory_space<vmem_shared>>) target_semaphore(%run_scoped3A_259 : memref<!tpu.dma_semaphore, #tpu.memory_space<semaphore_mem>>)
      %dma_wait3A_264 = arith.constant 0 : i32
      %dma_wait3A_265 = tpu.memref_slice %arg10[%add3A_14, %dma_wait3A_264] : memref<50048x16xf32, #tpu.memory_space<vmem_shared>> -> memref<2000x16xf32, #tpu.memory_space<vmem_shared>>
      %dma_wait3A_266 = arith.constant 0 : i32
      %dma_wait3A_267 = tpu.memref_slice %arg10[%add3A_14, %dma_wait3A_266] : memref<50048x16xf32, #tpu.memory_space<vmem_shared>> -> memref<2000x16xf32, #tpu.memory_space<vmem_shared>>
      tpu.wait_dma2 semaphore(%run_scoped3A_259 : memref<!tpu.dma_semaphore, #tpu.memory_space<semaphore_mem>>) src(%arg8 : memref<2000x16xf32, #tpu.memory_space<vmem>>) dst(%dma_wait3A_267 : memref<2000x16xf32, #tpu.memory_space<vmem_shared>>)
      tpu.yield
    }) : () -> ()
    %scan3A_15 = arith.constant 1 : i32
    %mul3A_16 = arith.constant 3128 : i32
    %mul3A_17 = arith.muli %arg1, %mul3A_16 : i32
    %add3A_18 = arith.constant 2000 : i32
    %add3A_19 = arith.addi %mul3A_17, %add3A_18 : i32
    "tpu.region"() ({
      %run_scoped3A_259 = tpu.sem_alloc : memref<!tpu.dma_semaphore, #tpu.memory_space<semaphore_mem>>
      %dma_start3A_260 = arith.constant 0 : i32
      %dma_start3A_261 = arith.constant 0 : i32
      %dma_start3A_262 = tpu.memref_slice %arg8[%dma_start3A_260, %dma_start3A_261] : memref<2000x16xf32, #tpu.memory_space<vmem>> -> memref<1128x16xf32, #tpu.memory_space<vmem>>
      %dma_start3A_263 = arith.constant 0 : i32
      %dma_start3A_264 = tpu.memref_slice %arg10[%add3A_19, %dma_start3A_263] : memref<50048x16xf32, #tpu.memory_space<vmem_shared>> -> memref<1128x16xf32, #tpu.memory_space<vmem_shared>>
      %dma_start3A_265 = arith.constant 0 : i32
      %dma_start3A_266 = tpu.memref_slice %arg10[%add3A_19, %dma_start3A_265] : memref<50048x16xf32, #tpu.memory_space<vmem_shared>> -> memref<1128x16xf32, #tpu.memory_space<vmem_shared>>
      %dma_start3A_267 = arith.constant 0 : i32
      %dma_start3A_268 = arith.constant 0 : i32
      %dma_start3A_269 = tpu.memref_slice %arg8[%dma_start3A_267, %dma_start3A_268] : memref<2000x16xf32, #tpu.memory_space<vmem>> -> memref<1128x16xf32, #tpu.memory_space<vmem>>
      tpu.enqueue_dma source(%dma_start3A_269 : memref<1128x16xf32, #tpu.memory_space<vmem>>) target(%dma_start3A_266 : memref<1128x16xf32, #tpu.memory_space<vmem_shared>>) target_semaphore(%run_scoped3A_259 : memref<!tpu.dma_semaphore, #tpu.memory_space<semaphore_mem>>)
      %dma_wait3A_270 = arith.constant 0 : i32
      %dma_wait3A_271 = arith.constant 0 : i32
      %dma_wait3A_272 = tpu.memref_slice %arg8[%dma_wait3A_270, %dma_wait3A_271] : memref<2000x16xf32, #tpu.memory_space<vmem>> -> memref<1128x16xf32, #tpu.memory_space<vmem>>
      %dma_wait3A_273 = arith.constant 0 : i32
      %dma_wait3A_274 = tpu.memref_slice %arg10[%add3A_19, %dma_wait3A_273] : memref<50048x16xf32, #tpu.memory_space<vmem_shared>> -> memref<1128x16xf32, #tpu.memory_space<vmem_shared>>
      %dma_wait3A_275 = arith.constant 0 : i32
      %dma_wait3A_276 = tpu.memref_slice %arg10[%add3A_19, %dma_wait3A_275] : memref<50048x16xf32, #tpu.memory_space<vmem_shared>> -> memref<1128x16xf32, #tpu.memory_space<vmem_shared>>
      %dma_wait3A_277 = arith.constant 0 : i32
      %dma_wait3A_278 = arith.constant 0 : i32
      %dma_wait3A_279 = tpu.memref_slice %arg8[%dma_wait3A_277, %dma_wait3A_278] : memref<2000x16xf32, #tpu.memory_space<vmem>> -> memref<1128x16xf32, #tpu.memory_space<vmem>>
      tpu.wait_dma2 semaphore(%run_scoped3A_259 : memref<!tpu.dma_semaphore, #tpu.memory_space<semaphore_mem>>) src(%dma_wait3A_279 : memref<1128x16xf32, #tpu.memory_space<vmem>>) dst(%dma_wait3A_276 : memref<1128x16xf32, #tpu.memory_space<vmem_shared>>)
      tpu.yield
    }) : () -> ()
    %barrier3A = arith.constant 0 : index
    tpu.barrier barrier_id(%barrier3A)
    %run_scoped3A = arith.constant 0 : i32
    %run_scoped3A_20 = arith.constant 0 : i32
    "tpu.region"() ({
      %run_scoped3A_259 = tpu.sem_alloc : memref<!tpu.dma_semaphore, #tpu.memory_space<semaphore_mem>>
      %dma_start3A_260 = arith.constant 0 : i32
      %dma_start3A_261 = tpu.memref_slice %arg6[%run_scoped3A_20, %dma_start3A_260] : memref<2x2000xi32, #tpu.memory_space<vmem>> -> memref<1x2000xi32, #tpu.memory_space<vmem>>
      %dma_start3A_262 = tpu.memref_squeeze %dma_start3A_261 : memref<1x2000xi32, #tpu.memory_space<vmem>> -> memref<2000xi32, #tpu.memory_space<vmem>>
      %dma_start3A_263 = arith.constant 0 : i32
      %dma_start3A_264 = tpu.memref_slice %arg2[%add3A, %run_scoped3A, %dma_start3A_263] : memref<32x25x2000xi32, #tpu.memory_space<hbm>> -> memref<1x1x2000xi32, #tpu.memory_space<hbm>>
      %dma_start3A_265 = tpu.memref_squeeze %dma_start3A_264 : memref<1x1x2000xi32, #tpu.memory_space<hbm>> -> memref<2000xi32, #tpu.memory_space<hbm>>
      %dma_start3A_266 = arith.constant 0 : i32
      %dma_start3A_267 = tpu.memref_slice %arg6[%run_scoped3A_20, %dma_start3A_266] : memref<2x2000xi32, #tpu.memory_space<vmem>> -> memref<1x2000xi32, #tpu.memory_space<vmem>>
      %dma_start3A_268 = tpu.memref_squeeze %dma_start3A_267 : memref<1x2000xi32, #tpu.memory_space<vmem>> -> memref<2000xi32, #tpu.memory_space<vmem>>
      %dma_start3A_269 = arith.constant 0 : i32
      %dma_start3A_270 = tpu.memref_slice %arg2[%add3A, %run_scoped3A, %dma_start3A_269] : memref<32x25x2000xi32, #tpu.memory_space<hbm>> -> memref<1x1x2000xi32, #tpu.memory_space<hbm>>
      %dma_start3A_271 = tpu.memref_squeeze %dma_start3A_270 : memref<1x1x2000xi32, #tpu.memory_space<hbm>> -> memref<2000xi32, #tpu.memory_space<hbm>>
      tpu.enqueue_dma source(%dma_start3A_271 : memref<2000xi32, #tpu.memory_space<hbm>>) target(%dma_start3A_268 : memref<2000xi32, #tpu.memory_space<vmem>>) target_semaphore(%run_scoped3A_259 : memref<!tpu.dma_semaphore, #tpu.memory_space<semaphore_mem>>)
      %dma_wait3A_272 = arith.constant 0 : i32
      %dma_wait3A_273 = tpu.memref_slice %arg6[%run_scoped3A_20, %dma_wait3A_272] : memref<2x2000xi32, #tpu.memory_space<vmem>> -> memref<1x2000xi32, #tpu.memory_space<vmem>>
      %dma_wait3A_274 = tpu.memref_squeeze %dma_wait3A_273 : memref<1x2000xi32, #tpu.memory_space<vmem>> -> memref<2000xi32, #tpu.memory_space<vmem>>
      %dma_wait3A_275 = arith.constant 0 : i32
      %dma_wait3A_276 = tpu.memref_slice %arg2[%add3A, %run_scoped3A, %dma_wait3A_275] : memref<32x25x2000xi32, #tpu.memory_space<hbm>> -> memref<1x1x2000xi32, #tpu.memory_space<hbm>>
      %dma_wait3A_277 = tpu.memref_squeeze %dma_wait3A_276 : memref<1x1x2000xi32, #tpu.memory_space<hbm>> -> memref<2000xi32, #tpu.memory_space<hbm>>
      %dma_wait3A_278 = arith.constant 0 : i32
      %dma_wait3A_279 = tpu.memref_slice %arg6[%run_scoped3A_20, %dma_wait3A_278] : memref<2x2000xi32, #tpu.memory_space<vmem>> -> memref<1x2000xi32, #tpu.memory_space<vmem>>
      %dma_wait3A_280 = tpu.memref_squeeze %dma_wait3A_279 : memref<1x2000xi32, #tpu.memory_space<vmem>> -> memref<2000xi32, #tpu.memory_space<vmem>>
      %dma_wait3A_281 = arith.constant 0 : i32
      %dma_wait3A_282 = tpu.memref_slice %arg2[%add3A, %run_scoped3A, %dma_wait3A_281] : memref<32x25x2000xi32, #tpu.memory_space<hbm>> -> memref<1x1x2000xi32, #tpu.memory_space<hbm>>
      %dma_wait3A_283 = tpu.memref_squeeze %dma_wait3A_282 : memref<1x1x2000xi32, #tpu.memory_space<hbm>> -> memref<2000xi32, #tpu.memory_space<hbm>>
      tpu.wait_dma2 semaphore(%run_scoped3A_259 : memref<!tpu.dma_semaphore, #tpu.memory_space<semaphore_mem>>) src(%dma_wait3A_283 : memref<2000xi32, #tpu.memory_space<hbm>>) dst(%dma_wait3A_280 : memref<2000xi32, #tpu.memory_space<vmem>>)
      tpu.yield
    }) : () -> ()
    %run_scoped3A_21 = arith.constant 0 : i32
    %run_scoped3A_22 = arith.constant 0 : i32
    "tpu.region"() ({
      %run_scoped3A_259 = tpu.sem_alloc : memref<!tpu.dma_semaphore, #tpu.memory_space<semaphore_mem>>
      %dma_start3A_260 = arith.constant 0 : i32
      %dma_start3A_261 = tpu.memref_slice %arg7[%run_scoped3A_22, %dma_start3A_260] : memref<2x2000xi32, #tpu.memory_space<vmem>> -> memref<1x2000xi32, #tpu.memory_space<vmem>>
      %dma_start3A_262 = tpu.memref_squeeze %dma_start3A_261 : memref<1x2000xi32, #tpu.memory_space<vmem>> -> memref<2000xi32, #tpu.memory_space<vmem>>
      %dma_start3A_263 = arith.constant 0 : i32
      %dma_start3A_264 = tpu.memref_slice %arg3[%add3A, %run_scoped3A_21, %dma_start3A_263] : memref<32x25x2000xi32, #tpu.memory_space<hbm>> -> memref<1x1x2000xi32, #tpu.memory_space<hbm>>
      %dma_start3A_265 = tpu.memref_squeeze %dma_start3A_264 : memref<1x1x2000xi32, #tpu.memory_space<hbm>> -> memref<2000xi32, #tpu.memory_space<hbm>>
      %dma_start3A_266 = arith.constant 0 : i32
      %dma_start3A_267 = tpu.memref_slice %arg7[%run_scoped3A_22, %dma_start3A_266] : memref<2x2000xi32, #tpu.memory_space<vmem>> -> memref<1x2000xi32, #tpu.memory_space<vmem>>
      %dma_start3A_268 = tpu.memref_squeeze %dma_start3A_267 : memref<1x2000xi32, #tpu.memory_space<vmem>> -> memref<2000xi32, #tpu.memory_space<vmem>>
      %dma_start3A_269 = arith.constant 0 : i32
      %dma_start3A_270 = tpu.memref_slice %arg3[%add3A, %run_scoped3A_21, %dma_start3A_269] : memref<32x25x2000xi32, #tpu.memory_space<hbm>> -> memref<1x1x2000xi32, #tpu.memory_space<hbm>>
      %dma_start3A_271 = tpu.memref_squeeze %dma_start3A_270 : memref<1x1x2000xi32, #tpu.memory_space<hbm>> -> memref<2000xi32, #tpu.memory_space<hbm>>
      tpu.enqueue_dma source(%dma_start3A_271 : memref<2000xi32, #tpu.memory_space<hbm>>) target(%dma_start3A_268 : memref<2000xi32, #tpu.memory_space<vmem>>) target_semaphore(%run_scoped3A_259 : memref<!tpu.dma_semaphore, #tpu.memory_space<semaphore_mem>>)
      %dma_wait3A_272 = arith.constant 0 : i32
      %dma_wait3A_273 = tpu.memref_slice %arg7[%run_scoped3A_22, %dma_wait3A_272] : memref<2x2000xi32, #tpu.memory_space<vmem>> -> memref<1x2000xi32, #tpu.memory_space<vmem>>
      %dma_wait3A_274 = tpu.memref_squeeze %dma_wait3A_273 : memref<1x2000xi32, #tpu.memory_space<vmem>> -> memref<2000xi32, #tpu.memory_space<vmem>>
      %dma_wait3A_275 = arith.constant 0 : i32
      %dma_wait3A_276 = tpu.memref_slice %arg3[%add3A, %run_scoped3A_21, %dma_wait3A_275] : memref<32x25x2000xi32, #tpu.memory_space<hbm>> -> memref<1x1x2000xi32, #tpu.memory_space<hbm>>
      %dma_wait3A_277 = tpu.memref_squeeze %dma_wait3A_276 : memref<1x1x2000xi32, #tpu.memory_space<hbm>> -> memref<2000xi32, #tpu.memory_space<hbm>>
      %dma_wait3A_278 = arith.constant 0 : i32
      %dma_wait3A_279 = tpu.memref_slice %arg7[%run_scoped3A_22, %dma_wait3A_278] : memref<2x2000xi32, #tpu.memory_space<vmem>> -> memref<1x2000xi32, #tpu.memory_space<vmem>>
      %dma_wait3A_280 = tpu.memref_squeeze %dma_wait3A_279 : memref<1x2000xi32, #tpu.memory_space<vmem>> -> memref<2000xi32, #tpu.memory_space<vmem>>
      %dma_wait3A_281 = arith.constant 0 : i32
      %dma_wait3A_282 = tpu.memref_slice %arg3[%add3A, %run_scoped3A_21, %dma_wait3A_281] : memref<32x25x2000xi32, #tpu.memory_space<hbm>> -> memref<1x1x2000xi32, #tpu.memory_space<hbm>>
      %dma_wait3A_283 = tpu.memref_squeeze %dma_wait3A_282 : memref<1x1x2000xi32, #tpu.memory_space<hbm>> -> memref<2000xi32, #tpu.memory_space<hbm>>
      tpu.wait_dma2 semaphore(%run_scoped3A_259 : memref<!tpu.dma_semaphore, #tpu.memory_space<semaphore_mem>>) src(%dma_wait3A_283 : memref<2000xi32, #tpu.memory_space<hbm>>) dst(%dma_wait3A_280 : memref<2000xi32, #tpu.memory_space<vmem>>)
      tpu.yield
    }) : () -> ()
    %dma_start3A = arith.constant 0 : i32
    %dma_start3A_23 = arith.constant 0 : i32
    %dma_start3A_24 = arith.constant 0 : i32
    %dma_start3A_25 = tpu.memref_slice %arg6[%dma_start3A_23, %dma_start3A_24] : memref<2x2000xi32, #tpu.memory_space<vmem>> -> memref<1x2000xi32, #tpu.memory_space<vmem>>
    %dma_start3A_26 = tpu.memref_squeeze %dma_start3A_25 : memref<1x2000xi32, #tpu.memory_space<vmem>> -> memref<2000xi32, #tpu.memory_space<vmem>>
    %dma_start3A_27 = arith.constant 0 : i32
    %dma_start3A_28 = arith.constant 0 : i32
    %dma_start3A_29 = tpu.memref_slice %arg4[%dma_start3A, %dma_start3A_27, %dma_start3A_28] : memref<1x50000x16xf32, #tpu.memory_space<hbm>> -> memref<1x50000x16xf32, #tpu.memory_space<hbm>>
    %dma_start3A_30 = tpu.memref_squeeze %dma_start3A_29 : memref<1x50000x16xf32, #tpu.memory_space<hbm>> -> memref<50000x16xf32, #tpu.memory_space<hbm>>
    %dma_start3A_31 = arith.constant 0 : i32
    %dma_start3A_32 = arith.constant 0 : i32
    %dma_start3A_33 = tpu.memref_slice %dma_start3A_30[%dma_start3A_31, %dma_start3A_32] : memref<50000x16xf32, #tpu.memory_space<hbm>> -> memref<50000x16xf32, #tpu.memory_space<hbm>>
    tpu.enqueue_indirect_dma source(%dma_start3A_33 : memref<50000x16xf32, #tpu.memory_space<hbm>>) target(%arg8 : memref<2000x16xf32, #tpu.memory_space<vmem>>) offsets(%dma_start3A_26 : memref<2000xi32, #tpu.memory_space<vmem>>) semaphore(%arg11 : memref<!tpu.dma_semaphore, #tpu.memory_space<semaphore_mem>>)
    %dma_start3A_34 = arith.constant 1 : i32
    %dma_start3A_35 = arith.constant 1 : i32
    %dma_start3A_36 = arith.constant 0 : i32
    %dma_start3A_37 = tpu.memref_slice %arg6[%dma_start3A_35, %dma_start3A_36] : memref<2x2000xi32, #tpu.memory_space<vmem>> -> memref<1x2000xi32, #tpu.memory_space<vmem>>
    %dma_start3A_38 = tpu.memref_squeeze %dma_start3A_37 : memref<1x2000xi32, #tpu.memory_space<vmem>> -> memref<2000xi32, #tpu.memory_space<vmem>>
    %dma_start3A_39 = arith.constant 0 : i32
    %dma_start3A_40 = tpu.memref_slice %arg2[%add3A, %dma_start3A_34, %dma_start3A_39] : memref<32x25x2000xi32, #tpu.memory_space<hbm>> -> memref<1x1x2000xi32, #tpu.memory_space<hbm>>
    %dma_start3A_41 = tpu.memref_squeeze %dma_start3A_40 : memref<1x1x2000xi32, #tpu.memory_space<hbm>> -> memref<2000xi32, #tpu.memory_space<hbm>>
    %dma_start3A_42 = arith.constant 0 : i32
    %dma_start3A_43 = tpu.memref_slice %arg6[%dma_start3A_35, %dma_start3A_42] : memref<2x2000xi32, #tpu.memory_space<vmem>> -> memref<1x2000xi32, #tpu.memory_space<vmem>>
    %dma_start3A_44 = tpu.memref_squeeze %dma_start3A_43 : memref<1x2000xi32, #tpu.memory_space<vmem>> -> memref<2000xi32, #tpu.memory_space<vmem>>
    %dma_start3A_45 = arith.constant 0 : i32
    %dma_start3A_46 = tpu.memref_slice %arg2[%add3A, %dma_start3A_34, %dma_start3A_45] : memref<32x25x2000xi32, #tpu.memory_space<hbm>> -> memref<1x1x2000xi32, #tpu.memory_space<hbm>>
    %dma_start3A_47 = tpu.memref_squeeze %dma_start3A_46 : memref<1x1x2000xi32, #tpu.memory_space<hbm>> -> memref<2000xi32, #tpu.memory_space<hbm>>
    tpu.enqueue_dma source(%dma_start3A_47 : memref<2000xi32, #tpu.memory_space<hbm>>) target(%dma_start3A_44 : memref<2000xi32, #tpu.memory_space<vmem>>) target_semaphore(%arg13 : memref<!tpu.dma_semaphore, #tpu.memory_space<semaphore_mem>>)
    %dma_start3A_48 = arith.constant 1 : i32
    %dma_start3A_49 = arith.constant 1 : i32
    %dma_start3A_50 = arith.constant 0 : i32
    %dma_start3A_51 = tpu.memref_slice %arg7[%dma_start3A_49, %dma_start3A_50] : memref<2x2000xi32, #tpu.memory_space<vmem>> -> memref<1x2000xi32, #tpu.memory_space<vmem>>
    %dma_start3A_52 = tpu.memref_squeeze %dma_start3A_51 : memref<1x2000xi32, #tpu.memory_space<vmem>> -> memref<2000xi32, #tpu.memory_space<vmem>>
    %dma_start3A_53 = arith.constant 0 : i32
    %dma_start3A_54 = tpu.memref_slice %arg3[%add3A, %dma_start3A_48, %dma_start3A_53] : memref<32x25x2000xi32, #tpu.memory_space<hbm>> -> memref<1x1x2000xi32, #tpu.memory_space<hbm>>
    %dma_start3A_55 = tpu.memref_squeeze %dma_start3A_54 : memref<1x1x2000xi32, #tpu.memory_space<hbm>> -> memref<2000xi32, #tpu.memory_space<hbm>>
    %dma_start3A_56 = arith.constant 0 : i32
    %dma_start3A_57 = tpu.memref_slice %arg7[%dma_start3A_49, %dma_start3A_56] : memref<2x2000xi32, #tpu.memory_space<vmem>> -> memref<1x2000xi32, #tpu.memory_space<vmem>>
    %dma_start3A_58 = tpu.memref_squeeze %dma_start3A_57 : memref<1x2000xi32, #tpu.memory_space<vmem>> -> memref<2000xi32, #tpu.memory_space<vmem>>
    %dma_start3A_59 = arith.constant 0 : i32
    %dma_start3A_60 = tpu.memref_slice %arg3[%add3A, %dma_start3A_48, %dma_start3A_59] : memref<32x25x2000xi32, #tpu.memory_space<hbm>> -> memref<1x1x2000xi32, #tpu.memory_space<hbm>>
    %dma_start3A_61 = tpu.memref_squeeze %dma_start3A_60 : memref<1x1x2000xi32, #tpu.memory_space<hbm>> -> memref<2000xi32, #tpu.memory_space<hbm>>
    tpu.enqueue_dma source(%dma_start3A_61 : memref<2000xi32, #tpu.memory_space<hbm>>) target(%dma_start3A_58 : memref<2000xi32, #tpu.memory_space<vmem>>) target_semaphore(%arg13 : memref<!tpu.dma_semaphore, #tpu.memory_space<semaphore_mem>>)
    %scan3A_62 = arith.constant 0 : i32
    %scan3A_63 = arith.constant 11 : i32
    %scan3A_64 = arith.addi %scan3A_62, %scan3A_63 : i32
    %scan3A_65 = arith.constant 1 : i32
    scf.for %scan3A_259 = %scan3A_62 to %scan3A_64 step %scan3A_65  : i32 {
      %mul3A_260 = arith.constant 1 : i32
      %mul3A_261 = arith.muli %scan3A_259, %mul3A_260 : i32
      %add3A_262 = arith.constant 0 : i32
      %add3A_263 = arith.addi %add3A_262, %mul3A_261 : i32
      %mul3A_264 = arith.constant 2 : i32
      %mul3A_265 = arith.muli %mul3A_264, %add3A_263 : i32
      %dma_wait3A_266 = arith.constant 0 : i32
      %dma_wait3A_267 = arith.constant 0 : i32
      %dma_wait3A_268 = arith.constant 0 : i32
      %dma_wait3A_269 = tpu.memref_slice %arg6[%dma_wait3A_267, %dma_wait3A_268] : memref<2x2000xi32, #tpu.memory_space<vmem>> -> memref<1x2000xi32, #tpu.memory_space<vmem>>
      %dma_wait3A_270 = tpu.memref_squeeze %dma_wait3A_269 : memref<1x2000xi32, #tpu.memory_space<vmem>> -> memref<2000xi32, #tpu.memory_space<vmem>>
      %dma_wait3A_271 = arith.constant 0 : i32
      %dma_wait3A_272 = arith.constant 0 : i32
      %dma_wait3A_273 = tpu.memref_slice %arg4[%dma_wait3A_266, %dma_wait3A_271, %dma_wait3A_272] : memref<1x50000x16xf32, #tpu.memory_space<hbm>> -> memref<1x50000x16xf32, #tpu.memory_space<hbm>>
      %dma_wait3A_274 = tpu.memref_squeeze %dma_wait3A_273 : memref<1x50000x16xf32, #tpu.memory_space<hbm>> -> memref<50000x16xf32, #tpu.memory_space<hbm>>
      %dma_wait3A_275 = arith.constant 0 : i32
      %dma_wait3A_276 = arith.constant 0 : i32
      %dma_wait3A_277 = tpu.memref_slice %dma_wait3A_274[%dma_wait3A_275, %dma_wait3A_276] : memref<50000x16xf32, #tpu.memory_space<hbm>> -> memref<50000x16xf32, #tpu.memory_space<hbm>>
      tpu.wait_indirect_dma semaphore(%arg11 : memref<!tpu.dma_semaphore, #tpu.memory_space<semaphore_mem>>) src(%dma_wait3A_277 : memref<50000x16xf32, #tpu.memory_space<hbm>>) dst(%arg8 : memref<2000x16xf32, #tpu.memory_space<vmem>>)
      %add3A_278 = arith.constant 1 : i32
      %add3A_279 = arith.addi %mul3A_265, %add3A_278 : i32
      %dma_wait3A_280 = arith.constant 1 : i32
      %dma_wait3A_281 = arith.constant 0 : i32
      %dma_wait3A_282 = tpu.memref_slice %arg6[%dma_wait3A_280, %dma_wait3A_281] : memref<2x2000xi32, #tpu.memory_space<vmem>> -> memref<1x2000xi32, #tpu.memory_space<vmem>>
      %dma_wait3A_283 = tpu.memref_squeeze %dma_wait3A_282 : memref<1x2000xi32, #tpu.memory_space<vmem>> -> memref<2000xi32, #tpu.memory_space<vmem>>
      %dma_wait3A_284 = arith.constant 0 : i32
      %dma_wait3A_285 = tpu.memref_slice %arg2[%add3A, %add3A_279, %dma_wait3A_284] : memref<32x25x2000xi32, #tpu.memory_space<hbm>> -> memref<1x1x2000xi32, #tpu.memory_space<hbm>>
      %dma_wait3A_286 = tpu.memref_squeeze %dma_wait3A_285 : memref<1x1x2000xi32, #tpu.memory_space<hbm>> -> memref<2000xi32, #tpu.memory_space<hbm>>
      %dma_wait3A_287 = arith.constant 0 : i32
      %dma_wait3A_288 = tpu.memref_slice %arg6[%dma_wait3A_280, %dma_wait3A_287] : memref<2x2000xi32, #tpu.memory_space<vmem>> -> memref<1x2000xi32, #tpu.memory_space<vmem>>
      %dma_wait3A_289 = tpu.memref_squeeze %dma_wait3A_288 : memref<1x2000xi32, #tpu.memory_space<vmem>> -> memref<2000xi32, #tpu.memory_space<vmem>>
      %dma_wait3A_290 = arith.constant 0 : i32
      %dma_wait3A_291 = tpu.memref_slice %arg2[%add3A, %add3A_279, %dma_wait3A_290] : memref<32x25x2000xi32, #tpu.memory_space<hbm>> -> memref<1x1x2000xi32, #tpu.memory_space<hbm>>
      %dma_wait3A_292 = tpu.memref_squeeze %dma_wait3A_291 : memref<1x1x2000xi32, #tpu.memory_space<hbm>> -> memref<2000xi32, #tpu.memory_space<hbm>>
      tpu.wait_dma2 semaphore(%arg13 : memref<!tpu.dma_semaphore, #tpu.memory_space<semaphore_mem>>) src(%dma_wait3A_292 : memref<2000xi32, #tpu.memory_space<hbm>>) dst(%dma_wait3A_289 : memref<2000xi32, #tpu.memory_space<vmem>>)
      %dma_wait3A_293 = arith.constant 1 : i32
      %dma_wait3A_294 = arith.constant 0 : i32
      %dma_wait3A_295 = tpu.memref_slice %arg7[%dma_wait3A_293, %dma_wait3A_294] : memref<2x2000xi32, #tpu.memory_space<vmem>> -> memref<1x2000xi32, #tpu.memory_space<vmem>>
      %dma_wait3A_296 = tpu.memref_squeeze %dma_wait3A_295 : memref<1x2000xi32, #tpu.memory_space<vmem>> -> memref<2000xi32, #tpu.memory_space<vmem>>
      %dma_wait3A_297 = arith.constant 0 : i32
      %dma_wait3A_298 = tpu.memref_slice %arg3[%add3A, %add3A_279, %dma_wait3A_297] : memref<32x25x2000xi32, #tpu.memory_space<hbm>> -> memref<1x1x2000xi32, #tpu.memory_space<hbm>>
      %dma_wait3A_299 = tpu.memref_squeeze %dma_wait3A_298 : memref<1x1x2000xi32, #tpu.memory_space<hbm>> -> memref<2000xi32, #tpu.memory_space<hbm>>
      %dma_wait3A_300 = arith.constant 0 : i32
      %dma_wait3A_301 = tpu.memref_slice %arg7[%dma_wait3A_293, %dma_wait3A_300] : memref<2x2000xi32, #tpu.memory_space<vmem>> -> memref<1x2000xi32, #tpu.memory_space<vmem>>
      %dma_wait3A_302 = tpu.memref_squeeze %dma_wait3A_301 : memref<1x2000xi32, #tpu.memory_space<vmem>> -> memref<2000xi32, #tpu.memory_space<vmem>>
      %dma_wait3A_303 = arith.constant 0 : i32
      %dma_wait3A_304 = tpu.memref_slice %arg3[%add3A, %add3A_279, %dma_wait3A_303] : memref<32x25x2000xi32, #tpu.memory_space<hbm>> -> memref<1x1x2000xi32, #tpu.memory_space<hbm>>
      %dma_wait3A_305 = tpu.memref_squeeze %dma_wait3A_304 : memref<1x1x2000xi32, #tpu.memory_space<hbm>> -> memref<2000xi32, #tpu.memory_space<hbm>>
      tpu.wait_dma2 semaphore(%arg13 : memref<!tpu.dma_semaphore, #tpu.memory_space<semaphore_mem>>) src(%dma_wait3A_305 : memref<2000xi32, #tpu.memory_space<hbm>>) dst(%dma_wait3A_302 : memref<2000xi32, #tpu.memory_space<vmem>>)
      %add3A_306 = arith.constant 1 : i32
      %add3A_307 = arith.addi %mul3A_265, %add3A_306 : i32
      %dma_start3A_308 = arith.constant 0 : i32
      %dma_start3A_309 = arith.constant 1 : i32
      %dma_start3A_310 = arith.constant 0 : i32
      %dma_start3A_311 = tpu.memref_slice %arg6[%dma_start3A_309, %dma_start3A_310] : memref<2x2000xi32, #tpu.memory_space<vmem>> -> memref<1x2000xi32, #tpu.memory_space<vmem>>
      %dma_start3A_312 = tpu.memref_squeeze %dma_start3A_311 : memref<1x2000xi32, #tpu.memory_space<vmem>> -> memref<2000xi32, #tpu.memory_space<vmem>>
      %dma_start3A_313 = arith.constant 0 : i32
      %dma_start3A_314 = arith.constant 0 : i32
      %dma_start3A_315 = tpu.memref_slice %arg4[%dma_start3A_308, %dma_start3A_313, %dma_start3A_314] : memref<1x50000x16xf32, #tpu.memory_space<hbm>> -> memref<1x50000x16xf32, #tpu.memory_space<hbm>>
      %dma_start3A_316 = tpu.memref_squeeze %dma_start3A_315 : memref<1x50000x16xf32, #tpu.memory_space<hbm>> -> memref<50000x16xf32, #tpu.memory_space<hbm>>
      %dma_start3A_317 = arith.constant 0 : i32
      %dma_start3A_318 = arith.constant 0 : i32
      %dma_start3A_319 = tpu.memref_slice %dma_start3A_316[%dma_start3A_317, %dma_start3A_318] : memref<50000x16xf32, #tpu.memory_space<hbm>> -> memref<50000x16xf32, #tpu.memory_space<hbm>>
      tpu.enqueue_indirect_dma source(%dma_start3A_319 : memref<50000x16xf32, #tpu.memory_space<hbm>>) target(%arg9 : memref<2000x16xf32, #tpu.memory_space<vmem>>) offsets(%dma_start3A_312 : memref<2000xi32, #tpu.memory_space<vmem>>) semaphore(%arg11 : memref<!tpu.dma_semaphore, #tpu.memory_space<semaphore_mem>>)
      %dma_start3A_320 = arith.constant 0 : i32
      %dma_start3A_321 = arith.constant 0 : i32
      %dma_start3A_322 = tpu.memref_slice %arg7[%dma_start3A_320, %dma_start3A_321] : memref<2x2000xi32, #tpu.memory_space<vmem>> -> memref<1x2000xi32, #tpu.memory_space<vmem>>
      %dma_start3A_323 = tpu.memref_squeeze %dma_start3A_322 : memref<1x2000xi32, #tpu.memory_space<vmem>> -> memref<2000xi32, #tpu.memory_space<vmem>>
      %dma_start3A_324 = arith.constant 0 : i32
      %dma_start3A_325 = arith.constant 0 : i32
      %dma_start3A_326 = tpu.memref_slice %arg10[%dma_start3A_324, %dma_start3A_325] : memref<50048x16xf32, #tpu.memory_space<vmem_shared>> -> memref<50048x16xf32, #tpu.memory_space<vmem_shared>>
      tpu.enqueue_indirect_dma source(%arg8 : memref<2000x16xf32, #tpu.memory_space<vmem>>) target(%dma_start3A_326 : memref<50048x16xf32, #tpu.memory_space<vmem_shared>>) offsets(%dma_start3A_323 : memref<2000xi32, #tpu.memory_space<vmem>>) semaphore(%arg12 : memref<!tpu.dma_semaphore, #tpu.memory_space<semaphore_mem>>) {add = true}
      %dma_wait3A_327 = arith.constant 0 : i32
      %dma_wait3A_328 = arith.constant 0 : i32
      %dma_wait3A_329 = tpu.memref_slice %arg7[%dma_wait3A_327, %dma_wait3A_328] : memref<2x2000xi32, #tpu.memory_space<vmem>> -> memref<1x2000xi32, #tpu.memory_space<vmem>>
      %dma_wait3A_330 = tpu.memref_squeeze %dma_wait3A_329 : memref<1x2000xi32, #tpu.memory_space<vmem>> -> memref<2000xi32, #tpu.memory_space<vmem>>
      %dma_wait3A_331 = arith.constant 0 : i32
      %dma_wait3A_332 = arith.constant 0 : i32
      %dma_wait3A_333 = tpu.memref_slice %arg10[%dma_wait3A_331, %dma_wait3A_332] : memref<50048x16xf32, #tpu.memory_space<vmem_shared>> -> memref<50048x16xf32, #tpu.memory_space<vmem_shared>>
      tpu.wait_indirect_dma semaphore(%arg12 : memref<!tpu.dma_semaphore, #tpu.memory_space<semaphore_mem>>) src(%arg8 : memref<2000x16xf32, #tpu.memory_space<vmem>>) dst(%dma_wait3A_333 : memref<50048x16xf32, #tpu.memory_space<vmem_shared>>)
      %add3A_334 = arith.constant 2 : i32
      %add3A_335 = arith.addi %mul3A_265, %add3A_334 : i32
      %dma_start3A_336 = arith.constant 0 : i32
      %dma_start3A_337 = arith.constant 0 : i32
      %dma_start3A_338 = tpu.memref_slice %arg6[%dma_start3A_336, %dma_start3A_337] : memref<2x2000xi32, #tpu.memory_space<vmem>> -> memref<1x2000xi32, #tpu.memory_space<vmem>>
      %dma_start3A_339 = tpu.memref_squeeze %dma_start3A_338 : memref<1x2000xi32, #tpu.memory_space<vmem>> -> memref<2000xi32, #tpu.memory_space<vmem>>
      %dma_start3A_340 = arith.constant 0 : i32
      %dma_start3A_341 = tpu.memref_slice %arg2[%add3A, %add3A_335, %dma_start3A_340] : memref<32x25x2000xi32, #tpu.memory_space<hbm>> -> memref<1x1x2000xi32, #tpu.memory_space<hbm>>
      %dma_start3A_342 = tpu.memref_squeeze %dma_start3A_341 : memref<1x1x2000xi32, #tpu.memory_space<hbm>> -> memref<2000xi32, #tpu.memory_space<hbm>>
      %dma_start3A_343 = arith.constant 0 : i32
      %dma_start3A_344 = tpu.memref_slice %arg6[%dma_start3A_336, %dma_start3A_343] : memref<2x2000xi32, #tpu.memory_space<vmem>> -> memref<1x2000xi32, #tpu.memory_space<vmem>>
      %dma_start3A_345 = tpu.memref_squeeze %dma_start3A_344 : memref<1x2000xi32, #tpu.memory_space<vmem>> -> memref<2000xi32, #tpu.memory_space<vmem>>
      %dma_start3A_346 = arith.constant 0 : i32
      %dma_start3A_347 = tpu.memref_slice %arg2[%add3A, %add3A_335, %dma_start3A_346] : memref<32x25x2000xi32, #tpu.memory_space<hbm>> -> memref<1x1x2000xi32, #tpu.memory_space<hbm>>
      %dma_start3A_348 = tpu.memref_squeeze %dma_start3A_347 : memref<1x1x2000xi32, #tpu.memory_space<hbm>> -> memref<2000xi32, #tpu.memory_space<hbm>>
      tpu.enqueue_dma source(%dma_start3A_348 : memref<2000xi32, #tpu.memory_space<hbm>>) target(%dma_start3A_345 : memref<2000xi32, #tpu.memory_space<vmem>>) target_semaphore(%arg13 : memref<!tpu.dma_semaphore, #tpu.memory_space<semaphore_mem>>)
      %dma_start3A_349 = arith.constant 0 : i32
      %dma_start3A_350 = arith.constant 0 : i32
      %dma_start3A_351 = tpu.memref_slice %arg7[%dma_start3A_349, %dma_start3A_350] : memref<2x2000xi32, #tpu.memory_space<vmem>> -> memref<1x2000xi32, #tpu.memory_space<vmem>>
      %dma_start3A_352 = tpu.memref_squeeze %dma_start3A_351 : memref<1x2000xi32, #tpu.memory_space<vmem>> -> memref<2000xi32, #tpu.memory_space<vmem>>
      %dma_start3A_353 = arith.constant 0 : i32
      %dma_start3A_354 = tpu.memref_slice %arg3[%add3A, %add3A_335, %dma_start3A_353] : memref<32x25x2000xi32, #tpu.memory_space<hbm>> -> memref<1x1x2000xi32, #tpu.memory_space<hbm>>
      %dma_start3A_355 = tpu.memref_squeeze %dma_start3A_354 : memref<1x1x2000xi32, #tpu.memory_space<hbm>> -> memref<2000xi32, #tpu.memory_space<hbm>>
      %dma_start3A_356 = arith.constant 0 : i32
      %dma_start3A_357 = tpu.memref_slice %arg7[%dma_start3A_349, %dma_start3A_356] : memref<2x2000xi32, #tpu.memory_space<vmem>> -> memref<1x2000xi32, #tpu.memory_space<vmem>>
      %dma_start3A_358 = tpu.memref_squeeze %dma_start3A_357 : memref<1x2000xi32, #tpu.memory_space<vmem>> -> memref<2000xi32, #tpu.memory_space<vmem>>
      %dma_start3A_359 = arith.constant 0 : i32
      %dma_start3A_360 = tpu.memref_slice %arg3[%add3A, %add3A_335, %dma_start3A_359] : memref<32x25x2000xi32, #tpu.memory_space<hbm>> -> memref<1x1x2000xi32, #tpu.memory_space<hbm>>
      %dma_start3A_361 = tpu.memref_squeeze %dma_start3A_360 : memref<1x1x2000xi32, #tpu.memory_space<hbm>> -> memref<2000xi32, #tpu.memory_space<hbm>>
      tpu.enqueue_dma source(%dma_start3A_361 : memref<2000xi32, #tpu.memory_space<hbm>>) target(%dma_start3A_358 : memref<2000xi32, #tpu.memory_space<vmem>>) target_semaphore(%arg13 : memref<!tpu.dma_semaphore, #tpu.memory_space<semaphore_mem>>)
      %add3A_362 = arith.constant 1 : i32
      %add3A_363 = arith.addi %mul3A_265, %add3A_362 : i32
      %dma_wait3A_364 = arith.constant 0 : i32
      %dma_wait3A_365 = arith.constant 1 : i32
      %dma_wait3A_366 = arith.constant 0 : i32
      %dma_wait3A_367 = tpu.memref_slice %arg6[%dma_wait3A_365, %dma_wait3A_366] : memref<2x2000xi32, #tpu.memory_space<vmem>> -> memref<1x2000xi32, #tpu.memory_space<vmem>>
      %dma_wait3A_368 = tpu.memref_squeeze %dma_wait3A_367 : memref<1x2000xi32, #tpu.memory_space<vmem>> -> memref<2000xi32, #tpu.memory_space<vmem>>
      %dma_wait3A_369 = arith.constant 0 : i32
      %dma_wait3A_370 = arith.constant 0 : i32
      %dma_wait3A_371 = tpu.memref_slice %arg4[%dma_wait3A_364, %dma_wait3A_369, %dma_wait3A_370] : memref<1x50000x16xf32, #tpu.memory_space<hbm>> -> memref<1x50000x16xf32, #tpu.memory_space<hbm>>
      %dma_wait3A_372 = tpu.memref_squeeze %dma_wait3A_371 : memref<1x50000x16xf32, #tpu.memory_space<hbm>> -> memref<50000x16xf32, #tpu.memory_space<hbm>>
      %dma_wait3A_373 = arith.constant 0 : i32
      %dma_wait3A_374 = arith.constant 0 : i32
      %dma_wait3A_375 = tpu.memref_slice %dma_wait3A_372[%dma_wait3A_373, %dma_wait3A_374] : memref<50000x16xf32, #tpu.memory_space<hbm>> -> memref<50000x16xf32, #tpu.memory_space<hbm>>
      tpu.wait_indirect_dma semaphore(%arg11 : memref<!tpu.dma_semaphore, #tpu.memory_space<semaphore_mem>>) src(%dma_wait3A_375 : memref<50000x16xf32, #tpu.memory_space<hbm>>) dst(%arg9 : memref<2000x16xf32, #tpu.memory_space<vmem>>)
      %add3A_376 = arith.constant 2 : i32
      %add3A_377 = arith.addi %mul3A_265, %add3A_376 : i32
      %dma_wait3A_378 = arith.constant 0 : i32
      %dma_wait3A_379 = arith.constant 0 : i32
      %dma_wait3A_380 = tpu.memref_slice %arg6[%dma_wait3A_378, %dma_wait3A_379] : memref<2x2000xi32, #tpu.memory_space<vmem>> -> memref<1x2000xi32, #tpu.memory_space<vmem>>
      %dma_wait3A_381 = tpu.memref_squeeze %dma_wait3A_380 : memref<1x2000xi32, #tpu.memory_space<vmem>> -> memref<2000xi32, #tpu.memory_space<vmem>>
      %dma_wait3A_382 = arith.constant 0 : i32
      %dma_wait3A_383 = tpu.memref_slice %arg2[%add3A, %add3A_377, %dma_wait3A_382] : memref<32x25x2000xi32, #tpu.memory_space<hbm>> -> memref<1x1x2000xi32, #tpu.memory_space<hbm>>
      %dma_wait3A_384 = tpu.memref_squeeze %dma_wait3A_383 : memref<1x1x2000xi32, #tpu.memory_space<hbm>> -> memref<2000xi32, #tpu.memory_space<hbm>>
      %dma_wait3A_385 = arith.constant 0 : i32
      %dma_wait3A_386 = tpu.memref_slice %arg6[%dma_wait3A_378, %dma_wait3A_385] : memref<2x2000xi32, #tpu.memory_space<vmem>> -> memref<1x2000xi32, #tpu.memory_space<vmem>>
      %dma_wait3A_387 = tpu.memref_squeeze %dma_wait3A_386 : memref<1x2000xi32, #tpu.memory_space<vmem>> -> memref<2000xi32, #tpu.memory_space<vmem>>
      %dma_wait3A_388 = arith.constant 0 : i32
      %dma_wait3A_389 = tpu.memref_slice %arg2[%add3A, %add3A_377, %dma_wait3A_388] : memref<32x25x2000xi32, #tpu.memory_space<hbm>> -> memref<1x1x2000xi32, #tpu.memory_space<hbm>>
      %dma_wait3A_390 = tpu.memref_squeeze %dma_wait3A_389 : memref<1x1x2000xi32, #tpu.memory_space<hbm>> -> memref<2000xi32, #tpu.memory_space<hbm>>
      tpu.wait_dma2 semaphore(%arg13 : memref<!tpu.dma_semaphore, #tpu.memory_space<semaphore_mem>>) src(%dma_wait3A_390 : memref<2000xi32, #tpu.memory_space<hbm>>) dst(%dma_wait3A_387 : memref<2000xi32, #tpu.memory_space<vmem>>)
      %dma_wait3A_391 = arith.constant 0 : i32
      %dma_wait3A_392 = arith.constant 0 : i32
      %dma_wait3A_393 = tpu.memref_slice %arg7[%dma_wait3A_391, %dma_wait3A_392] : memref<2x2000xi32, #tpu.memory_space<vmem>> -> memref<1x2000xi32, #tpu.memory_space<vmem>>
      %dma_wait3A_394 = tpu.memref_squeeze %dma_wait3A_393 : memref<1x2000xi32, #tpu.memory_space<vmem>> -> memref<2000xi32, #tpu.memory_space<vmem>>
      %dma_wait3A_395 = arith.constant 0 : i32
      %dma_wait3A_396 = tpu.memref_slice %arg3[%add3A, %add3A_377, %dma_wait3A_395] : memref<32x25x2000xi32, #tpu.memory_space<hbm>> -> memref<1x1x2000xi32, #tpu.memory_space<hbm>>
      %dma_wait3A_397 = tpu.memref_squeeze %dma_wait3A_396 : memref<1x1x2000xi32, #tpu.memory_space<hbm>> -> memref<2000xi32, #tpu.memory_space<hbm>>
      %dma_wait3A_398 = arith.constant 0 : i32
      %dma_wait3A_399 = tpu.memref_slice %arg7[%dma_wait3A_391, %dma_wait3A_398] : memref<2x2000xi32, #tpu.memory_space<vmem>> -> memref<1x2000xi32, #tpu.memory_space<vmem>>
      %dma_wait3A_400 = tpu.memref_squeeze %dma_wait3A_399 : memref<1x2000xi32, #tpu.memory_space<vmem>> -> memref<2000xi32, #tpu.memory_space<vmem>>
      %dma_wait3A_401 = arith.constant 0 : i32
      %dma_wait3A_402 = tpu.memref_slice %arg3[%add3A, %add3A_377, %dma_wait3A_401] : memref<32x25x2000xi32, #tpu.memory_space<hbm>> -> memref<1x1x2000xi32, #tpu.memory_space<hbm>>
      %dma_wait3A_403 = tpu.memref_squeeze %dma_wait3A_402 : memref<1x1x2000xi32, #tpu.memory_space<hbm>> -> memref<2000xi32, #tpu.memory_space<hbm>>
      tpu.wait_dma2 semaphore(%arg13 : memref<!tpu.dma_semaphore, #tpu.memory_space<semaphore_mem>>) src(%dma_wait3A_403 : memref<2000xi32, #tpu.memory_space<hbm>>) dst(%dma_wait3A_400 : memref<2000xi32, #tpu.memory_space<vmem>>)
      %add3A_404 = arith.constant 2 : i32
      %add3A_405 = arith.addi %mul3A_265, %add3A_404 : i32
      %dma_start3A_406 = arith.constant 0 : i32
      %dma_start3A_407 = arith.constant 0 : i32
      %dma_start3A_408 = arith.constant 0 : i32
      %dma_start3A_409 = tpu.memref_slice %arg6[%dma_start3A_407, %dma_start3A_408] : memref<2x2000xi32, #tpu.memory_space<vmem>> -> memref<1x2000xi32, #tpu.memory_space<vmem>>
      %dma_start3A_410 = tpu.memref_squeeze %dma_start3A_409 : memref<1x2000xi32, #tpu.memory_space<vmem>> -> memref<2000xi32, #tpu.memory_space<vmem>>
      %dma_start3A_411 = arith.constant 0 : i32
      %dma_start3A_412 = arith.constant 0 : i32
      %dma_start3A_413 = tpu.memref_slice %arg4[%dma_start3A_406, %dma_start3A_411, %dma_start3A_412] : memref<1x50000x16xf32, #tpu.memory_space<hbm>> -> memref<1x50000x16xf32, #tpu.memory_space<hbm>>
      %dma_start3A_414 = tpu.memref_squeeze %dma_start3A_413 : memref<1x50000x16xf32, #tpu.memory_space<hbm>> -> memref<50000x16xf32, #tpu.memory_space<hbm>>
      %dma_start3A_415 = arith.constant 0 : i32
      %dma_start3A_416 = arith.constant 0 : i32
      %dma_start3A_417 = tpu.memref_slice %dma_start3A_414[%dma_start3A_415, %dma_start3A_416] : memref<50000x16xf32, #tpu.memory_space<hbm>> -> memref<50000x16xf32, #tpu.memory_space<hbm>>
      tpu.enqueue_indirect_dma source(%dma_start3A_417 : memref<50000x16xf32, #tpu.memory_space<hbm>>) target(%arg8 : memref<2000x16xf32, #tpu.memory_space<vmem>>) offsets(%dma_start3A_410 : memref<2000xi32, #tpu.memory_space<vmem>>) semaphore(%arg11 : memref<!tpu.dma_semaphore, #tpu.memory_space<semaphore_mem>>)
      %add3A_418 = arith.constant 1 : i32
      %add3A_419 = arith.addi %mul3A_265, %add3A_418 : i32
      %dma_start3A_420 = arith.constant 1 : i32
      %dma_start3A_421 = arith.constant 0 : i32
      %dma_start3A_422 = tpu.memref_slice %arg7[%dma_start3A_420, %dma_start3A_421] : memref<2x2000xi32, #tpu.memory_space<vmem>> -> memref<1x2000xi32, #tpu.memory_space<vmem>>
      %dma_start3A_423 = tpu.memref_squeeze %dma_start3A_422 : memref<1x2000xi32, #tpu.memory_space<vmem>> -> memref<2000xi32, #tpu.memory_space<vmem>>
      %dma_start3A_424 = arith.constant 0 : i32
      %dma_start3A_425 = arith.constant 0 : i32
      %dma_start3A_426 = tpu.memref_slice %arg10[%dma_start3A_424, %dma_start3A_425] : memref<50048x16xf32, #tpu.memory_space<vmem_shared>> -> memref<50048x16xf32, #tpu.memory_space<vmem_shared>>
      tpu.enqueue_indirect_dma source(%arg9 : memref<2000x16xf32, #tpu.memory_space<vmem>>) target(%dma_start3A_426 : memref<50048x16xf32, #tpu.memory_space<vmem_shared>>) offsets(%dma_start3A_423 : memref<2000xi32, #tpu.memory_space<vmem>>) semaphore(%arg12 : memref<!tpu.dma_semaphore, #tpu.memory_space<semaphore_mem>>) {add = true}
      %add3A_427 = arith.constant 1 : i32
      %add3A_428 = arith.addi %mul3A_265, %add3A_427 : i32
      %dma_wait3A_429 = arith.constant 1 : i32
      %dma_wait3A_430 = arith.constant 0 : i32
      %dma_wait3A_431 = tpu.memref_slice %arg7[%dma_wait3A_429, %dma_wait3A_430] : memref<2x2000xi32, #tpu.memory_space<vmem>> -> memref<1x2000xi32, #tpu.memory_space<vmem>>
      %dma_wait3A_432 = tpu.memref_squeeze %dma_wait3A_431 : memref<1x2000xi32, #tpu.memory_space<vmem>> -> memref<2000xi32, #tpu.memory_space<vmem>>
      %dma_wait3A_433 = arith.constant 0 : i32
      %dma_wait3A_434 = arith.constant 0 : i32
      %dma_wait3A_435 = tpu.memref_slice %arg10[%dma_wait3A_433, %dma_wait3A_434] : memref<50048x16xf32, #tpu.memory_space<vmem_shared>> -> memref<50048x16xf32, #tpu.memory_space<vmem_shared>>
      tpu.wait_indirect_dma semaphore(%arg12 : memref<!tpu.dma_semaphore, #tpu.memory_space<semaphore_mem>>) src(%arg9 : memref<2000x16xf32, #tpu.memory_space<vmem>>) dst(%dma_wait3A_435 : memref<50048x16xf32, #tpu.memory_space<vmem_shared>>)
      %add3A_436 = arith.constant 3 : i32
      %add3A_437 = arith.addi %mul3A_265, %add3A_436 : i32
      %dma_start3A_438 = arith.constant 1 : i32
      %dma_start3A_439 = arith.constant 0 : i32
      %dma_start3A_440 = tpu.memref_slice %arg6[%dma_start3A_438, %dma_start3A_439] : memref<2x2000xi32, #tpu.memory_space<vmem>> -> memref<1x2000xi32, #tpu.memory_space<vmem>>
      %dma_start3A_441 = tpu.memref_squeeze %dma_start3A_440 : memref<1x2000xi32, #tpu.memory_space<vmem>> -> memref<2000xi32, #tpu.memory_space<vmem>>
      %dma_start3A_442 = arith.constant 0 : i32
      %dma_start3A_443 = tpu.memref_slice %arg2[%add3A, %add3A_437, %dma_start3A_442] : memref<32x25x2000xi32, #tpu.memory_space<hbm>> -> memref<1x1x2000xi32, #tpu.memory_space<hbm>>
      %dma_start3A_444 = tpu.memref_squeeze %dma_start3A_443 : memref<1x1x2000xi32, #tpu.memory_space<hbm>> -> memref<2000xi32, #tpu.memory_space<hbm>>
      %dma_start3A_445 = arith.constant 0 : i32
      %dma_start3A_446 = tpu.memref_slice %arg6[%dma_start3A_438, %dma_start3A_445] : memref<2x2000xi32, #tpu.memory_space<vmem>> -> memref<1x2000xi32, #tpu.memory_space<vmem>>
      %dma_start3A_447 = tpu.memref_squeeze %dma_start3A_446 : memref<1x2000xi32, #tpu.memory_space<vmem>> -> memref<2000xi32, #tpu.memory_space<vmem>>
      %dma_start3A_448 = arith.constant 0 : i32
      %dma_start3A_449 = tpu.memref_slice %arg2[%add3A, %add3A_437, %dma_start3A_448] : memref<32x25x2000xi32, #tpu.memory_space<hbm>> -> memref<1x1x2000xi32, #tpu.memory_space<hbm>>
      %dma_start3A_450 = tpu.memref_squeeze %dma_start3A_449 : memref<1x1x2000xi32, #tpu.memory_space<hbm>> -> memref<2000xi32, #tpu.memory_space<hbm>>
      tpu.enqueue_dma source(%dma_start3A_450 : memref<2000xi32, #tpu.memory_space<hbm>>) target(%dma_start3A_447 : memref<2000xi32, #tpu.memory_space<vmem>>) target_semaphore(%arg13 : memref<!tpu.dma_semaphore, #tpu.memory_space<semaphore_mem>>)
      %dma_start3A_451 = arith.constant 1 : i32
      %dma_start3A_452 = arith.constant 0 : i32
      %dma_start3A_453 = tpu.memref_slice %arg7[%dma_start3A_451, %dma_start3A_452] : memref<2x2000xi32, #tpu.memory_space<vmem>> -> memref<1x2000xi32, #tpu.memory_space<vmem>>
      %dma_start3A_454 = tpu.memref_squeeze %dma_start3A_453 : memref<1x2000xi32, #tpu.memory_space<vmem>> -> memref<2000xi32, #tpu.memory_space<vmem>>
      %dma_start3A_455 = arith.constant 0 : i32
      %dma_start3A_456 = tpu.memref_slice %arg3[%add3A, %add3A_437, %dma_start3A_455] : memref<32x25x2000xi32, #tpu.memory_space<hbm>> -> memref<1x1x2000xi32, #tpu.memory_space<hbm>>
      %dma_start3A_457 = tpu.memref_squeeze %dma_start3A_456 : memref<1x1x2000xi32, #tpu.memory_space<hbm>> -> memref<2000xi32, #tpu.memory_space<hbm>>
      %dma_start3A_458 = arith.constant 0 : i32
      %dma_start3A_459 = tpu.memref_slice %arg7[%dma_start3A_451, %dma_start3A_458] : memref<2x2000xi32, #tpu.memory_space<vmem>> -> memref<1x2000xi32, #tpu.memory_space<vmem>>
      %dma_start3A_460 = tpu.memref_squeeze %dma_start3A_459 : memref<1x2000xi32, #tpu.memory_space<vmem>> -> memref<2000xi32, #tpu.memory_space<vmem>>
      %dma_start3A_461 = arith.constant 0 : i32
      %dma_start3A_462 = tpu.memref_slice %arg3[%add3A, %add3A_437, %dma_start3A_461] : memref<32x25x2000xi32, #tpu.memory_space<hbm>> -> memref<1x1x2000xi32, #tpu.memory_space<hbm>>
      %dma_start3A_463 = tpu.memref_squeeze %dma_start3A_462 : memref<1x1x2000xi32, #tpu.memory_space<hbm>> -> memref<2000xi32, #tpu.memory_space<hbm>>
      tpu.enqueue_dma source(%dma_start3A_463 : memref<2000xi32, #tpu.memory_space<hbm>>) target(%dma_start3A_460 : memref<2000xi32, #tpu.memory_space<vmem>>) target_semaphore(%arg13 : memref<!tpu.dma_semaphore, #tpu.memory_space<semaphore_mem>>)
    }
    %scan3A_66 = arith.constant 11 : i32
    %dma_wait3A = arith.constant 0 : i32
    %dma_wait3A_67 = arith.constant 0 : i32
    %dma_wait3A_68 = arith.constant 0 : i32
    %dma_wait3A_69 = tpu.memref_slice %arg6[%dma_wait3A_67, %dma_wait3A_68] : memref<2x2000xi32, #tpu.memory_space<vmem>> -> memref<1x2000xi32, #tpu.memory_space<vmem>>
    %dma_wait3A_70 = tpu.memref_squeeze %dma_wait3A_69 : memref<1x2000xi32, #tpu.memory_space<vmem>> -> memref<2000xi32, #tpu.memory_space<vmem>>
    %dma_wait3A_71 = arith.constant 0 : i32
    %dma_wait3A_72 = arith.constant 0 : i32
    %dma_wait3A_73 = tpu.memref_slice %arg4[%dma_wait3A, %dma_wait3A_71, %dma_wait3A_72] : memref<1x50000x16xf32, #tpu.memory_space<hbm>> -> memref<1x50000x16xf32, #tpu.memory_space<hbm>>
    %dma_wait3A_74 = tpu.memref_squeeze %dma_wait3A_73 : memref<1x50000x16xf32, #tpu.memory_space<hbm>> -> memref<50000x16xf32, #tpu.memory_space<hbm>>
    %dma_wait3A_75 = arith.constant 0 : i32
    %dma_wait3A_76 = arith.constant 0 : i32
    %dma_wait3A_77 = tpu.memref_slice %dma_wait3A_74[%dma_wait3A_75, %dma_wait3A_76] : memref<50000x16xf32, #tpu.memory_space<hbm>> -> memref<50000x16xf32, #tpu.memory_space<hbm>>
    tpu.wait_indirect_dma semaphore(%arg11 : memref<!tpu.dma_semaphore, #tpu.memory_space<semaphore_mem>>) src(%dma_wait3A_77 : memref<50000x16xf32, #tpu.memory_space<hbm>>) dst(%arg8 : memref<2000x16xf32, #tpu.memory_space<vmem>>)
    %dma_wait3A_78 = arith.constant 23 : i32
    %dma_wait3A_79 = arith.constant 1 : i32
    %dma_wait3A_80 = arith.constant 0 : i32
    %dma_wait3A_81 = tpu.memref_slice %arg6[%dma_wait3A_79, %dma_wait3A_80] : memref<2x2000xi32, #tpu.memory_space<vmem>> -> memref<1x2000xi32, #tpu.memory_space<vmem>>
    %dma_wait3A_82 = tpu.memref_squeeze %dma_wait3A_81 : memref<1x2000xi32, #tpu.memory_space<vmem>> -> memref<2000xi32, #tpu.memory_space<vmem>>
    %dma_wait3A_83 = arith.constant 0 : i32
    %dma_wait3A_84 = tpu.memref_slice %arg2[%add3A, %dma_wait3A_78, %dma_wait3A_83] : memref<32x25x2000xi32, #tpu.memory_space<hbm>> -> memref<1x1x2000xi32, #tpu.memory_space<hbm>>
    %dma_wait3A_85 = tpu.memref_squeeze %dma_wait3A_84 : memref<1x1x2000xi32, #tpu.memory_space<hbm>> -> memref<2000xi32, #tpu.memory_space<hbm>>
    %dma_wait3A_86 = arith.constant 0 : i32
    %dma_wait3A_87 = tpu.memref_slice %arg6[%dma_wait3A_79, %dma_wait3A_86] : memref<2x2000xi32, #tpu.memory_space<vmem>> -> memref<1x2000xi32, #tpu.memory_space<vmem>>
    %dma_wait3A_88 = tpu.memref_squeeze %dma_wait3A_87 : memref<1x2000xi32, #tpu.memory_space<vmem>> -> memref<2000xi32, #tpu.memory_space<vmem>>
    %dma_wait3A_89 = arith.constant 0 : i32
    %dma_wait3A_90 = tpu.memref_slice %arg2[%add3A, %dma_wait3A_78, %dma_wait3A_89] : memref<32x25x2000xi32, #tpu.memory_space<hbm>> -> memref<1x1x2000xi32, #tpu.memory_space<hbm>>
    %dma_wait3A_91 = tpu.memref_squeeze %dma_wait3A_90 : memref<1x1x2000xi32, #tpu.memory_space<hbm>> -> memref<2000xi32, #tpu.memory_space<hbm>>
    tpu.wait_dma2 semaphore(%arg13 : memref<!tpu.dma_semaphore, #tpu.memory_space<semaphore_mem>>) src(%dma_wait3A_91 : memref<2000xi32, #tpu.memory_space<hbm>>) dst(%dma_wait3A_88 : memref<2000xi32, #tpu.memory_space<vmem>>)
    %dma_wait3A_92 = arith.constant 23 : i32
    %dma_wait3A_93 = arith.constant 1 : i32
    %dma_wait3A_94 = arith.constant 0 : i32
    %dma_wait3A_95 = tpu.memref_slice %arg7[%dma_wait3A_93, %dma_wait3A_94] : memref<2x2000xi32, #tpu.memory_space<vmem>> -> memref<1x2000xi32, #tpu.memory_space<vmem>>
    %dma_wait3A_96 = tpu.memref_squeeze %dma_wait3A_95 : memref<1x2000xi32, #tpu.memory_space<vmem>> -> memref<2000xi32, #tpu.memory_space<vmem>>
    %dma_wait3A_97 = arith.constant 0 : i32
    %dma_wait3A_98 = tpu.memref_slice %arg3[%add3A, %dma_wait3A_92, %dma_wait3A_97] : memref<32x25x2000xi32, #tpu.memory_space<hbm>> -> memref<1x1x2000xi32, #tpu.memory_space<hbm>>
    %dma_wait3A_99 = tpu.memref_squeeze %dma_wait3A_98 : memref<1x1x2000xi32, #tpu.memory_space<hbm>> -> memref<2000xi32, #tpu.memory_space<hbm>>
    %dma_wait3A_100 = arith.constant 0 : i32
    %dma_wait3A_101 = tpu.memref_slice %arg7[%dma_wait3A_93, %dma_wait3A_100] : memref<2x2000xi32, #tpu.memory_space<vmem>> -> memref<1x2000xi32, #tpu.memory_space<vmem>>
    %dma_wait3A_102 = tpu.memref_squeeze %dma_wait3A_101 : memref<1x2000xi32, #tpu.memory_space<vmem>> -> memref<2000xi32, #tpu.memory_space<vmem>>
    %dma_wait3A_103 = arith.constant 0 : i32
    %dma_wait3A_104 = tpu.memref_slice %arg3[%add3A, %dma_wait3A_92, %dma_wait3A_103] : memref<32x25x2000xi32, #tpu.memory_space<hbm>> -> memref<1x1x2000xi32, #tpu.memory_space<hbm>>
    %dma_wait3A_105 = tpu.memref_squeeze %dma_wait3A_104 : memref<1x1x2000xi32, #tpu.memory_space<hbm>> -> memref<2000xi32, #tpu.memory_space<hbm>>
    tpu.wait_dma2 semaphore(%arg13 : memref<!tpu.dma_semaphore, #tpu.memory_space<semaphore_mem>>) src(%dma_wait3A_105 : memref<2000xi32, #tpu.memory_space<hbm>>) dst(%dma_wait3A_102 : memref<2000xi32, #tpu.memory_space<vmem>>)
    %dma_start3A_106 = arith.constant 0 : i32
    %dma_start3A_107 = arith.constant 1 : i32
    %dma_start3A_108 = arith.constant 0 : i32
    %dma_start3A_109 = tpu.memref_slice %arg6[%dma_start3A_107, %dma_start3A_108] : memref<2x2000xi32, #tpu.memory_space<vmem>> -> memref<1x2000xi32, #tpu.memory_space<vmem>>
    %dma_start3A_110 = tpu.memref_squeeze %dma_start3A_109 : memref<1x2000xi32, #tpu.memory_space<vmem>> -> memref<2000xi32, #tpu.memory_space<vmem>>
    %dma_start3A_111 = arith.constant 0 : i32
    %dma_start3A_112 = arith.constant 0 : i32
    %dma_start3A_113 = tpu.memref_slice %arg4[%dma_start3A_106, %dma_start3A_111, %dma_start3A_112] : memref<1x50000x16xf32, #tpu.memory_space<hbm>> -> memref<1x50000x16xf32, #tpu.memory_space<hbm>>
    %dma_start3A_114 = tpu.memref_squeeze %dma_start3A_113 : memref<1x50000x16xf32, #tpu.memory_space<hbm>> -> memref<50000x16xf32, #tpu.memory_space<hbm>>
    %dma_start3A_115 = arith.constant 0 : i32
    %dma_start3A_116 = arith.constant 0 : i32
    %dma_start3A_117 = tpu.memref_slice %dma_start3A_114[%dma_start3A_115, %dma_start3A_116] : memref<50000x16xf32, #tpu.memory_space<hbm>> -> memref<50000x16xf32, #tpu.memory_space<hbm>>
    tpu.enqueue_indirect_dma source(%dma_start3A_117 : memref<50000x16xf32, #tpu.memory_space<hbm>>) target(%arg9 : memref<2000x16xf32, #tpu.memory_space<vmem>>) offsets(%dma_start3A_110 : memref<2000xi32, #tpu.memory_space<vmem>>) semaphore(%arg11 : memref<!tpu.dma_semaphore, #tpu.memory_space<semaphore_mem>>)
    %dma_start3A_118 = arith.constant 0 : i32
    %dma_start3A_119 = arith.constant 0 : i32
    %dma_start3A_120 = tpu.memref_slice %arg7[%dma_start3A_118, %dma_start3A_119] : memref<2x2000xi32, #tpu.memory_space<vmem>> -> memref<1x2000xi32, #tpu.memory_space<vmem>>
    %dma_start3A_121 = tpu.memref_squeeze %dma_start3A_120 : memref<1x2000xi32, #tpu.memory_space<vmem>> -> memref<2000xi32, #tpu.memory_space<vmem>>
    %dma_start3A_122 = arith.constant 0 : i32
    %dma_start3A_123 = arith.constant 0 : i32
    %dma_start3A_124 = tpu.memref_slice %arg10[%dma_start3A_122, %dma_start3A_123] : memref<50048x16xf32, #tpu.memory_space<vmem_shared>> -> memref<50048x16xf32, #tpu.memory_space<vmem_shared>>
    tpu.enqueue_indirect_dma source(%arg8 : memref<2000x16xf32, #tpu.memory_space<vmem>>) target(%dma_start3A_124 : memref<50048x16xf32, #tpu.memory_space<vmem_shared>>) offsets(%dma_start3A_121 : memref<2000xi32, #tpu.memory_space<vmem>>) semaphore(%arg12 : memref<!tpu.dma_semaphore, #tpu.memory_space<semaphore_mem>>) {add = true}
    %dma_wait3A_125 = arith.constant 0 : i32
    %dma_wait3A_126 = arith.constant 0 : i32
    %dma_wait3A_127 = tpu.memref_slice %arg7[%dma_wait3A_125, %dma_wait3A_126] : memref<2x2000xi32, #tpu.memory_space<vmem>> -> memref<1x2000xi32, #tpu.memory_space<vmem>>
    %dma_wait3A_128 = tpu.memref_squeeze %dma_wait3A_127 : memref<1x2000xi32, #tpu.memory_space<vmem>> -> memref<2000xi32, #tpu.memory_space<vmem>>
    %dma_wait3A_129 = arith.constant 0 : i32
    %dma_wait3A_130 = arith.constant 0 : i32
    %dma_wait3A_131 = tpu.memref_slice %arg10[%dma_wait3A_129, %dma_wait3A_130] : memref<50048x16xf32, #tpu.memory_space<vmem_shared>> -> memref<50048x16xf32, #tpu.memory_space<vmem_shared>>
    tpu.wait_indirect_dma semaphore(%arg12 : memref<!tpu.dma_semaphore, #tpu.memory_space<semaphore_mem>>) src(%arg8 : memref<2000x16xf32, #tpu.memory_space<vmem>>) dst(%dma_wait3A_131 : memref<50048x16xf32, #tpu.memory_space<vmem_shared>>)
    %dma_start3A_132 = arith.constant 24 : i32
    %dma_start3A_133 = arith.constant 0 : i32
    %dma_start3A_134 = arith.constant 0 : i32
    %dma_start3A_135 = tpu.memref_slice %arg6[%dma_start3A_133, %dma_start3A_134] : memref<2x2000xi32, #tpu.memory_space<vmem>> -> memref<1x2000xi32, #tpu.memory_space<vmem>>
    %dma_start3A_136 = tpu.memref_squeeze %dma_start3A_135 : memref<1x2000xi32, #tpu.memory_space<vmem>> -> memref<2000xi32, #tpu.memory_space<vmem>>
    %dma_start3A_137 = arith.constant 0 : i32
    %dma_start3A_138 = tpu.memref_slice %arg2[%add3A, %dma_start3A_132, %dma_start3A_137] : memref<32x25x2000xi32, #tpu.memory_space<hbm>> -> memref<1x1x2000xi32, #tpu.memory_space<hbm>>
    %dma_start3A_139 = tpu.memref_squeeze %dma_start3A_138 : memref<1x1x2000xi32, #tpu.memory_space<hbm>> -> memref<2000xi32, #tpu.memory_space<hbm>>
    %dma_start3A_140 = arith.constant 0 : i32
    %dma_start3A_141 = tpu.memref_slice %arg6[%dma_start3A_133, %dma_start3A_140] : memref<2x2000xi32, #tpu.memory_space<vmem>> -> memref<1x2000xi32, #tpu.memory_space<vmem>>
    %dma_start3A_142 = tpu.memref_squeeze %dma_start3A_141 : memref<1x2000xi32, #tpu.memory_space<vmem>> -> memref<2000xi32, #tpu.memory_space<vmem>>
    %dma_start3A_143 = arith.constant 0 : i32
    %dma_start3A_144 = tpu.memref_slice %arg2[%add3A, %dma_start3A_132, %dma_start3A_143] : memref<32x25x2000xi32, #tpu.memory_space<hbm>> -> memref<1x1x2000xi32, #tpu.memory_space<hbm>>
    %dma_start3A_145 = tpu.memref_squeeze %dma_start3A_144 : memref<1x1x2000xi32, #tpu.memory_space<hbm>> -> memref<2000xi32, #tpu.memory_space<hbm>>
    tpu.enqueue_dma source(%dma_start3A_145 : memref<2000xi32, #tpu.memory_space<hbm>>) target(%dma_start3A_142 : memref<2000xi32, #tpu.memory_space<vmem>>) target_semaphore(%arg13 : memref<!tpu.dma_semaphore, #tpu.memory_space<semaphore_mem>>)
    %dma_start3A_146 = arith.constant 24 : i32
    %dma_start3A_147 = arith.constant 0 : i32
    %dma_start3A_148 = arith.constant 0 : i32
    %dma_start3A_149 = tpu.memref_slice %arg7[%dma_start3A_147, %dma_start3A_148] : memref<2x2000xi32, #tpu.memory_space<vmem>> -> memref<1x2000xi32, #tpu.memory_space<vmem>>
    %dma_start3A_150 = tpu.memref_squeeze %dma_start3A_149 : memref<1x2000xi32, #tpu.memory_space<vmem>> -> memref<2000xi32, #tpu.memory_space<vmem>>
    %dma_start3A_151 = arith.constant 0 : i32
    %dma_start3A_152 = tpu.memref_slice %arg3[%add3A, %dma_start3A_146, %dma_start3A_151] : memref<32x25x2000xi32, #tpu.memory_space<hbm>> -> memref<1x1x2000xi32, #tpu.memory_space<hbm>>
    %dma_start3A_153 = tpu.memref_squeeze %dma_start3A_152 : memref<1x1x2000xi32, #tpu.memory_space<hbm>> -> memref<2000xi32, #tpu.memory_space<hbm>>
    %dma_start3A_154 = arith.constant 0 : i32
    %dma_start3A_155 = tpu.memref_slice %arg7[%dma_start3A_147, %dma_start3A_154] : memref<2x2000xi32, #tpu.memory_space<vmem>> -> memref<1x2000xi32, #tpu.memory_space<vmem>>
    %dma_start3A_156 = tpu.memref_squeeze %dma_start3A_155 : memref<1x2000xi32, #tpu.memory_space<vmem>> -> memref<2000xi32, #tpu.memory_space<vmem>>
    %dma_start3A_157 = arith.constant 0 : i32
    %dma_start3A_158 = tpu.memref_slice %arg3[%add3A, %dma_start3A_146, %dma_start3A_157] : memref<32x25x2000xi32, #tpu.memory_space<hbm>> -> memref<1x1x2000xi32, #tpu.memory_space<hbm>>
    %dma_start3A_159 = tpu.memref_squeeze %dma_start3A_158 : memref<1x1x2000xi32, #tpu.memory_space<hbm>> -> memref<2000xi32, #tpu.memory_space<hbm>>
    tpu.enqueue_dma source(%dma_start3A_159 : memref<2000xi32, #tpu.memory_space<hbm>>) target(%dma_start3A_156 : memref<2000xi32, #tpu.memory_space<vmem>>) target_semaphore(%arg13 : memref<!tpu.dma_semaphore, #tpu.memory_space<semaphore_mem>>)
    %dma_wait3A_160 = arith.constant 0 : i32
    %dma_wait3A_161 = arith.constant 1 : i32
    %dma_wait3A_162 = arith.constant 0 : i32
    %dma_wait3A_163 = tpu.memref_slice %arg6[%dma_wait3A_161, %dma_wait3A_162] : memref<2x2000xi32, #tpu.memory_space<vmem>> -> memref<1x2000xi32, #tpu.memory_space<vmem>>
    %dma_wait3A_164 = tpu.memref_squeeze %dma_wait3A_163 : memref<1x2000xi32, #tpu.memory_space<vmem>> -> memref<2000xi32, #tpu.memory_space<vmem>>
    %dma_wait3A_165 = arith.constant 0 : i32
    %dma_wait3A_166 = arith.constant 0 : i32
    %dma_wait3A_167 = tpu.memref_slice %arg4[%dma_wait3A_160, %dma_wait3A_165, %dma_wait3A_166] : memref<1x50000x16xf32, #tpu.memory_space<hbm>> -> memref<1x50000x16xf32, #tpu.memory_space<hbm>>
    %dma_wait3A_168 = tpu.memref_squeeze %dma_wait3A_167 : memref<1x50000x16xf32, #tpu.memory_space<hbm>> -> memref<50000x16xf32, #tpu.memory_space<hbm>>
    %dma_wait3A_169 = arith.constant 0 : i32
    %dma_wait3A_170 = arith.constant 0 : i32
    %dma_wait3A_171 = tpu.memref_slice %dma_wait3A_168[%dma_wait3A_169, %dma_wait3A_170] : memref<50000x16xf32, #tpu.memory_space<hbm>> -> memref<50000x16xf32, #tpu.memory_space<hbm>>
    tpu.wait_indirect_dma semaphore(%arg11 : memref<!tpu.dma_semaphore, #tpu.memory_space<semaphore_mem>>) src(%dma_wait3A_171 : memref<50000x16xf32, #tpu.memory_space<hbm>>) dst(%arg9 : memref<2000x16xf32, #tpu.memory_space<vmem>>)
    %dma_wait3A_172 = arith.constant 24 : i32
    %dma_wait3A_173 = arith.constant 0 : i32
    %dma_wait3A_174 = arith.constant 0 : i32
    %dma_wait3A_175 = tpu.memref_slice %arg6[%dma_wait3A_173, %dma_wait3A_174] : memref<2x2000xi32, #tpu.memory_space<vmem>> -> memref<1x2000xi32, #tpu.memory_space<vmem>>
    %dma_wait3A_176 = tpu.memref_squeeze %dma_wait3A_175 : memref<1x2000xi32, #tpu.memory_space<vmem>> -> memref<2000xi32, #tpu.memory_space<vmem>>
    %dma_wait3A_177 = arith.constant 0 : i32
    %dma_wait3A_178 = tpu.memref_slice %arg2[%add3A, %dma_wait3A_172, %dma_wait3A_177] : memref<32x25x2000xi32, #tpu.memory_space<hbm>> -> memref<1x1x2000xi32, #tpu.memory_space<hbm>>
    %dma_wait3A_179 = tpu.memref_squeeze %dma_wait3A_178 : memref<1x1x2000xi32, #tpu.memory_space<hbm>> -> memref<2000xi32, #tpu.memory_space<hbm>>
    %dma_wait3A_180 = arith.constant 0 : i32
    %dma_wait3A_181 = tpu.memref_slice %arg6[%dma_wait3A_173, %dma_wait3A_180] : memref<2x2000xi32, #tpu.memory_space<vmem>> -> memref<1x2000xi32, #tpu.memory_space<vmem>>
    %dma_wait3A_182 = tpu.memref_squeeze %dma_wait3A_181 : memref<1x2000xi32, #tpu.memory_space<vmem>> -> memref<2000xi32, #tpu.memory_space<vmem>>
    %dma_wait3A_183 = arith.constant 0 : i32
    %dma_wait3A_184 = tpu.memref_slice %arg2[%add3A, %dma_wait3A_172, %dma_wait3A_183] : memref<32x25x2000xi32, #tpu.memory_space<hbm>> -> memref<1x1x2000xi32, #tpu.memory_space<hbm>>
    %dma_wait3A_185 = tpu.memref_squeeze %dma_wait3A_184 : memref<1x1x2000xi32, #tpu.memory_space<hbm>> -> memref<2000xi32, #tpu.memory_space<hbm>>
    tpu.wait_dma2 semaphore(%arg13 : memref<!tpu.dma_semaphore, #tpu.memory_space<semaphore_mem>>) src(%dma_wait3A_185 : memref<2000xi32, #tpu.memory_space<hbm>>) dst(%dma_wait3A_182 : memref<2000xi32, #tpu.memory_space<vmem>>)
    %dma_wait3A_186 = arith.constant 24 : i32
    %dma_wait3A_187 = arith.constant 0 : i32
    %dma_wait3A_188 = arith.constant 0 : i32
    %dma_wait3A_189 = tpu.memref_slice %arg7[%dma_wait3A_187, %dma_wait3A_188] : memref<2x2000xi32, #tpu.memory_space<vmem>> -> memref<1x2000xi32, #tpu.memory_space<vmem>>
    %dma_wait3A_190 = tpu.memref_squeeze %dma_wait3A_189 : memref<1x2000xi32, #tpu.memory_space<vmem>> -> memref<2000xi32, #tpu.memory_space<vmem>>
    %dma_wait3A_191 = arith.constant 0 : i32
    %dma_wait3A_192 = tpu.memref_slice %arg3[%add3A, %dma_wait3A_186, %dma_wait3A_191] : memref<32x25x2000xi32, #tpu.memory_space<hbm>> -> memref<1x1x2000xi32, #tpu.memory_space<hbm>>
    %dma_wait3A_193 = tpu.memref_squeeze %dma_wait3A_192 : memref<1x1x2000xi32, #tpu.memory_space<hbm>> -> memref<2000xi32, #tpu.memory_space<hbm>>
    %dma_wait3A_194 = arith.constant 0 : i32
    %dma_wait3A_195 = tpu.memref_slice %arg7[%dma_wait3A_187, %dma_wait3A_194] : memref<2x2000xi32, #tpu.memory_space<vmem>> -> memref<1x2000xi32, #tpu.memory_space<vmem>>
    %dma_wait3A_196 = tpu.memref_squeeze %dma_wait3A_195 : memref<1x2000xi32, #tpu.memory_space<vmem>> -> memref<2000xi32, #tpu.memory_space<vmem>>
    %dma_wait3A_197 = arith.constant 0 : i32
    %dma_wait3A_198 = tpu.memref_slice %arg3[%add3A, %dma_wait3A_186, %dma_wait3A_197] : memref<32x25x2000xi32, #tpu.memory_space<hbm>> -> memref<1x1x2000xi32, #tpu.memory_space<hbm>>
    %dma_wait3A_199 = tpu.memref_squeeze %dma_wait3A_198 : memref<1x1x2000xi32, #tpu.memory_space<hbm>> -> memref<2000xi32, #tpu.memory_space<hbm>>
    tpu.wait_dma2 semaphore(%arg13 : memref<!tpu.dma_semaphore, #tpu.memory_space<semaphore_mem>>) src(%dma_wait3A_199 : memref<2000xi32, #tpu.memory_space<hbm>>) dst(%dma_wait3A_196 : memref<2000xi32, #tpu.memory_space<vmem>>)
    %dma_start3A_200 = arith.constant 0 : i32
    %dma_start3A_201 = arith.constant 0 : i32
    %dma_start3A_202 = arith.constant 0 : i32
    %dma_start3A_203 = tpu.memref_slice %arg6[%dma_start3A_201, %dma_start3A_202] : memref<2x2000xi32, #tpu.memory_space<vmem>> -> memref<1x2000xi32, #tpu.memory_space<vmem>>
    %dma_start3A_204 = tpu.memref_squeeze %dma_start3A_203 : memref<1x2000xi32, #tpu.memory_space<vmem>> -> memref<2000xi32, #tpu.memory_space<vmem>>
    %dma_start3A_205 = arith.constant 0 : i32
    %dma_start3A_206 = arith.constant 0 : i32
    %dma_start3A_207 = tpu.memref_slice %arg4[%dma_start3A_200, %dma_start3A_205, %dma_start3A_206] : memref<1x50000x16xf32, #tpu.memory_space<hbm>> -> memref<1x50000x16xf32, #tpu.memory_space<hbm>>
    %dma_start3A_208 = tpu.memref_squeeze %dma_start3A_207 : memref<1x50000x16xf32, #tpu.memory_space<hbm>> -> memref<50000x16xf32, #tpu.memory_space<hbm>>
    %dma_start3A_209 = arith.constant 0 : i32
    %dma_start3A_210 = arith.constant 0 : i32
    %dma_start3A_211 = tpu.memref_slice %dma_start3A_208[%dma_start3A_209, %dma_start3A_210] : memref<50000x16xf32, #tpu.memory_space<hbm>> -> memref<50000x16xf32, #tpu.memory_space<hbm>>
    tpu.enqueue_indirect_dma source(%dma_start3A_211 : memref<50000x16xf32, #tpu.memory_space<hbm>>) target(%arg8 : memref<2000x16xf32, #tpu.memory_space<vmem>>) offsets(%dma_start3A_204 : memref<2000xi32, #tpu.memory_space<vmem>>) semaphore(%arg11 : memref<!tpu.dma_semaphore, #tpu.memory_space<semaphore_mem>>)
    %dma_start3A_212 = arith.constant 1 : i32
    %dma_start3A_213 = arith.constant 0 : i32
    %dma_start3A_214 = tpu.memref_slice %arg7[%dma_start3A_212, %dma_start3A_213] : memref<2x2000xi32, #tpu.memory_space<vmem>> -> memref<1x2000xi32, #tpu.memory_space<vmem>>
    %dma_start3A_215 = tpu.memref_squeeze %dma_start3A_214 : memref<1x2000xi32, #tpu.memory_space<vmem>> -> memref<2000xi32, #tpu.memory_space<vmem>>
    %dma_start3A_216 = arith.constant 0 : i32
    %dma_start3A_217 = arith.constant 0 : i32
    %dma_start3A_218 = tpu.memref_slice %arg10[%dma_start3A_216, %dma_start3A_217] : memref<50048x16xf32, #tpu.memory_space<vmem_shared>> -> memref<50048x16xf32, #tpu.memory_space<vmem_shared>>
    tpu.enqueue_indirect_dma source(%arg9 : memref<2000x16xf32, #tpu.memory_space<vmem>>) target(%dma_start3A_218 : memref<50048x16xf32, #tpu.memory_space<vmem_shared>>) offsets(%dma_start3A_215 : memref<2000xi32, #tpu.memory_space<vmem>>) semaphore(%arg12 : memref<!tpu.dma_semaphore, #tpu.memory_space<semaphore_mem>>) {add = true}
    %dma_wait3A_219 = arith.constant 1 : i32
    %dma_wait3A_220 = arith.constant 0 : i32
    %dma_wait3A_221 = tpu.memref_slice %arg7[%dma_wait3A_219, %dma_wait3A_220] : memref<2x2000xi32, #tpu.memory_space<vmem>> -> memref<1x2000xi32, #tpu.memory_space<vmem>>
    %dma_wait3A_222 = tpu.memref_squeeze %dma_wait3A_221 : memref<1x2000xi32, #tpu.memory_space<vmem>> -> memref<2000xi32, #tpu.memory_space<vmem>>
    %dma_wait3A_223 = arith.constant 0 : i32
    %dma_wait3A_224 = arith.constant 0 : i32
    %dma_wait3A_225 = tpu.memref_slice %arg10[%dma_wait3A_223, %dma_wait3A_224] : memref<50048x16xf32, #tpu.memory_space<vmem_shared>> -> memref<50048x16xf32, #tpu.memory_space<vmem_shared>>
    tpu.wait_indirect_dma semaphore(%arg12 : memref<!tpu.dma_semaphore, #tpu.memory_space<semaphore_mem>>) src(%arg9 : memref<2000x16xf32, #tpu.memory_space<vmem>>) dst(%dma_wait3A_225 : memref<50048x16xf32, #tpu.memory_space<vmem_shared>>)
    %dma_wait3A_226 = arith.constant 0 : i32
    %dma_wait3A_227 = arith.constant 0 : i32
    %dma_wait3A_228 = arith.constant 0 : i32
    %dma_wait3A_229 = tpu.memref_slice %arg6[%dma_wait3A_227, %dma_wait3A_228] : memref<2x2000xi32, #tpu.memory_space<vmem>> -> memref<1x2000xi32, #tpu.memory_space<vmem>>
    %dma_wait3A_230 = tpu.memref_squeeze %dma_wait3A_229 : memref<1x2000xi32, #tpu.memory_space<vmem>> -> memref<2000xi32, #tpu.memory_space<vmem>>
    %dma_wait3A_231 = arith.constant 0 : i32
    %dma_wait3A_232 = arith.constant 0 : i32
    %dma_wait3A_233 = tpu.memref_slice %arg4[%dma_wait3A_226, %dma_wait3A_231, %dma_wait3A_232] : memref<1x50000x16xf32, #tpu.memory_space<hbm>> -> memref<1x50000x16xf32, #tpu.memory_space<hbm>>
    %dma_wait3A_234 = tpu.memref_squeeze %dma_wait3A_233 : memref<1x50000x16xf32, #tpu.memory_space<hbm>> -> memref<50000x16xf32, #tpu.memory_space<hbm>>
    %dma_wait3A_235 = arith.constant 0 : i32
    %dma_wait3A_236 = arith.constant 0 : i32
    %dma_wait3A_237 = tpu.memref_slice %dma_wait3A_234[%dma_wait3A_235, %dma_wait3A_236] : memref<50000x16xf32, #tpu.memory_space<hbm>> -> memref<50000x16xf32, #tpu.memory_space<hbm>>
    tpu.wait_indirect_dma semaphore(%arg11 : memref<!tpu.dma_semaphore, #tpu.memory_space<semaphore_mem>>) src(%dma_wait3A_237 : memref<50000x16xf32, #tpu.memory_space<hbm>>) dst(%arg8 : memref<2000x16xf32, #tpu.memory_space<vmem>>)
    %dma_start3A_238 = arith.constant 0 : i32
    %dma_start3A_239 = arith.constant 0 : i32
    %dma_start3A_240 = tpu.memref_slice %arg7[%dma_start3A_238, %dma_start3A_239] : memref<2x2000xi32, #tpu.memory_space<vmem>> -> memref<1x2000xi32, #tpu.memory_space<vmem>>
    %dma_start3A_241 = tpu.memref_squeeze %dma_start3A_240 : memref<1x2000xi32, #tpu.memory_space<vmem>> -> memref<2000xi32, #tpu.memory_space<vmem>>
    %dma_start3A_242 = arith.constant 0 : i32
    %dma_start3A_243 = arith.constant 0 : i32
    %dma_start3A_244 = tpu.memref_slice %arg10[%dma_start3A_242, %dma_start3A_243] : memref<50048x16xf32, #tpu.memory_space<vmem_shared>> -> memref<50048x16xf32, #tpu.memory_space<vmem_shared>>
    tpu.enqueue_indirect_dma source(%arg8 : memref<2000x16xf32, #tpu.memory_space<vmem>>) target(%dma_start3A_244 : memref<50048x16xf32, #tpu.memory_space<vmem_shared>>) offsets(%dma_start3A_241 : memref<2000xi32, #tpu.memory_space<vmem>>) semaphore(%arg12 : memref<!tpu.dma_semaphore, #tpu.memory_space<semaphore_mem>>) {add = true}
    %dma_wait3A_245 = arith.constant 0 : i32
    %dma_wait3A_246 = arith.constant 0 : i32
    %dma_wait3A_247 = tpu.memref_slice %arg7[%dma_wait3A_245, %dma_wait3A_246] : memref<2x2000xi32, #tpu.memory_space<vmem>> -> memref<1x2000xi32, #tpu.memory_space<vmem>>
    %dma_wait3A_248 = tpu.memref_squeeze %dma_wait3A_247 : memref<1x2000xi32, #tpu.memory_space<vmem>> -> memref<2000xi32, #tpu.memory_space<vmem>>
    %dma_wait3A_249 = arith.constant 0 : i32
    %dma_wait3A_250 = arith.constant 0 : i32
    %dma_wait3A_251 = tpu.memref_slice %arg10[%dma_wait3A_249, %dma_wait3A_250] : memref<50048x16xf32, #tpu.memory_space<vmem_shared>> -> memref<50048x16xf32, #tpu.memory_space<vmem_shared>>
    tpu.wait_indirect_dma semaphore(%arg12 : memref<!tpu.dma_semaphore, #tpu.memory_space<semaphore_mem>>) src(%arg8 : memref<2000x16xf32, #tpu.memory_space<vmem>>) dst(%dma_wait3A_251 : memref<50048x16xf32, #tpu.memory_space<vmem_shared>>)
    %barrier3A_252 = arith.constant 0 : index
    tpu.barrier barrier_id(%barrier3A_252)
    %mul3A_253 = arith.constant 3128 : i32
    %mul3A_254 = arith.muli %arg1, %mul3A_253 : i32
    %mul3A_255 = arith.constant 3128 : i32
    %mul3A_256 = arith.muli %arg1, %mul3A_255 : i32
    %run_scoped3A_257 = arith.constant 0 : i32
    "tpu.region"() ({
      %run_scoped3A_259 = tpu.sem_alloc : memref<!tpu.dma_semaphore, #tpu.memory_space<semaphore_mem>>
      %dma_start3A_260 = arith.constant 0 : i32
      %dma_start3A_261 = tpu.memref_slice %arg5[%arg0, %run_scoped3A_257, %mul3A_256, %dma_start3A_260] : memref<2x1x50048x16xf32, #tpu.memory_space<hbm>> -> memref<1x1x3128x16xf32, #tpu.memory_space<hbm>>
      %dma_start3A_262 = tpu.memref_squeeze %dma_start3A_261 : memref<1x1x3128x16xf32, #tpu.memory_space<hbm>> -> memref<3128x16xf32, #tpu.memory_space<hbm>>
      %dma_start3A_263 = arith.constant 0 : i32
      %dma_start3A_264 = tpu.memref_slice %arg10[%mul3A_254, %dma_start3A_263] : memref<50048x16xf32, #tpu.memory_space<vmem_shared>> -> memref<3128x16xf32, #tpu.memory_space<vmem_shared>>
      tpu.enqueue_dma source(%dma_start3A_264 : memref<3128x16xf32, #tpu.memory_space<vmem_shared>>) target(%dma_start3A_262 : memref<3128x16xf32, #tpu.memory_space<hbm>>) target_semaphore(%run_scoped3A_259 : memref<!tpu.dma_semaphore, #tpu.memory_space<semaphore_mem>>)
      %dma_wait3A_265 = arith.constant 0 : i32
      %dma_wait3A_266 = tpu.memref_slice %arg5[%arg0, %run_scoped3A_257, %mul3A_256, %dma_wait3A_265] : memref<2x1x50048x16xf32, #tpu.memory_space<hbm>> -> memref<1x1x3128x16xf32, #tpu.memory_space<hbm>>
      %dma_wait3A_267 = tpu.memref_squeeze %dma_wait3A_266 : memref<1x1x3128x16xf32, #tpu.memory_space<hbm>> -> memref<3128x16xf32, #tpu.memory_space<hbm>>
      %dma_wait3A_268 = arith.constant 0 : i32
      %dma_wait3A_269 = tpu.memref_slice %arg10[%mul3A_254, %dma_wait3A_268] : memref<50048x16xf32, #tpu.memory_space<vmem_shared>> -> memref<3128x16xf32, #tpu.memory_space<vmem_shared>>
      tpu.wait_dma2 semaphore(%run_scoped3A_259 : memref<!tpu.dma_semaphore, #tpu.memory_space<semaphore_mem>>) src(%dma_wait3A_269 : memref<3128x16xf32, #tpu.memory_space<vmem_shared>>) dst(%dma_wait3A_267 : memref<3128x16xf32, #tpu.memory_space<hbm>>)
      tpu.yield
    }) : () -> ()
    %barrier3A_258 = arith.constant 0 : index
    tpu.barrier barrier_id(%barrier3A_258)
    return
  }
}

#map = affine_map<(d0, d1) -> (0, 0, 0)>
#map1 = affine_map<(d0, d1) -> (0, 0, 0, 0)>
module attributes {stable_mosaic.version = 14 : i64} {
  func.func @_sc_agg(%arg0: i32, %arg1: i32, %arg2: memref<32x125x400xi32, #tpu.memory_space<hbm>>, %arg3: memref<32x125x400xi32, #tpu.memory_space<hbm>>, %arg4: memref<4x50000x32xf32, #tpu.memory_space<hbm>>, %arg5: memref<2x4x50048x32xf32, #tpu.memory_space<hbm>>, %arg6: memref<2x400xi32, #tpu.memory_space<vmem>>, %arg7: memref<2x400xi32, #tpu.memory_space<vmem>>, %arg8: memref<400x32xf32, #tpu.memory_space<vmem>>, %arg9: memref<400x32xf32, #tpu.memory_space<vmem>>, %arg10: memref<50048x32xf32, #tpu.memory_space<vmem_shared>>, %arg11: memref<!tpu.dma_semaphore, #tpu.memory_space<semaphore_mem>>, %arg12: memref<!tpu.dma_semaphore, #tpu.memory_space<semaphore_mem>>, %arg13: memref<!tpu.dma_semaphore, #tpu.memory_space<semaphore_mem>>) attributes {dimension_semantics = [#tpu.dimension_semantics<core_parallel>, #tpu.dimension_semantics<subcore_parallel>], iteration_bounds = array<i64: 2, 16>, scalar_prefetch = 0 : i64, scratch_operands = 8 : i64, tpu.core_type = #tpu.core_type<sc_vector_subcore>, window_params = [{transform_indices = #map}, {transform_indices = #map}, {transform_indices = #map}, {transform_indices = #map1}]} {
    %mul3A = arith.constant 16 : i32
    %mul3A_0 = arith.muli %arg0, %mul3A : i32
    %add3A = arith.addi %mul3A_0, %arg1 : i32
    %scan3A = arith.constant 0 : i32
    %scan3A_1 = arith.constant 400 : i32
    %scan3A_2 = arith.addi %scan3A, %scan3A_1 : i32
    %scan3A_3 = arith.constant 1 : i32
    scf.for %scan3A_1024 = %scan3A to %scan3A_2 step %scan3A_3  : i32 {
      %mul3A_1025 = arith.constant 1 : i32
      %mul3A_1026 = arith.muli %scan3A_1024, %mul3A_1025 : i32
      %add3A_1027 = arith.constant 0 : i32
      %add3A_1028 = arith.addi %add3A_1027, %mul3A_1026 : i32
      %broadcast_in_dim3A = arith.constant 0.000000e+00 : f32
      %broadcast_in_dim3A_1029 = vector.broadcast %broadcast_in_dim3A : f32 to vector<16xf32>
      %swap3A = arith.index_cast %add3A_1028 : i32 to index
      %swap3A_1030 = arith.constant 0 : index
      %swap3A_1031 = tpu.vector_load %arg8[%swap3A, %swap3A_1030] {strides = array<i32>} : memref<400x32xf32, #tpu.memory_space<vmem>>, vector<1x16xf32>,
      %swap3A_1032 = vector.shape_cast %swap3A_1031 : vector<1x16xf32> to vector<16xf32>
      %swap3A_1033 = vector.shape_cast %broadcast_in_dim3A_1029 : vector<16xf32> to vector<1x16xf32>
      tpu.vector_store %arg8[%swap3A, %swap3A_1030], %swap3A_1033 {strides = array<i32>} : memref<400x32xf32, #tpu.memory_space<vmem>>, vector<1x16xf32>,
      %broadcast_in_dim3A_1034 = arith.constant 0.000000e+00 : f32
      %broadcast_in_dim3A_1035 = vector.broadcast %broadcast_in_dim3A_1034 : f32 to vector<16xf32>
      %swap3A_1036 = arith.index_cast %add3A_1028 : i32 to index
      %swap3A_1037 = arith.constant 16 : index
      %swap3A_1038 = tpu.vector_load %arg8[%swap3A_1036, %swap3A_1037] {strides = array<i32>} : memref<400x32xf32, #tpu.memory_space<vmem>>, vector<1x16xf32>,
      %swap3A_1039 = vector.shape_cast %swap3A_1038 : vector<1x16xf32> to vector<16xf32>
      %swap3A_1040 = vector.shape_cast %broadcast_in_dim3A_1035 : vector<16xf32> to vector<1x16xf32>
      tpu.vector_store %arg8[%swap3A_1036, %swap3A_1037], %swap3A_1040 {strides = array<i32>} : memref<400x32xf32, #tpu.memory_space<vmem>>, vector<1x16xf32>,
    }
    %scan3A_4 = arith.constant 400 : i32
    %scan3A_5 = arith.constant 0 : i32
    %scan3A_6 = arith.constant 7 : i32
    %scan3A_7 = arith.addi %scan3A_5, %scan3A_6 : i32
    %scan3A_8 = arith.constant 1 : i32
    scf.for %scan3A_1024 = %scan3A_5 to %scan3A_7 step %scan3A_8  : i32 {
      %mul3A_1025 = arith.constant 1 : i32
      %mul3A_1026 = arith.muli %scan3A_1024, %mul3A_1025 : i32
      %add3A_1027 = arith.constant 0 : i32
      %add3A_1028 = arith.addi %add3A_1027, %mul3A_1026 : i32
      %mul3A_1029 = arith.constant 3128 : i32
      %mul3A_1030 = arith.muli %arg1, %mul3A_1029 : i32
      %mul3A_1031 = arith.constant 400 : i32
      %mul3A_1032 = arith.muli %add3A_1028, %mul3A_1031 : i32
      %add3A_1033 = arith.addi %mul3A_1030, %mul3A_1032 : i32
      "tpu.region"() ({
        %run_scoped3A_1034 = tpu.sem_alloc : memref<!tpu.dma_semaphore, #tpu.memory_space<semaphore_mem>>
        %dma_start3A_1035 = arith.constant 0 : i32
        %dma_start3A_1036 = tpu.memref_slice %arg10[%add3A_1033, %dma_start3A_1035] : memref<50048x32xf32, #tpu.memory_space<vmem_shared>> -> memref<400x32xf32, #tpu.memory_space<vmem_shared>>
        %dma_start3A_1037 = arith.constant 0 : i32
        %dma_start3A_1038 = tpu.memref_slice %arg10[%add3A_1033, %dma_start3A_1037] : memref<50048x32xf32, #tpu.memory_space<vmem_shared>> -> memref<400x32xf32, #tpu.memory_space<vmem_shared>>
        tpu.enqueue_dma source(%arg8 : memref<400x32xf32, #tpu.memory_space<vmem>>) target(%dma_start3A_1038 : memref<400x32xf32, #tpu.memory_space<vmem_shared>>) target_semaphore(%run_scoped3A_1034 : memref<!tpu.dma_semaphore, #tpu.memory_space<semaphore_mem>>)
        %dma_wait3A_1039 = arith.constant 0 : i32
        %dma_wait3A_1040 = tpu.memref_slice %arg10[%add3A_1033, %dma_wait3A_1039] : memref<50048x32xf32, #tpu.memory_space<vmem_shared>> -> memref<400x32xf32, #tpu.memory_space<vmem_shared>>
        %dma_wait3A_1041 = arith.constant 0 : i32
        %dma_wait3A_1042 = tpu.memref_slice %arg10[%add3A_1033, %dma_wait3A_1041] : memref<50048x32xf32, #tpu.memory_space<vmem_shared>> -> memref<400x32xf32, #tpu.memory_space<vmem_shared>>
        tpu.wait_dma2 semaphore(%run_scoped3A_1034 : memref<!tpu.dma_semaphore, #tpu.memory_space<semaphore_mem>>) src(%arg8 : memref<400x32xf32, #tpu.memory_space<vmem>>) dst(%dma_wait3A_1042 : memref<400x32xf32, #tpu.memory_space<vmem_shared>>)
        tpu.yield
      }) : () -> ()
    }
    %scan3A_9 = arith.constant 7 : i32
    %mul3A_10 = arith.constant 3128 : i32
    %mul3A_11 = arith.muli %arg1, %mul3A_10 : i32
    %add3A_12 = arith.constant 2800 : i32
    %add3A_13 = arith.addi %mul3A_11, %add3A_12 : i32
    "tpu.region"() ({
      %run_scoped3A_1024 = tpu.sem_alloc : memref<!tpu.dma_semaphore, #tpu.memory_space<semaphore_mem>>
      %dma_start3A_1025 = arith.constant 0 : i32
      %dma_start3A_1026 = arith.constant 0 : i32
      %dma_start3A_1027 = tpu.memref_slice %arg8[%dma_start3A_1025, %dma_start3A_1026] : memref<400x32xf32, #tpu.memory_space<vmem>> -> memref<328x32xf32, #tpu.memory_space<vmem>>
      %dma_start3A_1028 = arith.constant 0 : i32
      %dma_start3A_1029 = tpu.memref_slice %arg10[%add3A_13, %dma_start3A_1028] : memref<50048x32xf32, #tpu.memory_space<vmem_shared>> -> memref<328x32xf32, #tpu.memory_space<vmem_shared>>
      %dma_start3A_1030 = arith.constant 0 : i32
      %dma_start3A_1031 = tpu.memref_slice %arg10[%add3A_13, %dma_start3A_1030] : memref<50048x32xf32, #tpu.memory_space<vmem_shared>> -> memref<328x32xf32, #tpu.memory_space<vmem_shared>>
      %dma_start3A_1032 = arith.constant 0 : i32
      %dma_start3A_1033 = arith.constant 0 : i32
      %dma_start3A_1034 = tpu.memref_slice %arg8[%dma_start3A_1032, %dma_start3A_1033] : memref<400x32xf32, #tpu.memory_space<vmem>> -> memref<328x32xf32, #tpu.memory_space<vmem>>
      tpu.enqueue_dma source(%dma_start3A_1034 : memref<328x32xf32, #tpu.memory_space<vmem>>) target(%dma_start3A_1031 : memref<328x32xf32, #tpu.memory_space<vmem_shared>>) target_semaphore(%run_scoped3A_1024 : memref<!tpu.dma_semaphore, #tpu.memory_space<semaphore_mem>>)
      %dma_wait3A_1035 = arith.constant 0 : i32
      %dma_wait3A_1036 = arith.constant 0 : i32
      %dma_wait3A_1037 = tpu.memref_slice %arg8[%dma_wait3A_1035, %dma_wait3A_1036] : memref<400x32xf32, #tpu.memory_space<vmem>> -> memref<328x32xf32, #tpu.memory_space<vmem>>
      %dma_wait3A_1038 = arith.constant 0 : i32
      %dma_wait3A_1039 = tpu.memref_slice %arg10[%add3A_13, %dma_wait3A_1038] : memref<50048x32xf32, #tpu.memory_space<vmem_shared>> -> memref<328x32xf32, #tpu.memory_space<vmem_shared>>
      %dma_wait3A_1040 = arith.constant 0 : i32
      %dma_wait3A_1041 = tpu.memref_slice %arg10[%add3A_13, %dma_wait3A_1040] : memref<50048x32xf32, #tpu.memory_space<vmem_shared>> -> memref<328x32xf32, #tpu.memory_space<vmem_shared>>
      %dma_wait3A_1042 = arith.constant 0 : i32
      %dma_wait3A_1043 = arith.constant 0 : i32
      %dma_wait3A_1044 = tpu.memref_slice %arg8[%dma_wait3A_1042, %dma_wait3A_1043] : memref<400x32xf32, #tpu.memory_space<vmem>> -> memref<328x32xf32, #tpu.memory_space<vmem>>
      tpu.wait_dma2 semaphore(%run_scoped3A_1024 : memref<!tpu.dma_semaphore, #tpu.memory_space<semaphore_mem>>) src(%dma_wait3A_1044 : memref<328x32xf32, #tpu.memory_space<vmem>>) dst(%dma_wait3A_1041 : memref<328x32xf32, #tpu.memory_space<vmem_shared>>)
      tpu.yield
    }) : () -> ()
    %barrier3A = arith.constant 0 : index
    tpu.barrier barrier_id(%barrier3A)
    %run_scoped3A = arith.constant 0 : i32
    %run_scoped3A_14 = arith.constant 0 : i32
    "tpu.region"() ({
      %run_scoped3A_1024 = tpu.sem_alloc : memref<!tpu.dma_semaphore, #tpu.memory_space<semaphore_mem>>
      %dma_start3A_1025 = arith.constant 0 : i32
      %dma_start3A_1026 = tpu.memref_slice %arg6[%run_scoped3A_14, %dma_start3A_1025] : memref<2x400xi32, #tpu.memory_space<vmem>> -> memref<1x400xi32, #tpu.memory_space<vmem>>
      %dma_start3A_1027 = tpu.memref_squeeze %dma_start3A_1026 : memref<1x400xi32, #tpu.memory_space<vmem>> -> memref<400xi32, #tpu.memory_space<vmem>>
      %dma_start3A_1028 = arith.constant 0 : i32
      %dma_start3A_1029 = tpu.memref_slice %arg2[%add3A, %run_scoped3A, %dma_start3A_1028] : memref<32x125x400xi32, #tpu.memory_space<hbm>> -> memref<1x1x400xi32, #tpu.memory_space<hbm>>
      %dma_start3A_1030 = tpu.memref_squeeze %dma_start3A_1029 : memref<1x1x400xi32, #tpu.memory_space<hbm>> -> memref<400xi32, #tpu.memory_space<hbm>>
      %dma_start3A_1031 = arith.constant 0 : i32
      %dma_start3A_1032 = tpu.memref_slice %arg6[%run_scoped3A_14, %dma_start3A_1031] : memref<2x400xi32, #tpu.memory_space<vmem>> -> memref<1x400xi32, #tpu.memory_space<vmem>>
      %dma_start3A_1033 = tpu.memref_squeeze %dma_start3A_1032 : memref<1x400xi32, #tpu.memory_space<vmem>> -> memref<400xi32, #tpu.memory_space<vmem>>
      %dma_start3A_1034 = arith.constant 0 : i32
      %dma_start3A_1035 = tpu.memref_slice %arg2[%add3A, %run_scoped3A, %dma_start3A_1034] : memref<32x125x400xi32, #tpu.memory_space<hbm>> -> memref<1x1x400xi32, #tpu.memory_space<hbm>>
      %dma_start3A_1036 = tpu.memref_squeeze %dma_start3A_1035 : memref<1x1x400xi32, #tpu.memory_space<hbm>> -> memref<400xi32, #tpu.memory_space<hbm>>
      tpu.enqueue_dma source(%dma_start3A_1036 : memref<400xi32, #tpu.memory_space<hbm>>) target(%dma_start3A_1033 : memref<400xi32, #tpu.memory_space<vmem>>) target_semaphore(%run_scoped3A_1024 : memref<!tpu.dma_semaphore, #tpu.memory_space<semaphore_mem>>)
      %dma_wait3A_1037 = arith.constant 0 : i32
      %dma_wait3A_1038 = tpu.memref_slice %arg6[%run_scoped3A_14, %dma_wait3A_1037] : memref<2x400xi32, #tpu.memory_space<vmem>> -> memref<1x400xi32, #tpu.memory_space<vmem>>
      %dma_wait3A_1039 = tpu.memref_squeeze %dma_wait3A_1038 : memref<1x400xi32, #tpu.memory_space<vmem>> -> memref<400xi32, #tpu.memory_space<vmem>>
      %dma_wait3A_1040 = arith.constant 0 : i32
      %dma_wait3A_1041 = tpu.memref_slice %arg2[%add3A, %run_scoped3A, %dma_wait3A_1040] : memref<32x125x400xi32, #tpu.memory_space<hbm>> -> memref<1x1x400xi32, #tpu.memory_space<hbm>>
      %dma_wait3A_1042 = tpu.memref_squeeze %dma_wait3A_1041 : memref<1x1x400xi32, #tpu.memory_space<hbm>> -> memref<400xi32, #tpu.memory_space<hbm>>
      %dma_wait3A_1043 = arith.constant 0 : i32
      %dma_wait3A_1044 = tpu.memref_slice %arg6[%run_scoped3A_14, %dma_wait3A_1043] : memref<2x400xi32, #tpu.memory_space<vmem>> -> memref<1x400xi32, #tpu.memory_space<vmem>>
      %dma_wait3A_1045 = tpu.memref_squeeze %dma_wait3A_1044 : memref<1x400xi32, #tpu.memory_space<vmem>> -> memref<400xi32, #tpu.memory_space<vmem>>
      %dma_wait3A_1046 = arith.constant 0 : i32
      %dma_wait3A_1047 = tpu.memref_slice %arg2[%add3A, %run_scoped3A, %dma_wait3A_1046] : memref<32x125x400xi32, #tpu.memory_space<hbm>> -> memref<1x1x400xi32, #tpu.memory_space<hbm>>
      %dma_wait3A_1048 = tpu.memref_squeeze %dma_wait3A_1047 : memref<1x1x400xi32, #tpu.memory_space<hbm>> -> memref<400xi32, #tpu.memory_space<hbm>>
      tpu.wait_dma2 semaphore(%run_scoped3A_1024 : memref<!tpu.dma_semaphore, #tpu.memory_space<semaphore_mem>>) src(%dma_wait3A_1048 : memref<400xi32, #tpu.memory_space<hbm>>) dst(%dma_wait3A_1045 : memref<400xi32, #tpu.memory_space<vmem>>)
      tpu.yield
    }) : () -> ()
    %run_scoped3A_15 = arith.constant 0 : i32
    %run_scoped3A_16 = arith.constant 0 : i32
    "tpu.region"() ({
      %run_scoped3A_1024 = tpu.sem_alloc : memref<!tpu.dma_semaphore, #tpu.memory_space<semaphore_mem>>
      %dma_start3A_1025 = arith.constant 0 : i32
      %dma_start3A_1026 = tpu.memref_slice %arg7[%run_scoped3A_16, %dma_start3A_1025] : memref<2x400xi32, #tpu.memory_space<vmem>> -> memref<1x400xi32, #tpu.memory_space<vmem>>
      %dma_start3A_1027 = tpu.memref_squeeze %dma_start3A_1026 : memref<1x400xi32, #tpu.memory_space<vmem>> -> memref<400xi32, #tpu.memory_space<vmem>>
      %dma_start3A_1028 = arith.constant 0 : i32
      %dma_start3A_1029 = tpu.memref_slice %arg3[%add3A, %run_scoped3A_15, %dma_start3A_1028] : memref<32x125x400xi32, #tpu.memory_space<hbm>> -> memref<1x1x400xi32, #tpu.memory_space<hbm>>
      %dma_start3A_1030 = tpu.memref_squeeze %dma_start3A_1029 : memref<1x1x400xi32, #tpu.memory_space<hbm>> -> memref<400xi32, #tpu.memory_space<hbm>>
      %dma_start3A_1031 = arith.constant 0 : i32
      %dma_start3A_1032 = tpu.memref_slice %arg7[%run_scoped3A_16, %dma_start3A_1031] : memref<2x400xi32, #tpu.memory_space<vmem>> -> memref<1x400xi32, #tpu.memory_space<vmem>>
      %dma_start3A_1033 = tpu.memref_squeeze %dma_start3A_1032 : memref<1x400xi32, #tpu.memory_space<vmem>> -> memref<400xi32, #tpu.memory_space<vmem>>
      %dma_start3A_1034 = arith.constant 0 : i32
      %dma_start3A_1035 = tpu.memref_slice %arg3[%add3A, %run_scoped3A_15, %dma_start3A_1034] : memref<32x125x400xi32, #tpu.memory_space<hbm>> -> memref<1x1x400xi32, #tpu.memory_space<hbm>>
      %dma_start3A_1036 = tpu.memref_squeeze %dma_start3A_1035 : memref<1x1x400xi32, #tpu.memory_space<hbm>> -> memref<400xi32, #tpu.memory_space<hbm>>
      tpu.enqueue_dma source(%dma_start3A_1036 : memref<400xi32, #tpu.memory_space<hbm>>) target(%dma_start3A_1033 : memref<400xi32, #tpu.memory_space<vmem>>) target_semaphore(%run_scoped3A_1024 : memref<!tpu.dma_semaphore, #tpu.memory_space<semaphore_mem>>)
      %dma_wait3A_1037 = arith.constant 0 : i32
      %dma_wait3A_1038 = tpu.memref_slice %arg7[%run_scoped3A_16, %dma_wait3A_1037] : memref<2x400xi32, #tpu.memory_space<vmem>> -> memref<1x400xi32, #tpu.memory_space<vmem>>
      %dma_wait3A_1039 = tpu.memref_squeeze %dma_wait3A_1038 : memref<1x400xi32, #tpu.memory_space<vmem>> -> memref<400xi32, #tpu.memory_space<vmem>>
      %dma_wait3A_1040 = arith.constant 0 : i32
      %dma_wait3A_1041 = tpu.memref_slice %arg3[%add3A, %run_scoped3A_15, %dma_wait3A_1040] : memref<32x125x400xi32, #tpu.memory_space<hbm>> -> memref<1x1x400xi32, #tpu.memory_space<hbm>>
      %dma_wait3A_1042 = tpu.memref_squeeze %dma_wait3A_1041 : memref<1x1x400xi32, #tpu.memory_space<hbm>> -> memref<400xi32, #tpu.memory_space<hbm>>
      %dma_wait3A_1043 = arith.constant 0 : i32
      %dma_wait3A_1044 = tpu.memref_slice %arg7[%run_scoped3A_16, %dma_wait3A_1043] : memref<2x400xi32, #tpu.memory_space<vmem>> -> memref<1x400xi32, #tpu.memory_space<vmem>>
      %dma_wait3A_1045 = tpu.memref_squeeze %dma_wait3A_1044 : memref<1x400xi32, #tpu.memory_space<vmem>> -> memref<400xi32, #tpu.memory_space<vmem>>
      %dma_wait3A_1046 = arith.constant 0 : i32
      %dma_wait3A_1047 = tpu.memref_slice %arg3[%add3A, %run_scoped3A_15, %dma_wait3A_1046] : memref<32x125x400xi32, #tpu.memory_space<hbm>> -> memref<1x1x400xi32, #tpu.memory_space<hbm>>
      %dma_wait3A_1048 = tpu.memref_squeeze %dma_wait3A_1047 : memref<1x1x400xi32, #tpu.memory_space<hbm>> -> memref<400xi32, #tpu.memory_space<hbm>>
      tpu.wait_dma2 semaphore(%run_scoped3A_1024 : memref<!tpu.dma_semaphore, #tpu.memory_space<semaphore_mem>>) src(%dma_wait3A_1048 : memref<400xi32, #tpu.memory_space<hbm>>) dst(%dma_wait3A_1045 : memref<400xi32, #tpu.memory_space<vmem>>)
      tpu.yield
    }) : () -> ()
    %dma_start3A = arith.constant 0 : i32
    %dma_start3A_17 = arith.constant 0 : i32
    %dma_start3A_18 = arith.constant 0 : i32
    %dma_start3A_19 = tpu.memref_slice %arg6[%dma_start3A_17, %dma_start3A_18] : memref<2x400xi32, #tpu.memory_space<vmem>> -> memref<1x400xi32, #tpu.memory_space<vmem>>
    %dma_start3A_20 = tpu.memref_squeeze %dma_start3A_19 : memref<1x400xi32, #tpu.memory_space<vmem>> -> memref<400xi32, #tpu.memory_space<vmem>>
    %dma_start3A_21 = arith.constant 0 : i32
    %dma_start3A_22 = arith.constant 0 : i32
    %dma_start3A_23 = tpu.memref_slice %arg4[%dma_start3A, %dma_start3A_21, %dma_start3A_22] : memref<4x50000x32xf32, #tpu.memory_space<hbm>> -> memref<1x50000x32xf32, #tpu.memory_space<hbm>>
    %dma_start3A_24 = tpu.memref_squeeze %dma_start3A_23 : memref<1x50000x32xf32, #tpu.memory_space<hbm>> -> memref<50000x32xf32, #tpu.memory_space<hbm>>
    %dma_start3A_25 = arith.constant 0 : i32
    %dma_start3A_26 = arith.constant 0 : i32
    %dma_start3A_27 = tpu.memref_slice %dma_start3A_24[%dma_start3A_25, %dma_start3A_26] : memref<50000x32xf32, #tpu.memory_space<hbm>> -> memref<50000x32xf32, #tpu.memory_space<hbm>>
    tpu.enqueue_indirect_dma source(%dma_start3A_27 : memref<50000x32xf32, #tpu.memory_space<hbm>>) target(%arg8 : memref<400x32xf32, #tpu.memory_space<vmem>>) offsets(%dma_start3A_20 : memref<400xi32, #tpu.memory_space<vmem>>) semaphore(%arg11 : memref<!tpu.dma_semaphore, #tpu.memory_space<semaphore_mem>>)
    %dma_start3A_28 = arith.constant 1 : i32
    %dma_start3A_29 = arith.constant 1 : i32
    %dma_start3A_30 = arith.constant 0 : i32
    %dma_start3A_31 = tpu.memref_slice %arg6[%dma_start3A_29, %dma_start3A_30] : memref<2x400xi32, #tpu.memory_space<vmem>> -> memref<1x400xi32, #tpu.memory_space<vmem>>
    %dma_start3A_32 = tpu.memref_squeeze %dma_start3A_31 : memref<1x400xi32, #tpu.memory_space<vmem>> -> memref<400xi32, #tpu.memory_space<vmem>>
    %dma_start3A_33 = arith.constant 0 : i32
    %dma_start3A_34 = tpu.memref_slice %arg2[%add3A, %dma_start3A_28, %dma_start3A_33] : memref<32x125x400xi32, #tpu.memory_space<hbm>> -> memref<1x1x400xi32, #tpu.memory_space<hbm>>
    %dma_start3A_35 = tpu.memref_squeeze %dma_start3A_34 : memref<1x1x400xi32, #tpu.memory_space<hbm>> -> memref<400xi32, #tpu.memory_space<hbm>>
    %dma_start3A_36 = arith.constant 0 : i32
    %dma_start3A_37 = tpu.memref_slice %arg6[%dma_start3A_29, %dma_start3A_36] : memref<2x400xi32, #tpu.memory_space<vmem>> -> memref<1x400xi32, #tpu.memory_space<vmem>>
    %dma_start3A_38 = tpu.memref_squeeze %dma_start3A_37 : memref<1x400xi32, #tpu.memory_space<vmem>> -> memref<400xi32, #tpu.memory_space<vmem>>
    %dma_start3A_39 = arith.constant 0 : i32
    %dma_start3A_40 = tpu.memref_slice %arg2[%add3A, %dma_start3A_28, %dma_start3A_39] : memref<32x125x400xi32, #tpu.memory_space<hbm>> -> memref<1x1x400xi32, #tpu.memory_space<hbm>>
    %dma_start3A_41 = tpu.memref_squeeze %dma_start3A_40 : memref<1x1x400xi32, #tpu.memory_space<hbm>> -> memref<400xi32, #tpu.memory_space<hbm>>
    tpu.enqueue_dma source(%dma_start3A_41 : memref<400xi32, #tpu.memory_space<hbm>>) target(%dma_start3A_38 : memref<400xi32, #tpu.memory_space<vmem>>) target_semaphore(%arg13 : memref<!tpu.dma_semaphore, #tpu.memory_space<semaphore_mem>>)
    %dma_start3A_42 = arith.constant 1 : i32
    %dma_start3A_43 = arith.constant 1 : i32
    %dma_start3A_44 = arith.constant 0 : i32
    %dma_start3A_45 = tpu.memref_slice %arg7[%dma_start3A_43, %dma_start3A_44] : memref<2x400xi32, #tpu.memory_space<vmem>> -> memref<1x400xi32, #tpu.memory_space<vmem>>
    %dma_start3A_46 = tpu.memref_squeeze %dma_start3A_45 : memref<1x400xi32, #tpu.memory_space<vmem>> -> memref<400xi32, #tpu.memory_space<vmem>>
    %dma_start3A_47 = arith.constant 0 : i32
    %dma_start3A_48 = tpu.memref_slice %arg3[%add3A, %dma_start3A_42, %dma_start3A_47] : memref<32x125x400xi32, #tpu.memory_space<hbm>> -> memref<1x1x400xi32, #tpu.memory_space<hbm>>
    %dma_start3A_49 = tpu.memref_squeeze %dma_start3A_48 : memref<1x1x400xi32, #tpu.memory_space<hbm>> -> memref<400xi32, #tpu.memory_space<hbm>>
    %dma_start3A_50 = arith.constant 0 : i32
    %dma_start3A_51 = tpu.memref_slice %arg7[%dma_start3A_43, %dma_start3A_50] : memref<2x400xi32, #tpu.memory_space<vmem>> -> memref<1x400xi32, #tpu.memory_space<vmem>>
    %dma_start3A_52 = tpu.memref_squeeze %dma_start3A_51 : memref<1x400xi32, #tpu.memory_space<vmem>> -> memref<400xi32, #tpu.memory_space<vmem>>
    %dma_start3A_53 = arith.constant 0 : i32
    %dma_start3A_54 = tpu.memref_slice %arg3[%add3A, %dma_start3A_42, %dma_start3A_53] : memref<32x125x400xi32, #tpu.memory_space<hbm>> -> memref<1x1x400xi32, #tpu.memory_space<hbm>>
    %dma_start3A_55 = tpu.memref_squeeze %dma_start3A_54 : memref<1x1x400xi32, #tpu.memory_space<hbm>> -> memref<400xi32, #tpu.memory_space<hbm>>
    tpu.enqueue_dma source(%dma_start3A_55 : memref<400xi32, #tpu.memory_space<hbm>>) target(%dma_start3A_52 : memref<400xi32, #tpu.memory_space<vmem>>) target_semaphore(%arg13 : memref<!tpu.dma_semaphore, #tpu.memory_space<semaphore_mem>>)
    %scan3A_56 = arith.constant 0 : i32
    %scan3A_57 = arith.constant 61 : i32
    %scan3A_58 = arith.addi %scan3A_56, %scan3A_57 : i32
    %scan3A_59 = arith.constant 1 : i32
    scf.for %scan3A_1024 = %scan3A_56 to %scan3A_58 step %scan3A_59  : i32 {
      %mul3A_1025 = arith.constant 1 : i32
      %mul3A_1026 = arith.muli %scan3A_1024, %mul3A_1025 : i32
      %add3A_1027 = arith.constant 0 : i32
      %add3A_1028 = arith.addi %add3A_1027, %mul3A_1026 : i32
      %mul3A_1029 = arith.constant 2 : i32
      %mul3A_1030 = arith.muli %mul3A_1029, %add3A_1028 : i32
      %dma_wait3A_1031 = arith.constant 0 : i32
      %dma_wait3A_1032 = arith.constant 0 : i32
      %dma_wait3A_1033 = arith.constant 0 : i32
      %dma_wait3A_1034 = tpu.memref_slice %arg6[%dma_wait3A_1032, %dma_wait3A_1033] : memref<2x400xi32, #tpu.memory_space<vmem>> -> memref<1x400xi32, #tpu.memory_space<vmem>>
      %dma_wait3A_1035 = tpu.memref_squeeze %dma_wait3A_1034 : memref<1x400xi32, #tpu.memory_space<vmem>> -> memref<400xi32, #tpu.memory_space<vmem>>
      %dma_wait3A_1036 = arith.constant 0 : i32
      %dma_wait3A_1037 = arith.constant 0 : i32
      %dma_wait3A_1038 = tpu.memref_slice %arg4[%dma_wait3A_1031, %dma_wait3A_1036, %dma_wait3A_1037] : memref<4x50000x32xf32, #tpu.memory_space<hbm>> -> memref<1x50000x32xf32, #tpu.memory_space<hbm>>
      %dma_wait3A_1039 = tpu.memref_squeeze %dma_wait3A_1038 : memref<1x50000x32xf32, #tpu.memory_space<hbm>> -> memref<50000x32xf32, #tpu.memory_space<hbm>>
      %dma_wait3A_1040 = arith.constant 0 : i32
      %dma_wait3A_1041 = arith.constant 0 : i32
      %dma_wait3A_1042 = tpu.memref_slice %dma_wait3A_1039[%dma_wait3A_1040, %dma_wait3A_1041] : memref<50000x32xf32, #tpu.memory_space<hbm>> -> memref<50000x32xf32, #tpu.memory_space<hbm>>
      tpu.wait_indirect_dma semaphore(%arg11 : memref<!tpu.dma_semaphore, #tpu.memory_space<semaphore_mem>>) src(%dma_wait3A_1042 : memref<50000x32xf32, #tpu.memory_space<hbm>>) dst(%arg8 : memref<400x32xf32, #tpu.memory_space<vmem>>)
      %add3A_1043 = arith.constant 1 : i32
      %add3A_1044 = arith.addi %mul3A_1030, %add3A_1043 : i32
      %dma_wait3A_1045 = arith.constant 1 : i32
      %dma_wait3A_1046 = arith.constant 0 : i32
      %dma_wait3A_1047 = tpu.memref_slice %arg6[%dma_wait3A_1045, %dma_wait3A_1046] : memref<2x400xi32, #tpu.memory_space<vmem>> -> memref<1x400xi32, #tpu.memory_space<vmem>>
      %dma_wait3A_1048 = tpu.memref_squeeze %dma_wait3A_1047 : memref<1x400xi32, #tpu.memory_space<vmem>> -> memref<400xi32, #tpu.memory_space<vmem>>
      %dma_wait3A_1049 = arith.constant 0 : i32
      %dma_wait3A_1050 = tpu.memref_slice %arg2[%add3A, %add3A_1044, %dma_wait3A_1049] : memref<32x125x400xi32, #tpu.memory_space<hbm>> -> memref<1x1x400xi32, #tpu.memory_space<hbm>>
      %dma_wait3A_1051 = tpu.memref_squeeze %dma_wait3A_1050 : memref<1x1x400xi32, #tpu.memory_space<hbm>> -> memref<400xi32, #tpu.memory_space<hbm>>
      %dma_wait3A_1052 = arith.constant 0 : i32
      %dma_wait3A_1053 = tpu.memref_slice %arg6[%dma_wait3A_1045, %dma_wait3A_1052] : memref<2x400xi32, #tpu.memory_space<vmem>> -> memref<1x400xi32, #tpu.memory_space<vmem>>
      %dma_wait3A_1054 = tpu.memref_squeeze %dma_wait3A_1053 : memref<1x400xi32, #tpu.memory_space<vmem>> -> memref<400xi32, #tpu.memory_space<vmem>>
      %dma_wait3A_1055 = arith.constant 0 : i32
      %dma_wait3A_1056 = tpu.memref_slice %arg2[%add3A, %add3A_1044, %dma_wait3A_1055] : memref<32x125x400xi32, #tpu.memory_space<hbm>> -> memref<1x1x400xi32, #tpu.memory_space<hbm>>
      %dma_wait3A_1057 = tpu.memref_squeeze %dma_wait3A_1056 : memref<1x1x400xi32, #tpu.memory_space<hbm>> -> memref<400xi32, #tpu.memory_space<hbm>>
      tpu.wait_dma2 semaphore(%arg13 : memref<!tpu.dma_semaphore, #tpu.memory_space<semaphore_mem>>) src(%dma_wait3A_1057 : memref<400xi32, #tpu.memory_space<hbm>>) dst(%dma_wait3A_1054 : memref<400xi32, #tpu.memory_space<vmem>>)
      %dma_wait3A_1058 = arith.constant 1 : i32
      %dma_wait3A_1059 = arith.constant 0 : i32
      %dma_wait3A_1060 = tpu.memref_slice %arg7[%dma_wait3A_1058, %dma_wait3A_1059] : memref<2x400xi32, #tpu.memory_space<vmem>> -> memref<1x400xi32, #tpu.memory_space<vmem>>
      %dma_wait3A_1061 = tpu.memref_squeeze %dma_wait3A_1060 : memref<1x400xi32, #tpu.memory_space<vmem>> -> memref<400xi32, #tpu.memory_space<vmem>>
      %dma_wait3A_1062 = arith.constant 0 : i32
      %dma_wait3A_1063 = tpu.memref_slice %arg3[%add3A, %add3A_1044, %dma_wait3A_1062] : memref<32x125x400xi32, #tpu.memory_space<hbm>> -> memref<1x1x400xi32, #tpu.memory_space<hbm>>
      %dma_wait3A_1064 = tpu.memref_squeeze %dma_wait3A_1063 : memref<1x1x400xi32, #tpu.memory_space<hbm>> -> memref<400xi32, #tpu.memory_space<hbm>>
      %dma_wait3A_1065 = arith.constant 0 : i32
      %dma_wait3A_1066 = tpu.memref_slice %arg7[%dma_wait3A_1058, %dma_wait3A_1065] : memref<2x400xi32, #tpu.memory_space<vmem>> -> memref<1x400xi32, #tpu.memory_space<vmem>>
      %dma_wait3A_1067 = tpu.memref_squeeze %dma_wait3A_1066 : memref<1x400xi32, #tpu.memory_space<vmem>> -> memref<400xi32, #tpu.memory_space<vmem>>
      %dma_wait3A_1068 = arith.constant 0 : i32
      %dma_wait3A_1069 = tpu.memref_slice %arg3[%add3A, %add3A_1044, %dma_wait3A_1068] : memref<32x125x400xi32, #tpu.memory_space<hbm>> -> memref<1x1x400xi32, #tpu.memory_space<hbm>>
      %dma_wait3A_1070 = tpu.memref_squeeze %dma_wait3A_1069 : memref<1x1x400xi32, #tpu.memory_space<hbm>> -> memref<400xi32, #tpu.memory_space<hbm>>
      tpu.wait_dma2 semaphore(%arg13 : memref<!tpu.dma_semaphore, #tpu.memory_space<semaphore_mem>>) src(%dma_wait3A_1070 : memref<400xi32, #tpu.memory_space<hbm>>) dst(%dma_wait3A_1067 : memref<400xi32, #tpu.memory_space<vmem>>)
      %add3A_1071 = arith.constant 1 : i32
      %add3A_1072 = arith.addi %mul3A_1030, %add3A_1071 : i32
      %dma_start3A_1073 = arith.constant 0 : i32
      %dma_start3A_1074 = arith.constant 1 : i32
      %dma_start3A_1075 = arith.constant 0 : i32
      %dma_start3A_1076 = tpu.memref_slice %arg6[%dma_start3A_1074, %dma_start3A_1075] : memref<2x400xi32, #tpu.memory_space<vmem>> -> memref<1x400xi32, #tpu.memory_space<vmem>>
      %dma_start3A_1077 = tpu.memref_squeeze %dma_start3A_1076 : memref<1x400xi32, #tpu.memory_space<vmem>> -> memref<400xi32, #tpu.memory_space<vmem>>
      %dma_start3A_1078 = arith.constant 0 : i32
      %dma_start3A_1079 = arith.constant 0 : i32
      %dma_start3A_1080 = tpu.memref_slice %arg4[%dma_start3A_1073, %dma_start3A_1078, %dma_start3A_1079] : memref<4x50000x32xf32, #tpu.memory_space<hbm>> -> memref<1x50000x32xf32, #tpu.memory_space<hbm>>
      %dma_start3A_1081 = tpu.memref_squeeze %dma_start3A_1080 : memref<1x50000x32xf32, #tpu.memory_space<hbm>> -> memref<50000x32xf32, #tpu.memory_space<hbm>>
      %dma_start3A_1082 = arith.constant 0 : i32
      %dma_start3A_1083 = arith.constant 0 : i32
      %dma_start3A_1084 = tpu.memref_slice %dma_start3A_1081[%dma_start3A_1082, %dma_start3A_1083] : memref<50000x32xf32, #tpu.memory_space<hbm>> -> memref<50000x32xf32, #tpu.memory_space<hbm>>
      tpu.enqueue_indirect_dma source(%dma_start3A_1084 : memref<50000x32xf32, #tpu.memory_space<hbm>>) target(%arg9 : memref<400x32xf32, #tpu.memory_space<vmem>>) offsets(%dma_start3A_1077 : memref<400xi32, #tpu.memory_space<vmem>>) semaphore(%arg11 : memref<!tpu.dma_semaphore, #tpu.memory_space<semaphore_mem>>)
      %dma_start3A_1085 = arith.constant 0 : i32
      %dma_start3A_1086 = arith.constant 0 : i32
      %dma_start3A_1087 = tpu.memref_slice %arg7[%dma_start3A_1085, %dma_start3A_1086] : memref<2x400xi32, #tpu.memory_space<vmem>> -> memref<1x400xi32, #tpu.memory_space<vmem>>
      %dma_start3A_1088 = tpu.memref_squeeze %dma_start3A_1087 : memref<1x400xi32, #tpu.memory_space<vmem>> -> memref<400xi32, #tpu.memory_space<vmem>>
      %dma_start3A_1089 = arith.constant 0 : i32
      %dma_start3A_1090 = arith.constant 0 : i32
      %dma_start3A_1091 = tpu.memref_slice %arg10[%dma_start3A_1089, %dma_start3A_1090] : memref<50048x32xf32, #tpu.memory_space<vmem_shared>> -> memref<50048x32xf32, #tpu.memory_space<vmem_shared>>
      tpu.enqueue_indirect_dma source(%arg8 : memref<400x32xf32, #tpu.memory_space<vmem>>) target(%dma_start3A_1091 : memref<50048x32xf32, #tpu.memory_space<vmem_shared>>) offsets(%dma_start3A_1088 : memref<400xi32, #tpu.memory_space<vmem>>) semaphore(%arg12 : memref<!tpu.dma_semaphore, #tpu.memory_space<semaphore_mem>>) {add = true}
      %dma_wait3A_1092 = arith.constant 0 : i32
      %dma_wait3A_1093 = arith.constant 0 : i32
      %dma_wait3A_1094 = tpu.memref_slice %arg7[%dma_wait3A_1092, %dma_wait3A_1093] : memref<2x400xi32, #tpu.memory_space<vmem>> -> memref<1x400xi32, #tpu.memory_space<vmem>>
      %dma_wait3A_1095 = tpu.memref_squeeze %dma_wait3A_1094 : memref<1x400xi32, #tpu.memory_space<vmem>> -> memref<400xi32, #tpu.memory_space<vmem>>
      %dma_wait3A_1096 = arith.constant 0 : i32
      %dma_wait3A_1097 = arith.constant 0 : i32
      %dma_wait3A_1098 = tpu.memref_slice %arg10[%dma_wait3A_1096, %dma_wait3A_1097] : memref<50048x32xf32, #tpu.memory_space<vmem_shared>> -> memref<50048x32xf32, #tpu.memory_space<vmem_shared>>
      tpu.wait_indirect_dma semaphore(%arg12 : memref<!tpu.dma_semaphore, #tpu.memory_space<semaphore_mem>>) src(%arg8 : memref<400x32xf32, #tpu.memory_space<vmem>>) dst(%dma_wait3A_1098 : memref<50048x32xf32, #tpu.memory_space<vmem_shared>>)
      %add3A_1099 = arith.constant 2 : i32
      %add3A_1100 = arith.addi %mul3A_1030, %add3A_1099 : i32
      %dma_start3A_1101 = arith.constant 0 : i32
      %dma_start3A_1102 = arith.constant 0 : i32
      %dma_start3A_1103 = tpu.memref_slice %arg6[%dma_start3A_1101, %dma_start3A_1102] : memref<2x400xi32, #tpu.memory_space<vmem>> -> memref<1x400xi32, #tpu.memory_space<vmem>>
      %dma_start3A_1104 = tpu.memref_squeeze %dma_start3A_1103 : memref<1x400xi32, #tpu.memory_space<vmem>> -> memref<400xi32, #tpu.memory_space<vmem>>
      %dma_start3A_1105 = arith.constant 0 : i32
      %dma_start3A_1106 = tpu.memref_slice %arg2[%add3A, %add3A_1100, %dma_start3A_1105] : memref<32x125x400xi32, #tpu.memory_space<hbm>> -> memref<1x1x400xi32, #tpu.memory_space<hbm>>
      %dma_start3A_1107 = tpu.memref_squeeze %dma_start3A_1106 : memref<1x1x400xi32, #tpu.memory_space<hbm>> -> memref<400xi32, #tpu.memory_space<hbm>>
      %dma_start3A_1108 = arith.constant 0 : i32
      %dma_start3A_1109 = tpu.memref_slice %arg6[%dma_start3A_1101, %dma_start3A_1108] : memref<2x400xi32, #tpu.memory_space<vmem>> -> memref<1x400xi32, #tpu.memory_space<vmem>>
      %dma_start3A_1110 = tpu.memref_squeeze %dma_start3A_1109 : memref<1x400xi32, #tpu.memory_space<vmem>> -> memref<400xi32, #tpu.memory_space<vmem>>
      %dma_start3A_1111 = arith.constant 0 : i32
      %dma_start3A_1112 = tpu.memref_slice %arg2[%add3A, %add3A_1100, %dma_start3A_1111] : memref<32x125x400xi32, #tpu.memory_space<hbm>> -> memref<1x1x400xi32, #tpu.memory_space<hbm>>
      %dma_start3A_1113 = tpu.memref_squeeze %dma_start3A_1112 : memref<1x1x400xi32, #tpu.memory_space<hbm>> -> memref<400xi32, #tpu.memory_space<hbm>>
      tpu.enqueue_dma source(%dma_start3A_1113 : memref<400xi32, #tpu.memory_space<hbm>>) target(%dma_start3A_1110 : memref<400xi32, #tpu.memory_space<vmem>>) target_semaphore(%arg13 : memref<!tpu.dma_semaphore, #tpu.memory_space<semaphore_mem>>)
      %dma_start3A_1114 = arith.constant 0 : i32
      %dma_start3A_1115 = arith.constant 0 : i32
      %dma_start3A_1116 = tpu.memref_slice %arg7[%dma_start3A_1114, %dma_start3A_1115] : memref<2x400xi32, #tpu.memory_space<vmem>> -> memref<1x400xi32, #tpu.memory_space<vmem>>
      %dma_start3A_1117 = tpu.memref_squeeze %dma_start3A_1116 : memref<1x400xi32, #tpu.memory_space<vmem>> -> memref<400xi32, #tpu.memory_space<vmem>>
      %dma_start3A_1118 = arith.constant 0 : i32
      %dma_start3A_1119 = tpu.memref_slice %arg3[%add3A, %add3A_1100, %dma_start3A_1118] : memref<32x125x400xi32, #tpu.memory_space<hbm>> -> memref<1x1x400xi32, #tpu.memory_space<hbm>>
      %dma_start3A_1120 = tpu.memref_squeeze %dma_start3A_1119 : memref<1x1x400xi32, #tpu.memory_space<hbm>> -> memref<400xi32, #tpu.memory_space<hbm>>
      %dma_start3A_1121 = arith.constant 0 : i32
      %dma_start3A_1122 = tpu.memref_slice %arg7[%dma_start3A_1114, %dma_start3A_1121] : memref<2x400xi32, #tpu.memory_space<vmem>> -> memref<1x400xi32, #tpu.memory_space<vmem>>
      %dma_start3A_1123 = tpu.memref_squeeze %dma_start3A_1122 : memref<1x400xi32, #tpu.memory_space<vmem>> -> memref<400xi32, #tpu.memory_space<vmem>>
      %dma_start3A_1124 = arith.constant 0 : i32
      %dma_start3A_1125 = tpu.memref_slice %arg3[%add3A, %add3A_1100, %dma_start3A_1124] : memref<32x125x400xi32, #tpu.memory_space<hbm>> -> memref<1x1x400xi32, #tpu.memory_space<hbm>>
      %dma_start3A_1126 = tpu.memref_squeeze %dma_start3A_1125 : memref<1x1x400xi32, #tpu.memory_space<hbm>> -> memref<400xi32, #tpu.memory_space<hbm>>
      tpu.enqueue_dma source(%dma_start3A_1126 : memref<400xi32, #tpu.memory_space<hbm>>) target(%dma_start3A_1123 : memref<400xi32, #tpu.memory_space<vmem>>) target_semaphore(%arg13 : memref<!tpu.dma_semaphore, #tpu.memory_space<semaphore_mem>>)
      %add3A_1127 = arith.constant 1 : i32
      %add3A_1128 = arith.addi %mul3A_1030, %add3A_1127 : i32
      %dma_wait3A_1129 = arith.constant 0 : i32
      %dma_wait3A_1130 = arith.constant 1 : i32
      %dma_wait3A_1131 = arith.constant 0 : i32
      %dma_wait3A_1132 = tpu.memref_slice %arg6[%dma_wait3A_1130, %dma_wait3A_1131] : memref<2x400xi32, #tpu.memory_space<vmem>> -> memref<1x400xi32, #tpu.memory_space<vmem>>
      %dma_wait3A_1133 = tpu.memref_squeeze %dma_wait3A_1132 : memref<1x400xi32, #tpu.memory_space<vmem>> -> memref<400xi32, #tpu.memory_space<vmem>>
      %dma_wait3A_1134 = arith.constant 0 : i32
      %dma_wait3A_1135 = arith.constant 0 : i32
      %dma_wait3A_1136 = tpu.memref_slice %arg4[%dma_wait3A_1129, %dma_wait3A_1134, %dma_wait3A_1135] : memref<4x50000x32xf32, #tpu.memory_space<hbm>> -> memref<1x50000x32xf32, #tpu.memory_space<hbm>>
      %dma_wait3A_1137 = tpu.memref_squeeze %dma_wait3A_1136 : memref<1x50000x32xf32, #tpu.memory_space<hbm>> -> memref<50000x32xf32, #tpu.memory_space<hbm>>
      %dma_wait3A_1138 = arith.constant 0 : i32
      %dma_wait3A_1139 = arith.constant 0 : i32
      %dma_wait3A_1140 = tpu.memref_slice %dma_wait3A_1137[%dma_wait3A_1138, %dma_wait3A_1139] : memref<50000x32xf32, #tpu.memory_space<hbm>> -> memref<50000x32xf32, #tpu.memory_space<hbm>>
      tpu.wait_indirect_dma semaphore(%arg11 : memref<!tpu.dma_semaphore, #tpu.memory_space<semaphore_mem>>) src(%dma_wait3A_1140 : memref<50000x32xf32, #tpu.memory_space<hbm>>) dst(%arg9 : memref<400x32xf32, #tpu.memory_space<vmem>>)
      %add3A_1141 = arith.constant 2 : i32
      %add3A_1142 = arith.addi %mul3A_1030, %add3A_1141 : i32
      %dma_wait3A_1143 = arith.constant 0 : i32
      %dma_wait3A_1144 = arith.constant 0 : i32
      %dma_wait3A_1145 = tpu.memref_slice %arg6[%dma_wait3A_1143, %dma_wait3A_1144] : memref<2x400xi32, #tpu.memory_space<vmem>> -> memref<1x400xi32, #tpu.memory_space<vmem>>
      %dma_wait3A_1146 = tpu.memref_squeeze %dma_wait3A_1145 : memref<1x400xi32, #tpu.memory_space<vmem>> -> memref<400xi32, #tpu.memory_space<vmem>>
      %dma_wait3A_1147 = arith.constant 0 : i32
      %dma_wait3A_1148 = tpu.memref_slice %arg2[%add3A, %add3A_1142, %dma_wait3A_1147] : memref<32x125x400xi32, #tpu.memory_space<hbm>> -> memref<1x1x400xi32, #tpu.memory_space<hbm>>
      %dma_wait3A_1149 = tpu.memref_squeeze %dma_wait3A_1148 : memref<1x1x400xi32, #tpu.memory_space<hbm>> -> memref<400xi32, #tpu.memory_space<hbm>>
      %dma_wait3A_1150 = arith.constant 0 : i32
      %dma_wait3A_1151 = tpu.memref_slice %arg6[%dma_wait3A_1143, %dma_wait3A_1150] : memref<2x400xi32, #tpu.memory_space<vmem>> -> memref<1x400xi32, #tpu.memory_space<vmem>>
      %dma_wait3A_1152 = tpu.memref_squeeze %dma_wait3A_1151 : memref<1x400xi32, #tpu.memory_space<vmem>> -> memref<400xi32, #tpu.memory_space<vmem>>
      %dma_wait3A_1153 = arith.constant 0 : i32
      %dma_wait3A_1154 = tpu.memref_slice %arg2[%add3A, %add3A_1142, %dma_wait3A_1153] : memref<32x125x400xi32, #tpu.memory_space<hbm>> -> memref<1x1x400xi32, #tpu.memory_space<hbm>>
      %dma_wait3A_1155 = tpu.memref_squeeze %dma_wait3A_1154 : memref<1x1x400xi32, #tpu.memory_space<hbm>> -> memref<400xi32, #tpu.memory_space<hbm>>
      tpu.wait_dma2 semaphore(%arg13 : memref<!tpu.dma_semaphore, #tpu.memory_space<semaphore_mem>>) src(%dma_wait3A_1155 : memref<400xi32, #tpu.memory_space<hbm>>) dst(%dma_wait3A_1152 : memref<400xi32, #tpu.memory_space<vmem>>)
      %dma_wait3A_1156 = arith.constant 0 : i32
      %dma_wait3A_1157 = arith.constant 0 : i32
      %dma_wait3A_1158 = tpu.memref_slice %arg7[%dma_wait3A_1156, %dma_wait3A_1157] : memref<2x400xi32, #tpu.memory_space<vmem>> -> memref<1x400xi32, #tpu.memory_space<vmem>>
      %dma_wait3A_1159 = tpu.memref_squeeze %dma_wait3A_1158 : memref<1x400xi32, #tpu.memory_space<vmem>> -> memref<400xi32, #tpu.memory_space<vmem>>
      %dma_wait3A_1160 = arith.constant 0 : i32
      %dma_wait3A_1161 = tpu.memref_slice %arg3[%add3A, %add3A_1142, %dma_wait3A_1160] : memref<32x125x400xi32, #tpu.memory_space<hbm>> -> memref<1x1x400xi32, #tpu.memory_space<hbm>>
      %dma_wait3A_1162 = tpu.memref_squeeze %dma_wait3A_1161 : memref<1x1x400xi32, #tpu.memory_space<hbm>> -> memref<400xi32, #tpu.memory_space<hbm>>
      %dma_wait3A_1163 = arith.constant 0 : i32
      %dma_wait3A_1164 = tpu.memref_slice %arg7[%dma_wait3A_1156, %dma_wait3A_1163] : memref<2x400xi32, #tpu.memory_space<vmem>> -> memref<1x400xi32, #tpu.memory_space<vmem>>
      %dma_wait3A_1165 = tpu.memref_squeeze %dma_wait3A_1164 : memref<1x400xi32, #tpu.memory_space<vmem>> -> memref<400xi32, #tpu.memory_space<vmem>>
      %dma_wait3A_1166 = arith.constant 0 : i32
      %dma_wait3A_1167 = tpu.memref_slice %arg3[%add3A, %add3A_1142, %dma_wait3A_1166] : memref<32x125x400xi32, #tpu.memory_space<hbm>> -> memref<1x1x400xi32, #tpu.memory_space<hbm>>
      %dma_wait3A_1168 = tpu.memref_squeeze %dma_wait3A_1167 : memref<1x1x400xi32, #tpu.memory_space<hbm>> -> memref<400xi32, #tpu.memory_space<hbm>>
      tpu.wait_dma2 semaphore(%arg13 : memref<!tpu.dma_semaphore, #tpu.memory_space<semaphore_mem>>) src(%dma_wait3A_1168 : memref<400xi32, #tpu.memory_space<hbm>>) dst(%dma_wait3A_1165 : memref<400xi32, #tpu.memory_space<vmem>>)
      %add3A_1169 = arith.constant 2 : i32
      %add3A_1170 = arith.addi %mul3A_1030, %add3A_1169 : i32
      %dma_start3A_1171 = arith.constant 0 : i32
      %dma_start3A_1172 = arith.constant 0 : i32
      %dma_start3A_1173 = arith.constant 0 : i32
      %dma_start3A_1174 = tpu.memref_slice %arg6[%dma_start3A_1172, %dma_start3A_1173] : memref<2x400xi32, #tpu.memory_space<vmem>> -> memref<1x400xi32, #tpu.memory_space<vmem>>
      %dma_start3A_1175 = tpu.memref_squeeze %dma_start3A_1174 : memref<1x400xi32, #tpu.memory_space<vmem>> -> memref<400xi32, #tpu.memory_space<vmem>>
      %dma_start3A_1176 = arith.constant 0 : i32
      %dma_start3A_1177 = arith.constant 0 : i32
      %dma_start3A_1178 = tpu.memref_slice %arg4[%dma_start3A_1171, %dma_start3A_1176, %dma_start3A_1177] : memref<4x50000x32xf32, #tpu.memory_space<hbm>> -> memref<1x50000x32xf32, #tpu.memory_space<hbm>>
      %dma_start3A_1179 = tpu.memref_squeeze %dma_start3A_1178 : memref<1x50000x32xf32, #tpu.memory_space<hbm>> -> memref<50000x32xf32, #tpu.memory_space<hbm>>
      %dma_start3A_1180 = arith.constant 0 : i32
      %dma_start3A_1181 = arith.constant 0 : i32
      %dma_start3A_1182 = tpu.memref_slice %dma_start3A_1179[%dma_start3A_1180, %dma_start3A_1181] : memref<50000x32xf32, #tpu.memory_space<hbm>> -> memref<50000x32xf32, #tpu.memory_space<hbm>>
      tpu.enqueue_indirect_dma source(%dma_start3A_1182 : memref<50000x32xf32, #tpu.memory_space<hbm>>) target(%arg8 : memref<400x32xf32, #tpu.memory_space<vmem>>) offsets(%dma_start3A_1175 : memref<400xi32, #tpu.memory_space<vmem>>) semaphore(%arg11 : memref<!tpu.dma_semaphore, #tpu.memory_space<semaphore_mem>>)
      %add3A_1183 = arith.constant 1 : i32
      %add3A_1184 = arith.addi %mul3A_1030, %add3A_1183 : i32
      %dma_start3A_1185 = arith.constant 1 : i32
      %dma_start3A_1186 = arith.constant 0 : i32
      %dma_start3A_1187 = tpu.memref_slice %arg7[%dma_start3A_1185, %dma_start3A_1186] : memref<2x400xi32, #tpu.memory_space<vmem>> -> memref<1x400xi32, #tpu.memory_space<vmem>>
      %dma_start3A_1188 = tpu.memref_squeeze %dma_start3A_1187 : memref<1x400xi32, #tpu.memory_space<vmem>> -> memref<400xi32, #tpu.memory_space<vmem>>
      %dma_start3A_1189 = arith.constant 0 : i32
      %dma_start3A_1190 = arith.constant 0 : i32
      %dma_start3A_1191 = tpu.memref_slice %arg10[%dma_start3A_1189, %dma_start3A_1190] : memref<50048x32xf32, #tpu.memory_space<vmem_shared>> -> memref<50048x32xf32, #tpu.memory_space<vmem_shared>>
      tpu.enqueue_indirect_dma source(%arg9 : memref<400x32xf32, #tpu.memory_space<vmem>>) target(%dma_start3A_1191 : memref<50048x32xf32, #tpu.memory_space<vmem_shared>>) offsets(%dma_start3A_1188 : memref<400xi32, #tpu.memory_space<vmem>>) semaphore(%arg12 : memref<!tpu.dma_semaphore, #tpu.memory_space<semaphore_mem>>) {add = true}
      %add3A_1192 = arith.constant 1 : i32
      %add3A_1193 = arith.addi %mul3A_1030, %add3A_1192 : i32
      %dma_wait3A_1194 = arith.constant 1 : i32
      %dma_wait3A_1195 = arith.constant 0 : i32
      %dma_wait3A_1196 = tpu.memref_slice %arg7[%dma_wait3A_1194, %dma_wait3A_1195] : memref<2x400xi32, #tpu.memory_space<vmem>> -> memref<1x400xi32, #tpu.memory_space<vmem>>
      %dma_wait3A_1197 = tpu.memref_squeeze %dma_wait3A_1196 : memref<1x400xi32, #tpu.memory_space<vmem>> -> memref<400xi32, #tpu.memory_space<vmem>>
      %dma_wait3A_1198 = arith.constant 0 : i32
      %dma_wait3A_1199 = arith.constant 0 : i32
      %dma_wait3A_1200 = tpu.memref_slice %arg10[%dma_wait3A_1198, %dma_wait3A_1199] : memref<50048x32xf32, #tpu.memory_space<vmem_shared>> -> memref<50048x32xf32, #tpu.memory_space<vmem_shared>>
      tpu.wait_indirect_dma semaphore(%arg12 : memref<!tpu.dma_semaphore, #tpu.memory_space<semaphore_mem>>) src(%arg9 : memref<400x32xf32, #tpu.memory_space<vmem>>) dst(%dma_wait3A_1200 : memref<50048x32xf32, #tpu.memory_space<vmem_shared>>)
      %add3A_1201 = arith.constant 3 : i32
      %add3A_1202 = arith.addi %mul3A_1030, %add3A_1201 : i32
      %dma_start3A_1203 = arith.constant 1 : i32
      %dma_start3A_1204 = arith.constant 0 : i32
      %dma_start3A_1205 = tpu.memref_slice %arg6[%dma_start3A_1203, %dma_start3A_1204] : memref<2x400xi32, #tpu.memory_space<vmem>> -> memref<1x400xi32, #tpu.memory_space<vmem>>
      %dma_start3A_1206 = tpu.memref_squeeze %dma_start3A_1205 : memref<1x400xi32, #tpu.memory_space<vmem>> -> memref<400xi32, #tpu.memory_space<vmem>>
      %dma_start3A_1207 = arith.constant 0 : i32
      %dma_start3A_1208 = tpu.memref_slice %arg2[%add3A, %add3A_1202, %dma_start3A_1207] : memref<32x125x400xi32, #tpu.memory_space<hbm>> -> memref<1x1x400xi32, #tpu.memory_space<hbm>>
      %dma_start3A_1209 = tpu.memref_squeeze %dma_start3A_1208 : memref<1x1x400xi32, #tpu.memory_space<hbm>> -> memref<400xi32, #tpu.memory_space<hbm>>
      %dma_start3A_1210 = arith.constant 0 : i32
      %dma_start3A_1211 = tpu.memref_slice %arg6[%dma_start3A_1203, %dma_start3A_1210] : memref<2x400xi32, #tpu.memory_space<vmem>> -> memref<1x400xi32, #tpu.memory_space<vmem>>
      %dma_start3A_1212 = tpu.memref_squeeze %dma_start3A_1211 : memref<1x400xi32, #tpu.memory_space<vmem>> -> memref<400xi32, #tpu.memory_space<vmem>>
      %dma_start3A_1213 = arith.constant 0 : i32
      %dma_start3A_1214 = tpu.memref_slice %arg2[%add3A, %add3A_1202, %dma_start3A_1213] : memref<32x125x400xi32, #tpu.memory_space<hbm>> -> memref<1x1x400xi32, #tpu.memory_space<hbm>>
      %dma_start3A_1215 = tpu.memref_squeeze %dma_start3A_1214 : memref<1x1x400xi32, #tpu.memory_space<hbm>> -> memref<400xi32, #tpu.memory_space<hbm>>
      tpu.enqueue_dma source(%dma_start3A_1215 : memref<400xi32, #tpu.memory_space<hbm>>) target(%dma_start3A_1212 : memref<400xi32, #tpu.memory_space<vmem>>) target_semaphore(%arg13 : memref<!tpu.dma_semaphore, #tpu.memory_space<semaphore_mem>>)
      %dma_start3A_1216 = arith.constant 1 : i32
      %dma_start3A_1217 = arith.constant 0 : i32
      %dma_start3A_1218 = tpu.memref_slice %arg7[%dma_start3A_1216, %dma_start3A_1217] : memref<2x400xi32, #tpu.memory_space<vmem>> -> memref<1x400xi32, #tpu.memory_space<vmem>>
      %dma_start3A_1219 = tpu.memref_squeeze %dma_start3A_1218 : memref<1x400xi32, #tpu.memory_space<vmem>> -> memref<400xi32, #tpu.memory_space<vmem>>
      %dma_start3A_1220 = arith.constant 0 : i32
      %dma_start3A_1221 = tpu.memref_slice %arg3[%add3A, %add3A_1202, %dma_start3A_1220] : memref<32x125x400xi32, #tpu.memory_space<hbm>> -> memref<1x1x400xi32, #tpu.memory_space<hbm>>
      %dma_start3A_1222 = tpu.memref_squeeze %dma_start3A_1221 : memref<1x1x400xi32, #tpu.memory_space<hbm>> -> memref<400xi32, #tpu.memory_space<hbm>>
      %dma_start3A_1223 = arith.constant 0 : i32
      %dma_start3A_1224 = tpu.memref_slice %arg7[%dma_start3A_1216, %dma_start3A_1223] : memref<2x400xi32, #tpu.memory_space<vmem>> -> memref<1x400xi32, #tpu.memory_space<vmem>>
      %dma_start3A_1225 = tpu.memref_squeeze %dma_start3A_1224 : memref<1x400xi32, #tpu.memory_space<vmem>> -> memref<400xi32, #tpu.memory_space<vmem>>
      %dma_start3A_1226 = arith.constant 0 : i32
      %dma_start3A_1227 = tpu.memref_slice %arg3[%add3A, %add3A_1202, %dma_start3A_1226] : memref<32x125x400xi32, #tpu.memory_space<hbm>> -> memref<1x1x400xi32, #tpu.memory_space<hbm>>
      %dma_start3A_1228 = tpu.memref_squeeze %dma_start3A_1227 : memref<1x1x400xi32, #tpu.memory_space<hbm>> -> memref<400xi32, #tpu.memory_space<hbm>>
      tpu.enqueue_dma source(%dma_start3A_1228 : memref<400xi32, #tpu.memory_space<hbm>>) target(%dma_start3A_1225 : memref<400xi32, #tpu.memory_space<vmem>>) target_semaphore(%arg13 : memref<!tpu.dma_semaphore, #tpu.memory_space<semaphore_mem>>)
    }
    %scan3A_60 = arith.constant 61 : i32
    %dma_wait3A = arith.constant 0 : i32
    %dma_wait3A_61 = arith.constant 0 : i32
    %dma_wait3A_62 = arith.constant 0 : i32
    %dma_wait3A_63 = tpu.memref_slice %arg6[%dma_wait3A_61, %dma_wait3A_62] : memref<2x400xi32, #tpu.memory_space<vmem>> -> memref<1x400xi32, #tpu.memory_space<vmem>>
    %dma_wait3A_64 = tpu.memref_squeeze %dma_wait3A_63 : memref<1x400xi32, #tpu.memory_space<vmem>> -> memref<400xi32, #tpu.memory_space<vmem>>
    %dma_wait3A_65 = arith.constant 0 : i32
    %dma_wait3A_66 = arith.constant 0 : i32
    %dma_wait3A_67 = tpu.memref_slice %arg4[%dma_wait3A, %dma_wait3A_65, %dma_wait3A_66] : memref<4x50000x32xf32, #tpu.memory_space<hbm>> -> memref<1x50000x32xf32, #tpu.memory_space<hbm>>
    %dma_wait3A_68 = tpu.memref_squeeze %dma_wait3A_67 : memref<1x50000x32xf32, #tpu.memory_space<hbm>> -> memref<50000x32xf32, #tpu.memory_space<hbm>>
    %dma_wait3A_69 = arith.constant 0 : i32
    %dma_wait3A_70 = arith.constant 0 : i32
    %dma_wait3A_71 = tpu.memref_slice %dma_wait3A_68[%dma_wait3A_69, %dma_wait3A_70] : memref<50000x32xf32, #tpu.memory_space<hbm>> -> memref<50000x32xf32, #tpu.memory_space<hbm>>
    tpu.wait_indirect_dma semaphore(%arg11 : memref<!tpu.dma_semaphore, #tpu.memory_space<semaphore_mem>>) src(%dma_wait3A_71 : memref<50000x32xf32, #tpu.memory_space<hbm>>) dst(%arg8 : memref<400x32xf32, #tpu.memory_space<vmem>>)
    %dma_wait3A_72 = arith.constant 123 : i32
    %dma_wait3A_73 = arith.constant 1 : i32
    %dma_wait3A_74 = arith.constant 0 : i32
    %dma_wait3A_75 = tpu.memref_slice %arg6[%dma_wait3A_73, %dma_wait3A_74] : memref<2x400xi32, #tpu.memory_space<vmem>> -> memref<1x400xi32, #tpu.memory_space<vmem>>
    %dma_wait3A_76 = tpu.memref_squeeze %dma_wait3A_75 : memref<1x400xi32, #tpu.memory_space<vmem>> -> memref<400xi32, #tpu.memory_space<vmem>>
    %dma_wait3A_77 = arith.constant 0 : i32
    %dma_wait3A_78 = tpu.memref_slice %arg2[%add3A, %dma_wait3A_72, %dma_wait3A_77] : memref<32x125x400xi32, #tpu.memory_space<hbm>> -> memref<1x1x400xi32, #tpu.memory_space<hbm>>
    %dma_wait3A_79 = tpu.memref_squeeze %dma_wait3A_78 : memref<1x1x400xi32, #tpu.memory_space<hbm>> -> memref<400xi32, #tpu.memory_space<hbm>>
    %dma_wait3A_80 = arith.constant 0 : i32
    %dma_wait3A_81 = tpu.memref_slice %arg6[%dma_wait3A_73, %dma_wait3A_80] : memref<2x400xi32, #tpu.memory_space<vmem>> -> memref<1x400xi32, #tpu.memory_space<vmem>>
    %dma_wait3A_82 = tpu.memref_squeeze %dma_wait3A_81 : memref<1x400xi32, #tpu.memory_space<vmem>> -> memref<400xi32, #tpu.memory_space<vmem>>
    %dma_wait3A_83 = arith.constant 0 : i32
    %dma_wait3A_84 = tpu.memref_slice %arg2[%add3A, %dma_wait3A_72, %dma_wait3A_83] : memref<32x125x400xi32, #tpu.memory_space<hbm>> -> memref<1x1x400xi32, #tpu.memory_space<hbm>>
    %dma_wait3A_85 = tpu.memref_squeeze %dma_wait3A_84 : memref<1x1x400xi32, #tpu.memory_space<hbm>> -> memref<400xi32, #tpu.memory_space<hbm>>
    tpu.wait_dma2 semaphore(%arg13 : memref<!tpu.dma_semaphore, #tpu.memory_space<semaphore_mem>>) src(%dma_wait3A_85 : memref<400xi32, #tpu.memory_space<hbm>>) dst(%dma_wait3A_82 : memref<400xi32, #tpu.memory_space<vmem>>)
    %dma_wait3A_86 = arith.constant 123 : i32
    %dma_wait3A_87 = arith.constant 1 : i32
    %dma_wait3A_88 = arith.constant 0 : i32
    %dma_wait3A_89 = tpu.memref_slice %arg7[%dma_wait3A_87, %dma_wait3A_88] : memref<2x400xi32, #tpu.memory_space<vmem>> -> memref<1x400xi32, #tpu.memory_space<vmem>>
    %dma_wait3A_90 = tpu.memref_squeeze %dma_wait3A_89 : memref<1x400xi32, #tpu.memory_space<vmem>> -> memref<400xi32, #tpu.memory_space<vmem>>
    %dma_wait3A_91 = arith.constant 0 : i32
    %dma_wait3A_92 = tpu.memref_slice %arg3[%add3A, %dma_wait3A_86, %dma_wait3A_91] : memref<32x125x400xi32, #tpu.memory_space<hbm>> -> memref<1x1x400xi32, #tpu.memory_space<hbm>>
    %dma_wait3A_93 = tpu.memref_squeeze %dma_wait3A_92 : memref<1x1x400xi32, #tpu.memory_space<hbm>> -> memref<400xi32, #tpu.memory_space<hbm>>
    %dma_wait3A_94 = arith.constant 0 : i32
    %dma_wait3A_95 = tpu.memref_slice %arg7[%dma_wait3A_87, %dma_wait3A_94] : memref<2x400xi32, #tpu.memory_space<vmem>> -> memref<1x400xi32, #tpu.memory_space<vmem>>
    %dma_wait3A_96 = tpu.memref_squeeze %dma_wait3A_95 : memref<1x400xi32, #tpu.memory_space<vmem>> -> memref<400xi32, #tpu.memory_space<vmem>>
    %dma_wait3A_97 = arith.constant 0 : i32
    %dma_wait3A_98 = tpu.memref_slice %arg3[%add3A, %dma_wait3A_86, %dma_wait3A_97] : memref<32x125x400xi32, #tpu.memory_space<hbm>> -> memref<1x1x400xi32, #tpu.memory_space<hbm>>
    %dma_wait3A_99 = tpu.memref_squeeze %dma_wait3A_98 : memref<1x1x400xi32, #tpu.memory_space<hbm>> -> memref<400xi32, #tpu.memory_space<hbm>>
    tpu.wait_dma2 semaphore(%arg13 : memref<!tpu.dma_semaphore, #tpu.memory_space<semaphore_mem>>) src(%dma_wait3A_99 : memref<400xi32, #tpu.memory_space<hbm>>) dst(%dma_wait3A_96 : memref<400xi32, #tpu.memory_space<vmem>>)
    %dma_start3A_100 = arith.constant 0 : i32
    %dma_start3A_101 = arith.constant 1 : i32
    %dma_start3A_102 = arith.constant 0 : i32
    %dma_start3A_103 = tpu.memref_slice %arg6[%dma_start3A_101, %dma_start3A_102] : memref<2x400xi32, #tpu.memory_space<vmem>> -> memref<1x400xi32, #tpu.memory_space<vmem>>
    %dma_start3A_104 = tpu.memref_squeeze %dma_start3A_103 : memref<1x400xi32, #tpu.memory_space<vmem>> -> memref<400xi32, #tpu.memory_space<vmem>>
    %dma_start3A_105 = arith.constant 0 : i32
    %dma_start3A_106 = arith.constant 0 : i32
    %dma_start3A_107 = tpu.memref_slice %arg4[%dma_start3A_100, %dma_start3A_105, %dma_start3A_106] : memref<4x50000x32xf32, #tpu.memory_space<hbm>> -> memref<1x50000x32xf32, #tpu.memory_space<hbm>>
    %dma_start3A_108 = tpu.memref_squeeze %dma_start3A_107 : memref<1x50000x32xf32, #tpu.memory_space<hbm>> -> memref<50000x32xf32, #tpu.memory_space<hbm>>
    %dma_start3A_109 = arith.constant 0 : i32
    %dma_start3A_110 = arith.constant 0 : i32
    %dma_start3A_111 = tpu.memref_slice %dma_start3A_108[%dma_start3A_109, %dma_start3A_110] : memref<50000x32xf32, #tpu.memory_space<hbm>> -> memref<50000x32xf32, #tpu.memory_space<hbm>>
    tpu.enqueue_indirect_dma source(%dma_start3A_111 : memref<50000x32xf32, #tpu.memory_space<hbm>>) target(%arg9 : memref<400x32xf32, #tpu.memory_space<vmem>>) offsets(%dma_start3A_104 : memref<400xi32, #tpu.memory_space<vmem>>) semaphore(%arg11 : memref<!tpu.dma_semaphore, #tpu.memory_space<semaphore_mem>>)
    %dma_start3A_112 = arith.constant 0 : i32
    %dma_start3A_113 = arith.constant 0 : i32
    %dma_start3A_114 = tpu.memref_slice %arg7[%dma_start3A_112, %dma_start3A_113] : memref<2x400xi32, #tpu.memory_space<vmem>> -> memref<1x400xi32, #tpu.memory_space<vmem>>
    %dma_start3A_115 = tpu.memref_squeeze %dma_start3A_114 : memref<1x400xi32, #tpu.memory_space<vmem>> -> memref<400xi32, #tpu.memory_space<vmem>>
    %dma_start3A_116 = arith.constant 0 : i32
    %dma_start3A_117 = arith.constant 0 : i32
    %dma_start3A_118 = tpu.memref_slice %arg10[%dma_start3A_116, %dma_start3A_117] : memref<50048x32xf32, #tpu.memory_space<vmem_shared>> -> memref<50048x32xf32, #tpu.memory_space<vmem_shared>>
    tpu.enqueue_indirect_dma source(%arg8 : memref<400x32xf32, #tpu.memory_space<vmem>>) target(%dma_start3A_118 : memref<50048x32xf32, #tpu.memory_space<vmem_shared>>) offsets(%dma_start3A_115 : memref<400xi32, #tpu.memory_space<vmem>>) semaphore(%arg12 : memref<!tpu.dma_semaphore, #tpu.memory_space<semaphore_mem>>) {add = true}
    %dma_wait3A_119 = arith.constant 0 : i32
    %dma_wait3A_120 = arith.constant 0 : i32
    %dma_wait3A_121 = tpu.memref_slice %arg7[%dma_wait3A_119, %dma_wait3A_120] : memref<2x400xi32, #tpu.memory_space<vmem>> -> memref<1x400xi32, #tpu.memory_space<vmem>>
    %dma_wait3A_122 = tpu.memref_squeeze %dma_wait3A_121 : memref<1x400xi32, #tpu.memory_space<vmem>> -> memref<400xi32, #tpu.memory_space<vmem>>
    %dma_wait3A_123 = arith.constant 0 : i32
    %dma_wait3A_124 = arith.constant 0 : i32
    %dma_wait3A_125 = tpu.memref_slice %arg10[%dma_wait3A_123, %dma_wait3A_124] : memref<50048x32xf32, #tpu.memory_space<vmem_shared>> -> memref<50048x32xf32, #tpu.memory_space<vmem_shared>>
    tpu.wait_indirect_dma semaphore(%arg12 : memref<!tpu.dma_semaphore, #tpu.memory_space<semaphore_mem>>) src(%arg8 : memref<400x32xf32, #tpu.memory_space<vmem>>) dst(%dma_wait3A_125 : memref<50048x32xf32, #tpu.memory_space<vmem_shared>>)
    %dma_start3A_126 = arith.constant 124 : i32
    %dma_start3A_127 = arith.constant 0 : i32
    %dma_start3A_128 = arith.constant 0 : i32
    %dma_start3A_129 = tpu.memref_slice %arg6[%dma_start3A_127, %dma_start3A_128] : memref<2x400xi32, #tpu.memory_space<vmem>> -> memref<1x400xi32, #tpu.memory_space<vmem>>
    %dma_start3A_130 = tpu.memref_squeeze %dma_start3A_129 : memref<1x400xi32, #tpu.memory_space<vmem>> -> memref<400xi32, #tpu.memory_space<vmem>>
    %dma_start3A_131 = arith.constant 0 : i32
    %dma_start3A_132 = tpu.memref_slice %arg2[%add3A, %dma_start3A_126, %dma_start3A_131] : memref<32x125x400xi32, #tpu.memory_space<hbm>> -> memref<1x1x400xi32, #tpu.memory_space<hbm>>
    %dma_start3A_133 = tpu.memref_squeeze %dma_start3A_132 : memref<1x1x400xi32, #tpu.memory_space<hbm>> -> memref<400xi32, #tpu.memory_space<hbm>>
    %dma_start3A_134 = arith.constant 0 : i32
    %dma_start3A_135 = tpu.memref_slice %arg6[%dma_start3A_127, %dma_start3A_134] : memref<2x400xi32, #tpu.memory_space<vmem>> -> memref<1x400xi32, #tpu.memory_space<vmem>>
    %dma_start3A_136 = tpu.memref_squeeze %dma_start3A_135 : memref<1x400xi32, #tpu.memory_space<vmem>> -> memref<400xi32, #tpu.memory_space<vmem>>
    %dma_start3A_137 = arith.constant 0 : i32
    %dma_start3A_138 = tpu.memref_slice %arg2[%add3A, %dma_start3A_126, %dma_start3A_137] : memref<32x125x400xi32, #tpu.memory_space<hbm>> -> memref<1x1x400xi32, #tpu.memory_space<hbm>>
    %dma_start3A_139 = tpu.memref_squeeze %dma_start3A_138 : memref<1x1x400xi32, #tpu.memory_space<hbm>> -> memref<400xi32, #tpu.memory_space<hbm>>
    tpu.enqueue_dma source(%dma_start3A_139 : memref<400xi32, #tpu.memory_space<hbm>>) target(%dma_start3A_136 : memref<400xi32, #tpu.memory_space<vmem>>) target_semaphore(%arg13 : memref<!tpu.dma_semaphore, #tpu.memory_space<semaphore_mem>>)
    %dma_start3A_140 = arith.constant 124 : i32
    %dma_start3A_141 = arith.constant 0 : i32
    %dma_start3A_142 = arith.constant 0 : i32
    %dma_start3A_143 = tpu.memref_slice %arg7[%dma_start3A_141, %dma_start3A_142] : memref<2x400xi32, #tpu.memory_space<vmem>> -> memref<1x400xi32, #tpu.memory_space<vmem>>
    %dma_start3A_144 = tpu.memref_squeeze %dma_start3A_143 : memref<1x400xi32, #tpu.memory_space<vmem>> -> memref<400xi32, #tpu.memory_space<vmem>>
    %dma_start3A_145 = arith.constant 0 : i32
    %dma_start3A_146 = tpu.memref_slice %arg3[%add3A, %dma_start3A_140, %dma_start3A_145] : memref<32x125x400xi32, #tpu.memory_space<hbm>> -> memref<1x1x400xi32, #tpu.memory_space<hbm>>
    %dma_start3A_147 = tpu.memref_squeeze %dma_start3A_146 : memref<1x1x400xi32, #tpu.memory_space<hbm>> -> memref<400xi32, #tpu.memory_space<hbm>>
    %dma_start3A_148 = arith.constant 0 : i32
    %dma_start3A_149 = tpu.memref_slice %arg7[%dma_start3A_141, %dma_start3A_148] : memref<2x400xi32, #tpu.memory_space<vmem>> -> memref<1x400xi32, #tpu.memory_space<vmem>>
    %dma_start3A_150 = tpu.memref_squeeze %dma_start3A_149 : memref<1x400xi32, #tpu.memory_space<vmem>> -> memref<400xi32, #tpu.memory_space<vmem>>
    %dma_start3A_151 = arith.constant 0 : i32
    %dma_start3A_152 = tpu.memref_slice %arg3[%add3A, %dma_start3A_140, %dma_start3A_151] : memref<32x125x400xi32, #tpu.memory_space<hbm>> -> memref<1x1x400xi32, #tpu.memory_space<hbm>>
    %dma_start3A_153 = tpu.memref_squeeze %dma_start3A_152 : memref<1x1x400xi32, #tpu.memory_space<hbm>> -> memref<400xi32, #tpu.memory_space<hbm>>
    tpu.enqueue_dma source(%dma_start3A_153 : memref<400xi32, #tpu.memory_space<hbm>>) target(%dma_start3A_150 : memref<400xi32, #tpu.memory_space<vmem>>) target_semaphore(%arg13 : memref<!tpu.dma_semaphore, #tpu.memory_space<semaphore_mem>>)
    %dma_wait3A_154 = arith.constant 0 : i32
    %dma_wait3A_155 = arith.constant 1 : i32
    %dma_wait3A_156 = arith.constant 0 : i32
    %dma_wait3A_157 = tpu.memref_slice %arg6[%dma_wait3A_155, %dma_wait3A_156] : memref<2x400xi32, #tpu.memory_space<vmem>> -> memref<1x400xi32, #tpu.memory_space<vmem>>
    %dma_wait3A_158 = tpu.memref_squeeze %dma_wait3A_157 : memref<1x400xi32, #tpu.memory_space<vmem>> -> memref<400xi32, #tpu.memory_space<vmem>>
    %dma_wait3A_159 = arith.constant 0 : i32
    %dma_wait3A_160 = arith.constant 0 : i32
    %dma_wait3A_161 = tpu.memref_slice %arg4[%dma_wait3A_154, %dma_wait3A_159, %dma_wait3A_160] : memref<4x50000x32xf32, #tpu.memory_space<hbm>> -> memref<1x50000x32xf32, #tpu.memory_space<hbm>>
    %dma_wait3A_162 = tpu.memref_squeeze %dma_wait3A_161 : memref<1x50000x32xf32, #tpu.memory_space<hbm>> -> memref<50000x32xf32, #tpu.memory_space<hbm>>
    %dma_wait3A_163 = arith.constant 0 : i32
    %dma_wait3A_164 = arith.constant 0 : i32
    %dma_wait3A_165 = tpu.memref_slice %dma_wait3A_162[%dma_wait3A_163, %dma_wait3A_164] : memref<50000x32xf32, #tpu.memory_space<hbm>> -> memref<50000x32xf32, #tpu.memory_space<hbm>>
    tpu.wait_indirect_dma semaphore(%arg11 : memref<!tpu.dma_semaphore, #tpu.memory_space<semaphore_mem>>) src(%dma_wait3A_165 : memref<50000x32xf32, #tpu.memory_space<hbm>>) dst(%arg9 : memref<400x32xf32, #tpu.memory_space<vmem>>)
    %dma_wait3A_166 = arith.constant 124 : i32
    %dma_wait3A_167 = arith.constant 0 : i32
    %dma_wait3A_168 = arith.constant 0 : i32
    %dma_wait3A_169 = tpu.memref_slice %arg6[%dma_wait3A_167, %dma_wait3A_168] : memref<2x400xi32, #tpu.memory_space<vmem>> -> memref<1x400xi32, #tpu.memory_space<vmem>>
    %dma_wait3A_170 = tpu.memref_squeeze %dma_wait3A_169 : memref<1x400xi32, #tpu.memory_space<vmem>> -> memref<400xi32, #tpu.memory_space<vmem>>
    %dma_wait3A_171 = arith.constant 0 : i32
    %dma_wait3A_172 = tpu.memref_slice %arg2[%add3A, %dma_wait3A_166, %dma_wait3A_171] : memref<32x125x400xi32, #tpu.memory_space<hbm>> -> memref<1x1x400xi32, #tpu.memory_space<hbm>>
    %dma_wait3A_173 = tpu.memref_squeeze %dma_wait3A_172 : memref<1x1x400xi32, #tpu.memory_space<hbm>> -> memref<400xi32, #tpu.memory_space<hbm>>
    %dma_wait3A_174 = arith.constant 0 : i32
    %dma_wait3A_175 = tpu.memref_slice %arg6[%dma_wait3A_167, %dma_wait3A_174] : memref<2x400xi32, #tpu.memory_space<vmem>> -> memref<1x400xi32, #tpu.memory_space<vmem>>
    %dma_wait3A_176 = tpu.memref_squeeze %dma_wait3A_175 : memref<1x400xi32, #tpu.memory_space<vmem>> -> memref<400xi32, #tpu.memory_space<vmem>>
    %dma_wait3A_177 = arith.constant 0 : i32
    %dma_wait3A_178 = tpu.memref_slice %arg2[%add3A, %dma_wait3A_166, %dma_wait3A_177] : memref<32x125x400xi32, #tpu.memory_space<hbm>> -> memref<1x1x400xi32, #tpu.memory_space<hbm>>
    %dma_wait3A_179 = tpu.memref_squeeze %dma_wait3A_178 : memref<1x1x400xi32, #tpu.memory_space<hbm>> -> memref<400xi32, #tpu.memory_space<hbm>>
    tpu.wait_dma2 semaphore(%arg13 : memref<!tpu.dma_semaphore, #tpu.memory_space<semaphore_mem>>) src(%dma_wait3A_179 : memref<400xi32, #tpu.memory_space<hbm>>) dst(%dma_wait3A_176 : memref<400xi32, #tpu.memory_space<vmem>>)
    %dma_wait3A_180 = arith.constant 124 : i32
    %dma_wait3A_181 = arith.constant 0 : i32
    %dma_wait3A_182 = arith.constant 0 : i32
    %dma_wait3A_183 = tpu.memref_slice %arg7[%dma_wait3A_181, %dma_wait3A_182] : memref<2x400xi32, #tpu.memory_space<vmem>> -> memref<1x400xi32, #tpu.memory_space<vmem>>
    %dma_wait3A_184 = tpu.memref_squeeze %dma_wait3A_183 : memref<1x400xi32, #tpu.memory_space<vmem>> -> memref<400xi32, #tpu.memory_space<vmem>>
    %dma_wait3A_185 = arith.constant 0 : i32
    %dma_wait3A_186 = tpu.memref_slice %arg3[%add3A, %dma_wait3A_180, %dma_wait3A_185] : memref<32x125x400xi32, #tpu.memory_space<hbm>> -> memref<1x1x400xi32, #tpu.memory_space<hbm>>
    %dma_wait3A_187 = tpu.memref_squeeze %dma_wait3A_186 : memref<1x1x400xi32, #tpu.memory_space<hbm>> -> memref<400xi32, #tpu.memory_space<hbm>>
    %dma_wait3A_188 = arith.constant 0 : i32
    %dma_wait3A_189 = tpu.memref_slice %arg7[%dma_wait3A_181, %dma_wait3A_188] : memref<2x400xi32, #tpu.memory_space<vmem>> -> memref<1x400xi32, #tpu.memory_space<vmem>>
    %dma_wait3A_190 = tpu.memref_squeeze %dma_wait3A_189 : memref<1x400xi32, #tpu.memory_space<vmem>> -> memref<400xi32, #tpu.memory_space<vmem>>
    %dma_wait3A_191 = arith.constant 0 : i32
    %dma_wait3A_192 = tpu.memref_slice %arg3[%add3A, %dma_wait3A_180, %dma_wait3A_191] : memref<32x125x400xi32, #tpu.memory_space<hbm>> -> memref<1x1x400xi32, #tpu.memory_space<hbm>>
    %dma_wait3A_193 = tpu.memref_squeeze %dma_wait3A_192 : memref<1x1x400xi32, #tpu.memory_space<hbm>> -> memref<400xi32, #tpu.memory_space<hbm>>
    tpu.wait_dma2 semaphore(%arg13 : memref<!tpu.dma_semaphore, #tpu.memory_space<semaphore_mem>>) src(%dma_wait3A_193 : memref<400xi32, #tpu.memory_space<hbm>>) dst(%dma_wait3A_190 : memref<400xi32, #tpu.memory_space<vmem>>)
    %dma_start3A_194 = arith.constant 0 : i32
    %dma_start3A_195 = arith.constant 0 : i32
    %dma_start3A_196 = arith.constant 0 : i32
    %dma_start3A_197 = tpu.memref_slice %arg6[%dma_start3A_195, %dma_start3A_196] : memref<2x400xi32, #tpu.memory_space<vmem>> -> memref<1x400xi32, #tpu.memory_space<vmem>>
    %dma_start3A_198 = tpu.memref_squeeze %dma_start3A_197 : memref<1x400xi32, #tpu.memory_space<vmem>> -> memref<400xi32, #tpu.memory_space<vmem>>
    %dma_start3A_199 = arith.constant 0 : i32
    %dma_start3A_200 = arith.constant 0 : i32
    %dma_start3A_201 = tpu.memref_slice %arg4[%dma_start3A_194, %dma_start3A_199, %dma_start3A_200] : memref<4x50000x32xf32, #tpu.memory_space<hbm>> -> memref<1x50000x32xf32, #tpu.memory_space<hbm>>
    %dma_start3A_202 = tpu.memref_squeeze %dma_start3A_201 : memref<1x50000x32xf32, #tpu.memory_space<hbm>> -> memref<50000x32xf32, #tpu.memory_space<hbm>>
    %dma_start3A_203 = arith.constant 0 : i32
    %dma_start3A_204 = arith.constant 0 : i32
    %dma_start3A_205 = tpu.memref_slice %dma_start3A_202[%dma_start3A_203, %dma_start3A_204] : memref<50000x32xf32, #tpu.memory_space<hbm>> -> memref<50000x32xf32, #tpu.memory_space<hbm>>
    tpu.enqueue_indirect_dma source(%dma_start3A_205 : memref<50000x32xf32, #tpu.memory_space<hbm>>) target(%arg8 : memref<400x32xf32, #tpu.memory_space<vmem>>) offsets(%dma_start3A_198 : memref<400xi32, #tpu.memory_space<vmem>>) semaphore(%arg11 : memref<!tpu.dma_semaphore, #tpu.memory_space<semaphore_mem>>)
    %dma_start3A_206 = arith.constant 1 : i32
    %dma_start3A_207 = arith.constant 0 : i32
    %dma_start3A_208 = tpu.memref_slice %arg7[%dma_start3A_206, %dma_start3A_207] : memref<2x400xi32, #tpu.memory_space<vmem>> -> memref<1x400xi32, #tpu.memory_space<vmem>>
    %dma_start3A_209 = tpu.memref_squeeze %dma_start3A_208 : memref<1x400xi32, #tpu.memory_space<vmem>> -> memref<400xi32, #tpu.memory_space<vmem>>
    %dma_start3A_210 = arith.constant 0 : i32
    %dma_start3A_211 = arith.constant 0 : i32
    %dma_start3A_212 = tpu.memref_slice %arg10[%dma_start3A_210, %dma_start3A_211] : memref<50048x32xf32, #tpu.memory_space<vmem_shared>> -> memref<50048x32xf32, #tpu.memory_space<vmem_shared>>
    tpu.enqueue_indirect_dma source(%arg9 : memref<400x32xf32, #tpu.memory_space<vmem>>) target(%dma_start3A_212 : memref<50048x32xf32, #tpu.memory_space<vmem_shared>>) offsets(%dma_start3A_209 : memref<400xi32, #tpu.memory_space<vmem>>) semaphore(%arg12 : memref<!tpu.dma_semaphore, #tpu.memory_space<semaphore_mem>>) {add = true}
    %dma_wait3A_213 = arith.constant 1 : i32
    %dma_wait3A_214 = arith.constant 0 : i32
    %dma_wait3A_215 = tpu.memref_slice %arg7[%dma_wait3A_213, %dma_wait3A_214] : memref<2x400xi32, #tpu.memory_space<vmem>> -> memref<1x400xi32, #tpu.memory_space<vmem>>
    %dma_wait3A_216 = tpu.memref_squeeze %dma_wait3A_215 : memref<1x400xi32, #tpu.memory_space<vmem>> -> memref<400xi32, #tpu.memory_space<vmem>>
    %dma_wait3A_217 = arith.constant 0 : i32
    %dma_wait3A_218 = arith.constant 0 : i32
    %dma_wait3A_219 = tpu.memref_slice %arg10[%dma_wait3A_217, %dma_wait3A_218] : memref<50048x32xf32, #tpu.memory_space<vmem_shared>> -> memref<50048x32xf32, #tpu.memory_space<vmem_shared>>
    tpu.wait_indirect_dma semaphore(%arg12 : memref<!tpu.dma_semaphore, #tpu.memory_space<semaphore_mem>>) src(%arg9 : memref<400x32xf32, #tpu.memory_space<vmem>>) dst(%dma_wait3A_219 : memref<50048x32xf32, #tpu.memory_space<vmem_shared>>)
    %dma_wait3A_220 = arith.constant 0 : i32
    %dma_wait3A_221 = arith.constant 0 : i32
    %dma_wait3A_222 = arith.constant 0 : i32
    %dma_wait3A_223 = tpu.memref_slice %arg6[%dma_wait3A_221, %dma_wait3A_222] : memref<2x400xi32, #tpu.memory_space<vmem>> -> memref<1x400xi32, #tpu.memory_space<vmem>>
    %dma_wait3A_224 = tpu.memref_squeeze %dma_wait3A_223 : memref<1x400xi32, #tpu.memory_space<vmem>> -> memref<400xi32, #tpu.memory_space<vmem>>
    %dma_wait3A_225 = arith.constant 0 : i32
    %dma_wait3A_226 = arith.constant 0 : i32
    %dma_wait3A_227 = tpu.memref_slice %arg4[%dma_wait3A_220, %dma_wait3A_225, %dma_wait3A_226] : memref<4x50000x32xf32, #tpu.memory_space<hbm>> -> memref<1x50000x32xf32, #tpu.memory_space<hbm>>
    %dma_wait3A_228 = tpu.memref_squeeze %dma_wait3A_227 : memref<1x50000x32xf32, #tpu.memory_space<hbm>> -> memref<50000x32xf32, #tpu.memory_space<hbm>>
    %dma_wait3A_229 = arith.constant 0 : i32
    %dma_wait3A_230 = arith.constant 0 : i32
    %dma_wait3A_231 = tpu.memref_slice %dma_wait3A_228[%dma_wait3A_229, %dma_wait3A_230] : memref<50000x32xf32, #tpu.memory_space<hbm>> -> memref<50000x32xf32, #tpu.memory_space<hbm>>
    tpu.wait_indirect_dma semaphore(%arg11 : memref<!tpu.dma_semaphore, #tpu.memory_space<semaphore_mem>>) src(%dma_wait3A_231 : memref<50000x32xf32, #tpu.memory_space<hbm>>) dst(%arg8 : memref<400x32xf32, #tpu.memory_space<vmem>>)
    %dma_start3A_232 = arith.constant 0 : i32
    %dma_start3A_233 = arith.constant 0 : i32
    %dma_start3A_234 = tpu.memref_slice %arg7[%dma_start3A_232, %dma_start3A_233] : memref<2x400xi32, #tpu.memory_space<vmem>> -> memref<1x400xi32, #tpu.memory_space<vmem>>
    %dma_start3A_235 = tpu.memref_squeeze %dma_start3A_234 : memref<1x400xi32, #tpu.memory_space<vmem>> -> memref<400xi32, #tpu.memory_space<vmem>>
    %dma_start3A_236 = arith.constant 0 : i32
    %dma_start3A_237 = arith.constant 0 : i32
    %dma_start3A_238 = tpu.memref_slice %arg10[%dma_start3A_236, %dma_start3A_237] : memref<50048x32xf32, #tpu.memory_space<vmem_shared>> -> memref<50048x32xf32, #tpu.memory_space<vmem_shared>>
    tpu.enqueue_indirect_dma source(%arg8 : memref<400x32xf32, #tpu.memory_space<vmem>>) target(%dma_start3A_238 : memref<50048x32xf32, #tpu.memory_space<vmem_shared>>) offsets(%dma_start3A_235 : memref<400xi32, #tpu.memory_space<vmem>>) semaphore(%arg12 : memref<!tpu.dma_semaphore, #tpu.memory_space<semaphore_mem>>) {add = true}
    %dma_wait3A_239 = arith.constant 0 : i32
    %dma_wait3A_240 = arith.constant 0 : i32
    %dma_wait3A_241 = tpu.memref_slice %arg7[%dma_wait3A_239, %dma_wait3A_240] : memref<2x400xi32, #tpu.memory_space<vmem>> -> memref<1x400xi32, #tpu.memory_space<vmem>>
    %dma_wait3A_242 = tpu.memref_squeeze %dma_wait3A_241 : memref<1x400xi32, #tpu.memory_space<vmem>> -> memref<400xi32, #tpu.memory_space<vmem>>
    %dma_wait3A_243 = arith.constant 0 : i32
    %dma_wait3A_244 = arith.constant 0 : i32
    %dma_wait3A_245 = tpu.memref_slice %arg10[%dma_wait3A_243, %dma_wait3A_244] : memref<50048x32xf32, #tpu.memory_space<vmem_shared>> -> memref<50048x32xf32, #tpu.memory_space<vmem_shared>>
    tpu.wait_indirect_dma semaphore(%arg12 : memref<!tpu.dma_semaphore, #tpu.memory_space<semaphore_mem>>) src(%arg8 : memref<400x32xf32, #tpu.memory_space<vmem>>) dst(%dma_wait3A_245 : memref<50048x32xf32, #tpu.memory_space<vmem_shared>>)
    %barrier3A_246 = arith.constant 0 : index
    tpu.barrier barrier_id(%barrier3A_246)
    %mul3A_247 = arith.constant 3128 : i32
    %mul3A_248 = arith.muli %arg1, %mul3A_247 : i32
    %mul3A_249 = arith.constant 3128 : i32
    %mul3A_250 = arith.muli %arg1, %mul3A_249 : i32
    %run_scoped3A_251 = arith.constant 0 : i32
    "tpu.region"() ({
      %run_scoped3A_1024 = tpu.sem_alloc : memref<!tpu.dma_semaphore, #tpu.memory_space<semaphore_mem>>
      %dma_start3A_1025 = arith.constant 0 : i32
      %dma_start3A_1026 = tpu.memref_slice %arg5[%arg0, %run_scoped3A_251, %mul3A_250, %dma_start3A_1025] : memref<2x4x50048x32xf32, #tpu.memory_space<hbm>> -> memref<1x1x3128x32xf32, #tpu.memory_space<hbm>>
      %dma_start3A_1027 = tpu.memref_squeeze %dma_start3A_1026 : memref<1x1x3128x32xf32, #tpu.memory_space<hbm>> -> memref<3128x32xf32, #tpu.memory_space<hbm>>
      %dma_start3A_1028 = arith.constant 0 : i32
      %dma_start3A_1029 = tpu.memref_slice %arg10[%mul3A_248, %dma_start3A_1028] : memref<50048x32xf32, #tpu.memory_space<vmem_shared>> -> memref<3128x32xf32, #tpu.memory_space<vmem_shared>>
      tpu.enqueue_dma source(%dma_start3A_1029 : memref<3128x32xf32, #tpu.memory_space<vmem_shared>>) target(%dma_start3A_1027 : memref<3128x32xf32, #tpu.memory_space<hbm>>) target_semaphore(%run_scoped3A_1024 : memref<!tpu.dma_semaphore, #tpu.memory_space<semaphore_mem>>)
      %dma_wait3A_1030 = arith.constant 0 : i32
      %dma_wait3A_1031 = tpu.memref_slice %arg5[%arg0, %run_scoped3A_251, %mul3A_250, %dma_wait3A_1030] : memref<2x4x50048x32xf32, #tpu.memory_space<hbm>> -> memref<1x1x3128x32xf32, #tpu.memory_space<hbm>>
      %dma_wait3A_1032 = tpu.memref_squeeze %dma_wait3A_1031 : memref<1x1x3128x32xf32, #tpu.memory_space<hbm>> -> memref<3128x32xf32, #tpu.memory_space<hbm>>
      %dma_wait3A_1033 = arith.constant 0 : i32
      %dma_wait3A_1034 = tpu.memref_slice %arg10[%mul3A_248, %dma_wait3A_1033] : memref<50048x32xf32, #tpu.memory_space<vmem_shared>> -> memref<3128x32xf32, #tpu.memory_space<vmem_shared>>
      tpu.wait_dma2 semaphore(%run_scoped3A_1024 : memref<!tpu.dma_semaphore, #tpu.memory_space<semaphore_mem>>) src(%dma_wait3A_1034 : memref<3128x32xf32, #tpu.memory_space<vmem_shared>>) dst(%dma_wait3A_1032 : memref<3128x32xf32, #tpu.memory_space<hbm>>)
      tpu.yield
    }) : () -> ()
    %barrier3A_252 = arith.constant 0 : index
    tpu.barrier barrier_id(%barrier3A_252)
    %scan3A_253 = arith.constant 0 : i32
    %scan3A_254 = arith.constant 400 : i32
    %scan3A_255 = arith.addi %scan3A_253, %scan3A_254 : i32
    %scan3A_256 = arith.constant 1 : i32
    scf.for %scan3A_1024 = %scan3A_253 to %scan3A_255 step %scan3A_256  : i32 {
      %mul3A_1025 = arith.constant 1 : i32
      %mul3A_1026 = arith.muli %scan3A_1024, %mul3A_1025 : i32
      %add3A_1027 = arith.constant 0 : i32
      %add3A_1028 = arith.addi %add3A_1027, %mul3A_1026 : i32
      %broadcast_in_dim3A = arith.constant 0.000000e+00 : f32
      %broadcast_in_dim3A_1029 = vector.broadcast %broadcast_in_dim3A : f32 to vector<16xf32>
      %swap3A = arith.index_cast %add3A_1028 : i32 to index
      %swap3A_1030 = arith.constant 0 : index
      %swap3A_1031 = tpu.vector_load %arg8[%swap3A, %swap3A_1030] {strides = array<i32>} : memref<400x32xf32, #tpu.memory_space<vmem>>, vector<1x16xf32>,
      %swap3A_1032 = vector.shape_cast %swap3A_1031 : vector<1x16xf32> to vector<16xf32>
      %swap3A_1033 = vector.shape_cast %broadcast_in_dim3A_1029 : vector<16xf32> to vector<1x16xf32>
      tpu.vector_store %arg8[%swap3A, %swap3A_1030], %swap3A_1033 {strides = array<i32>} : memref<400x32xf32, #tpu.memory_space<vmem>>, vector<1x16xf32>,
      %broadcast_in_dim3A_1034 = arith.constant 0.000000e+00 : f32
      %broadcast_in_dim3A_1035 = vector.broadcast %broadcast_in_dim3A_1034 : f32 to vector<16xf32>
      %swap3A_1036 = arith.index_cast %add3A_1028 : i32 to index
      %swap3A_1037 = arith.constant 16 : index
      %swap3A_1038 = tpu.vector_load %arg8[%swap3A_1036, %swap3A_1037] {strides = array<i32>} : memref<400x32xf32, #tpu.memory_space<vmem>>, vector<1x16xf32>,
      %swap3A_1039 = vector.shape_cast %swap3A_1038 : vector<1x16xf32> to vector<16xf32>
      %swap3A_1040 = vector.shape_cast %broadcast_in_dim3A_1035 : vector<16xf32> to vector<1x16xf32>
      tpu.vector_store %arg8[%swap3A_1036, %swap3A_1037], %swap3A_1040 {strides = array<i32>} : memref<400x32xf32, #tpu.memory_space<vmem>>, vector<1x16xf32>,
    }
    %scan3A_257 = arith.constant 400 : i32
    %scan3A_258 = arith.constant 0 : i32
    %scan3A_259 = arith.constant 7 : i32
    %scan3A_260 = arith.addi %scan3A_258, %scan3A_259 : i32
    %scan3A_261 = arith.constant 1 : i32
    scf.for %scan3A_1024 = %scan3A_258 to %scan3A_260 step %scan3A_261  : i32 {
      %mul3A_1025 = arith.constant 1 : i32
      %mul3A_1026 = arith.muli %scan3A_1024, %mul3A_1025 : i32
      %add3A_1027 = arith.constant 0 : i32
      %add3A_1028 = arith.addi %add3A_1027, %mul3A_1026 : i32
      %mul3A_1029 = arith.constant 3128 : i32
      %mul3A_1030 = arith.muli %arg1, %mul3A_1029 : i32
      %mul3A_1031 = arith.constant 400 : i32
      %mul3A_1032 = arith.muli %add3A_1028, %mul3A_1031 : i32
      %add3A_1033 = arith.addi %mul3A_1030, %mul3A_1032 : i32
      "tpu.region"() ({
        %run_scoped3A_1034 = tpu.sem_alloc : memref<!tpu.dma_semaphore, #tpu.memory_space<semaphore_mem>>
        %dma_start3A_1035 = arith.constant 0 : i32
        %dma_start3A_1036 = tpu.memref_slice %arg10[%add3A_1033, %dma_start3A_1035] : memref<50048x32xf32, #tpu.memory_space<vmem_shared>> -> memref<400x32xf32, #tpu.memory_space<vmem_shared>>
        %dma_start3A_1037 = arith.constant 0 : i32
        %dma_start3A_1038 = tpu.memref_slice %arg10[%add3A_1033, %dma_start3A_1037] : memref<50048x32xf32, #tpu.memory_space<vmem_shared>> -> memref<400x32xf32, #tpu.memory_space<vmem_shared>>
        tpu.enqueue_dma source(%arg8 : memref<400x32xf32, #tpu.memory_space<vmem>>) target(%dma_start3A_1038 : memref<400x32xf32, #tpu.memory_space<vmem_shared>>) target_semaphore(%run_scoped3A_1034 : memref<!tpu.dma_semaphore, #tpu.memory_space<semaphore_mem>>)
        %dma_wait3A_1039 = arith.constant 0 : i32
        %dma_wait3A_1040 = tpu.memref_slice %arg10[%add3A_1033, %dma_wait3A_1039] : memref<50048x32xf32, #tpu.memory_space<vmem_shared>> -> memref<400x32xf32, #tpu.memory_space<vmem_shared>>
        %dma_wait3A_1041 = arith.constant 0 : i32
        %dma_wait3A_1042 = tpu.memref_slice %arg10[%add3A_1033, %dma_wait3A_1041] : memref<50048x32xf32, #tpu.memory_space<vmem_shared>> -> memref<400x32xf32, #tpu.memory_space<vmem_shared>>
        tpu.wait_dma2 semaphore(%run_scoped3A_1034 : memref<!tpu.dma_semaphore, #tpu.memory_space<semaphore_mem>>) src(%arg8 : memref<400x32xf32, #tpu.memory_space<vmem>>) dst(%dma_wait3A_1042 : memref<400x32xf32, #tpu.memory_space<vmem_shared>>)
        tpu.yield
      }) : () -> ()
    }
    %scan3A_262 = arith.constant 7 : i32
    %mul3A_263 = arith.constant 3128 : i32
    %mul3A_264 = arith.muli %arg1, %mul3A_263 : i32
    %add3A_265 = arith.constant 2800 : i32
    %add3A_266 = arith.addi %mul3A_264, %add3A_265 : i32
    "tpu.region"() ({
      %run_scoped3A_1024 = tpu.sem_alloc : memref<!tpu.dma_semaphore, #tpu.memory_space<semaphore_mem>>
      %dma_start3A_1025 = arith.constant 0 : i32
      %dma_start3A_1026 = arith.constant 0 : i32
      %dma_start3A_1027 = tpu.memref_slice %arg8[%dma_start3A_1025, %dma_start3A_1026] : memref<400x32xf32, #tpu.memory_space<vmem>> -> memref<328x32xf32, #tpu.memory_space<vmem>>
      %dma_start3A_1028 = arith.constant 0 : i32
      %dma_start3A_1029 = tpu.memref_slice %arg10[%add3A_266, %dma_start3A_1028] : memref<50048x32xf32, #tpu.memory_space<vmem_shared>> -> memref<328x32xf32, #tpu.memory_space<vmem_shared>>
      %dma_start3A_1030 = arith.constant 0 : i32
      %dma_start3A_1031 = tpu.memref_slice %arg10[%add3A_266, %dma_start3A_1030] : memref<50048x32xf32, #tpu.memory_space<vmem_shared>> -> memref<328x32xf32, #tpu.memory_space<vmem_shared>>
      %dma_start3A_1032 = arith.constant 0 : i32
      %dma_start3A_1033 = arith.constant 0 : i32
      %dma_start3A_1034 = tpu.memref_slice %arg8[%dma_start3A_1032, %dma_start3A_1033] : memref<400x32xf32, #tpu.memory_space<vmem>> -> memref<328x32xf32, #tpu.memory_space<vmem>>
      tpu.enqueue_dma source(%dma_start3A_1034 : memref<328x32xf32, #tpu.memory_space<vmem>>) target(%dma_start3A_1031 : memref<328x32xf32, #tpu.memory_space<vmem_shared>>) target_semaphore(%run_scoped3A_1024 : memref<!tpu.dma_semaphore, #tpu.memory_space<semaphore_mem>>)
      %dma_wait3A_1035 = arith.constant 0 : i32
      %dma_wait3A_1036 = arith.constant 0 : i32
      %dma_wait3A_1037 = tpu.memref_slice %arg8[%dma_wait3A_1035, %dma_wait3A_1036] : memref<400x32xf32, #tpu.memory_space<vmem>> -> memref<328x32xf32, #tpu.memory_space<vmem>>
      %dma_wait3A_1038 = arith.constant 0 : i32
      %dma_wait3A_1039 = tpu.memref_slice %arg10[%add3A_266, %dma_wait3A_1038] : memref<50048x32xf32, #tpu.memory_space<vmem_shared>> -> memref<328x32xf32, #tpu.memory_space<vmem_shared>>
      %dma_wait3A_1040 = arith.constant 0 : i32
      %dma_wait3A_1041 = tpu.memref_slice %arg10[%add3A_266, %dma_wait3A_1040] : memref<50048x32xf32, #tpu.memory_space<vmem_shared>> -> memref<328x32xf32, #tpu.memory_space<vmem_shared>>
      %dma_wait3A_1042 = arith.constant 0 : i32
      %dma_wait3A_1043 = arith.constant 0 : i32
      %dma_wait3A_1044 = tpu.memref_slice %arg8[%dma_wait3A_1042, %dma_wait3A_1043] : memref<400x32xf32, #tpu.memory_space<vmem>> -> memref<328x32xf32, #tpu.memory_space<vmem>>
      tpu.wait_dma2 semaphore(%run_scoped3A_1024 : memref<!tpu.dma_semaphore, #tpu.memory_space<semaphore_mem>>) src(%dma_wait3A_1044 : memref<328x32xf32, #tpu.memory_space<vmem>>) dst(%dma_wait3A_1041 : memref<328x32xf32, #tpu.memory_space<vmem_shared>>)
      tpu.yield
    }) : () -> ()
    %barrier3A_267 = arith.constant 0 : index
    tpu.barrier barrier_id(%barrier3A_267)
    %run_scoped3A_268 = arith.constant 0 : i32
    %run_scoped3A_269 = arith.constant 0 : i32
    "tpu.region"() ({
      %run_scoped3A_1024 = tpu.sem_alloc : memref<!tpu.dma_semaphore, #tpu.memory_space<semaphore_mem>>
      %dma_start3A_1025 = arith.constant 0 : i32
      %dma_start3A_1026 = tpu.memref_slice %arg6[%run_scoped3A_269, %dma_start3A_1025] : memref<2x400xi32, #tpu.memory_space<vmem>> -> memref<1x400xi32, #tpu.memory_space<vmem>>
      %dma_start3A_1027 = tpu.memref_squeeze %dma_start3A_1026 : memref<1x400xi32, #tpu.memory_space<vmem>> -> memref<400xi32, #tpu.memory_space<vmem>>
      %dma_start3A_1028 = arith.constant 0 : i32
      %dma_start3A_1029 = tpu.memref_slice %arg2[%add3A, %run_scoped3A_268, %dma_start3A_1028] : memref<32x125x400xi32, #tpu.memory_space<hbm>> -> memref<1x1x400xi32, #tpu.memory_space<hbm>>
      %dma_start3A_1030 = tpu.memref_squeeze %dma_start3A_1029 : memref<1x1x400xi32, #tpu.memory_space<hbm>> -> memref<400xi32, #tpu.memory_space<hbm>>
      %dma_start3A_1031 = arith.constant 0 : i32
      %dma_start3A_1032 = tpu.memref_slice %arg6[%run_scoped3A_269, %dma_start3A_1031] : memref<2x400xi32, #tpu.memory_space<vmem>> -> memref<1x400xi32, #tpu.memory_space<vmem>>
      %dma_start3A_1033 = tpu.memref_squeeze %dma_start3A_1032 : memref<1x400xi32, #tpu.memory_space<vmem>> -> memref<400xi32, #tpu.memory_space<vmem>>
      %dma_start3A_1034 = arith.constant 0 : i32
      %dma_start3A_1035 = tpu.memref_slice %arg2[%add3A, %run_scoped3A_268, %dma_start3A_1034] : memref<32x125x400xi32, #tpu.memory_space<hbm>> -> memref<1x1x400xi32, #tpu.memory_space<hbm>>
      %dma_start3A_1036 = tpu.memref_squeeze %dma_start3A_1035 : memref<1x1x400xi32, #tpu.memory_space<hbm>> -> memref<400xi32, #tpu.memory_space<hbm>>
      tpu.enqueue_dma source(%dma_start3A_1036 : memref<400xi32, #tpu.memory_space<hbm>>) target(%dma_start3A_1033 : memref<400xi32, #tpu.memory_space<vmem>>) target_semaphore(%run_scoped3A_1024 : memref<!tpu.dma_semaphore, #tpu.memory_space<semaphore_mem>>)
      %dma_wait3A_1037 = arith.constant 0 : i32
      %dma_wait3A_1038 = tpu.memref_slice %arg6[%run_scoped3A_269, %dma_wait3A_1037] : memref<2x400xi32, #tpu.memory_space<vmem>> -> memref<1x400xi32, #tpu.memory_space<vmem>>
      %dma_wait3A_1039 = tpu.memref_squeeze %dma_wait3A_1038 : memref<1x400xi32, #tpu.memory_space<vmem>> -> memref<400xi32, #tpu.memory_space<vmem>>
      %dma_wait3A_1040 = arith.constant 0 : i32
      %dma_wait3A_1041 = tpu.memref_slice %arg2[%add3A, %run_scoped3A_268, %dma_wait3A_1040] : memref<32x125x400xi32, #tpu.memory_space<hbm>> -> memref<1x1x400xi32, #tpu.memory_space<hbm>>
      %dma_wait3A_1042 = tpu.memref_squeeze %dma_wait3A_1041 : memref<1x1x400xi32, #tpu.memory_space<hbm>> -> memref<400xi32, #tpu.memory_space<hbm>>
      %dma_wait3A_1043 = arith.constant 0 : i32
      %dma_wait3A_1044 = tpu.memref_slice %arg6[%run_scoped3A_269, %dma_wait3A_1043] : memref<2x400xi32, #tpu.memory_space<vmem>> -> memref<1x400xi32, #tpu.memory_space<vmem>>
      %dma_wait3A_1045 = tpu.memref_squeeze %dma_wait3A_1044 : memref<1x400xi32, #tpu.memory_space<vmem>> -> memref<400xi32, #tpu.memory_space<vmem>>
      %dma_wait3A_1046 = arith.constant 0 : i32
      %dma_wait3A_1047 = tpu.memref_slice %arg2[%add3A, %run_scoped3A_268, %dma_wait3A_1046] : memref<32x125x400xi32, #tpu.memory_space<hbm>> -> memref<1x1x400xi32, #tpu.memory_space<hbm>>
      %dma_wait3A_1048 = tpu.memref_squeeze %dma_wait3A_1047 : memref<1x1x400xi32, #tpu.memory_space<hbm>> -> memref<400xi32, #tpu.memory_space<hbm>>
      tpu.wait_dma2 semaphore(%run_scoped3A_1024 : memref<!tpu.dma_semaphore, #tpu.memory_space<semaphore_mem>>) src(%dma_wait3A_1048 : memref<400xi32, #tpu.memory_space<hbm>>) dst(%dma_wait3A_1045 : memref<400xi32, #tpu.memory_space<vmem>>)
      tpu.yield
    }) : () -> ()
    %run_scoped3A_270 = arith.constant 0 : i32
    %run_scoped3A_271 = arith.constant 0 : i32
    "tpu.region"() ({
      %run_scoped3A_1024 = tpu.sem_alloc : memref<!tpu.dma_semaphore, #tpu.memory_space<semaphore_mem>>
      %dma_start3A_1025 = arith.constant 0 : i32
      %dma_start3A_1026 = tpu.memref_slice %arg7[%run_scoped3A_271, %dma_start3A_1025] : memref<2x400xi32, #tpu.memory_space<vmem>> -> memref<1x400xi32, #tpu.memory_space<vmem>>
      %dma_start3A_1027 = tpu.memref_squeeze %dma_start3A_1026 : memref<1x400xi32, #tpu.memory_space<vmem>> -> memref<400xi32, #tpu.memory_space<vmem>>
      %dma_start3A_1028 = arith.constant 0 : i32
      %dma_start3A_1029 = tpu.memref_slice %arg3[%add3A, %run_scoped3A_270, %dma_start3A_1028] : memref<32x125x400xi32, #tpu.memory_space<hbm>> -> memref<1x1x400xi32, #tpu.memory_space<hbm>>
      %dma_start3A_1030 = tpu.memref_squeeze %dma_start3A_1029 : memref<1x1x400xi32, #tpu.memory_space<hbm>> -> memref<400xi32, #tpu.memory_space<hbm>>
      %dma_start3A_1031 = arith.constant 0 : i32
      %dma_start3A_1032 = tpu.memref_slice %arg7[%run_scoped3A_271, %dma_start3A_1031] : memref<2x400xi32, #tpu.memory_space<vmem>> -> memref<1x400xi32, #tpu.memory_space<vmem>>
      %dma_start3A_1033 = tpu.memref_squeeze %dma_start3A_1032 : memref<1x400xi32, #tpu.memory_space<vmem>> -> memref<400xi32, #tpu.memory_space<vmem>>
      %dma_start3A_1034 = arith.constant 0 : i32
      %dma_start3A_1035 = tpu.memref_slice %arg3[%add3A, %run_scoped3A_270, %dma_start3A_1034] : memref<32x125x400xi32, #tpu.memory_space<hbm>> -> memref<1x1x400xi32, #tpu.memory_space<hbm>>
      %dma_start3A_1036 = tpu.memref_squeeze %dma_start3A_1035 : memref<1x1x400xi32, #tpu.memory_space<hbm>> -> memref<400xi32, #tpu.memory_space<hbm>>
      tpu.enqueue_dma source(%dma_start3A_1036 : memref<400xi32, #tpu.memory_space<hbm>>) target(%dma_start3A_1033 : memref<400xi32, #tpu.memory_space<vmem>>) target_semaphore(%run_scoped3A_1024 : memref<!tpu.dma_semaphore, #tpu.memory_space<semaphore_mem>>)
      %dma_wait3A_1037 = arith.constant 0 : i32
      %dma_wait3A_1038 = tpu.memref_slice %arg7[%run_scoped3A_271, %dma_wait3A_1037] : memref<2x400xi32, #tpu.memory_space<vmem>> -> memref<1x400xi32, #tpu.memory_space<vmem>>
      %dma_wait3A_1039 = tpu.memref_squeeze %dma_wait3A_1038 : memref<1x400xi32, #tpu.memory_space<vmem>> -> memref<400xi32, #tpu.memory_space<vmem>>
      %dma_wait3A_1040 = arith.constant 0 : i32
      %dma_wait3A_1041 = tpu.memref_slice %arg3[%add3A, %run_scoped3A_270, %dma_wait3A_1040] : memref<32x125x400xi32, #tpu.memory_space<hbm>> -> memref<1x1x400xi32, #tpu.memory_space<hbm>>
      %dma_wait3A_1042 = tpu.memref_squeeze %dma_wait3A_1041 : memref<1x1x400xi32, #tpu.memory_space<hbm>> -> memref<400xi32, #tpu.memory_space<hbm>>
      %dma_wait3A_1043 = arith.constant 0 : i32
      %dma_wait3A_1044 = tpu.memref_slice %arg7[%run_scoped3A_271, %dma_wait3A_1043] : memref<2x400xi32, #tpu.memory_space<vmem>> -> memref<1x400xi32, #tpu.memory_space<vmem>>
      %dma_wait3A_1045 = tpu.memref_squeeze %dma_wait3A_1044 : memref<1x400xi32, #tpu.memory_space<vmem>> -> memref<400xi32, #tpu.memory_space<vmem>>
      %dma_wait3A_1046 = arith.constant 0 : i32
      %dma_wait3A_1047 = tpu.memref_slice %arg3[%add3A, %run_scoped3A_270, %dma_wait3A_1046] : memref<32x125x400xi32, #tpu.memory_space<hbm>> -> memref<1x1x400xi32, #tpu.memory_space<hbm>>
      %dma_wait3A_1048 = tpu.memref_squeeze %dma_wait3A_1047 : memref<1x1x400xi32, #tpu.memory_space<hbm>> -> memref<400xi32, #tpu.memory_space<hbm>>
      tpu.wait_dma2 semaphore(%run_scoped3A_1024 : memref<!tpu.dma_semaphore, #tpu.memory_space<semaphore_mem>>) src(%dma_wait3A_1048 : memref<400xi32, #tpu.memory_space<hbm>>) dst(%dma_wait3A_1045 : memref<400xi32, #tpu.memory_space<vmem>>)
      tpu.yield
    }) : () -> ()
    %dma_start3A_272 = arith.constant 1 : i32
    %dma_start3A_273 = arith.constant 0 : i32
    %dma_start3A_274 = arith.constant 0 : i32
    %dma_start3A_275 = tpu.memref_slice %arg6[%dma_start3A_273, %dma_start3A_274] : memref<2x400xi32, #tpu.memory_space<vmem>> -> memref<1x400xi32, #tpu.memory_space<vmem>>
    %dma_start3A_276 = tpu.memref_squeeze %dma_start3A_275 : memref<1x400xi32, #tpu.memory_space<vmem>> -> memref<400xi32, #tpu.memory_space<vmem>>
    %dma_start3A_277 = arith.constant 0 : i32
    %dma_start3A_278 = arith.constant 0 : i32
    %dma_start3A_279 = tpu.memref_slice %arg4[%dma_start3A_272, %dma_start3A_277, %dma_start3A_278] : memref<4x50000x32xf32, #tpu.memory_space<hbm>> -> memref<1x50000x32xf32, #tpu.memory_space<hbm>>
    %dma_start3A_280 = tpu.memref_squeeze %dma_start3A_279 : memref<1x50000x32xf32, #tpu.memory_space<hbm>> -> memref<50000x32xf32, #tpu.memory_space<hbm>>
    %dma_start3A_281 = arith.constant 0 : i32
    %dma_start3A_282 = arith.constant 0 : i32
    %dma_start3A_283 = tpu.memref_slice %dma_start3A_280[%dma_start3A_281, %dma_start3A_282] : memref<50000x32xf32, #tpu.memory_space<hbm>> -> memref<50000x32xf32, #tpu.memory_space<hbm>>
    tpu.enqueue_indirect_dma source(%dma_start3A_283 : memref<50000x32xf32, #tpu.memory_space<hbm>>) target(%arg8 : memref<400x32xf32, #tpu.memory_space<vmem>>) offsets(%dma_start3A_276 : memref<400xi32, #tpu.memory_space<vmem>>) semaphore(%arg11 : memref<!tpu.dma_semaphore, #tpu.memory_space<semaphore_mem>>)
    %dma_start3A_284 = arith.constant 1 : i32
    %dma_start3A_285 = arith.constant 1 : i32
    %dma_start3A_286 = arith.constant 0 : i32
    %dma_start3A_287 = tpu.memref_slice %arg6[%dma_start3A_285, %dma_start3A_286] : memref<2x400xi32, #tpu.memory_space<vmem>> -> memref<1x400xi32, #tpu.memory_space<vmem>>
    %dma_start3A_288 = tpu.memref_squeeze %dma_start3A_287 : memref<1x400xi32, #tpu.memory_space<vmem>> -> memref<400xi32, #tpu.memory_space<vmem>>
    %dma_start3A_289 = arith.constant 0 : i32
    %dma_start3A_290 = tpu.memref_slice %arg2[%add3A, %dma_start3A_284, %dma_start3A_289] : memref<32x125x400xi32, #tpu.memory_space<hbm>> -> memref<1x1x400xi32, #tpu.memory_space<hbm>>
    %dma_start3A_291 = tpu.memref_squeeze %dma_start3A_290 : memref<1x1x400xi32, #tpu.memory_space<hbm>> -> memref<400xi32, #tpu.memory_space<hbm>>
    %dma_start3A_292 = arith.constant 0 : i32
    %dma_start3A_293 = tpu.memref_slice %arg6[%dma_start3A_285, %dma_start3A_292] : memref<2x400xi32, #tpu.memory_space<vmem>> -> memref<1x400xi32, #tpu.memory_space<vmem>>
    %dma_start3A_294 = tpu.memref_squeeze %dma_start3A_293 : memref<1x400xi32, #tpu.memory_space<vmem>> -> memref<400xi32, #tpu.memory_space<vmem>>
    %dma_start3A_295 = arith.constant 0 : i32
    %dma_start3A_296 = tpu.memref_slice %arg2[%add3A, %dma_start3A_284, %dma_start3A_295] : memref<32x125x400xi32, #tpu.memory_space<hbm>> -> memref<1x1x400xi32, #tpu.memory_space<hbm>>
    %dma_start3A_297 = tpu.memref_squeeze %dma_start3A_296 : memref<1x1x400xi32, #tpu.memory_space<hbm>> -> memref<400xi32, #tpu.memory_space<hbm>>
    tpu.enqueue_dma source(%dma_start3A_297 : memref<400xi32, #tpu.memory_space<hbm>>) target(%dma_start3A_294 : memref<400xi32, #tpu.memory_space<vmem>>) target_semaphore(%arg13 : memref<!tpu.dma_semaphore, #tpu.memory_space<semaphore_mem>>)
    %dma_start3A_298 = arith.constant 1 : i32
    %dma_start3A_299 = arith.constant 1 : i32
    %dma_start3A_300 = arith.constant 0 : i32
    %dma_start3A_301 = tpu.memref_slice %arg7[%dma_start3A_299, %dma_start3A_300] : memref<2x400xi32, #tpu.memory_space<vmem>> -> memref<1x400xi32, #tpu.memory_space<vmem>>
    %dma_start3A_302 = tpu.memref_squeeze %dma_start3A_301 : memref<1x400xi32, #tpu.memory_space<vmem>> -> memref<400xi32, #tpu.memory_space<vmem>>
    %dma_start3A_303 = arith.constant 0 : i32
    %dma_start3A_304 = tpu.memref_slice %arg3[%add3A, %dma_start3A_298, %dma_start3A_303] : memref<32x125x400xi32, #tpu.memory_space<hbm>> -> memref<1x1x400xi32, #tpu.memory_space<hbm>>
    %dma_start3A_305 = tpu.memref_squeeze %dma_start3A_304 : memref<1x1x400xi32, #tpu.memory_space<hbm>> -> memref<400xi32, #tpu.memory_space<hbm>>
    %dma_start3A_306 = arith.constant 0 : i32
    %dma_start3A_307 = tpu.memref_slice %arg7[%dma_start3A_299, %dma_start3A_306] : memref<2x400xi32, #tpu.memory_space<vmem>> -> memref<1x400xi32, #tpu.memory_space<vmem>>
    %dma_start3A_308 = tpu.memref_squeeze %dma_start3A_307 : memref<1x400xi32, #tpu.memory_space<vmem>> -> memref<400xi32, #tpu.memory_space<vmem>>
    %dma_start3A_309 = arith.constant 0 : i32
    %dma_start3A_310 = tpu.memref_slice %arg3[%add3A, %dma_start3A_298, %dma_start3A_309] : memref<32x125x400xi32, #tpu.memory_space<hbm>> -> memref<1x1x400xi32, #tpu.memory_space<hbm>>
    %dma_start3A_311 = tpu.memref_squeeze %dma_start3A_310 : memref<1x1x400xi32, #tpu.memory_space<hbm>> -> memref<400xi32, #tpu.memory_space<hbm>>
    tpu.enqueue_dma source(%dma_start3A_311 : memref<400xi32, #tpu.memory_space<hbm>>) target(%dma_start3A_308 : memref<400xi32, #tpu.memory_space<vmem>>) target_semaphore(%arg13 : memref<!tpu.dma_semaphore, #tpu.memory_space<semaphore_mem>>)
    %scan3A_312 = arith.constant 0 : i32
    %scan3A_313 = arith.constant 61 : i32
    %scan3A_314 = arith.addi %scan3A_312, %scan3A_313 : i32
    %scan3A_315 = arith.constant 1 : i32
    scf.for %scan3A_1024 = %scan3A_312 to %scan3A_314 step %scan3A_315  : i32 {
      %mul3A_1025 = arith.constant 1 : i32
      %mul3A_1026 = arith.muli %scan3A_1024, %mul3A_1025 : i32
      %add3A_1027 = arith.constant 0 : i32
      %add3A_1028 = arith.addi %add3A_1027, %mul3A_1026 : i32
      %mul3A_1029 = arith.constant 2 : i32
      %mul3A_1030 = arith.muli %mul3A_1029, %add3A_1028 : i32
      %dma_wait3A_1031 = arith.constant 1 : i32
      %dma_wait3A_1032 = arith.constant 0 : i32
      %dma_wait3A_1033 = arith.constant 0 : i32
      %dma_wait3A_1034 = tpu.memref_slice %arg6[%dma_wait3A_1032, %dma_wait3A_1033] : memref<2x400xi32, #tpu.memory_space<vmem>> -> memref<1x400xi32, #tpu.memory_space<vmem>>
      %dma_wait3A_1035 = tpu.memref_squeeze %dma_wait3A_1034 : memref<1x400xi32, #tpu.memory_space<vmem>> -> memref<400xi32, #tpu.memory_space<vmem>>
      %dma_wait3A_1036 = arith.constant 0 : i32
      %dma_wait3A_1037 = arith.constant 0 : i32
      %dma_wait3A_1038 = tpu.memref_slice %arg4[%dma_wait3A_1031, %dma_wait3A_1036, %dma_wait3A_1037] : memref<4x50000x32xf32, #tpu.memory_space<hbm>> -> memref<1x50000x32xf32, #tpu.memory_space<hbm>>
      %dma_wait3A_1039 = tpu.memref_squeeze %dma_wait3A_1038 : memref<1x50000x32xf32, #tpu.memory_space<hbm>> -> memref<50000x32xf32, #tpu.memory_space<hbm>>
      %dma_wait3A_1040 = arith.constant 0 : i32
      %dma_wait3A_1041 = arith.constant 0 : i32
      %dma_wait3A_1042 = tpu.memref_slice %dma_wait3A_1039[%dma_wait3A_1040, %dma_wait3A_1041] : memref<50000x32xf32, #tpu.memory_space<hbm>> -> memref<50000x32xf32, #tpu.memory_space<hbm>>
      tpu.wait_indirect_dma semaphore(%arg11 : memref<!tpu.dma_semaphore, #tpu.memory_space<semaphore_mem>>) src(%dma_wait3A_1042 : memref<50000x32xf32, #tpu.memory_space<hbm>>) dst(%arg8 : memref<400x32xf32, #tpu.memory_space<vmem>>)
      %add3A_1043 = arith.constant 1 : i32
      %add3A_1044 = arith.addi %mul3A_1030, %add3A_1043 : i32
      %dma_wait3A_1045 = arith.constant 1 : i32
      %dma_wait3A_1046 = arith.constant 0 : i32
      %dma_wait3A_1047 = tpu.memref_slice %arg6[%dma_wait3A_1045, %dma_wait3A_1046] : memref<2x400xi32, #tpu.memory_space<vmem>> -> memref<1x400xi32, #tpu.memory_space<vmem>>
      %dma_wait3A_1048 = tpu.memref_squeeze %dma_wait3A_1047 : memref<1x400xi32, #tpu.memory_space<vmem>> -> memref<400xi32, #tpu.memory_space<vmem>>
      %dma_wait3A_1049 = arith.constant 0 : i32
      %dma_wait3A_1050 = tpu.memref_slice %arg2[%add3A, %add3A_1044, %dma_wait3A_1049] : memref<32x125x400xi32, #tpu.memory_space<hbm>> -> memref<1x1x400xi32, #tpu.memory_space<hbm>>
      %dma_wait3A_1051 = tpu.memref_squeeze %dma_wait3A_1050 : memref<1x1x400xi32, #tpu.memory_space<hbm>> -> memref<400xi32, #tpu.memory_space<hbm>>
      %dma_wait3A_1052 = arith.constant 0 : i32
      %dma_wait3A_1053 = tpu.memref_slice %arg6[%dma_wait3A_1045, %dma_wait3A_1052] : memref<2x400xi32, #tpu.memory_space<vmem>> -> memref<1x400xi32, #tpu.memory_space<vmem>>
      %dma_wait3A_1054 = tpu.memref_squeeze %dma_wait3A_1053 : memref<1x400xi32, #tpu.memory_space<vmem>> -> memref<400xi32, #tpu.memory_space<vmem>>
      %dma_wait3A_1055 = arith.constant 0 : i32
      %dma_wait3A_1056 = tpu.memref_slice %arg2[%add3A, %add3A_1044, %dma_wait3A_1055] : memref<32x125x400xi32, #tpu.memory_space<hbm>> -> memref<1x1x400xi32, #tpu.memory_space<hbm>>
      %dma_wait3A_1057 = tpu.memref_squeeze %dma_wait3A_1056 : memref<1x1x400xi32, #tpu.memory_space<hbm>> -> memref<400xi32, #tpu.memory_space<hbm>>
      tpu.wait_dma2 semaphore(%arg13 : memref<!tpu.dma_semaphore, #tpu.memory_space<semaphore_mem>>) src(%dma_wait3A_1057 : memref<400xi32, #tpu.memory_space<hbm>>) dst(%dma_wait3A_1054 : memref<400xi32, #tpu.memory_space<vmem>>)
      %dma_wait3A_1058 = arith.constant 1 : i32
      %dma_wait3A_1059 = arith.constant 0 : i32
      %dma_wait3A_1060 = tpu.memref_slice %arg7[%dma_wait3A_1058, %dma_wait3A_1059] : memref<2x400xi32, #tpu.memory_space<vmem>> -> memref<1x400xi32, #tpu.memory_space<vmem>>
      %dma_wait3A_1061 = tpu.memref_squeeze %dma_wait3A_1060 : memref<1x400xi32, #tpu.memory_space<vmem>> -> memref<400xi32, #tpu.memory_space<vmem>>
      %dma_wait3A_1062 = arith.constant 0 : i32
      %dma_wait3A_1063 = tpu.memref_slice %arg3[%add3A, %add3A_1044, %dma_wait3A_1062] : memref<32x125x400xi32, #tpu.memory_space<hbm>> -> memref<1x1x400xi32, #tpu.memory_space<hbm>>
      %dma_wait3A_1064 = tpu.memref_squeeze %dma_wait3A_1063 : memref<1x1x400xi32, #tpu.memory_space<hbm>> -> memref<400xi32, #tpu.memory_space<hbm>>
      %dma_wait3A_1065 = arith.constant 0 : i32
      %dma_wait3A_1066 = tpu.memref_slice %arg7[%dma_wait3A_1058, %dma_wait3A_1065] : memref<2x400xi32, #tpu.memory_space<vmem>> -> memref<1x400xi32, #tpu.memory_space<vmem>>
      %dma_wait3A_1067 = tpu.memref_squeeze %dma_wait3A_1066 : memref<1x400xi32, #tpu.memory_space<vmem>> -> memref<400xi32, #tpu.memory_space<vmem>>
      %dma_wait3A_1068 = arith.constant 0 : i32
      %dma_wait3A_1069 = tpu.memref_slice %arg3[%add3A, %add3A_1044, %dma_wait3A_1068] : memref<32x125x400xi32, #tpu.memory_space<hbm>> -> memref<1x1x400xi32, #tpu.memory_space<hbm>>
      %dma_wait3A_1070 = tpu.memref_squeeze %dma_wait3A_1069 : memref<1x1x400xi32, #tpu.memory_space<hbm>> -> memref<400xi32, #tpu.memory_space<hbm>>
      tpu.wait_dma2 semaphore(%arg13 : memref<!tpu.dma_semaphore, #tpu.memory_space<semaphore_mem>>) src(%dma_wait3A_1070 : memref<400xi32, #tpu.memory_space<hbm>>) dst(%dma_wait3A_1067 : memref<400xi32, #tpu.memory_space<vmem>>)
      %add3A_1071 = arith.constant 1 : i32
      %add3A_1072 = arith.addi %mul3A_1030, %add3A_1071 : i32
      %dma_start3A_1073 = arith.constant 1 : i32
      %dma_start3A_1074 = arith.constant 1 : i32
      %dma_start3A_1075 = arith.constant 0 : i32
      %dma_start3A_1076 = tpu.memref_slice %arg6[%dma_start3A_1074, %dma_start3A_1075] : memref<2x400xi32, #tpu.memory_space<vmem>> -> memref<1x400xi32, #tpu.memory_space<vmem>>
      %dma_start3A_1077 = tpu.memref_squeeze %dma_start3A_1076 : memref<1x400xi32, #tpu.memory_space<vmem>> -> memref<400xi32, #tpu.memory_space<vmem>>
      %dma_start3A_1078 = arith.constant 0 : i32
      %dma_start3A_1079 = arith.constant 0 : i32
      %dma_start3A_1080 = tpu.memref_slice %arg4[%dma_start3A_1073, %dma_start3A_1078, %dma_start3A_1079] : memref<4x50000x32xf32, #tpu.memory_space<hbm>> -> memref<1x50000x32xf32, #tpu.memory_space<hbm>>
      %dma_start3A_1081 = tpu.memref_squeeze %dma_start3A_1080 : memref<1x50000x32xf32, #tpu.memory_space<hbm>> -> memref<50000x32xf32, #tpu.memory_space<hbm>>
      %dma_start3A_1082 = arith.constant 0 : i32
      %dma_start3A_1083 = arith.constant 0 : i32
      %dma_start3A_1084 = tpu.memref_slice %dma_start3A_1081[%dma_start3A_1082, %dma_start3A_1083] : memref<50000x32xf32, #tpu.memory_space<hbm>> -> memref<50000x32xf32, #tpu.memory_space<hbm>>
      tpu.enqueue_indirect_dma source(%dma_start3A_1084 : memref<50000x32xf32, #tpu.memory_space<hbm>>) target(%arg9 : memref<400x32xf32, #tpu.memory_space<vmem>>) offsets(%dma_start3A_1077 : memref<400xi32, #tpu.memory_space<vmem>>) semaphore(%arg11 : memref<!tpu.dma_semaphore, #tpu.memory_space<semaphore_mem>>)
      %dma_start3A_1085 = arith.constant 0 : i32
      %dma_start3A_1086 = arith.constant 0 : i32
      %dma_start3A_1087 = tpu.memref_slice %arg7[%dma_start3A_1085, %dma_start3A_1086] : memref<2x400xi32, #tpu.memory_space<vmem>> -> memref<1x400xi32, #tpu.memory_space<vmem>>
      %dma_start3A_1088 = tpu.memref_squeeze %dma_start3A_1087 : memref<1x400xi32, #tpu.memory_space<vmem>> -> memref<400xi32, #tpu.memory_space<vmem>>
      %dma_start3A_1089 = arith.constant 0 : i32
      %dma_start3A_1090 = arith.constant 0 : i32
      %dma_start3A_1091 = tpu.memref_slice %arg10[%dma_start3A_1089, %dma_start3A_1090] : memref<50048x32xf32, #tpu.memory_space<vmem_shared>> -> memref<50048x32xf32, #tpu.memory_space<vmem_shared>>
      tpu.enqueue_indirect_dma source(%arg8 : memref<400x32xf32, #tpu.memory_space<vmem>>) target(%dma_start3A_1091 : memref<50048x32xf32, #tpu.memory_space<vmem_shared>>) offsets(%dma_start3A_1088 : memref<400xi32, #tpu.memory_space<vmem>>) semaphore(%arg12 : memref<!tpu.dma_semaphore, #tpu.memory_space<semaphore_mem>>) {add = true}
      %dma_wait3A_1092 = arith.constant 0 : i32
      %dma_wait3A_1093 = arith.constant 0 : i32
      %dma_wait3A_1094 = tpu.memref_slice %arg7[%dma_wait3A_1092, %dma_wait3A_1093] : memref<2x400xi32, #tpu.memory_space<vmem>> -> memref<1x400xi32, #tpu.memory_space<vmem>>
      %dma_wait3A_1095 = tpu.memref_squeeze %dma_wait3A_1094 : memref<1x400xi32, #tpu.memory_space<vmem>> -> memref<400xi32, #tpu.memory_space<vmem>>
      %dma_wait3A_1096 = arith.constant 0 : i32
      %dma_wait3A_1097 = arith.constant 0 : i32
      %dma_wait3A_1098 = tpu.memref_slice %arg10[%dma_wait3A_1096, %dma_wait3A_1097] : memref<50048x32xf32, #tpu.memory_space<vmem_shared>> -> memref<50048x32xf32, #tpu.memory_space<vmem_shared>>
      tpu.wait_indirect_dma semaphore(%arg12 : memref<!tpu.dma_semaphore, #tpu.memory_space<semaphore_mem>>) src(%arg8 : memref<400x32xf32, #tpu.memory_space<vmem>>) dst(%dma_wait3A_1098 : memref<50048x32xf32, #tpu.memory_space<vmem_shared>>)
      %add3A_1099 = arith.constant 2 : i32
      %add3A_1100 = arith.addi %mul3A_1030, %add3A_1099 : i32
      %dma_start3A_1101 = arith.constant 0 : i32
      %dma_start3A_1102 = arith.constant 0 : i32
      %dma_start3A_1103 = tpu.memref_slice %arg6[%dma_start3A_1101, %dma_start3A_1102] : memref<2x400xi32, #tpu.memory_space<vmem>> -> memref<1x400xi32, #tpu.memory_space<vmem>>
      %dma_start3A_1104 = tpu.memref_squeeze %dma_start3A_1103 : memref<1x400xi32, #tpu.memory_space<vmem>> -> memref<400xi32, #tpu.memory_space<vmem>>
      %dma_start3A_1105 = arith.constant 0 : i32
      %dma_start3A_1106 = tpu.memref_slice %arg2[%add3A, %add3A_1100, %dma_start3A_1105] : memref<32x125x400xi32, #tpu.memory_space<hbm>> -> memref<1x1x400xi32, #tpu.memory_space<hbm>>
      %dma_start3A_1107 = tpu.memref_squeeze %dma_start3A_1106 : memref<1x1x400xi32, #tpu.memory_space<hbm>> -> memref<400xi32, #tpu.memory_space<hbm>>
      %dma_start3A_1108 = arith.constant 0 : i32
      %dma_start3A_1109 = tpu.memref_slice %arg6[%dma_start3A_1101, %dma_start3A_1108] : memref<2x400xi32, #tpu.memory_space<vmem>> -> memref<1x400xi32, #tpu.memory_space<vmem>>
      %dma_start3A_1110 = tpu.memref_squeeze %dma_start3A_1109 : memref<1x400xi32, #tpu.memory_space<vmem>> -> memref<400xi32, #tpu.memory_space<vmem>>
      %dma_start3A_1111 = arith.constant 0 : i32
      %dma_start3A_1112 = tpu.memref_slice %arg2[%add3A, %add3A_1100, %dma_start3A_1111] : memref<32x125x400xi32, #tpu.memory_space<hbm>> -> memref<1x1x400xi32, #tpu.memory_space<hbm>>
      %dma_start3A_1113 = tpu.memref_squeeze %dma_start3A_1112 : memref<1x1x400xi32, #tpu.memory_space<hbm>> -> memref<400xi32, #tpu.memory_space<hbm>>
      tpu.enqueue_dma source(%dma_start3A_1113 : memref<400xi32, #tpu.memory_space<hbm>>) target(%dma_start3A_1110 : memref<400xi32, #tpu.memory_space<vmem>>) target_semaphore(%arg13 : memref<!tpu.dma_semaphore, #tpu.memory_space<semaphore_mem>>)
      %dma_start3A_1114 = arith.constant 0 : i32
      %dma_start3A_1115 = arith.constant 0 : i32
      %dma_start3A_1116 = tpu.memref_slice %arg7[%dma_start3A_1114, %dma_start3A_1115] : memref<2x400xi32, #tpu.memory_space<vmem>> -> memref<1x400xi32, #tpu.memory_space<vmem>>
      %dma_start3A_1117 = tpu.memref_squeeze %dma_start3A_1116 : memref<1x400xi32, #tpu.memory_space<vmem>> -> memref<400xi32, #tpu.memory_space<vmem>>
      %dma_start3A_1118 = arith.constant 0 : i32
      %dma_start3A_1119 = tpu.memref_slice %arg3[%add3A, %add3A_1100, %dma_start3A_1118] : memref<32x125x400xi32, #tpu.memory_space<hbm>> -> memref<1x1x400xi32, #tpu.memory_space<hbm>>
      %dma_start3A_1120 = tpu.memref_squeeze %dma_start3A_1119 : memref<1x1x400xi32, #tpu.memory_space<hbm>> -> memref<400xi32, #tpu.memory_space<hbm>>
      %dma_start3A_1121 = arith.constant 0 : i32
      %dma_start3A_1122 = tpu.memref_slice %arg7[%dma_start3A_1114, %dma_start3A_1121] : memref<2x400xi32, #tpu.memory_space<vmem>> -> memref<1x400xi32, #tpu.memory_space<vmem>>
      %dma_start3A_1123 = tpu.memref_squeeze %dma_start3A_1122 : memref<1x400xi32, #tpu.memory_space<vmem>> -> memref<400xi32, #tpu.memory_space<vmem>>
      %dma_start3A_1124 = arith.constant 0 : i32
      %dma_start3A_1125 = tpu.memref_slice %arg3[%add3A, %add3A_1100, %dma_start3A_1124] : memref<32x125x400xi32, #tpu.memory_space<hbm>> -> memref<1x1x400xi32, #tpu.memory_space<hbm>>
      %dma_start3A_1126 = tpu.memref_squeeze %dma_start3A_1125 : memref<1x1x400xi32, #tpu.memory_space<hbm>> -> memref<400xi32, #tpu.memory_space<hbm>>
      tpu.enqueue_dma source(%dma_start3A_1126 : memref<400xi32, #tpu.memory_space<hbm>>) target(%dma_start3A_1123 : memref<400xi32, #tpu.memory_space<vmem>>) target_semaphore(%arg13 : memref<!tpu.dma_semaphore, #tpu.memory_space<semaphore_mem>>)
      %add3A_1127 = arith.constant 1 : i32
      %add3A_1128 = arith.addi %mul3A_1030, %add3A_1127 : i32
      %dma_wait3A_1129 = arith.constant 1 : i32
      %dma_wait3A_1130 = arith.constant 1 : i32
      %dma_wait3A_1131 = arith.constant 0 : i32
      %dma_wait3A_1132 = tpu.memref_slice %arg6[%dma_wait3A_1130, %dma_wait3A_1131] : memref<2x400xi32, #tpu.memory_space<vmem>> -> memref<1x400xi32, #tpu.memory_space<vmem>>
      %dma_wait3A_1133 = tpu.memref_squeeze %dma_wait3A_1132 : memref<1x400xi32, #tpu.memory_space<vmem>> -> memref<400xi32, #tpu.memory_space<vmem>>
      %dma_wait3A_1134 = arith.constant 0 : i32
      %dma_wait3A_1135 = arith.constant 0 : i32
      %dma_wait3A_1136 = tpu.memref_slice %arg4[%dma_wait3A_1129, %dma_wait3A_1134, %dma_wait3A_1135] : memref<4x50000x32xf32, #tpu.memory_space<hbm>> -> memref<1x50000x32xf32, #tpu.memory_space<hbm>>
      %dma_wait3A_1137 = tpu.memref_squeeze %dma_wait3A_1136 : memref<1x50000x32xf32, #tpu.memory_space<hbm>> -> memref<50000x32xf32, #tpu.memory_space<hbm>>
      %dma_wait3A_1138 = arith.constant 0 : i32
      %dma_wait3A_1139 = arith.constant 0 : i32
      %dma_wait3A_1140 = tpu.memref_slice %dma_wait3A_1137[%dma_wait3A_1138, %dma_wait3A_1139] : memref<50000x32xf32, #tpu.memory_space<hbm>> -> memref<50000x32xf32, #tpu.memory_space<hbm>>
      tpu.wait_indirect_dma semaphore(%arg11 : memref<!tpu.dma_semaphore, #tpu.memory_space<semaphore_mem>>) src(%dma_wait3A_1140 : memref<50000x32xf32, #tpu.memory_space<hbm>>) dst(%arg9 : memref<400x32xf32, #tpu.memory_space<vmem>>)
      %add3A_1141 = arith.constant 2 : i32
      %add3A_1142 = arith.addi %mul3A_1030, %add3A_1141 : i32
      %dma_wait3A_1143 = arith.constant 0 : i32
      %dma_wait3A_1144 = arith.constant 0 : i32
      %dma_wait3A_1145 = tpu.memref_slice %arg6[%dma_wait3A_1143, %dma_wait3A_1144] : memref<2x400xi32, #tpu.memory_space<vmem>> -> memref<1x400xi32, #tpu.memory_space<vmem>>
      %dma_wait3A_1146 = tpu.memref_squeeze %dma_wait3A_1145 : memref<1x400xi32, #tpu.memory_space<vmem>> -> memref<400xi32, #tpu.memory_space<vmem>>
      %dma_wait3A_1147 = arith.constant 0 : i32
      %dma_wait3A_1148 = tpu.memref_slice %arg2[%add3A, %add3A_1142, %dma_wait3A_1147] : memref<32x125x400xi32, #tpu.memory_space<hbm>> -> memref<1x1x400xi32, #tpu.memory_space<hbm>>
      %dma_wait3A_1149 = tpu.memref_squeeze %dma_wait3A_1148 : memref<1x1x400xi32, #tpu.memory_space<hbm>> -> memref<400xi32, #tpu.memory_space<hbm>>
      %dma_wait3A_1150 = arith.constant 0 : i32
      %dma_wait3A_1151 = tpu.memref_slice %arg6[%dma_wait3A_1143, %dma_wait3A_1150] : memref<2x400xi32, #tpu.memory_space<vmem>> -> memref<1x400xi32, #tpu.memory_space<vmem>>
      %dma_wait3A_1152 = tpu.memref_squeeze %dma_wait3A_1151 : memref<1x400xi32, #tpu.memory_space<vmem>> -> memref<400xi32, #tpu.memory_space<vmem>>
      %dma_wait3A_1153 = arith.constant 0 : i32
      %dma_wait3A_1154 = tpu.memref_slice %arg2[%add3A, %add3A_1142, %dma_wait3A_1153] : memref<32x125x400xi32, #tpu.memory_space<hbm>> -> memref<1x1x400xi32, #tpu.memory_space<hbm>>
      %dma_wait3A_1155 = tpu.memref_squeeze %dma_wait3A_1154 : memref<1x1x400xi32, #tpu.memory_space<hbm>> -> memref<400xi32, #tpu.memory_space<hbm>>
      tpu.wait_dma2 semaphore(%arg13 : memref<!tpu.dma_semaphore, #tpu.memory_space<semaphore_mem>>) src(%dma_wait3A_1155 : memref<400xi32, #tpu.memory_space<hbm>>) dst(%dma_wait3A_1152 : memref<400xi32, #tpu.memory_space<vmem>>)
      %dma_wait3A_1156 = arith.constant 0 : i32
      %dma_wait3A_1157 = arith.constant 0 : i32
      %dma_wait3A_1158 = tpu.memref_slice %arg7[%dma_wait3A_1156, %dma_wait3A_1157] : memref<2x400xi32, #tpu.memory_space<vmem>> -> memref<1x400xi32, #tpu.memory_space<vmem>>
      %dma_wait3A_1159 = tpu.memref_squeeze %dma_wait3A_1158 : memref<1x400xi32, #tpu.memory_space<vmem>> -> memref<400xi32, #tpu.memory_space<vmem>>
      %dma_wait3A_1160 = arith.constant 0 : i32
      %dma_wait3A_1161 = tpu.memref_slice %arg3[%add3A, %add3A_1142, %dma_wait3A_1160] : memref<32x125x400xi32, #tpu.memory_space<hbm>> -> memref<1x1x400xi32, #tpu.memory_space<hbm>>
      %dma_wait3A_1162 = tpu.memref_squeeze %dma_wait3A_1161 : memref<1x1x400xi32, #tpu.memory_space<hbm>> -> memref<400xi32, #tpu.memory_space<hbm>>
      %dma_wait3A_1163 = arith.constant 0 : i32
      %dma_wait3A_1164 = tpu.memref_slice %arg7[%dma_wait3A_1156, %dma_wait3A_1163] : memref<2x400xi32, #tpu.memory_space<vmem>> -> memref<1x400xi32, #tpu.memory_space<vmem>>
      %dma_wait3A_1165 = tpu.memref_squeeze %dma_wait3A_1164 : memref<1x400xi32, #tpu.memory_space<vmem>> -> memref<400xi32, #tpu.memory_space<vmem>>
      %dma_wait3A_1166 = arith.constant 0 : i32
      %dma_wait3A_1167 = tpu.memref_slice %arg3[%add3A, %add3A_1142, %dma_wait3A_1166] : memref<32x125x400xi32, #tpu.memory_space<hbm>> -> memref<1x1x400xi32, #tpu.memory_space<hbm>>
      %dma_wait3A_1168 = tpu.memref_squeeze %dma_wait3A_1167 : memref<1x1x400xi32, #tpu.memory_space<hbm>> -> memref<400xi32, #tpu.memory_space<hbm>>
      tpu.wait_dma2 semaphore(%arg13 : memref<!tpu.dma_semaphore, #tpu.memory_space<semaphore_mem>>) src(%dma_wait3A_1168 : memref<400xi32, #tpu.memory_space<hbm>>) dst(%dma_wait3A_1165 : memref<400xi32, #tpu.memory_space<vmem>>)
      %add3A_1169 = arith.constant 2 : i32
      %add3A_1170 = arith.addi %mul3A_1030, %add3A_1169 : i32
      %dma_start3A_1171 = arith.constant 1 : i32
      %dma_start3A_1172 = arith.constant 0 : i32
      %dma_start3A_1173 = arith.constant 0 : i32
      %dma_start3A_1174 = tpu.memref_slice %arg6[%dma_start3A_1172, %dma_start3A_1173] : memref<2x400xi32, #tpu.memory_space<vmem>> -> memref<1x400xi32, #tpu.memory_space<vmem>>
      %dma_start3A_1175 = tpu.memref_squeeze %dma_start3A_1174 : memref<1x400xi32, #tpu.memory_space<vmem>> -> memref<400xi32, #tpu.memory_space<vmem>>
      %dma_start3A_1176 = arith.constant 0 : i32
      %dma_start3A_1177 = arith.constant 0 : i32
      %dma_start3A_1178 = tpu.memref_slice %arg4[%dma_start3A_1171, %dma_start3A_1176, %dma_start3A_1177] : memref<4x50000x32xf32, #tpu.memory_space<hbm>> -> memref<1x50000x32xf32, #tpu.memory_space<hbm>>
      %dma_start3A_1179 = tpu.memref_squeeze %dma_start3A_1178 : memref<1x50000x32xf32, #tpu.memory_space<hbm>> -> memref<50000x32xf32, #tpu.memory_space<hbm>>
      %dma_start3A_1180 = arith.constant 0 : i32
      %dma_start3A_1181 = arith.constant 0 : i32
      %dma_start3A_1182 = tpu.memref_slice %dma_start3A_1179[%dma_start3A_1180, %dma_start3A_1181] : memref<50000x32xf32, #tpu.memory_space<hbm>> -> memref<50000x32xf32, #tpu.memory_space<hbm>>
      tpu.enqueue_indirect_dma source(%dma_start3A_1182 : memref<50000x32xf32, #tpu.memory_space<hbm>>) target(%arg8 : memref<400x32xf32, #tpu.memory_space<vmem>>) offsets(%dma_start3A_1175 : memref<400xi32, #tpu.memory_space<vmem>>) semaphore(%arg11 : memref<!tpu.dma_semaphore, #tpu.memory_space<semaphore_mem>>)
      %add3A_1183 = arith.constant 1 : i32
      %add3A_1184 = arith.addi %mul3A_1030, %add3A_1183 : i32
      %dma_start3A_1185 = arith.constant 1 : i32
      %dma_start3A_1186 = arith.constant 0 : i32
      %dma_start3A_1187 = tpu.memref_slice %arg7[%dma_start3A_1185, %dma_start3A_1186] : memref<2x400xi32, #tpu.memory_space<vmem>> -> memref<1x400xi32, #tpu.memory_space<vmem>>
      %dma_start3A_1188 = tpu.memref_squeeze %dma_start3A_1187 : memref<1x400xi32, #tpu.memory_space<vmem>> -> memref<400xi32, #tpu.memory_space<vmem>>
      %dma_start3A_1189 = arith.constant 0 : i32
      %dma_start3A_1190 = arith.constant 0 : i32
      %dma_start3A_1191 = tpu.memref_slice %arg10[%dma_start3A_1189, %dma_start3A_1190] : memref<50048x32xf32, #tpu.memory_space<vmem_shared>> -> memref<50048x32xf32, #tpu.memory_space<vmem_shared>>
      tpu.enqueue_indirect_dma source(%arg9 : memref<400x32xf32, #tpu.memory_space<vmem>>) target(%dma_start3A_1191 : memref<50048x32xf32, #tpu.memory_space<vmem_shared>>) offsets(%dma_start3A_1188 : memref<400xi32, #tpu.memory_space<vmem>>) semaphore(%arg12 : memref<!tpu.dma_semaphore, #tpu.memory_space<semaphore_mem>>) {add = true}
      %add3A_1192 = arith.constant 1 : i32
      %add3A_1193 = arith.addi %mul3A_1030, %add3A_1192 : i32
      %dma_wait3A_1194 = arith.constant 1 : i32
      %dma_wait3A_1195 = arith.constant 0 : i32
      %dma_wait3A_1196 = tpu.memref_slice %arg7[%dma_wait3A_1194, %dma_wait3A_1195] : memref<2x400xi32, #tpu.memory_space<vmem>> -> memref<1x400xi32, #tpu.memory_space<vmem>>
      %dma_wait3A_1197 = tpu.memref_squeeze %dma_wait3A_1196 : memref<1x400xi32, #tpu.memory_space<vmem>> -> memref<400xi32, #tpu.memory_space<vmem>>
      %dma_wait3A_1198 = arith.constant 0 : i32
      %dma_wait3A_1199 = arith.constant 0 : i32
      %dma_wait3A_1200 = tpu.memref_slice %arg10[%dma_wait3A_1198, %dma_wait3A_1199] : memref<50048x32xf32, #tpu.memory_space<vmem_shared>> -> memref<50048x32xf32, #tpu.memory_space<vmem_shared>>
      tpu.wait_indirect_dma semaphore(%arg12 : memref<!tpu.dma_semaphore, #tpu.memory_space<semaphore_mem>>) src(%arg9 : memref<400x32xf32, #tpu.memory_space<vmem>>) dst(%dma_wait3A_1200 : memref<50048x32xf32, #tpu.memory_space<vmem_shared>>)
      %add3A_1201 = arith.constant 3 : i32
      %add3A_1202 = arith.addi %mul3A_1030, %add3A_1201 : i32
      %dma_start3A_1203 = arith.constant 1 : i32
      %dma_start3A_1204 = arith.constant 0 : i32
      %dma_start3A_1205 = tpu.memref_slice %arg6[%dma_start3A_1203, %dma_start3A_1204] : memref<2x400xi32, #tpu.memory_space<vmem>> -> memref<1x400xi32, #tpu.memory_space<vmem>>
      %dma_start3A_1206 = tpu.memref_squeeze %dma_start3A_1205 : memref<1x400xi32, #tpu.memory_space<vmem>> -> memref<400xi32, #tpu.memory_space<vmem>>
      %dma_start3A_1207 = arith.constant 0 : i32
      %dma_start3A_1208 = tpu.memref_slice %arg2[%add3A, %add3A_1202, %dma_start3A_1207] : memref<32x125x400xi32, #tpu.memory_space<hbm>> -> memref<1x1x400xi32, #tpu.memory_space<hbm>>
      %dma_start3A_1209 = tpu.memref_squeeze %dma_start3A_1208 : memref<1x1x400xi32, #tpu.memory_space<hbm>> -> memref<400xi32, #tpu.memory_space<hbm>>
      %dma_start3A_1210 = arith.constant 0 : i32
      %dma_start3A_1211 = tpu.memref_slice %arg6[%dma_start3A_1203, %dma_start3A_1210] : memref<2x400xi32, #tpu.memory_space<vmem>> -> memref<1x400xi32, #tpu.memory_space<vmem>>
      %dma_start3A_1212 = tpu.memref_squeeze %dma_start3A_1211 : memref<1x400xi32, #tpu.memory_space<vmem>> -> memref<400xi32, #tpu.memory_space<vmem>>
      %dma_start3A_1213 = arith.constant 0 : i32
      %dma_start3A_1214 = tpu.memref_slice %arg2[%add3A, %add3A_1202, %dma_start3A_1213] : memref<32x125x400xi32, #tpu.memory_space<hbm>> -> memref<1x1x400xi32, #tpu.memory_space<hbm>>
      %dma_start3A_1215 = tpu.memref_squeeze %dma_start3A_1214 : memref<1x1x400xi32, #tpu.memory_space<hbm>> -> memref<400xi32, #tpu.memory_space<hbm>>
      tpu.enqueue_dma source(%dma_start3A_1215 : memref<400xi32, #tpu.memory_space<hbm>>) target(%dma_start3A_1212 : memref<400xi32, #tpu.memory_space<vmem>>) target_semaphore(%arg13 : memref<!tpu.dma_semaphore, #tpu.memory_space<semaphore_mem>>)
      %dma_start3A_1216 = arith.constant 1 : i32
      %dma_start3A_1217 = arith.constant 0 : i32
      %dma_start3A_1218 = tpu.memref_slice %arg7[%dma_start3A_1216, %dma_start3A_1217] : memref<2x400xi32, #tpu.memory_space<vmem>> -> memref<1x400xi32, #tpu.memory_space<vmem>>
      %dma_start3A_1219 = tpu.memref_squeeze %dma_start3A_1218 : memref<1x400xi32, #tpu.memory_space<vmem>> -> memref<400xi32, #tpu.memory_space<vmem>>
      %dma_start3A_1220 = arith.constant 0 : i32
      %dma_start3A_1221 = tpu.memref_slice %arg3[%add3A, %add3A_1202, %dma_start3A_1220] : memref<32x125x400xi32, #tpu.memory_space<hbm>> -> memref<1x1x400xi32, #tpu.memory_space<hbm>>
      %dma_start3A_1222 = tpu.memref_squeeze %dma_start3A_1221 : memref<1x1x400xi32, #tpu.memory_space<hbm>> -> memref<400xi32, #tpu.memory_space<hbm>>
      %dma_start3A_1223 = arith.constant 0 : i32
      %dma_start3A_1224 = tpu.memref_slice %arg7[%dma_start3A_1216, %dma_start3A_1223] : memref<2x400xi32, #tpu.memory_space<vmem>> -> memref<1x400xi32, #tpu.memory_space<vmem>>
      %dma_start3A_1225 = tpu.memref_squeeze %dma_start3A_1224 : memref<1x400xi32, #tpu.memory_space<vmem>> -> memref<400xi32, #tpu.memory_space<vmem>>
      %dma_start3A_1226 = arith.constant 0 : i32
      %dma_start3A_1227 = tpu.memref_slice %arg3[%add3A, %add3A_1202, %dma_start3A_1226] : memref<32x125x400xi32, #tpu.memory_space<hbm>> -> memref<1x1x400xi32, #tpu.memory_space<hbm>>
      %dma_start3A_1228 = tpu.memref_squeeze %dma_start3A_1227 : memref<1x1x400xi32, #tpu.memory_space<hbm>> -> memref<400xi32, #tpu.memory_space<hbm>>
      tpu.enqueue_dma source(%dma_start3A_1228 : memref<400xi32, #tpu.memory_space<hbm>>) target(%dma_start3A_1225 : memref<400xi32, #tpu.memory_space<vmem>>) target_semaphore(%arg13 : memref<!tpu.dma_semaphore, #tpu.memory_space<semaphore_mem>>)
    }
    %scan3A_316 = arith.constant 61 : i32
    %dma_wait3A_317 = arith.constant 1 : i32
    %dma_wait3A_318 = arith.constant 0 : i32
    %dma_wait3A_319 = arith.constant 0 : i32
    %dma_wait3A_320 = tpu.memref_slice %arg6[%dma_wait3A_318, %dma_wait3A_319] : memref<2x400xi32, #tpu.memory_space<vmem>> -> memref<1x400xi32, #tpu.memory_space<vmem>>
    %dma_wait3A_321 = tpu.memref_squeeze %dma_wait3A_320 : memref<1x400xi32, #tpu.memory_space<vmem>> -> memref<400xi32, #tpu.memory_space<vmem>>
    %dma_wait3A_322 = arith.constant 0 : i32
    %dma_wait3A_323 = arith.constant 0 : i32
    %dma_wait3A_324 = tpu.memref_slice %arg4[%dma_wait3A_317, %dma_wait3A_322, %dma_wait3A_323] : memref<4x50000x32xf32, #tpu.memory_space<hbm>> -> memref<1x50000x32xf32, #tpu.memory_space<hbm>>
    %dma_wait3A_325 = tpu.memref_squeeze %dma_wait3A_324 : memref<1x50000x32xf32, #tpu.memory_space<hbm>> -> memref<50000x32xf32, #tpu.memory_space<hbm>>
    %dma_wait3A_326 = arith.constant 0 : i32
    %dma_wait3A_327 = arith.constant 0 : i32
    %dma_wait3A_328 = tpu.memref_slice %dma_wait3A_325[%dma_wait3A_326, %dma_wait3A_327] : memref<50000x32xf32, #tpu.memory_space<hbm>> -> memref<50000x32xf32, #tpu.memory_space<hbm>>
    tpu.wait_indirect_dma semaphore(%arg11 : memref<!tpu.dma_semaphore, #tpu.memory_space<semaphore_mem>>) src(%dma_wait3A_328 : memref<50000x32xf32, #tpu.memory_space<hbm>>) dst(%arg8 : memref<400x32xf32, #tpu.memory_space<vmem>>)
    %dma_wait3A_329 = arith.constant 123 : i32
    %dma_wait3A_330 = arith.constant 1 : i32
    %dma_wait3A_331 = arith.constant 0 : i32
    %dma_wait3A_332 = tpu.memref_slice %arg6[%dma_wait3A_330, %dma_wait3A_331] : memref<2x400xi32, #tpu.memory_space<vmem>> -> memref<1x400xi32, #tpu.memory_space<vmem>>
    %dma_wait3A_333 = tpu.memref_squeeze %dma_wait3A_332 : memref<1x400xi32, #tpu.memory_space<vmem>> -> memref<400xi32, #tpu.memory_space<vmem>>
    %dma_wait3A_334 = arith.constant 0 : i32
    %dma_wait3A_335 = tpu.memref_slice %arg2[%add3A, %dma_wait3A_329, %dma_wait3A_334] : memref<32x125x400xi32, #tpu.memory_space<hbm>> -> memref<1x1x400xi32, #tpu.memory_space<hbm>>
    %dma_wait3A_336 = tpu.memref_squeeze %dma_wait3A_335 : memref<1x1x400xi32, #tpu.memory_space<hbm>> -> memref<400xi32, #tpu.memory_space<hbm>>
    %dma_wait3A_337 = arith.constant 0 : i32
    %dma_wait3A_338 = tpu.memref_slice %arg6[%dma_wait3A_330, %dma_wait3A_337] : memref<2x400xi32, #tpu.memory_space<vmem>> -> memref<1x400xi32, #tpu.memory_space<vmem>>
    %dma_wait3A_339 = tpu.memref_squeeze %dma_wait3A_338 : memref<1x400xi32, #tpu.memory_space<vmem>> -> memref<400xi32, #tpu.memory_space<vmem>>
    %dma_wait3A_340 = arith.constant 0 : i32
    %dma_wait3A_341 = tpu.memref_slice %arg2[%add3A, %dma_wait3A_329, %dma_wait3A_340] : memref<32x125x400xi32, #tpu.memory_space<hbm>> -> memref<1x1x400xi32, #tpu.memory_space<hbm>>
    %dma_wait3A_342 = tpu.memref_squeeze %dma_wait3A_341 : memref<1x1x400xi32, #tpu.memory_space<hbm>> -> memref<400xi32, #tpu.memory_space<hbm>>
    tpu.wait_dma2 semaphore(%arg13 : memref<!tpu.dma_semaphore, #tpu.memory_space<semaphore_mem>>) src(%dma_wait3A_342 : memref<400xi32, #tpu.memory_space<hbm>>) dst(%dma_wait3A_339 : memref<400xi32, #tpu.memory_space<vmem>>)
    %dma_wait3A_343 = arith.constant 123 : i32
    %dma_wait3A_344 = arith.constant 1 : i32
    %dma_wait3A_345 = arith.constant 0 : i32
    %dma_wait3A_346 = tpu.memref_slice %arg7[%dma_wait3A_344, %dma_wait3A_345] : memref<2x400xi32, #tpu.memory_space<vmem>> -> memref<1x400xi32, #tpu.memory_space<vmem>>
    %dma_wait3A_347 = tpu.memref_squeeze %dma_wait3A_346 : memref<1x400xi32, #tpu.memory_space<vmem>> -> memref<400xi32, #tpu.memory_space<vmem>>
    %dma_wait3A_348 = arith.constant 0 : i32
    %dma_wait3A_349 = tpu.memref_slice %arg3[%add3A, %dma_wait3A_343, %dma_wait3A_348] : memref<32x125x400xi32, #tpu.memory_space<hbm>> -> memref<1x1x400xi32, #tpu.memory_space<hbm>>
    %dma_wait3A_350 = tpu.memref_squeeze %dma_wait3A_349 : memref<1x1x400xi32, #tpu.memory_space<hbm>> -> memref<400xi32, #tpu.memory_space<hbm>>
    %dma_wait3A_351 = arith.constant 0 : i32
    %dma_wait3A_352 = tpu.memref_slice %arg7[%dma_wait3A_344, %dma_wait3A_351] : memref<2x400xi32, #tpu.memory_space<vmem>> -> memref<1x400xi32, #tpu.memory_space<vmem>>
    %dma_wait3A_353 = tpu.memref_squeeze %dma_wait3A_352 : memref<1x400xi32, #tpu.memory_space<vmem>> -> memref<400xi32, #tpu.memory_space<vmem>>
    %dma_wait3A_354 = arith.constant 0 : i32
    %dma_wait3A_355 = tpu.memref_slice %arg3[%add3A, %dma_wait3A_343, %dma_wait3A_354] : memref<32x125x400xi32, #tpu.memory_space<hbm>> -> memref<1x1x400xi32, #tpu.memory_space<hbm>>
    %dma_wait3A_356 = tpu.memref_squeeze %dma_wait3A_355 : memref<1x1x400xi32, #tpu.memory_space<hbm>> -> memref<400xi32, #tpu.memory_space<hbm>>
    tpu.wait_dma2 semaphore(%arg13 : memref<!tpu.dma_semaphore, #tpu.memory_space<semaphore_mem>>) src(%dma_wait3A_356 : memref<400xi32, #tpu.memory_space<hbm>>) dst(%dma_wait3A_353 : memref<400xi32, #tpu.memory_space<vmem>>)
    %dma_start3A_357 = arith.constant 1 : i32
    %dma_start3A_358 = arith.constant 1 : i32
    %dma_start3A_359 = arith.constant 0 : i32
    %dma_start3A_360 = tpu.memref_slice %arg6[%dma_start3A_358, %dma_start3A_359] : memref<2x400xi32, #tpu.memory_space<vmem>> -> memref<1x400xi32, #tpu.memory_space<vmem>>
    %dma_start3A_361 = tpu.memref_squeeze %dma_start3A_360 : memref<1x400xi32, #tpu.memory_space<vmem>> -> memref<400xi32, #tpu.memory_space<vmem>>
    %dma_start3A_362 = arith.constant 0 : i32
    %dma_start3A_363 = arith.constant 0 : i32
    %dma_start3A_364 = tpu.memref_slice %arg4[%dma_start3A_357, %dma_start3A_362, %dma_start3A_363] : memref<4x50000x32xf32, #tpu.memory_space<hbm>> -> memref<1x50000x32xf32, #tpu.memory_space<hbm>>
    %dma_start3A_365 = tpu.memref_squeeze %dma_start3A_364 : memref<1x50000x32xf32, #tpu.memory_space<hbm>> -> memref<50000x32xf32, #tpu.memory_space<hbm>>
    %dma_start3A_366 = arith.constant 0 : i32
    %dma_start3A_367 = arith.constant 0 : i32
    %dma_start3A_368 = tpu.memref_slice %dma_start3A_365[%dma_start3A_366, %dma_start3A_367] : memref<50000x32xf32, #tpu.memory_space<hbm>> -> memref<50000x32xf32, #tpu.memory_space<hbm>>
    tpu.enqueue_indirect_dma source(%dma_start3A_368 : memref<50000x32xf32, #tpu.memory_space<hbm>>) target(%arg9 : memref<400x32xf32, #tpu.memory_space<vmem>>) offsets(%dma_start3A_361 : memref<400xi32, #tpu.memory_space<vmem>>) semaphore(%arg11 : memref<!tpu.dma_semaphore, #tpu.memory_space<semaphore_mem>>)
    %dma_start3A_369 = arith.constant 0 : i32
    %dma_start3A_370 = arith.constant 0 : i32
    %dma_start3A_371 = tpu.memref_slice %arg7[%dma_start3A_369, %dma_start3A_370] : memref<2x400xi32, #tpu.memory_space<vmem>> -> memref<1x400xi32, #tpu.memory_space<vmem>>
    %dma_start3A_372 = tpu.memref_squeeze %dma_start3A_371 : memref<1x400xi32, #tpu.memory_space<vmem>> -> memref<400xi32, #tpu.memory_space<vmem>>
    %dma_start3A_373 = arith.constant 0 : i32
    %dma_start3A_374 = arith.constant 0 : i32
    %dma_start3A_375 = tpu.memref_slice %arg10[%dma_start3A_373, %dma_start3A_374] : memref<50048x32xf32, #tpu.memory_space<vmem_shared>> -> memref<50048x32xf32, #tpu.memory_space<vmem_shared>>
    tpu.enqueue_indirect_dma source(%arg8 : memref<400x32xf32, #tpu.memory_space<vmem>>) target(%dma_start3A_375 : memref<50048x32xf32, #tpu.memory_space<vmem_shared>>) offsets(%dma_start3A_372 : memref<400xi32, #tpu.memory_space<vmem>>) semaphore(%arg12 : memref<!tpu.dma_semaphore, #tpu.memory_space<semaphore_mem>>) {add = true}
    %dma_wait3A_376 = arith.constant 0 : i32
    %dma_wait3A_377 = arith.constant 0 : i32
    %dma_wait3A_378 = tpu.memref_slice %arg7[%dma_wait3A_376, %dma_wait3A_377] : memref<2x400xi32, #tpu.memory_space<vmem>> -> memref<1x400xi32, #tpu.memory_space<vmem>>
    %dma_wait3A_379 = tpu.memref_squeeze %dma_wait3A_378 : memref<1x400xi32, #tpu.memory_space<vmem>> -> memref<400xi32, #tpu.memory_space<vmem>>
    %dma_wait3A_380 = arith.constant 0 : i32
    %dma_wait3A_381 = arith.constant 0 : i32
    %dma_wait3A_382 = tpu.memref_slice %arg10[%dma_wait3A_380, %dma_wait3A_381] : memref<50048x32xf32, #tpu.memory_space<vmem_shared>> -> memref<50048x32xf32, #tpu.memory_space<vmem_shared>>
    tpu.wait_indirect_dma semaphore(%arg12 : memref<!tpu.dma_semaphore, #tpu.memory_space<semaphore_mem>>) src(%arg8 : memref<400x32xf32, #tpu.memory_space<vmem>>) dst(%dma_wait3A_382 : memref<50048x32xf32, #tpu.memory_space<vmem_shared>>)
    %dma_start3A_383 = arith.constant 124 : i32
    %dma_start3A_384 = arith.constant 0 : i32
    %dma_start3A_385 = arith.constant 0 : i32
    %dma_start3A_386 = tpu.memref_slice %arg6[%dma_start3A_384, %dma_start3A_385] : memref<2x400xi32, #tpu.memory_space<vmem>> -> memref<1x400xi32, #tpu.memory_space<vmem>>
    %dma_start3A_387 = tpu.memref_squeeze %dma_start3A_386 : memref<1x400xi32, #tpu.memory_space<vmem>> -> memref<400xi32, #tpu.memory_space<vmem>>
    %dma_start3A_388 = arith.constant 0 : i32
    %dma_start3A_389 = tpu.memref_slice %arg2[%add3A, %dma_start3A_383, %dma_start3A_388] : memref<32x125x400xi32, #tpu.memory_space<hbm>> -> memref<1x1x400xi32, #tpu.memory_space<hbm>>
    %dma_start3A_390 = tpu.memref_squeeze %dma_start3A_389 : memref<1x1x400xi32, #tpu.memory_space<hbm>> -> memref<400xi32, #tpu.memory_space<hbm>>
    %dma_start3A_391 = arith.constant 0 : i32
    %dma_start3A_392 = tpu.memref_slice %arg6[%dma_start3A_384, %dma_start3A_391] : memref<2x400xi32, #tpu.memory_space<vmem>> -> memref<1x400xi32, #tpu.memory_space<vmem>>
    %dma_start3A_393 = tpu.memref_squeeze %dma_start3A_392 : memref<1x400xi32, #tpu.memory_space<vmem>> -> memref<400xi32, #tpu.memory_space<vmem>>
    %dma_start3A_394 = arith.constant 0 : i32
    %dma_start3A_395 = tpu.memref_slice %arg2[%add3A, %dma_start3A_383, %dma_start3A_394] : memref<32x125x400xi32, #tpu.memory_space<hbm>> -> memref<1x1x400xi32, #tpu.memory_space<hbm>>
    %dma_start3A_396 = tpu.memref_squeeze %dma_start3A_395 : memref<1x1x400xi32, #tpu.memory_space<hbm>> -> memref<400xi32, #tpu.memory_space<hbm>>
    tpu.enqueue_dma source(%dma_start3A_396 : memref<400xi32, #tpu.memory_space<hbm>>) target(%dma_start3A_393 : memref<400xi32, #tpu.memory_space<vmem>>) target_semaphore(%arg13 : memref<!tpu.dma_semaphore, #tpu.memory_space<semaphore_mem>>)
    %dma_start3A_397 = arith.constant 124 : i32
    %dma_start3A_398 = arith.constant 0 : i32
    %dma_start3A_399 = arith.constant 0 : i32
    %dma_start3A_400 = tpu.memref_slice %arg7[%dma_start3A_398, %dma_start3A_399] : memref<2x400xi32, #tpu.memory_space<vmem>> -> memref<1x400xi32, #tpu.memory_space<vmem>>
    %dma_start3A_401 = tpu.memref_squeeze %dma_start3A_400 : memref<1x400xi32, #tpu.memory_space<vmem>> -> memref<400xi32, #tpu.memory_space<vmem>>
    %dma_start3A_402 = arith.constant 0 : i32
    %dma_start3A_403 = tpu.memref_slice %arg3[%add3A, %dma_start3A_397, %dma_start3A_402] : memref<32x125x400xi32, #tpu.memory_space<hbm>> -> memref<1x1x400xi32, #tpu.memory_space<hbm>>
    %dma_start3A_404 = tpu.memref_squeeze %dma_start3A_403 : memref<1x1x400xi32, #tpu.memory_space<hbm>> -> memref<400xi32, #tpu.memory_space<hbm>>
    %dma_start3A_405 = arith.constant 0 : i32
    %dma_start3A_406 = tpu.memref_slice %arg7[%dma_start3A_398, %dma_start3A_405] : memref<2x400xi32, #tpu.memory_space<vmem>> -> memref<1x400xi32, #tpu.memory_space<vmem>>
    %dma_start3A_407 = tpu.memref_squeeze %dma_start3A_406 : memref<1x400xi32, #tpu.memory_space<vmem>> -> memref<400xi32, #tpu.memory_space<vmem>>
    %dma_start3A_408 = arith.constant 0 : i32
    %dma_start3A_409 = tpu.memref_slice %arg3[%add3A, %dma_start3A_397, %dma_start3A_408] : memref<32x125x400xi32, #tpu.memory_space<hbm>> -> memref<1x1x400xi32, #tpu.memory_space<hbm>>
    %dma_start3A_410 = tpu.memref_squeeze %dma_start3A_409 : memref<1x1x400xi32, #tpu.memory_space<hbm>> -> memref<400xi32, #tpu.memory_space<hbm>>
    tpu.enqueue_dma source(%dma_start3A_410 : memref<400xi32, #tpu.memory_space<hbm>>) target(%dma_start3A_407 : memref<400xi32, #tpu.memory_space<vmem>>) target_semaphore(%arg13 : memref<!tpu.dma_semaphore, #tpu.memory_space<semaphore_mem>>)
    %dma_wait3A_411 = arith.constant 1 : i32
    %dma_wait3A_412 = arith.constant 1 : i32
    %dma_wait3A_413 = arith.constant 0 : i32
    %dma_wait3A_414 = tpu.memref_slice %arg6[%dma_wait3A_412, %dma_wait3A_413] : memref<2x400xi32, #tpu.memory_space<vmem>> -> memref<1x400xi32, #tpu.memory_space<vmem>>
    %dma_wait3A_415 = tpu.memref_squeeze %dma_wait3A_414 : memref<1x400xi32, #tpu.memory_space<vmem>> -> memref<400xi32, #tpu.memory_space<vmem>>
    %dma_wait3A_416 = arith.constant 0 : i32
    %dma_wait3A_417 = arith.constant 0 : i32
    %dma_wait3A_418 = tpu.memref_slice %arg4[%dma_wait3A_411, %dma_wait3A_416, %dma_wait3A_417] : memref<4x50000x32xf32, #tpu.memory_space<hbm>> -> memref<1x50000x32xf32, #tpu.memory_space<hbm>>
    %dma_wait3A_419 = tpu.memref_squeeze %dma_wait3A_418 : memref<1x50000x32xf32, #tpu.memory_space<hbm>> -> memref<50000x32xf32, #tpu.memory_space<hbm>>
    %dma_wait3A_420 = arith.constant 0 : i32
    %dma_wait3A_421 = arith.constant 0 : i32
    %dma_wait3A_422 = tpu.memref_slice %dma_wait3A_419[%dma_wait3A_420, %dma_wait3A_421] : memref<50000x32xf32, #tpu.memory_space<hbm>> -> memref<50000x32xf32, #tpu.memory_space<hbm>>
    tpu.wait_indirect_dma semaphore(%arg11 : memref<!tpu.dma_semaphore, #tpu.memory_space<semaphore_mem>>) src(%dma_wait3A_422 : memref<50000x32xf32, #tpu.memory_space<hbm>>) dst(%arg9 : memref<400x32xf32, #tpu.memory_space<vmem>>)
    %dma_wait3A_423 = arith.constant 124 : i32
    %dma_wait3A_424 = arith.constant 0 : i32
    %dma_wait3A_425 = arith.constant 0 : i32
    %dma_wait3A_426 = tpu.memref_slice %arg6[%dma_wait3A_424, %dma_wait3A_425] : memref<2x400xi32, #tpu.memory_space<vmem>> -> memref<1x400xi32, #tpu.memory_space<vmem>>
    %dma_wait3A_427 = tpu.memref_squeeze %dma_wait3A_426 : memref<1x400xi32, #tpu.memory_space<vmem>> -> memref<400xi32, #tpu.memory_space<vmem>>
    %dma_wait3A_428 = arith.constant 0 : i32
    %dma_wait3A_429 = tpu.memref_slice %arg2[%add3A, %dma_wait3A_423, %dma_wait3A_428] : memref<32x125x400xi32, #tpu.memory_space<hbm>> -> memref<1x1x400xi32, #tpu.memory_space<hbm>>
    %dma_wait3A_430 = tpu.memref_squeeze %dma_wait3A_429 : memref<1x1x400xi32, #tpu.memory_space<hbm>> -> memref<400xi32, #tpu.memory_space<hbm>>
    %dma_wait3A_431 = arith.constant 0 : i32
    %dma_wait3A_432 = tpu.memref_slice %arg6[%dma_wait3A_424, %dma_wait3A_431] : memref<2x400xi32, #tpu.memory_space<vmem>> -> memref<1x400xi32, #tpu.memory_space<vmem>>
    %dma_wait3A_433 = tpu.memref_squeeze %dma_wait3A_432 : memref<1x400xi32, #tpu.memory_space<vmem>> -> memref<400xi32, #tpu.memory_space<vmem>>
    %dma_wait3A_434 = arith.constant 0 : i32
    %dma_wait3A_435 = tpu.memref_slice %arg2[%add3A, %dma_wait3A_423, %dma_wait3A_434] : memref<32x125x400xi32, #tpu.memory_space<hbm>> -> memref<1x1x400xi32, #tpu.memory_space<hbm>>
    %dma_wait3A_436 = tpu.memref_squeeze %dma_wait3A_435 : memref<1x1x400xi32, #tpu.memory_space<hbm>> -> memref<400xi32, #tpu.memory_space<hbm>>
    tpu.wait_dma2 semaphore(%arg13 : memref<!tpu.dma_semaphore, #tpu.memory_space<semaphore_mem>>) src(%dma_wait3A_436 : memref<400xi32, #tpu.memory_space<hbm>>) dst(%dma_wait3A_433 : memref<400xi32, #tpu.memory_space<vmem>>)
    %dma_wait3A_437 = arith.constant 124 : i32
    %dma_wait3A_438 = arith.constant 0 : i32
    %dma_wait3A_439 = arith.constant 0 : i32
    %dma_wait3A_440 = tpu.memref_slice %arg7[%dma_wait3A_438, %dma_wait3A_439] : memref<2x400xi32, #tpu.memory_space<vmem>> -> memref<1x400xi32, #tpu.memory_space<vmem>>
    %dma_wait3A_441 = tpu.memref_squeeze %dma_wait3A_440 : memref<1x400xi32, #tpu.memory_space<vmem>> -> memref<400xi32, #tpu.memory_space<vmem>>
    %dma_wait3A_442 = arith.constant 0 : i32
    %dma_wait3A_443 = tpu.memref_slice %arg3[%add3A, %dma_wait3A_437, %dma_wait3A_442] : memref<32x125x400xi32, #tpu.memory_space<hbm>> -> memref<1x1x400xi32, #tpu.memory_space<hbm>>
    %dma_wait3A_444 = tpu.memref_squeeze %dma_wait3A_443 : memref<1x1x400xi32, #tpu.memory_space<hbm>> -> memref<400xi32, #tpu.memory_space<hbm>>
    %dma_wait3A_445 = arith.constant 0 : i32
    %dma_wait3A_446 = tpu.memref_slice %arg7[%dma_wait3A_438, %dma_wait3A_445] : memref<2x400xi32, #tpu.memory_space<vmem>> -> memref<1x400xi32, #tpu.memory_space<vmem>>
    %dma_wait3A_447 = tpu.memref_squeeze %dma_wait3A_446 : memref<1x400xi32, #tpu.memory_space<vmem>> -> memref<400xi32, #tpu.memory_space<vmem>>
    %dma_wait3A_448 = arith.constant 0 : i32
    %dma_wait3A_449 = tpu.memref_slice %arg3[%add3A, %dma_wait3A_437, %dma_wait3A_448] : memref<32x125x400xi32, #tpu.memory_space<hbm>> -> memref<1x1x400xi32, #tpu.memory_space<hbm>>
    %dma_wait3A_450 = tpu.memref_squeeze %dma_wait3A_449 : memref<1x1x400xi32, #tpu.memory_space<hbm>> -> memref<400xi32, #tpu.memory_space<hbm>>
    tpu.wait_dma2 semaphore(%arg13 : memref<!tpu.dma_semaphore, #tpu.memory_space<semaphore_mem>>) src(%dma_wait3A_450 : memref<400xi32, #tpu.memory_space<hbm>>) dst(%dma_wait3A_447 : memref<400xi32, #tpu.memory_space<vmem>>)
    %dma_start3A_451 = arith.constant 1 : i32
    %dma_start3A_452 = arith.constant 0 : i32
    %dma_start3A_453 = arith.constant 0 : i32
    %dma_start3A_454 = tpu.memref_slice %arg6[%dma_start3A_452, %dma_start3A_453] : memref<2x400xi32, #tpu.memory_space<vmem>> -> memref<1x400xi32, #tpu.memory_space<vmem>>
    %dma_start3A_455 = tpu.memref_squeeze %dma_start3A_454 : memref<1x400xi32, #tpu.memory_space<vmem>> -> memref<400xi32, #tpu.memory_space<vmem>>
    %dma_start3A_456 = arith.constant 0 : i32
    %dma_start3A_457 = arith.constant 0 : i32
    %dma_start3A_458 = tpu.memref_slice %arg4[%dma_start3A_451, %dma_start3A_456, %dma_start3A_457] : memref<4x50000x32xf32, #tpu.memory_space<hbm>> -> memref<1x50000x32xf32, #tpu.memory_space<hbm>>
    %dma_start3A_459 = tpu.memref_squeeze %dma_start3A_458 : memref<1x50000x32xf32, #tpu.memory_space<hbm>> -> memref<50000x32xf32, #tpu.memory_space<hbm>>
    %dma_start3A_460 = arith.constant 0 : i32
    %dma_start3A_461 = arith.constant 0 : i32
    %dma_start3A_462 = tpu.memref_slice %dma_start3A_459[%dma_start3A_460, %dma_start3A_461] : memref<50000x32xf32, #tpu.memory_space<hbm>> -> memref<50000x32xf32, #tpu.memory_space<hbm>>
    tpu.enqueue_indirect_dma source(%dma_start3A_462 : memref<50000x32xf32, #tpu.memory_space<hbm>>) target(%arg8 : memref<400x32xf32, #tpu.memory_space<vmem>>) offsets(%dma_start3A_455 : memref<400xi32, #tpu.memory_space<vmem>>) semaphore(%arg11 : memref<!tpu.dma_semaphore, #tpu.memory_space<semaphore_mem>>)
    %dma_start3A_463 = arith.constant 1 : i32
    %dma_start3A_464 = arith.constant 0 : i32
    %dma_start3A_465 = tpu.memref_slice %arg7[%dma_start3A_463, %dma_start3A_464] : memref<2x400xi32, #tpu.memory_space<vmem>> -> memref<1x400xi32, #tpu.memory_space<vmem>>
    %dma_start3A_466 = tpu.memref_squeeze %dma_start3A_465 : memref<1x400xi32, #tpu.memory_space<vmem>> -> memref<400xi32, #tpu.memory_space<vmem>>
    %dma_start3A_467 = arith.constant 0 : i32
    %dma_start3A_468 = arith.constant 0 : i32
    %dma_start3A_469 = tpu.memref_slice %arg10[%dma_start3A_467, %dma_start3A_468] : memref<50048x32xf32, #tpu.memory_space<vmem_shared>> -> memref<50048x32xf32, #tpu.memory_space<vmem_shared>>
    tpu.enqueue_indirect_dma source(%arg9 : memref<400x32xf32, #tpu.memory_space<vmem>>) target(%dma_start3A_469 : memref<50048x32xf32, #tpu.memory_space<vmem_shared>>) offsets(%dma_start3A_466 : memref<400xi32, #tpu.memory_space<vmem>>) semaphore(%arg12 : memref<!tpu.dma_semaphore, #tpu.memory_space<semaphore_mem>>) {add = true}
    %dma_wait3A_470 = arith.constant 1 : i32
    %dma_wait3A_471 = arith.constant 0 : i32
    %dma_wait3A_472 = tpu.memref_slice %arg7[%dma_wait3A_470, %dma_wait3A_471] : memref<2x400xi32, #tpu.memory_space<vmem>> -> memref<1x400xi32, #tpu.memory_space<vmem>>
    %dma_wait3A_473 = tpu.memref_squeeze %dma_wait3A_472 : memref<1x400xi32, #tpu.memory_space<vmem>> -> memref<400xi32, #tpu.memory_space<vmem>>
    %dma_wait3A_474 = arith.constant 0 : i32
    %dma_wait3A_475 = arith.constant 0 : i32
    %dma_wait3A_476 = tpu.memref_slice %arg10[%dma_wait3A_474, %dma_wait3A_475] : memref<50048x32xf32, #tpu.memory_space<vmem_shared>> -> memref<50048x32xf32, #tpu.memory_space<vmem_shared>>
    tpu.wait_indirect_dma semaphore(%arg12 : memref<!tpu.dma_semaphore, #tpu.memory_space<semaphore_mem>>) src(%arg9 : memref<400x32xf32, #tpu.memory_space<vmem>>) dst(%dma_wait3A_476 : memref<50048x32xf32, #tpu.memory_space<vmem_shared>>)
    %dma_wait3A_477 = arith.constant 1 : i32
    %dma_wait3A_478 = arith.constant 0 : i32
    %dma_wait3A_479 = arith.constant 0 : i32
    %dma_wait3A_480 = tpu.memref_slice %arg6[%dma_wait3A_478, %dma_wait3A_479] : memref<2x400xi32, #tpu.memory_space<vmem>> -> memref<1x400xi32, #tpu.memory_space<vmem>>
    %dma_wait3A_481 = tpu.memref_squeeze %dma_wait3A_480 : memref<1x400xi32, #tpu.memory_space<vmem>> -> memref<400xi32, #tpu.memory_space<vmem>>
    %dma_wait3A_482 = arith.constant 0 : i32
    %dma_wait3A_483 = arith.constant 0 : i32
    %dma_wait3A_484 = tpu.memref_slice %arg4[%dma_wait3A_477, %dma_wait3A_482, %dma_wait3A_483] : memref<4x50000x32xf32, #tpu.memory_space<hbm>> -> memref<1x50000x32xf32, #tpu.memory_space<hbm>>
    %dma_wait3A_485 = tpu.memref_squeeze %dma_wait3A_484 : memref<1x50000x32xf32, #tpu.memory_space<hbm>> -> memref<50000x32xf32, #tpu.memory_space<hbm>>
    %dma_wait3A_486 = arith.constant 0 : i32
    %dma_wait3A_487 = arith.constant 0 : i32
    %dma_wait3A_488 = tpu.memref_slice %dma_wait3A_485[%dma_wait3A_486, %dma_wait3A_487] : memref<50000x32xf32, #tpu.memory_space<hbm>> -> memref<50000x32xf32, #tpu.memory_space<hbm>>
    tpu.wait_indirect_dma semaphore(%arg11 : memref<!tpu.dma_semaphore, #tpu.memory_space<semaphore_mem>>) src(%dma_wait3A_488 : memref<50000x32xf32, #tpu.memory_space<hbm>>) dst(%arg8 : memref<400x32xf32, #tpu.memory_space<vmem>>)
    %dma_start3A_489 = arith.constant 0 : i32
    %dma_start3A_490 = arith.constant 0 : i32
    %dma_start3A_491 = tpu.memref_slice %arg7[%dma_start3A_489, %dma_start3A_490] : memref<2x400xi32, #tpu.memory_space<vmem>> -> memref<1x400xi32, #tpu.memory_space<vmem>>
    %dma_start3A_492 = tpu.memref_squeeze %dma_start3A_491 : memref<1x400xi32, #tpu.memory_space<vmem>> -> memref<400xi32, #tpu.memory_space<vmem>>
    %dma_start3A_493 = arith.constant 0 : i32
    %dma_start3A_494 = arith.constant 0 : i32
    %dma_start3A_495 = tpu.memref_slice %arg10[%dma_start3A_493, %dma_start3A_494] : memref<50048x32xf32, #tpu.memory_space<vmem_shared>> -> memref<50048x32xf32, #tpu.memory_space<vmem_shared>>
    tpu.enqueue_indirect_dma source(%arg8 : memref<400x32xf32, #tpu.memory_space<vmem>>) target(%dma_start3A_495 : memref<50048x32xf32, #tpu.memory_space<vmem_shared>>) offsets(%dma_start3A_492 : memref<400xi32, #tpu.memory_space<vmem>>) semaphore(%arg12 : memref<!tpu.dma_semaphore, #tpu.memory_space<semaphore_mem>>) {add = true}
    %dma_wait3A_496 = arith.constant 0 : i32
    %dma_wait3A_497 = arith.constant 0 : i32
    %dma_wait3A_498 = tpu.memref_slice %arg7[%dma_wait3A_496, %dma_wait3A_497] : memref<2x400xi32, #tpu.memory_space<vmem>> -> memref<1x400xi32, #tpu.memory_space<vmem>>
    %dma_wait3A_499 = tpu.memref_squeeze %dma_wait3A_498 : memref<1x400xi32, #tpu.memory_space<vmem>> -> memref<400xi32, #tpu.memory_space<vmem>>
    %dma_wait3A_500 = arith.constant 0 : i32
    %dma_wait3A_501 = arith.constant 0 : i32
    %dma_wait3A_502 = tpu.memref_slice %arg10[%dma_wait3A_500, %dma_wait3A_501] : memref<50048x32xf32, #tpu.memory_space<vmem_shared>> -> memref<50048x32xf32, #tpu.memory_space<vmem_shared>>
    tpu.wait_indirect_dma semaphore(%arg12 : memref<!tpu.dma_semaphore, #tpu.memory_space<semaphore_mem>>) src(%arg8 : memref<400x32xf32, #tpu.memory_space<vmem>>) dst(%dma_wait3A_502 : memref<50048x32xf32, #tpu.memory_space<vmem_shared>>)
    %barrier3A_503 = arith.constant 0 : index
    tpu.barrier barrier_id(%barrier3A_503)
    %mul3A_504 = arith.constant 3128 : i32
    %mul3A_505 = arith.muli %arg1, %mul3A_504 : i32
    %mul3A_506 = arith.constant 3128 : i32
    %mul3A_507 = arith.muli %arg1, %mul3A_506 : i32
    %run_scoped3A_508 = arith.constant 1 : i32
    "tpu.region"() ({
      %run_scoped3A_1024 = tpu.sem_alloc : memref<!tpu.dma_semaphore, #tpu.memory_space<semaphore_mem>>
      %dma_start3A_1025 = arith.constant 0 : i32
      %dma_start3A_1026 = tpu.memref_slice %arg5[%arg0, %run_scoped3A_508, %mul3A_507, %dma_start3A_1025] : memref<2x4x50048x32xf32, #tpu.memory_space<hbm>> -> memref<1x1x3128x32xf32, #tpu.memory_space<hbm>>
      %dma_start3A_1027 = tpu.memref_squeeze %dma_start3A_1026 : memref<1x1x3128x32xf32, #tpu.memory_space<hbm>> -> memref<3128x32xf32, #tpu.memory_space<hbm>>
      %dma_start3A_1028 = arith.constant 0 : i32
      %dma_start3A_1029 = tpu.memref_slice %arg10[%mul3A_505, %dma_start3A_1028] : memref<50048x32xf32, #tpu.memory_space<vmem_shared>> -> memref<3128x32xf32, #tpu.memory_space<vmem_shared>>
      tpu.enqueue_dma source(%dma_start3A_1029 : memref<3128x32xf32, #tpu.memory_space<vmem_shared>>) target(%dma_start3A_1027 : memref<3128x32xf32, #tpu.memory_space<hbm>>) target_semaphore(%run_scoped3A_1024 : memref<!tpu.dma_semaphore, #tpu.memory_space<semaphore_mem>>)
      %dma_wait3A_1030 = arith.constant 0 : i32
      %dma_wait3A_1031 = tpu.memref_slice %arg5[%arg0, %run_scoped3A_508, %mul3A_507, %dma_wait3A_1030] : memref<2x4x50048x32xf32, #tpu.memory_space<hbm>> -> memref<1x1x3128x32xf32, #tpu.memory_space<hbm>>
      %dma_wait3A_1032 = tpu.memref_squeeze %dma_wait3A_1031 : memref<1x1x3128x32xf32, #tpu.memory_space<hbm>> -> memref<3128x32xf32, #tpu.memory_space<hbm>>
      %dma_wait3A_1033 = arith.constant 0 : i32
      %dma_wait3A_1034 = tpu.memref_slice %arg10[%mul3A_505, %dma_wait3A_1033] : memref<50048x32xf32, #tpu.memory_space<vmem_shared>> -> memref<3128x32xf32, #tpu.memory_space<vmem_shared>>
      tpu.wait_dma2 semaphore(%run_scoped3A_1024 : memref<!tpu.dma_semaphore, #tpu.memory_space<semaphore_mem>>) src(%dma_wait3A_1034 : memref<3128x32xf32, #tpu.memory_space<vmem_shared>>) dst(%dma_wait3A_1032 : memref<3128x32xf32, #tpu.memory_space<hbm>>)
      tpu.yield
    }) : () -> ()
    %barrier3A_509 = arith.constant 0 : index
    tpu.barrier barrier_id(%barrier3A_509)
    %scan3A_510 = arith.constant 0 : i32
    %scan3A_511 = arith.constant 400 : i32
    %scan3A_512 = arith.addi %scan3A_510, %scan3A_511 : i32
    %scan3A_513 = arith.constant 1 : i32
    scf.for %scan3A_1024 = %scan3A_510 to %scan3A_512 step %scan3A_513  : i32 {
      %mul3A_1025 = arith.constant 1 : i32
      %mul3A_1026 = arith.muli %scan3A_1024, %mul3A_1025 : i32
      %add3A_1027 = arith.constant 0 : i32
      %add3A_1028 = arith.addi %add3A_1027, %mul3A_1026 : i32
      %broadcast_in_dim3A = arith.constant 0.000000e+00 : f32
      %broadcast_in_dim3A_1029 = vector.broadcast %broadcast_in_dim3A : f32 to vector<16xf32>
      %swap3A = arith.index_cast %add3A_1028 : i32 to index
      %swap3A_1030 = arith.constant 0 : index
      %swap3A_1031 = tpu.vector_load %arg8[%swap3A, %swap3A_1030] {strides = array<i32>} : memref<400x32xf32, #tpu.memory_space<vmem>>, vector<1x16xf32>,
      %swap3A_1032 = vector.shape_cast %swap3A_1031 : vector<1x16xf32> to vector<16xf32>
      %swap3A_1033 = vector.shape_cast %broadcast_in_dim3A_1029 : vector<16xf32> to vector<1x16xf32>
      tpu.vector_store %arg8[%swap3A, %swap3A_1030], %swap3A_1033 {strides = array<i32>} : memref<400x32xf32, #tpu.memory_space<vmem>>, vector<1x16xf32>,
      %broadcast_in_dim3A_1034 = arith.constant 0.000000e+00 : f32
      %broadcast_in_dim3A_1035 = vector.broadcast %broadcast_in_dim3A_1034 : f32 to vector<16xf32>
      %swap3A_1036 = arith.index_cast %add3A_1028 : i32 to index
      %swap3A_1037 = arith.constant 16 : index
      %swap3A_1038 = tpu.vector_load %arg8[%swap3A_1036, %swap3A_1037] {strides = array<i32>} : memref<400x32xf32, #tpu.memory_space<vmem>>, vector<1x16xf32>,
      %swap3A_1039 = vector.shape_cast %swap3A_1038 : vector<1x16xf32> to vector<16xf32>
      %swap3A_1040 = vector.shape_cast %broadcast_in_dim3A_1035 : vector<16xf32> to vector<1x16xf32>
      tpu.vector_store %arg8[%swap3A_1036, %swap3A_1037], %swap3A_1040 {strides = array<i32>} : memref<400x32xf32, #tpu.memory_space<vmem>>, vector<1x16xf32>,
    }
    %scan3A_514 = arith.constant 400 : i32
    %scan3A_515 = arith.constant 0 : i32
    %scan3A_516 = arith.constant 7 : i32
    %scan3A_517 = arith.addi %scan3A_515, %scan3A_516 : i32
    %scan3A_518 = arith.constant 1 : i32
    scf.for %scan3A_1024 = %scan3A_515 to %scan3A_517 step %scan3A_518  : i32 {
      %mul3A_1025 = arith.constant 1 : i32
      %mul3A_1026 = arith.muli %scan3A_1024, %mul3A_1025 : i32
      %add3A_1027 = arith.constant 0 : i32
      %add3A_1028 = arith.addi %add3A_1027, %mul3A_1026 : i32
      %mul3A_1029 = arith.constant 3128 : i32
      %mul3A_1030 = arith.muli %arg1, %mul3A_1029 : i32
      %mul3A_1031 = arith.constant 400 : i32
      %mul3A_1032 = arith.muli %add3A_1028, %mul3A_1031 : i32
      %add3A_1033 = arith.addi %mul3A_1030, %mul3A_1032 : i32
      "tpu.region"() ({
        %run_scoped3A_1034 = tpu.sem_alloc : memref<!tpu.dma_semaphore, #tpu.memory_space<semaphore_mem>>
        %dma_start3A_1035 = arith.constant 0 : i32
        %dma_start3A_1036 = tpu.memref_slice %arg10[%add3A_1033, %dma_start3A_1035] : memref<50048x32xf32, #tpu.memory_space<vmem_shared>> -> memref<400x32xf32, #tpu.memory_space<vmem_shared>>
        %dma_start3A_1037 = arith.constant 0 : i32
        %dma_start3A_1038 = tpu.memref_slice %arg10[%add3A_1033, %dma_start3A_1037] : memref<50048x32xf32, #tpu.memory_space<vmem_shared>> -> memref<400x32xf32, #tpu.memory_space<vmem_shared>>
        tpu.enqueue_dma source(%arg8 : memref<400x32xf32, #tpu.memory_space<vmem>>) target(%dma_start3A_1038 : memref<400x32xf32, #tpu.memory_space<vmem_shared>>) target_semaphore(%run_scoped3A_1034 : memref<!tpu.dma_semaphore, #tpu.memory_space<semaphore_mem>>)
        %dma_wait3A_1039 = arith.constant 0 : i32
        %dma_wait3A_1040 = tpu.memref_slice %arg10[%add3A_1033, %dma_wait3A_1039] : memref<50048x32xf32, #tpu.memory_space<vmem_shared>> -> memref<400x32xf32, #tpu.memory_space<vmem_shared>>
        %dma_wait3A_1041 = arith.constant 0 : i32
        %dma_wait3A_1042 = tpu.memref_slice %arg10[%add3A_1033, %dma_wait3A_1041] : memref<50048x32xf32, #tpu.memory_space<vmem_shared>> -> memref<400x32xf32, #tpu.memory_space<vmem_shared>>
        tpu.wait_dma2 semaphore(%run_scoped3A_1034 : memref<!tpu.dma_semaphore, #tpu.memory_space<semaphore_mem>>) src(%arg8 : memref<400x32xf32, #tpu.memory_space<vmem>>) dst(%dma_wait3A_1042 : memref<400x32xf32, #tpu.memory_space<vmem_shared>>)
        tpu.yield
      }) : () -> ()
    }
    %scan3A_519 = arith.constant 7 : i32
    %mul3A_520 = arith.constant 3128 : i32
    %mul3A_521 = arith.muli %arg1, %mul3A_520 : i32
    %add3A_522 = arith.constant 2800 : i32
    %add3A_523 = arith.addi %mul3A_521, %add3A_522 : i32
    "tpu.region"() ({
      %run_scoped3A_1024 = tpu.sem_alloc : memref<!tpu.dma_semaphore, #tpu.memory_space<semaphore_mem>>
      %dma_start3A_1025 = arith.constant 0 : i32
      %dma_start3A_1026 = arith.constant 0 : i32
      %dma_start3A_1027 = tpu.memref_slice %arg8[%dma_start3A_1025, %dma_start3A_1026] : memref<400x32xf32, #tpu.memory_space<vmem>> -> memref<328x32xf32, #tpu.memory_space<vmem>>
      %dma_start3A_1028 = arith.constant 0 : i32
      %dma_start3A_1029 = tpu.memref_slice %arg10[%add3A_523, %dma_start3A_1028] : memref<50048x32xf32, #tpu.memory_space<vmem_shared>> -> memref<328x32xf32, #tpu.memory_space<vmem_shared>>
      %dma_start3A_1030 = arith.constant 0 : i32
      %dma_start3A_1031 = tpu.memref_slice %arg10[%add3A_523, %dma_start3A_1030] : memref<50048x32xf32, #tpu.memory_space<vmem_shared>> -> memref<328x32xf32, #tpu.memory_space<vmem_shared>>
      %dma_start3A_1032 = arith.constant 0 : i32
      %dma_start3A_1033 = arith.constant 0 : i32
      %dma_start3A_1034 = tpu.memref_slice %arg8[%dma_start3A_1032, %dma_start3A_1033] : memref<400x32xf32, #tpu.memory_space<vmem>> -> memref<328x32xf32, #tpu.memory_space<vmem>>
      tpu.enqueue_dma source(%dma_start3A_1034 : memref<328x32xf32, #tpu.memory_space<vmem>>) target(%dma_start3A_1031 : memref<328x32xf32, #tpu.memory_space<vmem_shared>>) target_semaphore(%run_scoped3A_1024 : memref<!tpu.dma_semaphore, #tpu.memory_space<semaphore_mem>>)
      %dma_wait3A_1035 = arith.constant 0 : i32
      %dma_wait3A_1036 = arith.constant 0 : i32
      %dma_wait3A_1037 = tpu.memref_slice %arg8[%dma_wait3A_1035, %dma_wait3A_1036] : memref<400x32xf32, #tpu.memory_space<vmem>> -> memref<328x32xf32, #tpu.memory_space<vmem>>
      %dma_wait3A_1038 = arith.constant 0 : i32
      %dma_wait3A_1039 = tpu.memref_slice %arg10[%add3A_523, %dma_wait3A_1038] : memref<50048x32xf32, #tpu.memory_space<vmem_shared>> -> memref<328x32xf32, #tpu.memory_space<vmem_shared>>
      %dma_wait3A_1040 = arith.constant 0 : i32
      %dma_wait3A_1041 = tpu.memref_slice %arg10[%add3A_523, %dma_wait3A_1040] : memref<50048x32xf32, #tpu.memory_space<vmem_shared>> -> memref<328x32xf32, #tpu.memory_space<vmem_shared>>
      %dma_wait3A_1042 = arith.constant 0 : i32
      %dma_wait3A_1043 = arith.constant 0 : i32
      %dma_wait3A_1044 = tpu.memref_slice %arg8[%dma_wait3A_1042, %dma_wait3A_1043] : memref<400x32xf32, #tpu.memory_space<vmem>> -> memref<328x32xf32, #tpu.memory_space<vmem>>
      tpu.wait_dma2 semaphore(%run_scoped3A_1024 : memref<!tpu.dma_semaphore, #tpu.memory_space<semaphore_mem>>) src(%dma_wait3A_1044 : memref<328x32xf32, #tpu.memory_space<vmem>>) dst(%dma_wait3A_1041 : memref<328x32xf32, #tpu.memory_space<vmem_shared>>)
      tpu.yield
    }) : () -> ()
    %barrier3A_524 = arith.constant 0 : index
    tpu.barrier barrier_id(%barrier3A_524)
    %run_scoped3A_525 = arith.constant 0 : i32
    %run_scoped3A_526 = arith.constant 0 : i32
    "tpu.region"() ({
      %run_scoped3A_1024 = tpu.sem_alloc : memref<!tpu.dma_semaphore, #tpu.memory_space<semaphore_mem>>
      %dma_start3A_1025 = arith.constant 0 : i32
      %dma_start3A_1026 = tpu.memref_slice %arg6[%run_scoped3A_526, %dma_start3A_1025] : memref<2x400xi32, #tpu.memory_space<vmem>> -> memref<1x400xi32, #tpu.memory_space<vmem>>
      %dma_start3A_1027 = tpu.memref_squeeze %dma_start3A_1026 : memref<1x400xi32, #tpu.memory_space<vmem>> -> memref<400xi32, #tpu.memory_space<vmem>>
      %dma_start3A_1028 = arith.constant 0 : i32
      %dma_start3A_1029 = tpu.memref_slice %arg2[%add3A, %run_scoped3A_525, %dma_start3A_1028] : memref<32x125x400xi32, #tpu.memory_space<hbm>> -> memref<1x1x400xi32, #tpu.memory_space<hbm>>
      %dma_start3A_1030 = tpu.memref_squeeze %dma_start3A_1029 : memref<1x1x400xi32, #tpu.memory_space<hbm>> -> memref<400xi32, #tpu.memory_space<hbm>>
      %dma_start3A_1031 = arith.constant 0 : i32
      %dma_start3A_1032 = tpu.memref_slice %arg6[%run_scoped3A_526, %dma_start3A_1031] : memref<2x400xi32, #tpu.memory_space<vmem>> -> memref<1x400xi32, #tpu.memory_space<vmem>>
      %dma_start3A_1033 = tpu.memref_squeeze %dma_start3A_1032 : memref<1x400xi32, #tpu.memory_space<vmem>> -> memref<400xi32, #tpu.memory_space<vmem>>
      %dma_start3A_1034 = arith.constant 0 : i32
      %dma_start3A_1035 = tpu.memref_slice %arg2[%add3A, %run_scoped3A_525, %dma_start3A_1034] : memref<32x125x400xi32, #tpu.memory_space<hbm>> -> memref<1x1x400xi32, #tpu.memory_space<hbm>>
      %dma_start3A_1036 = tpu.memref_squeeze %dma_start3A_1035 : memref<1x1x400xi32, #tpu.memory_space<hbm>> -> memref<400xi32, #tpu.memory_space<hbm>>
      tpu.enqueue_dma source(%dma_start3A_1036 : memref<400xi32, #tpu.memory_space<hbm>>) target(%dma_start3A_1033 : memref<400xi32, #tpu.memory_space<vmem>>) target_semaphore(%run_scoped3A_1024 : memref<!tpu.dma_semaphore, #tpu.memory_space<semaphore_mem>>)
      %dma_wait3A_1037 = arith.constant 0 : i32
      %dma_wait3A_1038 = tpu.memref_slice %arg6[%run_scoped3A_526, %dma_wait3A_1037] : memref<2x400xi32, #tpu.memory_space<vmem>> -> memref<1x400xi32, #tpu.memory_space<vmem>>
      %dma_wait3A_1039 = tpu.memref_squeeze %dma_wait3A_1038 : memref<1x400xi32, #tpu.memory_space<vmem>> -> memref<400xi32, #tpu.memory_space<vmem>>
      %dma_wait3A_1040 = arith.constant 0 : i32
      %dma_wait3A_1041 = tpu.memref_slice %arg2[%add3A, %run_scoped3A_525, %dma_wait3A_1040] : memref<32x125x400xi32, #tpu.memory_space<hbm>> -> memref<1x1x400xi32, #tpu.memory_space<hbm>>
      %dma_wait3A_1042 = tpu.memref_squeeze %dma_wait3A_1041 : memref<1x1x400xi32, #tpu.memory_space<hbm>> -> memref<400xi32, #tpu.memory_space<hbm>>
      %dma_wait3A_1043 = arith.constant 0 : i32
      %dma_wait3A_1044 = tpu.memref_slice %arg6[%run_scoped3A_526, %dma_wait3A_1043] : memref<2x400xi32, #tpu.memory_space<vmem>> -> memref<1x400xi32, #tpu.memory_space<vmem>>
      %dma_wait3A_1045 = tpu.memref_squeeze %dma_wait3A_1044 : memref<1x400xi32, #tpu.memory_space<vmem>> -> memref<400xi32, #tpu.memory_space<vmem>>
      %dma_wait3A_1046 = arith.constant 0 : i32
      %dma_wait3A_1047 = tpu.memref_slice %arg2[%add3A, %run_scoped3A_525, %dma_wait3A_1046] : memref<32x125x400xi32, #tpu.memory_space<hbm>> -> memref<1x1x400xi32, #tpu.memory_space<hbm>>
      %dma_wait3A_1048 = tpu.memref_squeeze %dma_wait3A_1047 : memref<1x1x400xi32, #tpu.memory_space<hbm>> -> memref<400xi32, #tpu.memory_space<hbm>>
      tpu.wait_dma2 semaphore(%run_scoped3A_1024 : memref<!tpu.dma_semaphore, #tpu.memory_space<semaphore_mem>>) src(%dma_wait3A_1048 : memref<400xi32, #tpu.memory_space<hbm>>) dst(%dma_wait3A_1045 : memref<400xi32, #tpu.memory_space<vmem>>)
      tpu.yield
    }) : () -> ()
    %run_scoped3A_527 = arith.constant 0 : i32
    %run_scoped3A_528 = arith.constant 0 : i32
    "tpu.region"() ({
      %run_scoped3A_1024 = tpu.sem_alloc : memref<!tpu.dma_semaphore, #tpu.memory_space<semaphore_mem>>
      %dma_start3A_1025 = arith.constant 0 : i32
      %dma_start3A_1026 = tpu.memref_slice %arg7[%run_scoped3A_528, %dma_start3A_1025] : memref<2x400xi32, #tpu.memory_space<vmem>> -> memref<1x400xi32, #tpu.memory_space<vmem>>
      %dma_start3A_1027 = tpu.memref_squeeze %dma_start3A_1026 : memref<1x400xi32, #tpu.memory_space<vmem>> -> memref<400xi32, #tpu.memory_space<vmem>>
      %dma_start3A_1028 = arith.constant 0 : i32
      %dma_start3A_1029 = tpu.memref_slice %arg3[%add3A, %run_scoped3A_527, %dma_start3A_1028] : memref<32x125x400xi32, #tpu.memory_space<hbm>> -> memref<1x1x400xi32, #tpu.memory_space<hbm>>
      %dma_start3A_1030 = tpu.memref_squeeze %dma_start3A_1029 : memref<1x1x400xi32, #tpu.memory_space<hbm>> -> memref<400xi32, #tpu.memory_space<hbm>>
      %dma_start3A_1031 = arith.constant 0 : i32
      %dma_start3A_1032 = tpu.memref_slice %arg7[%run_scoped3A_528, %dma_start3A_1031] : memref<2x400xi32, #tpu.memory_space<vmem>> -> memref<1x400xi32, #tpu.memory_space<vmem>>
      %dma_start3A_1033 = tpu.memref_squeeze %dma_start3A_1032 : memref<1x400xi32, #tpu.memory_space<vmem>> -> memref<400xi32, #tpu.memory_space<vmem>>
      %dma_start3A_1034 = arith.constant 0 : i32
      %dma_start3A_1035 = tpu.memref_slice %arg3[%add3A, %run_scoped3A_527, %dma_start3A_1034] : memref<32x125x400xi32, #tpu.memory_space<hbm>> -> memref<1x1x400xi32, #tpu.memory_space<hbm>>
      %dma_start3A_1036 = tpu.memref_squeeze %dma_start3A_1035 : memref<1x1x400xi32, #tpu.memory_space<hbm>> -> memref<400xi32, #tpu.memory_space<hbm>>
      tpu.enqueue_dma source(%dma_start3A_1036 : memref<400xi32, #tpu.memory_space<hbm>>) target(%dma_start3A_1033 : memref<400xi32, #tpu.memory_space<vmem>>) target_semaphore(%run_scoped3A_1024 : memref<!tpu.dma_semaphore, #tpu.memory_space<semaphore_mem>>)
      %dma_wait3A_1037 = arith.constant 0 : i32
      %dma_wait3A_1038 = tpu.memref_slice %arg7[%run_scoped3A_528, %dma_wait3A_1037] : memref<2x400xi32, #tpu.memory_space<vmem>> -> memref<1x400xi32, #tpu.memory_space<vmem>>
      %dma_wait3A_1039 = tpu.memref_squeeze %dma_wait3A_1038 : memref<1x400xi32, #tpu.memory_space<vmem>> -> memref<400xi32, #tpu.memory_space<vmem>>
      %dma_wait3A_1040 = arith.constant 0 : i32
      %dma_wait3A_1041 = tpu.memref_slice %arg3[%add3A, %run_scoped3A_527, %dma_wait3A_1040] : memref<32x125x400xi32, #tpu.memory_space<hbm>> -> memref<1x1x400xi32, #tpu.memory_space<hbm>>
      %dma_wait3A_1042 = tpu.memref_squeeze %dma_wait3A_1041 : memref<1x1x400xi32, #tpu.memory_space<hbm>> -> memref<400xi32, #tpu.memory_space<hbm>>
      %dma_wait3A_1043 = arith.constant 0 : i32
      %dma_wait3A_1044 = tpu.memref_slice %arg7[%run_scoped3A_528, %dma_wait3A_1043] : memref<2x400xi32, #tpu.memory_space<vmem>> -> memref<1x400xi32, #tpu.memory_space<vmem>>
      %dma_wait3A_1045 = tpu.memref_squeeze %dma_wait3A_1044 : memref<1x400xi32, #tpu.memory_space<vmem>> -> memref<400xi32, #tpu.memory_space<vmem>>
      %dma_wait3A_1046 = arith.constant 0 : i32
      %dma_wait3A_1047 = tpu.memref_slice %arg3[%add3A, %run_scoped3A_527, %dma_wait3A_1046] : memref<32x125x400xi32, #tpu.memory_space<hbm>> -> memref<1x1x400xi32, #tpu.memory_space<hbm>>
      %dma_wait3A_1048 = tpu.memref_squeeze %dma_wait3A_1047 : memref<1x1x400xi32, #tpu.memory_space<hbm>> -> memref<400xi32, #tpu.memory_space<hbm>>
      tpu.wait_dma2 semaphore(%run_scoped3A_1024 : memref<!tpu.dma_semaphore, #tpu.memory_space<semaphore_mem>>) src(%dma_wait3A_1048 : memref<400xi32, #tpu.memory_space<hbm>>) dst(%dma_wait3A_1045 : memref<400xi32, #tpu.memory_space<vmem>>)
      tpu.yield
    }) : () -> ()
    %dma_start3A_529 = arith.constant 2 : i32
    %dma_start3A_530 = arith.constant 0 : i32
    %dma_start3A_531 = arith.constant 0 : i32
    %dma_start3A_532 = tpu.memref_slice %arg6[%dma_start3A_530, %dma_start3A_531] : memref<2x400xi32, #tpu.memory_space<vmem>> -> memref<1x400xi32, #tpu.memory_space<vmem>>
    %dma_start3A_533 = tpu.memref_squeeze %dma_start3A_532 : memref<1x400xi32, #tpu.memory_space<vmem>> -> memref<400xi32, #tpu.memory_space<vmem>>
    %dma_start3A_534 = arith.constant 0 : i32
    %dma_start3A_535 = arith.constant 0 : i32
    %dma_start3A_536 = tpu.memref_slice %arg4[%dma_start3A_529, %dma_start3A_534, %dma_start3A_535] : memref<4x50000x32xf32, #tpu.memory_space<hbm>> -> memref<1x50000x32xf32, #tpu.memory_space<hbm>>
    %dma_start3A_537 = tpu.memref_squeeze %dma_start3A_536 : memref<1x50000x32xf32, #tpu.memory_space<hbm>> -> memref<50000x32xf32, #tpu.memory_space<hbm>>
    %dma_start3A_538 = arith.constant 0 : i32
    %dma_start3A_539 = arith.constant 0 : i32
    %dma_start3A_540 = tpu.memref_slice %dma_start3A_537[%dma_start3A_538, %dma_start3A_539] : memref<50000x32xf32, #tpu.memory_space<hbm>> -> memref<50000x32xf32, #tpu.memory_space<hbm>>
    tpu.enqueue_indirect_dma source(%dma_start3A_540 : memref<50000x32xf32, #tpu.memory_space<hbm>>) target(%arg8 : memref<400x32xf32, #tpu.memory_space<vmem>>) offsets(%dma_start3A_533 : memref<400xi32, #tpu.memory_space<vmem>>) semaphore(%arg11 : memref<!tpu.dma_semaphore, #tpu.memory_space<semaphore_mem>>)
    %dma_start3A_541 = arith.constant 1 : i32
    %dma_start3A_542 = arith.constant 1 : i32
    %dma_start3A_543 = arith.constant 0 : i32
    %dma_start3A_544 = tpu.memref_slice %arg6[%dma_start3A_542, %dma_start3A_543] : memref<2x400xi32, #tpu.memory_space<vmem>> -> memref<1x400xi32, #tpu.memory_space<vmem>>
    %dma_start3A_545 = tpu.memref_squeeze %dma_start3A_544 : memref<1x400xi32, #tpu.memory_space<vmem>> -> memref<400xi32, #tpu.memory_space<vmem>>
    %dma_start3A_546 = arith.constant 0 : i32
    %dma_start3A_547 = tpu.memref_slice %arg2[%add3A, %dma_start3A_541, %dma_start3A_546] : memref<32x125x400xi32, #tpu.memory_space<hbm>> -> memref<1x1x400xi32, #tpu.memory_space<hbm>>
    %dma_start3A_548 = tpu.memref_squeeze %dma_start3A_547 : memref<1x1x400xi32, #tpu.memory_space<hbm>> -> memref<400xi32, #tpu.memory_space<hbm>>
    %dma_start3A_549 = arith.constant 0 : i32
    %dma_start3A_550 = tpu.memref_slice %arg6[%dma_start3A_542, %dma_start3A_549] : memref<2x400xi32, #tpu.memory_space<vmem>> -> memref<1x400xi32, #tpu.memory_space<vmem>>
    %dma_start3A_551 = tpu.memref_squeeze %dma_start3A_550 : memref<1x400xi32, #tpu.memory_space<vmem>> -> memref<400xi32, #tpu.memory_space<vmem>>
    %dma_start3A_552 = arith.constant 0 : i32
    %dma_start3A_553 = tpu.memref_slice %arg2[%add3A, %dma_start3A_541, %dma_start3A_552] : memref<32x125x400xi32, #tpu.memory_space<hbm>> -> memref<1x1x400xi32, #tpu.memory_space<hbm>>
    %dma_start3A_554 = tpu.memref_squeeze %dma_start3A_553 : memref<1x1x400xi32, #tpu.memory_space<hbm>> -> memref<400xi32, #tpu.memory_space<hbm>>
    tpu.enqueue_dma source(%dma_start3A_554 : memref<400xi32, #tpu.memory_space<hbm>>) target(%dma_start3A_551 : memref<400xi32, #tpu.memory_space<vmem>>) target_semaphore(%arg13 : memref<!tpu.dma_semaphore, #tpu.memory_space<semaphore_mem>>)
    %dma_start3A_555 = arith.constant 1 : i32
    %dma_start3A_556 = arith.constant 1 : i32
    %dma_start3A_557 = arith.constant 0 : i32
    %dma_start3A_558 = tpu.memref_slice %arg7[%dma_start3A_556, %dma_start3A_557] : memref<2x400xi32, #tpu.memory_space<vmem>> -> memref<1x400xi32, #tpu.memory_space<vmem>>
    %dma_start3A_559 = tpu.memref_squeeze %dma_start3A_558 : memref<1x400xi32, #tpu.memory_space<vmem>> -> memref<400xi32, #tpu.memory_space<vmem>>
    %dma_start3A_560 = arith.constant 0 : i32
    %dma_start3A_561 = tpu.memref_slice %arg3[%add3A, %dma_start3A_555, %dma_start3A_560] : memref<32x125x400xi32, #tpu.memory_space<hbm>> -> memref<1x1x400xi32, #tpu.memory_space<hbm>>
    %dma_start3A_562 = tpu.memref_squeeze %dma_start3A_561 : memref<1x1x400xi32, #tpu.memory_space<hbm>> -> memref<400xi32, #tpu.memory_space<hbm>>
    %dma_start3A_563 = arith.constant 0 : i32
    %dma_start3A_564 = tpu.memref_slice %arg7[%dma_start3A_556, %dma_start3A_563] : memref<2x400xi32, #tpu.memory_space<vmem>> -> memref<1x400xi32, #tpu.memory_space<vmem>>
    %dma_start3A_565 = tpu.memref_squeeze %dma_start3A_564 : memref<1x400xi32, #tpu.memory_space<vmem>> -> memref<400xi32, #tpu.memory_space<vmem>>
    %dma_start3A_566 = arith.constant 0 : i32
    %dma_start3A_567 = tpu.memref_slice %arg3[%add3A, %dma_start3A_555, %dma_start3A_566] : memref<32x125x400xi32, #tpu.memory_space<hbm>> -> memref<1x1x400xi32, #tpu.memory_space<hbm>>
    %dma_start3A_568 = tpu.memref_squeeze %dma_start3A_567 : memref<1x1x400xi32, #tpu.memory_space<hbm>> -> memref<400xi32, #tpu.memory_space<hbm>>
    tpu.enqueue_dma source(%dma_start3A_568 : memref<400xi32, #tpu.memory_space<hbm>>) target(%dma_start3A_565 : memref<400xi32, #tpu.memory_space<vmem>>) target_semaphore(%arg13 : memref<!tpu.dma_semaphore, #tpu.memory_space<semaphore_mem>>)
    %scan3A_569 = arith.constant 0 : i32
    %scan3A_570 = arith.constant 61 : i32
    %scan3A_571 = arith.addi %scan3A_569, %scan3A_570 : i32
    %scan3A_572 = arith.constant 1 : i32
    scf.for %scan3A_1024 = %scan3A_569 to %scan3A_571 step %scan3A_572  : i32 {
      %mul3A_1025 = arith.constant 1 : i32
      %mul3A_1026 = arith.muli %scan3A_1024, %mul3A_1025 : i32
      %add3A_1027 = arith.constant 0 : i32
      %add3A_1028 = arith.addi %add3A_1027, %mul3A_1026 : i32
      %mul3A_1029 = arith.constant 2 : i32
      %mul3A_1030 = arith.muli %mul3A_1029, %add3A_1028 : i32
      %dma_wait3A_1031 = arith.constant 2 : i32
      %dma_wait3A_1032 = arith.constant 0 : i32
      %dma_wait3A_1033 = arith.constant 0 : i32
      %dma_wait3A_1034 = tpu.memref_slice %arg6[%dma_wait3A_1032, %dma_wait3A_1033] : memref<2x400xi32, #tpu.memory_space<vmem>> -> memref<1x400xi32, #tpu.memory_space<vmem>>
      %dma_wait3A_1035 = tpu.memref_squeeze %dma_wait3A_1034 : memref<1x400xi32, #tpu.memory_space<vmem>> -> memref<400xi32, #tpu.memory_space<vmem>>
      %dma_wait3A_1036 = arith.constant 0 : i32
      %dma_wait3A_1037 = arith.constant 0 : i32
      %dma_wait3A_1038 = tpu.memref_slice %arg4[%dma_wait3A_1031, %dma_wait3A_1036, %dma_wait3A_1037] : memref<4x50000x32xf32, #tpu.memory_space<hbm>> -> memref<1x50000x32xf32, #tpu.memory_space<hbm>>
      %dma_wait3A_1039 = tpu.memref_squeeze %dma_wait3A_1038 : memref<1x50000x32xf32, #tpu.memory_space<hbm>> -> memref<50000x32xf32, #tpu.memory_space<hbm>>
      %dma_wait3A_1040 = arith.constant 0 : i32
      %dma_wait3A_1041 = arith.constant 0 : i32
      %dma_wait3A_1042 = tpu.memref_slice %dma_wait3A_1039[%dma_wait3A_1040, %dma_wait3A_1041] : memref<50000x32xf32, #tpu.memory_space<hbm>> -> memref<50000x32xf32, #tpu.memory_space<hbm>>
      tpu.wait_indirect_dma semaphore(%arg11 : memref<!tpu.dma_semaphore, #tpu.memory_space<semaphore_mem>>) src(%dma_wait3A_1042 : memref<50000x32xf32, #tpu.memory_space<hbm>>) dst(%arg8 : memref<400x32xf32, #tpu.memory_space<vmem>>)
      %add3A_1043 = arith.constant 1 : i32
      %add3A_1044 = arith.addi %mul3A_1030, %add3A_1043 : i32
      %dma_wait3A_1045 = arith.constant 1 : i32
      %dma_wait3A_1046 = arith.constant 0 : i32
      %dma_wait3A_1047 = tpu.memref_slice %arg6[%dma_wait3A_1045, %dma_wait3A_1046] : memref<2x400xi32, #tpu.memory_space<vmem>> -> memref<1x400xi32, #tpu.memory_space<vmem>>
      %dma_wait3A_1048 = tpu.memref_squeeze %dma_wait3A_1047 : memref<1x400xi32, #tpu.memory_space<vmem>> -> memref<400xi32, #tpu.memory_space<vmem>>
      %dma_wait3A_1049 = arith.constant 0 : i32
      %dma_wait3A_1050 = tpu.memref_slice %arg2[%add3A, %add3A_1044, %dma_wait3A_1049] : memref<32x125x400xi32, #tpu.memory_space<hbm>> -> memref<1x1x400xi32, #tpu.memory_space<hbm>>
      %dma_wait3A_1051 = tpu.memref_squeeze %dma_wait3A_1050 : memref<1x1x400xi32, #tpu.memory_space<hbm>> -> memref<400xi32, #tpu.memory_space<hbm>>
      %dma_wait3A_1052 = arith.constant 0 : i32
      %dma_wait3A_1053 = tpu.memref_slice %arg6[%dma_wait3A_1045, %dma_wait3A_1052] : memref<2x400xi32, #tpu.memory_space<vmem>> -> memref<1x400xi32, #tpu.memory_space<vmem>>
      %dma_wait3A_1054 = tpu.memref_squeeze %dma_wait3A_1053 : memref<1x400xi32, #tpu.memory_space<vmem>> -> memref<400xi32, #tpu.memory_space<vmem>>
      %dma_wait3A_1055 = arith.constant 0 : i32
      %dma_wait3A_1056 = tpu.memref_slice %arg2[%add3A, %add3A_1044, %dma_wait3A_1055] : memref<32x125x400xi32, #tpu.memory_space<hbm>> -> memref<1x1x400xi32, #tpu.memory_space<hbm>>
      %dma_wait3A_1057 = tpu.memref_squeeze %dma_wait3A_1056 : memref<1x1x400xi32, #tpu.memory_space<hbm>> -> memref<400xi32, #tpu.memory_space<hbm>>
      tpu.wait_dma2 semaphore(%arg13 : memref<!tpu.dma_semaphore, #tpu.memory_space<semaphore_mem>>) src(%dma_wait3A_1057 : memref<400xi32, #tpu.memory_space<hbm>>) dst(%dma_wait3A_1054 : memref<400xi32, #tpu.memory_space<vmem>>)
      %dma_wait3A_1058 = arith.constant 1 : i32
      %dma_wait3A_1059 = arith.constant 0 : i32
      %dma_wait3A_1060 = tpu.memref_slice %arg7[%dma_wait3A_1058, %dma_wait3A_1059] : memref<2x400xi32, #tpu.memory_space<vmem>> -> memref<1x400xi32, #tpu.memory_space<vmem>>
      %dma_wait3A_1061 = tpu.memref_squeeze %dma_wait3A_1060 : memref<1x400xi32, #tpu.memory_space<vmem>> -> memref<400xi32, #tpu.memory_space<vmem>>
      %dma_wait3A_1062 = arith.constant 0 : i32
      %dma_wait3A_1063 = tpu.memref_slice %arg3[%add3A, %add3A_1044, %dma_wait3A_1062] : memref<32x125x400xi32, #tpu.memory_space<hbm>> -> memref<1x1x400xi32, #tpu.memory_space<hbm>>
      %dma_wait3A_1064 = tpu.memref_squeeze %dma_wait3A_1063 : memref<1x1x400xi32, #tpu.memory_space<hbm>> -> memref<400xi32, #tpu.memory_space<hbm>>
      %dma_wait3A_1065 = arith.constant 0 : i32
      %dma_wait3A_1066 = tpu.memref_slice %arg7[%dma_wait3A_1058, %dma_wait3A_1065] : memref<2x400xi32, #tpu.memory_space<vmem>> -> memref<1x400xi32, #tpu.memory_space<vmem>>
      %dma_wait3A_1067 = tpu.memref_squeeze %dma_wait3A_1066 : memref<1x400xi32, #tpu.memory_space<vmem>> -> memref<400xi32, #tpu.memory_space<vmem>>
      %dma_wait3A_1068 = arith.constant 0 : i32
      %dma_wait3A_1069 = tpu.memref_slice %arg3[%add3A, %add3A_1044, %dma_wait3A_1068] : memref<32x125x400xi32, #tpu.memory_space<hbm>> -> memref<1x1x400xi32, #tpu.memory_space<hbm>>
      %dma_wait3A_1070 = tpu.memref_squeeze %dma_wait3A_1069 : memref<1x1x400xi32, #tpu.memory_space<hbm>> -> memref<400xi32, #tpu.memory_space<hbm>>
      tpu.wait_dma2 semaphore(%arg13 : memref<!tpu.dma_semaphore, #tpu.memory_space<semaphore_mem>>) src(%dma_wait3A_1070 : memref<400xi32, #tpu.memory_space<hbm>>) dst(%dma_wait3A_1067 : memref<400xi32, #tpu.memory_space<vmem>>)
      %add3A_1071 = arith.constant 1 : i32
      %add3A_1072 = arith.addi %mul3A_1030, %add3A_1071 : i32
      %dma_start3A_1073 = arith.constant 2 : i32
      %dma_start3A_1074 = arith.constant 1 : i32
      %dma_start3A_1075 = arith.constant 0 : i32
      %dma_start3A_1076 = tpu.memref_slice %arg6[%dma_start3A_1074, %dma_start3A_1075] : memref<2x400xi32, #tpu.memory_space<vmem>> -> memref<1x400xi32, #tpu.memory_space<vmem>>
      %dma_start3A_1077 = tpu.memref_squeeze %dma_start3A_1076 : memref<1x400xi32, #tpu.memory_space<vmem>> -> memref<400xi32, #tpu.memory_space<vmem>>
      %dma_start3A_1078 = arith.constant 0 : i32
      %dma_start3A_1079 = arith.constant 0 : i32
      %dma_start3A_1080 = tpu.memref_slice %arg4[%dma_start3A_1073, %dma_start3A_1078, %dma_start3A_1079] : memref<4x50000x32xf32, #tpu.memory_space<hbm>> -> memref<1x50000x32xf32, #tpu.memory_space<hbm>>
      %dma_start3A_1081 = tpu.memref_squeeze %dma_start3A_1080 : memref<1x50000x32xf32, #tpu.memory_space<hbm>> -> memref<50000x32xf32, #tpu.memory_space<hbm>>
      %dma_start3A_1082 = arith.constant 0 : i32
      %dma_start3A_1083 = arith.constant 0 : i32
      %dma_start3A_1084 = tpu.memref_slice %dma_start3A_1081[%dma_start3A_1082, %dma_start3A_1083] : memref<50000x32xf32, #tpu.memory_space<hbm>> -> memref<50000x32xf32, #tpu.memory_space<hbm>>
      tpu.enqueue_indirect_dma source(%dma_start3A_1084 : memref<50000x32xf32, #tpu.memory_space<hbm>>) target(%arg9 : memref<400x32xf32, #tpu.memory_space<vmem>>) offsets(%dma_start3A_1077 : memref<400xi32, #tpu.memory_space<vmem>>) semaphore(%arg11 : memref<!tpu.dma_semaphore, #tpu.memory_space<semaphore_mem>>)
      %dma_start3A_1085 = arith.constant 0 : i32
      %dma_start3A_1086 = arith.constant 0 : i32
      %dma_start3A_1087 = tpu.memref_slice %arg7[%dma_start3A_1085, %dma_start3A_1086] : memref<2x400xi32, #tpu.memory_space<vmem>> -> memref<1x400xi32, #tpu.memory_space<vmem>>
      %dma_start3A_1088 = tpu.memref_squeeze %dma_start3A_1087 : memref<1x400xi32, #tpu.memory_space<vmem>> -> memref<400xi32, #tpu.memory_space<vmem>>
      %dma_start3A_1089 = arith.constant 0 : i32
      %dma_start3A_1090 = arith.constant 0 : i32
      %dma_start3A_1091 = tpu.memref_slice %arg10[%dma_start3A_1089, %dma_start3A_1090] : memref<50048x32xf32, #tpu.memory_space<vmem_shared>> -> memref<50048x32xf32, #tpu.memory_space<vmem_shared>>
      tpu.enqueue_indirect_dma source(%arg8 : memref<400x32xf32, #tpu.memory_space<vmem>>) target(%dma_start3A_1091 : memref<50048x32xf32, #tpu.memory_space<vmem_shared>>) offsets(%dma_start3A_1088 : memref<400xi32, #tpu.memory_space<vmem>>) semaphore(%arg12 : memref<!tpu.dma_semaphore, #tpu.memory_space<semaphore_mem>>) {add = true}
      %dma_wait3A_1092 = arith.constant 0 : i32
      %dma_wait3A_1093 = arith.constant 0 : i32
      %dma_wait3A_1094 = tpu.memref_slice %arg7[%dma_wait3A_1092, %dma_wait3A_1093] : memref<2x400xi32, #tpu.memory_space<vmem>> -> memref<1x400xi32, #tpu.memory_space<vmem>>
      %dma_wait3A_1095 = tpu.memref_squeeze %dma_wait3A_1094 : memref<1x400xi32, #tpu.memory_space<vmem>> -> memref<400xi32, #tpu.memory_space<vmem>>
      %dma_wait3A_1096 = arith.constant 0 : i32
      %dma_wait3A_1097 = arith.constant 0 : i32
      %dma_wait3A_1098 = tpu.memref_slice %arg10[%dma_wait3A_1096, %dma_wait3A_1097] : memref<50048x32xf32, #tpu.memory_space<vmem_shared>> -> memref<50048x32xf32, #tpu.memory_space<vmem_shared>>
      tpu.wait_indirect_dma semaphore(%arg12 : memref<!tpu.dma_semaphore, #tpu.memory_space<semaphore_mem>>) src(%arg8 : memref<400x32xf32, #tpu.memory_space<vmem>>) dst(%dma_wait3A_1098 : memref<50048x32xf32, #tpu.memory_space<vmem_shared>>)
      %add3A_1099 = arith.constant 2 : i32
      %add3A_1100 = arith.addi %mul3A_1030, %add3A_1099 : i32
      %dma_start3A_1101 = arith.constant 0 : i32
      %dma_start3A_1102 = arith.constant 0 : i32
      %dma_start3A_1103 = tpu.memref_slice %arg6[%dma_start3A_1101, %dma_start3A_1102] : memref<2x400xi32, #tpu.memory_space<vmem>> -> memref<1x400xi32, #tpu.memory_space<vmem>>
      %dma_start3A_1104 = tpu.memref_squeeze %dma_start3A_1103 : memref<1x400xi32, #tpu.memory_space<vmem>> -> memref<400xi32, #tpu.memory_space<vmem>>
      %dma_start3A_1105 = arith.constant 0 : i32
      %dma_start3A_1106 = tpu.memref_slice %arg2[%add3A, %add3A_1100, %dma_start3A_1105] : memref<32x125x400xi32, #tpu.memory_space<hbm>> -> memref<1x1x400xi32, #tpu.memory_space<hbm>>
      %dma_start3A_1107 = tpu.memref_squeeze %dma_start3A_1106 : memref<1x1x400xi32, #tpu.memory_space<hbm>> -> memref<400xi32, #tpu.memory_space<hbm>>
      %dma_start3A_1108 = arith.constant 0 : i32
      %dma_start3A_1109 = tpu.memref_slice %arg6[%dma_start3A_1101, %dma_start3A_1108] : memref<2x400xi32, #tpu.memory_space<vmem>> -> memref<1x400xi32, #tpu.memory_space<vmem>>
      %dma_start3A_1110 = tpu.memref_squeeze %dma_start3A_1109 : memref<1x400xi32, #tpu.memory_space<vmem>> -> memref<400xi32, #tpu.memory_space<vmem>>
      %dma_start3A_1111 = arith.constant 0 : i32
      %dma_start3A_1112 = tpu.memref_slice %arg2[%add3A, %add3A_1100, %dma_start3A_1111] : memref<32x125x400xi32, #tpu.memory_space<hbm>> -> memref<1x1x400xi32, #tpu.memory_space<hbm>>
      %dma_start3A_1113 = tpu.memref_squeeze %dma_start3A_1112 : memref<1x1x400xi32, #tpu.memory_space<hbm>> -> memref<400xi32, #tpu.memory_space<hbm>>
      tpu.enqueue_dma source(%dma_start3A_1113 : memref<400xi32, #tpu.memory_space<hbm>>) target(%dma_start3A_1110 : memref<400xi32, #tpu.memory_space<vmem>>) target_semaphore(%arg13 : memref<!tpu.dma_semaphore, #tpu.memory_space<semaphore_mem>>)
      %dma_start3A_1114 = arith.constant 0 : i32
      %dma_start3A_1115 = arith.constant 0 : i32
      %dma_start3A_1116 = tpu.memref_slice %arg7[%dma_start3A_1114, %dma_start3A_1115] : memref<2x400xi32, #tpu.memory_space<vmem>> -> memref<1x400xi32, #tpu.memory_space<vmem>>
      %dma_start3A_1117 = tpu.memref_squeeze %dma_start3A_1116 : memref<1x400xi32, #tpu.memory_space<vmem>> -> memref<400xi32, #tpu.memory_space<vmem>>
      %dma_start3A_1118 = arith.constant 0 : i32
      %dma_start3A_1119 = tpu.memref_slice %arg3[%add3A, %add3A_1100, %dma_start3A_1118] : memref<32x125x400xi32, #tpu.memory_space<hbm>> -> memref<1x1x400xi32, #tpu.memory_space<hbm>>
      %dma_start3A_1120 = tpu.memref_squeeze %dma_start3A_1119 : memref<1x1x400xi32, #tpu.memory_space<hbm>> -> memref<400xi32, #tpu.memory_space<hbm>>
      %dma_start3A_1121 = arith.constant 0 : i32
      %dma_start3A_1122 = tpu.memref_slice %arg7[%dma_start3A_1114, %dma_start3A_1121] : memref<2x400xi32, #tpu.memory_space<vmem>> -> memref<1x400xi32, #tpu.memory_space<vmem>>
      %dma_start3A_1123 = tpu.memref_squeeze %dma_start3A_1122 : memref<1x400xi32, #tpu.memory_space<vmem>> -> memref<400xi32, #tpu.memory_space<vmem>>
      %dma_start3A_1124 = arith.constant 0 : i32
      %dma_start3A_1125 = tpu.memref_slice %arg3[%add3A, %add3A_1100, %dma_start3A_1124] : memref<32x125x400xi32, #tpu.memory_space<hbm>> -> memref<1x1x400xi32, #tpu.memory_space<hbm>>
      %dma_start3A_1126 = tpu.memref_squeeze %dma_start3A_1125 : memref<1x1x400xi32, #tpu.memory_space<hbm>> -> memref<400xi32, #tpu.memory_space<hbm>>
      tpu.enqueue_dma source(%dma_start3A_1126 : memref<400xi32, #tpu.memory_space<hbm>>) target(%dma_start3A_1123 : memref<400xi32, #tpu.memory_space<vmem>>) target_semaphore(%arg13 : memref<!tpu.dma_semaphore, #tpu.memory_space<semaphore_mem>>)
      %add3A_1127 = arith.constant 1 : i32
      %add3A_1128 = arith.addi %mul3A_1030, %add3A_1127 : i32
      %dma_wait3A_1129 = arith.constant 2 : i32
      %dma_wait3A_1130 = arith.constant 1 : i32
      %dma_wait3A_1131 = arith.constant 0 : i32
      %dma_wait3A_1132 = tpu.memref_slice %arg6[%dma_wait3A_1130, %dma_wait3A_1131] : memref<2x400xi32, #tpu.memory_space<vmem>> -> memref<1x400xi32, #tpu.memory_space<vmem>>
      %dma_wait3A_1133 = tpu.memref_squeeze %dma_wait3A_1132 : memref<1x400xi32, #tpu.memory_space<vmem>> -> memref<400xi32, #tpu.memory_space<vmem>>
      %dma_wait3A_1134 = arith.constant 0 : i32
      %dma_wait3A_1135 = arith.constant 0 : i32
      %dma_wait3A_1136 = tpu.memref_slice %arg4[%dma_wait3A_1129, %dma_wait3A_1134, %dma_wait3A_1135] : memref<4x50000x32xf32, #tpu.memory_space<hbm>> -> memref<1x50000x32xf32, #tpu.memory_space<hbm>>
      %dma_wait3A_1137 = tpu.memref_squeeze %dma_wait3A_1136 : memref<1x50000x32xf32, #tpu.memory_space<hbm>> -> memref<50000x32xf32, #tpu.memory_space<hbm>>
      %dma_wait3A_1138 = arith.constant 0 : i32
      %dma_wait3A_1139 = arith.constant 0 : i32
      %dma_wait3A_1140 = tpu.memref_slice %dma_wait3A_1137[%dma_wait3A_1138, %dma_wait3A_1139] : memref<50000x32xf32, #tpu.memory_space<hbm>> -> memref<50000x32xf32, #tpu.memory_space<hbm>>
      tpu.wait_indirect_dma semaphore(%arg11 : memref<!tpu.dma_semaphore, #tpu.memory_space<semaphore_mem>>) src(%dma_wait3A_1140 : memref<50000x32xf32, #tpu.memory_space<hbm>>) dst(%arg9 : memref<400x32xf32, #tpu.memory_space<vmem>>)
      %add3A_1141 = arith.constant 2 : i32
      %add3A_1142 = arith.addi %mul3A_1030, %add3A_1141 : i32
      %dma_wait3A_1143 = arith.constant 0 : i32
      %dma_wait3A_1144 = arith.constant 0 : i32
      %dma_wait3A_1145 = tpu.memref_slice %arg6[%dma_wait3A_1143, %dma_wait3A_1144] : memref<2x400xi32, #tpu.memory_space<vmem>> -> memref<1x400xi32, #tpu.memory_space<vmem>>
      %dma_wait3A_1146 = tpu.memref_squeeze %dma_wait3A_1145 : memref<1x400xi32, #tpu.memory_space<vmem>> -> memref<400xi32, #tpu.memory_space<vmem>>
      %dma_wait3A_1147 = arith.constant 0 : i32
      %dma_wait3A_1148 = tpu.memref_slice %arg2[%add3A, %add3A_1142, %dma_wait3A_1147] : memref<32x125x400xi32, #tpu.memory_space<hbm>> -> memref<1x1x400xi32, #tpu.memory_space<hbm>>
      %dma_wait3A_1149 = tpu.memref_squeeze %dma_wait3A_1148 : memref<1x1x400xi32, #tpu.memory_space<hbm>> -> memref<400xi32, #tpu.memory_space<hbm>>
      %dma_wait3A_1150 = arith.constant 0 : i32
      %dma_wait3A_1151 = tpu.memref_slice %arg6[%dma_wait3A_1143, %dma_wait3A_1150] : memref<2x400xi32, #tpu.memory_space<vmem>> -> memref<1x400xi32, #tpu.memory_space<vmem>>
      %dma_wait3A_1152 = tpu.memref_squeeze %dma_wait3A_1151 : memref<1x400xi32, #tpu.memory_space<vmem>> -> memref<400xi32, #tpu.memory_space<vmem>>
      %dma_wait3A_1153 = arith.constant 0 : i32
      %dma_wait3A_1154 = tpu.memref_slice %arg2[%add3A, %add3A_1142, %dma_wait3A_1153] : memref<32x125x400xi32, #tpu.memory_space<hbm>> -> memref<1x1x400xi32, #tpu.memory_space<hbm>>
      %dma_wait3A_1155 = tpu.memref_squeeze %dma_wait3A_1154 : memref<1x1x400xi32, #tpu.memory_space<hbm>> -> memref<400xi32, #tpu.memory_space<hbm>>
      tpu.wait_dma2 semaphore(%arg13 : memref<!tpu.dma_semaphore, #tpu.memory_space<semaphore_mem>>) src(%dma_wait3A_1155 : memref<400xi32, #tpu.memory_space<hbm>>) dst(%dma_wait3A_1152 : memref<400xi32, #tpu.memory_space<vmem>>)
      %dma_wait3A_1156 = arith.constant 0 : i32
      %dma_wait3A_1157 = arith.constant 0 : i32
      %dma_wait3A_1158 = tpu.memref_slice %arg7[%dma_wait3A_1156, %dma_wait3A_1157] : memref<2x400xi32, #tpu.memory_space<vmem>> -> memref<1x400xi32, #tpu.memory_space<vmem>>
      %dma_wait3A_1159 = tpu.memref_squeeze %dma_wait3A_1158 : memref<1x400xi32, #tpu.memory_space<vmem>> -> memref<400xi32, #tpu.memory_space<vmem>>
      %dma_wait3A_1160 = arith.constant 0 : i32
      %dma_wait3A_1161 = tpu.memref_slice %arg3[%add3A, %add3A_1142, %dma_wait3A_1160] : memref<32x125x400xi32, #tpu.memory_space<hbm>> -> memref<1x1x400xi32, #tpu.memory_space<hbm>>
      %dma_wait3A_1162 = tpu.memref_squeeze %dma_wait3A_1161 : memref<1x1x400xi32, #tpu.memory_space<hbm>> -> memref<400xi32, #tpu.memory_space<hbm>>
      %dma_wait3A_1163 = arith.constant 0 : i32
      %dma_wait3A_1164 = tpu.memref_slice %arg7[%dma_wait3A_1156, %dma_wait3A_1163] : memref<2x400xi32, #tpu.memory_space<vmem>> -> memref<1x400xi32, #tpu.memory_space<vmem>>
      %dma_wait3A_1165 = tpu.memref_squeeze %dma_wait3A_1164 : memref<1x400xi32, #tpu.memory_space<vmem>> -> memref<400xi32, #tpu.memory_space<vmem>>
      %dma_wait3A_1166 = arith.constant 0 : i32
      %dma_wait3A_1167 = tpu.memref_slice %arg3[%add3A, %add3A_1142, %dma_wait3A_1166] : memref<32x125x400xi32, #tpu.memory_space<hbm>> -> memref<1x1x400xi32, #tpu.memory_space<hbm>>
      %dma_wait3A_1168 = tpu.memref_squeeze %dma_wait3A_1167 : memref<1x1x400xi32, #tpu.memory_space<hbm>> -> memref<400xi32, #tpu.memory_space<hbm>>
      tpu.wait_dma2 semaphore(%arg13 : memref<!tpu.dma_semaphore, #tpu.memory_space<semaphore_mem>>) src(%dma_wait3A_1168 : memref<400xi32, #tpu.memory_space<hbm>>) dst(%dma_wait3A_1165 : memref<400xi32, #tpu.memory_space<vmem>>)
      %add3A_1169 = arith.constant 2 : i32
      %add3A_1170 = arith.addi %mul3A_1030, %add3A_1169 : i32
      %dma_start3A_1171 = arith.constant 2 : i32
      %dma_start3A_1172 = arith.constant 0 : i32
      %dma_start3A_1173 = arith.constant 0 : i32
      %dma_start3A_1174 = tpu.memref_slice %arg6[%dma_start3A_1172, %dma_start3A_1173] : memref<2x400xi32, #tpu.memory_space<vmem>> -> memref<1x400xi32, #tpu.memory_space<vmem>>
      %dma_start3A_1175 = tpu.memref_squeeze %dma_start3A_1174 : memref<1x400xi32, #tpu.memory_space<vmem>> -> memref<400xi32, #tpu.memory_space<vmem>>
      %dma_start3A_1176 = arith.constant 0 : i32
      %dma_start3A_1177 = arith.constant 0 : i32
      %dma_start3A_1178 = tpu.memref_slice %arg4[%dma_start3A_1171, %dma_start3A_1176, %dma_start3A_1177] : memref<4x50000x32xf32, #tpu.memory_space<hbm>> -> memref<1x50000x32xf32, #tpu.memory_space<hbm>>
      %dma_start3A_1179 = tpu.memref_squeeze %dma_start3A_1178 : memref<1x50000x32xf32, #tpu.memory_space<hbm>> -> memref<50000x32xf32, #tpu.memory_space<hbm>>
      %dma_start3A_1180 = arith.constant 0 : i32
      %dma_start3A_1181 = arith.constant 0 : i32
      %dma_start3A_1182 = tpu.memref_slice %dma_start3A_1179[%dma_start3A_1180, %dma_start3A_1181] : memref<50000x32xf32, #tpu.memory_space<hbm>> -> memref<50000x32xf32, #tpu.memory_space<hbm>>
      tpu.enqueue_indirect_dma source(%dma_start3A_1182 : memref<50000x32xf32, #tpu.memory_space<hbm>>) target(%arg8 : memref<400x32xf32, #tpu.memory_space<vmem>>) offsets(%dma_start3A_1175 : memref<400xi32, #tpu.memory_space<vmem>>) semaphore(%arg11 : memref<!tpu.dma_semaphore, #tpu.memory_space<semaphore_mem>>)
      %add3A_1183 = arith.constant 1 : i32
      %add3A_1184 = arith.addi %mul3A_1030, %add3A_1183 : i32
      %dma_start3A_1185 = arith.constant 1 : i32
      %dma_start3A_1186 = arith.constant 0 : i32
      %dma_start3A_1187 = tpu.memref_slice %arg7[%dma_start3A_1185, %dma_start3A_1186] : memref<2x400xi32, #tpu.memory_space<vmem>> -> memref<1x400xi32, #tpu.memory_space<vmem>>
      %dma_start3A_1188 = tpu.memref_squeeze %dma_start3A_1187 : memref<1x400xi32, #tpu.memory_space<vmem>> -> memref<400xi32, #tpu.memory_space<vmem>>
      %dma_start3A_1189 = arith.constant 0 : i32
      %dma_start3A_1190 = arith.constant 0 : i32
      %dma_start3A_1191 = tpu.memref_slice %arg10[%dma_start3A_1189, %dma_start3A_1190] : memref<50048x32xf32, #tpu.memory_space<vmem_shared>> -> memref<50048x32xf32, #tpu.memory_space<vmem_shared>>
      tpu.enqueue_indirect_dma source(%arg9 : memref<400x32xf32, #tpu.memory_space<vmem>>) target(%dma_start3A_1191 : memref<50048x32xf32, #tpu.memory_space<vmem_shared>>) offsets(%dma_start3A_1188 : memref<400xi32, #tpu.memory_space<vmem>>) semaphore(%arg12 : memref<!tpu.dma_semaphore, #tpu.memory_space<semaphore_mem>>) {add = true}
      %add3A_1192 = arith.constant 1 : i32
      %add3A_1193 = arith.addi %mul3A_1030, %add3A_1192 : i32
      %dma_wait3A_1194 = arith.constant 1 : i32
      %dma_wait3A_1195 = arith.constant 0 : i32
      %dma_wait3A_1196 = tpu.memref_slice %arg7[%dma_wait3A_1194, %dma_wait3A_1195] : memref<2x400xi32, #tpu.memory_space<vmem>> -> memref<1x400xi32, #tpu.memory_space<vmem>>
      %dma_wait3A_1197 = tpu.memref_squeeze %dma_wait3A_1196 : memref<1x400xi32, #tpu.memory_space<vmem>> -> memref<400xi32, #tpu.memory_space<vmem>>
      %dma_wait3A_1198 = arith.constant 0 : i32
      %dma_wait3A_1199 = arith.constant 0 : i32
      %dma_wait3A_1200 = tpu.memref_slice %arg10[%dma_wait3A_1198, %dma_wait3A_1199] : memref<50048x32xf32, #tpu.memory_space<vmem_shared>> -> memref<50048x32xf32, #tpu.memory_space<vmem_shared>>
      tpu.wait_indirect_dma semaphore(%arg12 : memref<!tpu.dma_semaphore, #tpu.memory_space<semaphore_mem>>) src(%arg9 : memref<400x32xf32, #tpu.memory_space<vmem>>) dst(%dma_wait3A_1200 : memref<50048x32xf32, #tpu.memory_space<vmem_shared>>)
      %add3A_1201 = arith.constant 3 : i32
      %add3A_1202 = arith.addi %mul3A_1030, %add3A_1201 : i32
      %dma_start3A_1203 = arith.constant 1 : i32
      %dma_start3A_1204 = arith.constant 0 : i32
      %dma_start3A_1205 = tpu.memref_slice %arg6[%dma_start3A_1203, %dma_start3A_1204] : memref<2x400xi32, #tpu.memory_space<vmem>> -> memref<1x400xi32, #tpu.memory_space<vmem>>
      %dma_start3A_1206 = tpu.memref_squeeze %dma_start3A_1205 : memref<1x400xi32, #tpu.memory_space<vmem>> -> memref<400xi32, #tpu.memory_space<vmem>>
      %dma_start3A_1207 = arith.constant 0 : i32
      %dma_start3A_1208 = tpu.memref_slice %arg2[%add3A, %add3A_1202, %dma_start3A_1207] : memref<32x125x400xi32, #tpu.memory_space<hbm>> -> memref<1x1x400xi32, #tpu.memory_space<hbm>>
      %dma_start3A_1209 = tpu.memref_squeeze %dma_start3A_1208 : memref<1x1x400xi32, #tpu.memory_space<hbm>> -> memref<400xi32, #tpu.memory_space<hbm>>
      %dma_start3A_1210 = arith.constant 0 : i32
      %dma_start3A_1211 = tpu.memref_slice %arg6[%dma_start3A_1203, %dma_start3A_1210] : memref<2x400xi32, #tpu.memory_space<vmem>> -> memref<1x400xi32, #tpu.memory_space<vmem>>
      %dma_start3A_1212 = tpu.memref_squeeze %dma_start3A_1211 : memref<1x400xi32, #tpu.memory_space<vmem>> -> memref<400xi32, #tpu.memory_space<vmem>>
      %dma_start3A_1213 = arith.constant 0 : i32
      %dma_start3A_1214 = tpu.memref_slice %arg2[%add3A, %add3A_1202, %dma_start3A_1213] : memref<32x125x400xi32, #tpu.memory_space<hbm>> -> memref<1x1x400xi32, #tpu.memory_space<hbm>>
      %dma_start3A_1215 = tpu.memref_squeeze %dma_start3A_1214 : memref<1x1x400xi32, #tpu.memory_space<hbm>> -> memref<400xi32, #tpu.memory_space<hbm>>
      tpu.enqueue_dma source(%dma_start3A_1215 : memref<400xi32, #tpu.memory_space<hbm>>) target(%dma_start3A_1212 : memref<400xi32, #tpu.memory_space<vmem>>) target_semaphore(%arg13 : memref<!tpu.dma_semaphore, #tpu.memory_space<semaphore_mem>>)
      %dma_start3A_1216 = arith.constant 1 : i32
      %dma_start3A_1217 = arith.constant 0 : i32
      %dma_start3A_1218 = tpu.memref_slice %arg7[%dma_start3A_1216, %dma_start3A_1217] : memref<2x400xi32, #tpu.memory_space<vmem>> -> memref<1x400xi32, #tpu.memory_space<vmem>>
      %dma_start3A_1219 = tpu.memref_squeeze %dma_start3A_1218 : memref<1x400xi32, #tpu.memory_space<vmem>> -> memref<400xi32, #tpu.memory_space<vmem>>
      %dma_start3A_1220 = arith.constant 0 : i32
      %dma_start3A_1221 = tpu.memref_slice %arg3[%add3A, %add3A_1202, %dma_start3A_1220] : memref<32x125x400xi32, #tpu.memory_space<hbm>> -> memref<1x1x400xi32, #tpu.memory_space<hbm>>
      %dma_start3A_1222 = tpu.memref_squeeze %dma_start3A_1221 : memref<1x1x400xi32, #tpu.memory_space<hbm>> -> memref<400xi32, #tpu.memory_space<hbm>>
      %dma_start3A_1223 = arith.constant 0 : i32
      %dma_start3A_1224 = tpu.memref_slice %arg7[%dma_start3A_1216, %dma_start3A_1223] : memref<2x400xi32, #tpu.memory_space<vmem>> -> memref<1x400xi32, #tpu.memory_space<vmem>>
      %dma_start3A_1225 = tpu.memref_squeeze %dma_start3A_1224 : memref<1x400xi32, #tpu.memory_space<vmem>> -> memref<400xi32, #tpu.memory_space<vmem>>
      %dma_start3A_1226 = arith.constant 0 : i32
      %dma_start3A_1227 = tpu.memref_slice %arg3[%add3A, %add3A_1202, %dma_start3A_1226] : memref<32x125x400xi32, #tpu.memory_space<hbm>> -> memref<1x1x400xi32, #tpu.memory_space<hbm>>
      %dma_start3A_1228 = tpu.memref_squeeze %dma_start3A_1227 : memref<1x1x400xi32, #tpu.memory_space<hbm>> -> memref<400xi32, #tpu.memory_space<hbm>>
      tpu.enqueue_dma source(%dma_start3A_1228 : memref<400xi32, #tpu.memory_space<hbm>>) target(%dma_start3A_1225 : memref<400xi32, #tpu.memory_space<vmem>>) target_semaphore(%arg13 : memref<!tpu.dma_semaphore, #tpu.memory_space<semaphore_mem>>)
    }
    %scan3A_573 = arith.constant 61 : i32
    %dma_wait3A_574 = arith.constant 2 : i32
    %dma_wait3A_575 = arith.constant 0 : i32
    %dma_wait3A_576 = arith.constant 0 : i32
    %dma_wait3A_577 = tpu.memref_slice %arg6[%dma_wait3A_575, %dma_wait3A_576] : memref<2x400xi32, #tpu.memory_space<vmem>> -> memref<1x400xi32, #tpu.memory_space<vmem>>
    %dma_wait3A_578 = tpu.memref_squeeze %dma_wait3A_577 : memref<1x400xi32, #tpu.memory_space<vmem>> -> memref<400xi32, #tpu.memory_space<vmem>>
    %dma_wait3A_579 = arith.constant 0 : i32
    %dma_wait3A_580 = arith.constant 0 : i32
    %dma_wait3A_581 = tpu.memref_slice %arg4[%dma_wait3A_574, %dma_wait3A_579, %dma_wait3A_580] : memref<4x50000x32xf32, #tpu.memory_space<hbm>> -> memref<1x50000x32xf32, #tpu.memory_space<hbm>>
    %dma_wait3A_582 = tpu.memref_squeeze %dma_wait3A_581 : memref<1x50000x32xf32, #tpu.memory_space<hbm>> -> memref<50000x32xf32, #tpu.memory_space<hbm>>
    %dma_wait3A_583 = arith.constant 0 : i32
    %dma_wait3A_584 = arith.constant 0 : i32
    %dma_wait3A_585 = tpu.memref_slice %dma_wait3A_582[%dma_wait3A_583, %dma_wait3A_584] : memref<50000x32xf32, #tpu.memory_space<hbm>> -> memref<50000x32xf32, #tpu.memory_space<hbm>>
    tpu.wait_indirect_dma semaphore(%arg11 : memref<!tpu.dma_semaphore, #tpu.memory_space<semaphore_mem>>) src(%dma_wait3A_585 : memref<50000x32xf32, #tpu.memory_space<hbm>>) dst(%arg8 : memref<400x32xf32, #tpu.memory_space<vmem>>)
    %dma_wait3A_586 = arith.constant 123 : i32
    %dma_wait3A_587 = arith.constant 1 : i32
    %dma_wait3A_588 = arith.constant 0 : i32
    %dma_wait3A_589 = tpu.memref_slice %arg6[%dma_wait3A_587, %dma_wait3A_588] : memref<2x400xi32, #tpu.memory_space<vmem>> -> memref<1x400xi32, #tpu.memory_space<vmem>>
    %dma_wait3A_590 = tpu.memref_squeeze %dma_wait3A_589 : memref<1x400xi32, #tpu.memory_space<vmem>> -> memref<400xi32, #tpu.memory_space<vmem>>
    %dma_wait3A_591 = arith.constant 0 : i32
    %dma_wait3A_592 = tpu.memref_slice %arg2[%add3A, %dma_wait3A_586, %dma_wait3A_591] : memref<32x125x400xi32, #tpu.memory_space<hbm>> -> memref<1x1x400xi32, #tpu.memory_space<hbm>>
    %dma_wait3A_593 = tpu.memref_squeeze %dma_wait3A_592 : memref<1x1x400xi32, #tpu.memory_space<hbm>> -> memref<400xi32, #tpu.memory_space<hbm>>
    %dma_wait3A_594 = arith.constant 0 : i32
    %dma_wait3A_595 = tpu.memref_slice %arg6[%dma_wait3A_587, %dma_wait3A_594] : memref<2x400xi32, #tpu.memory_space<vmem>> -> memref<1x400xi32, #tpu.memory_space<vmem>>
    %dma_wait3A_596 = tpu.memref_squeeze %dma_wait3A_595 : memref<1x400xi32, #tpu.memory_space<vmem>> -> memref<400xi32, #tpu.memory_space<vmem>>
    %dma_wait3A_597 = arith.constant 0 : i32
    %dma_wait3A_598 = tpu.memref_slice %arg2[%add3A, %dma_wait3A_586, %dma_wait3A_597] : memref<32x125x400xi32, #tpu.memory_space<hbm>> -> memref<1x1x400xi32, #tpu.memory_space<hbm>>
    %dma_wait3A_599 = tpu.memref_squeeze %dma_wait3A_598 : memref<1x1x400xi32, #tpu.memory_space<hbm>> -> memref<400xi32, #tpu.memory_space<hbm>>
    tpu.wait_dma2 semaphore(%arg13 : memref<!tpu.dma_semaphore, #tpu.memory_space<semaphore_mem>>) src(%dma_wait3A_599 : memref<400xi32, #tpu.memory_space<hbm>>) dst(%dma_wait3A_596 : memref<400xi32, #tpu.memory_space<vmem>>)
    %dma_wait3A_600 = arith.constant 123 : i32
    %dma_wait3A_601 = arith.constant 1 : i32
    %dma_wait3A_602 = arith.constant 0 : i32
    %dma_wait3A_603 = tpu.memref_slice %arg7[%dma_wait3A_601, %dma_wait3A_602] : memref<2x400xi32, #tpu.memory_space<vmem>> -> memref<1x400xi32, #tpu.memory_space<vmem>>
    %dma_wait3A_604 = tpu.memref_squeeze %dma_wait3A_603 : memref<1x400xi32, #tpu.memory_space<vmem>> -> memref<400xi32, #tpu.memory_space<vmem>>
    %dma_wait3A_605 = arith.constant 0 : i32
    %dma_wait3A_606 = tpu.memref_slice %arg3[%add3A, %dma_wait3A_600, %dma_wait3A_605] : memref<32x125x400xi32, #tpu.memory_space<hbm>> -> memref<1x1x400xi32, #tpu.memory_space<hbm>>
    %dma_wait3A_607 = tpu.memref_squeeze %dma_wait3A_606 : memref<1x1x400xi32, #tpu.memory_space<hbm>> -> memref<400xi32, #tpu.memory_space<hbm>>
    %dma_wait3A_608 = arith.constant 0 : i32
    %dma_wait3A_609 = tpu.memref_slice %arg7[%dma_wait3A_601, %dma_wait3A_608] : memref<2x400xi32, #tpu.memory_space<vmem>> -> memref<1x400xi32, #tpu.memory_space<vmem>>
    %dma_wait3A_610 = tpu.memref_squeeze %dma_wait3A_609 : memref<1x400xi32, #tpu.memory_space<vmem>> -> memref<400xi32, #tpu.memory_space<vmem>>
    %dma_wait3A_611 = arith.constant 0 : i32
    %dma_wait3A_612 = tpu.memref_slice %arg3[%add3A, %dma_wait3A_600, %dma_wait3A_611] : memref<32x125x400xi32, #tpu.memory_space<hbm>> -> memref<1x1x400xi32, #tpu.memory_space<hbm>>
    %dma_wait3A_613 = tpu.memref_squeeze %dma_wait3A_612 : memref<1x1x400xi32, #tpu.memory_space<hbm>> -> memref<400xi32, #tpu.memory_space<hbm>>
    tpu.wait_dma2 semaphore(%arg13 : memref<!tpu.dma_semaphore, #tpu.memory_space<semaphore_mem>>) src(%dma_wait3A_613 : memref<400xi32, #tpu.memory_space<hbm>>) dst(%dma_wait3A_610 : memref<400xi32, #tpu.memory_space<vmem>>)
    %dma_start3A_614 = arith.constant 2 : i32
    %dma_start3A_615 = arith.constant 1 : i32
    %dma_start3A_616 = arith.constant 0 : i32
    %dma_start3A_617 = tpu.memref_slice %arg6[%dma_start3A_615, %dma_start3A_616] : memref<2x400xi32, #tpu.memory_space<vmem>> -> memref<1x400xi32, #tpu.memory_space<vmem>>
    %dma_start3A_618 = tpu.memref_squeeze %dma_start3A_617 : memref<1x400xi32, #tpu.memory_space<vmem>> -> memref<400xi32, #tpu.memory_space<vmem>>
    %dma_start3A_619 = arith.constant 0 : i32
    %dma_start3A_620 = arith.constant 0 : i32
    %dma_start3A_621 = tpu.memref_slice %arg4[%dma_start3A_614, %dma_start3A_619, %dma_start3A_620] : memref<4x50000x32xf32, #tpu.memory_space<hbm>> -> memref<1x50000x32xf32, #tpu.memory_space<hbm>>
    %dma_start3A_622 = tpu.memref_squeeze %dma_start3A_621 : memref<1x50000x32xf32, #tpu.memory_space<hbm>> -> memref<50000x32xf32, #tpu.memory_space<hbm>>
    %dma_start3A_623 = arith.constant 0 : i32
    %dma_start3A_624 = arith.constant 0 : i32
    %dma_start3A_625 = tpu.memref_slice %dma_start3A_622[%dma_start3A_623, %dma_start3A_624] : memref<50000x32xf32, #tpu.memory_space<hbm>> -> memref<50000x32xf32, #tpu.memory_space<hbm>>
    tpu.enqueue_indirect_dma source(%dma_start3A_625 : memref<50000x32xf32, #tpu.memory_space<hbm>>) target(%arg9 : memref<400x32xf32, #tpu.memory_space<vmem>>) offsets(%dma_start3A_618 : memref<400xi32, #tpu.memory_space<vmem>>) semaphore(%arg11 : memref<!tpu.dma_semaphore, #tpu.memory_space<semaphore_mem>>)
    %dma_start3A_626 = arith.constant 0 : i32
    %dma_start3A_627 = arith.constant 0 : i32
    %dma_start3A_628 = tpu.memref_slice %arg7[%dma_start3A_626, %dma_start3A_627] : memref<2x400xi32, #tpu.memory_space<vmem>> -> memref<1x400xi32, #tpu.memory_space<vmem>>
    %dma_start3A_629 = tpu.memref_squeeze %dma_start3A_628 : memref<1x400xi32, #tpu.memory_space<vmem>> -> memref<400xi32, #tpu.memory_space<vmem>>
    %dma_start3A_630 = arith.constant 0 : i32
    %dma_start3A_631 = arith.constant 0 : i32
    %dma_start3A_632 = tpu.memref_slice %arg10[%dma_start3A_630, %dma_start3A_631] : memref<50048x32xf32, #tpu.memory_space<vmem_shared>> -> memref<50048x32xf32, #tpu.memory_space<vmem_shared>>
    tpu.enqueue_indirect_dma source(%arg8 : memref<400x32xf32, #tpu.memory_space<vmem>>) target(%dma_start3A_632 : memref<50048x32xf32, #tpu.memory_space<vmem_shared>>) offsets(%dma_start3A_629 : memref<400xi32, #tpu.memory_space<vmem>>) semaphore(%arg12 : memref<!tpu.dma_semaphore, #tpu.memory_space<semaphore_mem>>) {add = true}
    %dma_wait3A_633 = arith.constant 0 : i32
    %dma_wait3A_634 = arith.constant 0 : i32
    %dma_wait3A_635 = tpu.memref_slice %arg7[%dma_wait3A_633, %dma_wait3A_634] : memref<2x400xi32, #tpu.memory_space<vmem>> -> memref<1x400xi32, #tpu.memory_space<vmem>>
    %dma_wait3A_636 = tpu.memref_squeeze %dma_wait3A_635 : memref<1x400xi32, #tpu.memory_space<vmem>> -> memref<400xi32, #tpu.memory_space<vmem>>
    %dma_wait3A_637 = arith.constant 0 : i32
    %dma_wait3A_638 = arith.constant 0 : i32
    %dma_wait3A_639 = tpu.memref_slice %arg10[%dma_wait3A_637, %dma_wait3A_638] : memref<50048x32xf32, #tpu.memory_space<vmem_shared>> -> memref<50048x32xf32, #tpu.memory_space<vmem_shared>>
    tpu.wait_indirect_dma semaphore(%arg12 : memref<!tpu.dma_semaphore, #tpu.memory_space<semaphore_mem>>) src(%arg8 : memref<400x32xf32, #tpu.memory_space<vmem>>) dst(%dma_wait3A_639 : memref<50048x32xf32, #tpu.memory_space<vmem_shared>>)
    %dma_start3A_640 = arith.constant 124 : i32
    %dma_start3A_641 = arith.constant 0 : i32
    %dma_start3A_642 = arith.constant 0 : i32
    %dma_start3A_643 = tpu.memref_slice %arg6[%dma_start3A_641, %dma_start3A_642] : memref<2x400xi32, #tpu.memory_space<vmem>> -> memref<1x400xi32, #tpu.memory_space<vmem>>
    %dma_start3A_644 = tpu.memref_squeeze %dma_start3A_643 : memref<1x400xi32, #tpu.memory_space<vmem>> -> memref<400xi32, #tpu.memory_space<vmem>>
    %dma_start3A_645 = arith.constant 0 : i32
    %dma_start3A_646 = tpu.memref_slice %arg2[%add3A, %dma_start3A_640, %dma_start3A_645] : memref<32x125x400xi32, #tpu.memory_space<hbm>> -> memref<1x1x400xi32, #tpu.memory_space<hbm>>
    %dma_start3A_647 = tpu.memref_squeeze %dma_start3A_646 : memref<1x1x400xi32, #tpu.memory_space<hbm>> -> memref<400xi32, #tpu.memory_space<hbm>>
    %dma_start3A_648 = arith.constant 0 : i32
    %dma_start3A_649 = tpu.memref_slice %arg6[%dma_start3A_641, %dma_start3A_648] : memref<2x400xi32, #tpu.memory_space<vmem>> -> memref<1x400xi32, #tpu.memory_space<vmem>>
    %dma_start3A_650 = tpu.memref_squeeze %dma_start3A_649 : memref<1x400xi32, #tpu.memory_space<vmem>> -> memref<400xi32, #tpu.memory_space<vmem>>
    %dma_start3A_651 = arith.constant 0 : i32
    %dma_start3A_652 = tpu.memref_slice %arg2[%add3A, %dma_start3A_640, %dma_start3A_651] : memref<32x125x400xi32, #tpu.memory_space<hbm>> -> memref<1x1x400xi32, #tpu.memory_space<hbm>>
    %dma_start3A_653 = tpu.memref_squeeze %dma_start3A_652 : memref<1x1x400xi32, #tpu.memory_space<hbm>> -> memref<400xi32, #tpu.memory_space<hbm>>
    tpu.enqueue_dma source(%dma_start3A_653 : memref<400xi32, #tpu.memory_space<hbm>>) target(%dma_start3A_650 : memref<400xi32, #tpu.memory_space<vmem>>) target_semaphore(%arg13 : memref<!tpu.dma_semaphore, #tpu.memory_space<semaphore_mem>>)
    %dma_start3A_654 = arith.constant 124 : i32
    %dma_start3A_655 = arith.constant 0 : i32
    %dma_start3A_656 = arith.constant 0 : i32
    %dma_start3A_657 = tpu.memref_slice %arg7[%dma_start3A_655, %dma_start3A_656] : memref<2x400xi32, #tpu.memory_space<vmem>> -> memref<1x400xi32, #tpu.memory_space<vmem>>
    %dma_start3A_658 = tpu.memref_squeeze %dma_start3A_657 : memref<1x400xi32, #tpu.memory_space<vmem>> -> memref<400xi32, #tpu.memory_space<vmem>>
    %dma_start3A_659 = arith.constant 0 : i32
    %dma_start3A_660 = tpu.memref_slice %arg3[%add3A, %dma_start3A_654, %dma_start3A_659] : memref<32x125x400xi32, #tpu.memory_space<hbm>> -> memref<1x1x400xi32, #tpu.memory_space<hbm>>
    %dma_start3A_661 = tpu.memref_squeeze %dma_start3A_660 : memref<1x1x400xi32, #tpu.memory_space<hbm>> -> memref<400xi32, #tpu.memory_space<hbm>>
    %dma_start3A_662 = arith.constant 0 : i32
    %dma_start3A_663 = tpu.memref_slice %arg7[%dma_start3A_655, %dma_start3A_662] : memref<2x400xi32, #tpu.memory_space<vmem>> -> memref<1x400xi32, #tpu.memory_space<vmem>>
    %dma_start3A_664 = tpu.memref_squeeze %dma_start3A_663 : memref<1x400xi32, #tpu.memory_space<vmem>> -> memref<400xi32, #tpu.memory_space<vmem>>
    %dma_start3A_665 = arith.constant 0 : i32
    %dma_start3A_666 = tpu.memref_slice %arg3[%add3A, %dma_start3A_654, %dma_start3A_665] : memref<32x125x400xi32, #tpu.memory_space<hbm>> -> memref<1x1x400xi32, #tpu.memory_space<hbm>>
    %dma_start3A_667 = tpu.memref_squeeze %dma_start3A_666 : memref<1x1x400xi32, #tpu.memory_space<hbm>> -> memref<400xi32, #tpu.memory_space<hbm>>
    tpu.enqueue_dma source(%dma_start3A_667 : memref<400xi32, #tpu.memory_space<hbm>>) target(%dma_start3A_664 : memref<400xi32, #tpu.memory_space<vmem>>) target_semaphore(%arg13 : memref<!tpu.dma_semaphore, #tpu.memory_space<semaphore_mem>>)
    %dma_wait3A_668 = arith.constant 2 : i32
    %dma_wait3A_669 = arith.constant 1 : i32
    %dma_wait3A_670 = arith.constant 0 : i32
    %dma_wait3A_671 = tpu.memref_slice %arg6[%dma_wait3A_669, %dma_wait3A_670] : memref<2x400xi32, #tpu.memory_space<vmem>> -> memref<1x400xi32, #tpu.memory_space<vmem>>
    %dma_wait3A_672 = tpu.memref_squeeze %dma_wait3A_671 : memref<1x400xi32, #tpu.memory_space<vmem>> -> memref<400xi32, #tpu.memory_space<vmem>>
    %dma_wait3A_673 = arith.constant 0 : i32
    %dma_wait3A_674 = arith.constant 0 : i32
    %dma_wait3A_675 = tpu.memref_slice %arg4[%dma_wait3A_668, %dma_wait3A_673, %dma_wait3A_674] : memref<4x50000x32xf32, #tpu.memory_space<hbm>> -> memref<1x50000x32xf32, #tpu.memory_space<hbm>>
    %dma_wait3A_676 = tpu.memref_squeeze %dma_wait3A_675 : memref<1x50000x32xf32, #tpu.memory_space<hbm>> -> memref<50000x32xf32, #tpu.memory_space<hbm>>
    %dma_wait3A_677 = arith.constant 0 : i32
    %dma_wait3A_678 = arith.constant 0 : i32
    %dma_wait3A_679 = tpu.memref_slice %dma_wait3A_676[%dma_wait3A_677, %dma_wait3A_678] : memref<50000x32xf32, #tpu.memory_space<hbm>> -> memref<50000x32xf32, #tpu.memory_space<hbm>>
    tpu.wait_indirect_dma semaphore(%arg11 : memref<!tpu.dma_semaphore, #tpu.memory_space<semaphore_mem>>) src(%dma_wait3A_679 : memref<50000x32xf32, #tpu.memory_space<hbm>>) dst(%arg9 : memref<400x32xf32, #tpu.memory_space<vmem>>)
    %dma_wait3A_680 = arith.constant 124 : i32
    %dma_wait3A_681 = arith.constant 0 : i32
    %dma_wait3A_682 = arith.constant 0 : i32
    %dma_wait3A_683 = tpu.memref_slice %arg6[%dma_wait3A_681, %dma_wait3A_682] : memref<2x400xi32, #tpu.memory_space<vmem>> -> memref<1x400xi32, #tpu.memory_space<vmem>>
    %dma_wait3A_684 = tpu.memref_squeeze %dma_wait3A_683 : memref<1x400xi32, #tpu.memory_space<vmem>> -> memref<400xi32, #tpu.memory_space<vmem>>
    %dma_wait3A_685 = arith.constant 0 : i32
    %dma_wait3A_686 = tpu.memref_slice %arg2[%add3A, %dma_wait3A_680, %dma_wait3A_685] : memref<32x125x400xi32, #tpu.memory_space<hbm>> -> memref<1x1x400xi32, #tpu.memory_space<hbm>>
    %dma_wait3A_687 = tpu.memref_squeeze %dma_wait3A_686 : memref<1x1x400xi32, #tpu.memory_space<hbm>> -> memref<400xi32, #tpu.memory_space<hbm>>
    %dma_wait3A_688 = arith.constant 0 : i32
    %dma_wait3A_689 = tpu.memref_slice %arg6[%dma_wait3A_681, %dma_wait3A_688] : memref<2x400xi32, #tpu.memory_space<vmem>> -> memref<1x400xi32, #tpu.memory_space<vmem>>
    %dma_wait3A_690 = tpu.memref_squeeze %dma_wait3A_689 : memref<1x400xi32, #tpu.memory_space<vmem>> -> memref<400xi32, #tpu.memory_space<vmem>>
    %dma_wait3A_691 = arith.constant 0 : i32
    %dma_wait3A_692 = tpu.memref_slice %arg2[%add3A, %dma_wait3A_680, %dma_wait3A_691] : memref<32x125x400xi32, #tpu.memory_space<hbm>> -> memref<1x1x400xi32, #tpu.memory_space<hbm>>
    %dma_wait3A_693 = tpu.memref_squeeze %dma_wait3A_692 : memref<1x1x400xi32, #tpu.memory_space<hbm>> -> memref<400xi32, #tpu.memory_space<hbm>>
    tpu.wait_dma2 semaphore(%arg13 : memref<!tpu.dma_semaphore, #tpu.memory_space<semaphore_mem>>) src(%dma_wait3A_693 : memref<400xi32, #tpu.memory_space<hbm>>) dst(%dma_wait3A_690 : memref<400xi32, #tpu.memory_space<vmem>>)
    %dma_wait3A_694 = arith.constant 124 : i32
    %dma_wait3A_695 = arith.constant 0 : i32
    %dma_wait3A_696 = arith.constant 0 : i32
    %dma_wait3A_697 = tpu.memref_slice %arg7[%dma_wait3A_695, %dma_wait3A_696] : memref<2x400xi32, #tpu.memory_space<vmem>> -> memref<1x400xi32, #tpu.memory_space<vmem>>
    %dma_wait3A_698 = tpu.memref_squeeze %dma_wait3A_697 : memref<1x400xi32, #tpu.memory_space<vmem>> -> memref<400xi32, #tpu.memory_space<vmem>>
    %dma_wait3A_699 = arith.constant 0 : i32
    %dma_wait3A_700 = tpu.memref_slice %arg3[%add3A, %dma_wait3A_694, %dma_wait3A_699] : memref<32x125x400xi32, #tpu.memory_space<hbm>> -> memref<1x1x400xi32, #tpu.memory_space<hbm>>
    %dma_wait3A_701 = tpu.memref_squeeze %dma_wait3A_700 : memref<1x1x400xi32, #tpu.memory_space<hbm>> -> memref<400xi32, #tpu.memory_space<hbm>>
    %dma_wait3A_702 = arith.constant 0 : i32
    %dma_wait3A_703 = tpu.memref_slice %arg7[%dma_wait3A_695, %dma_wait3A_702] : memref<2x400xi32, #tpu.memory_space<vmem>> -> memref<1x400xi32, #tpu.memory_space<vmem>>
    %dma_wait3A_704 = tpu.memref_squeeze %dma_wait3A_703 : memref<1x400xi32, #tpu.memory_space<vmem>> -> memref<400xi32, #tpu.memory_space<vmem>>
    %dma_wait3A_705 = arith.constant 0 : i32
    %dma_wait3A_706 = tpu.memref_slice %arg3[%add3A, %dma_wait3A_694, %dma_wait3A_705] : memref<32x125x400xi32, #tpu.memory_space<hbm>> -> memref<1x1x400xi32, #tpu.memory_space<hbm>>
    %dma_wait3A_707 = tpu.memref_squeeze %dma_wait3A_706 : memref<1x1x400xi32, #tpu.memory_space<hbm>> -> memref<400xi32, #tpu.memory_space<hbm>>
    tpu.wait_dma2 semaphore(%arg13 : memref<!tpu.dma_semaphore, #tpu.memory_space<semaphore_mem>>) src(%dma_wait3A_707 : memref<400xi32, #tpu.memory_space<hbm>>) dst(%dma_wait3A_704 : memref<400xi32, #tpu.memory_space<vmem>>)
    %dma_start3A_708 = arith.constant 2 : i32
    %dma_start3A_709 = arith.constant 0 : i32
    %dma_start3A_710 = arith.constant 0 : i32
    %dma_start3A_711 = tpu.memref_slice %arg6[%dma_start3A_709, %dma_start3A_710] : memref<2x400xi32, #tpu.memory_space<vmem>> -> memref<1x400xi32, #tpu.memory_space<vmem>>
    %dma_start3A_712 = tpu.memref_squeeze %dma_start3A_711 : memref<1x400xi32, #tpu.memory_space<vmem>> -> memref<400xi32, #tpu.memory_space<vmem>>
    %dma_start3A_713 = arith.constant 0 : i32
    %dma_start3A_714 = arith.constant 0 : i32
    %dma_start3A_715 = tpu.memref_slice %arg4[%dma_start3A_708, %dma_start3A_713, %dma_start3A_714] : memref<4x50000x32xf32, #tpu.memory_space<hbm>> -> memref<1x50000x32xf32, #tpu.memory_space<hbm>>
    %dma_start3A_716 = tpu.memref_squeeze %dma_start3A_715 : memref<1x50000x32xf32, #tpu.memory_space<hbm>> -> memref<50000x32xf32, #tpu.memory_space<hbm>>
    %dma_start3A_717 = arith.constant 0 : i32
    %dma_start3A_718 = arith.constant 0 : i32
    %dma_start3A_719 = tpu.memref_slice %dma_start3A_716[%dma_start3A_717, %dma_start3A_718] : memref<50000x32xf32, #tpu.memory_space<hbm>> -> memref<50000x32xf32, #tpu.memory_space<hbm>>
    tpu.enqueue_indirect_dma source(%dma_start3A_719 : memref<50000x32xf32, #tpu.memory_space<hbm>>) target(%arg8 : memref<400x32xf32, #tpu.memory_space<vmem>>) offsets(%dma_start3A_712 : memref<400xi32, #tpu.memory_space<vmem>>) semaphore(%arg11 : memref<!tpu.dma_semaphore, #tpu.memory_space<semaphore_mem>>)
    %dma_start3A_720 = arith.constant 1 : i32
    %dma_start3A_721 = arith.constant 0 : i32
    %dma_start3A_722 = tpu.memref_slice %arg7[%dma_start3A_720, %dma_start3A_721] : memref<2x400xi32, #tpu.memory_space<vmem>> -> memref<1x400xi32, #tpu.memory_space<vmem>>
    %dma_start3A_723 = tpu.memref_squeeze %dma_start3A_722 : memref<1x400xi32, #tpu.memory_space<vmem>> -> memref<400xi32, #tpu.memory_space<vmem>>
    %dma_start3A_724 = arith.constant 0 : i32
    %dma_start3A_725 = arith.constant 0 : i32
    %dma_start3A_726 = tpu.memref_slice %arg10[%dma_start3A_724, %dma_start3A_725] : memref<50048x32xf32, #tpu.memory_space<vmem_shared>> -> memref<50048x32xf32, #tpu.memory_space<vmem_shared>>
    tpu.enqueue_indirect_dma source(%arg9 : memref<400x32xf32, #tpu.memory_space<vmem>>) target(%dma_start3A_726 : memref<50048x32xf32, #tpu.memory_space<vmem_shared>>) offsets(%dma_start3A_723 : memref<400xi32, #tpu.memory_space<vmem>>) semaphore(%arg12 : memref<!tpu.dma_semaphore, #tpu.memory_space<semaphore_mem>>) {add = true}
    %dma_wait3A_727 = arith.constant 1 : i32
    %dma_wait3A_728 = arith.constant 0 : i32
    %dma_wait3A_729 = tpu.memref_slice %arg7[%dma_wait3A_727, %dma_wait3A_728] : memref<2x400xi32, #tpu.memory_space<vmem>> -> memref<1x400xi32, #tpu.memory_space<vmem>>
    %dma_wait3A_730 = tpu.memref_squeeze %dma_wait3A_729 : memref<1x400xi32, #tpu.memory_space<vmem>> -> memref<400xi32, #tpu.memory_space<vmem>>
    %dma_wait3A_731 = arith.constant 0 : i32
    %dma_wait3A_732 = arith.constant 0 : i32
    %dma_wait3A_733 = tpu.memref_slice %arg10[%dma_wait3A_731, %dma_wait3A_732] : memref<50048x32xf32, #tpu.memory_space<vmem_shared>> -> memref<50048x32xf32, #tpu.memory_space<vmem_shared>>
    tpu.wait_indirect_dma semaphore(%arg12 : memref<!tpu.dma_semaphore, #tpu.memory_space<semaphore_mem>>) src(%arg9 : memref<400x32xf32, #tpu.memory_space<vmem>>) dst(%dma_wait3A_733 : memref<50048x32xf32, #tpu.memory_space<vmem_shared>>)
    %dma_wait3A_734 = arith.constant 2 : i32
    %dma_wait3A_735 = arith.constant 0 : i32
    %dma_wait3A_736 = arith.constant 0 : i32
    %dma_wait3A_737 = tpu.memref_slice %arg6[%dma_wait3A_735, %dma_wait3A_736] : memref<2x400xi32, #tpu.memory_space<vmem>> -> memref<1x400xi32, #tpu.memory_space<vmem>>
    %dma_wait3A_738 = tpu.memref_squeeze %dma_wait3A_737 : memref<1x400xi32, #tpu.memory_space<vmem>> -> memref<400xi32, #tpu.memory_space<vmem>>
    %dma_wait3A_739 = arith.constant 0 : i32
    %dma_wait3A_740 = arith.constant 0 : i32
    %dma_wait3A_741 = tpu.memref_slice %arg4[%dma_wait3A_734, %dma_wait3A_739, %dma_wait3A_740] : memref<4x50000x32xf32, #tpu.memory_space<hbm>> -> memref<1x50000x32xf32, #tpu.memory_space<hbm>>
    %dma_wait3A_742 = tpu.memref_squeeze %dma_wait3A_741 : memref<1x50000x32xf32, #tpu.memory_space<hbm>> -> memref<50000x32xf32, #tpu.memory_space<hbm>>
    %dma_wait3A_743 = arith.constant 0 : i32
    %dma_wait3A_744 = arith.constant 0 : i32
    %dma_wait3A_745 = tpu.memref_slice %dma_wait3A_742[%dma_wait3A_743, %dma_wait3A_744] : memref<50000x32xf32, #tpu.memory_space<hbm>> -> memref<50000x32xf32, #tpu.memory_space<hbm>>
    tpu.wait_indirect_dma semaphore(%arg11 : memref<!tpu.dma_semaphore, #tpu.memory_space<semaphore_mem>>) src(%dma_wait3A_745 : memref<50000x32xf32, #tpu.memory_space<hbm>>) dst(%arg8 : memref<400x32xf32, #tpu.memory_space<vmem>>)
    %dma_start3A_746 = arith.constant 0 : i32
    %dma_start3A_747 = arith.constant 0 : i32
    %dma_start3A_748 = tpu.memref_slice %arg7[%dma_start3A_746, %dma_start3A_747] : memref<2x400xi32, #tpu.memory_space<vmem>> -> memref<1x400xi32, #tpu.memory_space<vmem>>
    %dma_start3A_749 = tpu.memref_squeeze %dma_start3A_748 : memref<1x400xi32, #tpu.memory_space<vmem>> -> memref<400xi32, #tpu.memory_space<vmem>>
    %dma_start3A_750 = arith.constant 0 : i32
    %dma_start3A_751 = arith.constant 0 : i32
    %dma_start3A_752 = tpu.memref_slice %arg10[%dma_start3A_750, %dma_start3A_751] : memref<50048x32xf32, #tpu.memory_space<vmem_shared>> -> memref<50048x32xf32, #tpu.memory_space<vmem_shared>>
    tpu.enqueue_indirect_dma source(%arg8 : memref<400x32xf32, #tpu.memory_space<vmem>>) target(%dma_start3A_752 : memref<50048x32xf32, #tpu.memory_space<vmem_shared>>) offsets(%dma_start3A_749 : memref<400xi32, #tpu.memory_space<vmem>>) semaphore(%arg12 : memref<!tpu.dma_semaphore, #tpu.memory_space<semaphore_mem>>) {add = true}
    %dma_wait3A_753 = arith.constant 0 : i32
    %dma_wait3A_754 = arith.constant 0 : i32
    %dma_wait3A_755 = tpu.memref_slice %arg7[%dma_wait3A_753, %dma_wait3A_754] : memref<2x400xi32, #tpu.memory_space<vmem>> -> memref<1x400xi32, #tpu.memory_space<vmem>>
    %dma_wait3A_756 = tpu.memref_squeeze %dma_wait3A_755 : memref<1x400xi32, #tpu.memory_space<vmem>> -> memref<400xi32, #tpu.memory_space<vmem>>
    %dma_wait3A_757 = arith.constant 0 : i32
    %dma_wait3A_758 = arith.constant 0 : i32
    %dma_wait3A_759 = tpu.memref_slice %arg10[%dma_wait3A_757, %dma_wait3A_758] : memref<50048x32xf32, #tpu.memory_space<vmem_shared>> -> memref<50048x32xf32, #tpu.memory_space<vmem_shared>>
    tpu.wait_indirect_dma semaphore(%arg12 : memref<!tpu.dma_semaphore, #tpu.memory_space<semaphore_mem>>) src(%arg8 : memref<400x32xf32, #tpu.memory_space<vmem>>) dst(%dma_wait3A_759 : memref<50048x32xf32, #tpu.memory_space<vmem_shared>>)
    %barrier3A_760 = arith.constant 0 : index
    tpu.barrier barrier_id(%barrier3A_760)
    %mul3A_761 = arith.constant 3128 : i32
    %mul3A_762 = arith.muli %arg1, %mul3A_761 : i32
    %mul3A_763 = arith.constant 3128 : i32
    %mul3A_764 = arith.muli %arg1, %mul3A_763 : i32
    %run_scoped3A_765 = arith.constant 2 : i32
    "tpu.region"() ({
      %run_scoped3A_1024 = tpu.sem_alloc : memref<!tpu.dma_semaphore, #tpu.memory_space<semaphore_mem>>
      %dma_start3A_1025 = arith.constant 0 : i32
      %dma_start3A_1026 = tpu.memref_slice %arg5[%arg0, %run_scoped3A_765, %mul3A_764, %dma_start3A_1025] : memref<2x4x50048x32xf32, #tpu.memory_space<hbm>> -> memref<1x1x3128x32xf32, #tpu.memory_space<hbm>>
      %dma_start3A_1027 = tpu.memref_squeeze %dma_start3A_1026 : memref<1x1x3128x32xf32, #tpu.memory_space<hbm>> -> memref<3128x32xf32, #tpu.memory_space<hbm>>
      %dma_start3A_1028 = arith.constant 0 : i32
      %dma_start3A_1029 = tpu.memref_slice %arg10[%mul3A_762, %dma_start3A_1028] : memref<50048x32xf32, #tpu.memory_space<vmem_shared>> -> memref<3128x32xf32, #tpu.memory_space<vmem_shared>>
      tpu.enqueue_dma source(%dma_start3A_1029 : memref<3128x32xf32, #tpu.memory_space<vmem_shared>>) target(%dma_start3A_1027 : memref<3128x32xf32, #tpu.memory_space<hbm>>) target_semaphore(%run_scoped3A_1024 : memref<!tpu.dma_semaphore, #tpu.memory_space<semaphore_mem>>)
      %dma_wait3A_1030 = arith.constant 0 : i32
      %dma_wait3A_1031 = tpu.memref_slice %arg5[%arg0, %run_scoped3A_765, %mul3A_764, %dma_wait3A_1030] : memref<2x4x50048x32xf32, #tpu.memory_space<hbm>> -> memref<1x1x3128x32xf32, #tpu.memory_space<hbm>>
      %dma_wait3A_1032 = tpu.memref_squeeze %dma_wait3A_1031 : memref<1x1x3128x32xf32, #tpu.memory_space<hbm>> -> memref<3128x32xf32, #tpu.memory_space<hbm>>
      %dma_wait3A_1033 = arith.constant 0 : i32
      %dma_wait3A_1034 = tpu.memref_slice %arg10[%mul3A_762, %dma_wait3A_1033] : memref<50048x32xf32, #tpu.memory_space<vmem_shared>> -> memref<3128x32xf32, #tpu.memory_space<vmem_shared>>
      tpu.wait_dma2 semaphore(%run_scoped3A_1024 : memref<!tpu.dma_semaphore, #tpu.memory_space<semaphore_mem>>) src(%dma_wait3A_1034 : memref<3128x32xf32, #tpu.memory_space<vmem_shared>>) dst(%dma_wait3A_1032 : memref<3128x32xf32, #tpu.memory_space<hbm>>)
      tpu.yield
    }) : () -> ()
    %barrier3A_766 = arith.constant 0 : index
    tpu.barrier barrier_id(%barrier3A_766)
    %scan3A_767 = arith.constant 0 : i32
    %scan3A_768 = arith.constant 400 : i32
    %scan3A_769 = arith.addi %scan3A_767, %scan3A_768 : i32
    %scan3A_770 = arith.constant 1 : i32
    scf.for %scan3A_1024 = %scan3A_767 to %scan3A_769 step %scan3A_770  : i32 {
      %mul3A_1025 = arith.constant 1 : i32
      %mul3A_1026 = arith.muli %scan3A_1024, %mul3A_1025 : i32
      %add3A_1027 = arith.constant 0 : i32
      %add3A_1028 = arith.addi %add3A_1027, %mul3A_1026 : i32
      %broadcast_in_dim3A = arith.constant 0.000000e+00 : f32
      %broadcast_in_dim3A_1029 = vector.broadcast %broadcast_in_dim3A : f32 to vector<16xf32>
      %swap3A = arith.index_cast %add3A_1028 : i32 to index
      %swap3A_1030 = arith.constant 0 : index
      %swap3A_1031 = tpu.vector_load %arg8[%swap3A, %swap3A_1030] {strides = array<i32>} : memref<400x32xf32, #tpu.memory_space<vmem>>, vector<1x16xf32>,
      %swap3A_1032 = vector.shape_cast %swap3A_1031 : vector<1x16xf32> to vector<16xf32>
      %swap3A_1033 = vector.shape_cast %broadcast_in_dim3A_1029 : vector<16xf32> to vector<1x16xf32>
      tpu.vector_store %arg8[%swap3A, %swap3A_1030], %swap3A_1033 {strides = array<i32>} : memref<400x32xf32, #tpu.memory_space<vmem>>, vector<1x16xf32>,
      %broadcast_in_dim3A_1034 = arith.constant 0.000000e+00 : f32
      %broadcast_in_dim3A_1035 = vector.broadcast %broadcast_in_dim3A_1034 : f32 to vector<16xf32>
      %swap3A_1036 = arith.index_cast %add3A_1028 : i32 to index
      %swap3A_1037 = arith.constant 16 : index
      %swap3A_1038 = tpu.vector_load %arg8[%swap3A_1036, %swap3A_1037] {strides = array<i32>} : memref<400x32xf32, #tpu.memory_space<vmem>>, vector<1x16xf32>,
      %swap3A_1039 = vector.shape_cast %swap3A_1038 : vector<1x16xf32> to vector<16xf32>
      %swap3A_1040 = vector.shape_cast %broadcast_in_dim3A_1035 : vector<16xf32> to vector<1x16xf32>
      tpu.vector_store %arg8[%swap3A_1036, %swap3A_1037], %swap3A_1040 {strides = array<i32>} : memref<400x32xf32, #tpu.memory_space<vmem>>, vector<1x16xf32>,
    }
    %scan3A_771 = arith.constant 400 : i32
    %scan3A_772 = arith.constant 0 : i32
    %scan3A_773 = arith.constant 7 : i32
    %scan3A_774 = arith.addi %scan3A_772, %scan3A_773 : i32
    %scan3A_775 = arith.constant 1 : i32
    scf.for %scan3A_1024 = %scan3A_772 to %scan3A_774 step %scan3A_775  : i32 {
      %mul3A_1025 = arith.constant 1 : i32
      %mul3A_1026 = arith.muli %scan3A_1024, %mul3A_1025 : i32
      %add3A_1027 = arith.constant 0 : i32
      %add3A_1028 = arith.addi %add3A_1027, %mul3A_1026 : i32
      %mul3A_1029 = arith.constant 3128 : i32
      %mul3A_1030 = arith.muli %arg1, %mul3A_1029 : i32
      %mul3A_1031 = arith.constant 400 : i32
      %mul3A_1032 = arith.muli %add3A_1028, %mul3A_1031 : i32
      %add3A_1033 = arith.addi %mul3A_1030, %mul3A_1032 : i32
      "tpu.region"() ({
        %run_scoped3A_1034 = tpu.sem_alloc : memref<!tpu.dma_semaphore, #tpu.memory_space<semaphore_mem>>
        %dma_start3A_1035 = arith.constant 0 : i32
        %dma_start3A_1036 = tpu.memref_slice %arg10[%add3A_1033, %dma_start3A_1035] : memref<50048x32xf32, #tpu.memory_space<vmem_shared>> -> memref<400x32xf32, #tpu.memory_space<vmem_shared>>
        %dma_start3A_1037 = arith.constant 0 : i32
        %dma_start3A_1038 = tpu.memref_slice %arg10[%add3A_1033, %dma_start3A_1037] : memref<50048x32xf32, #tpu.memory_space<vmem_shared>> -> memref<400x32xf32, #tpu.memory_space<vmem_shared>>
        tpu.enqueue_dma source(%arg8 : memref<400x32xf32, #tpu.memory_space<vmem>>) target(%dma_start3A_1038 : memref<400x32xf32, #tpu.memory_space<vmem_shared>>) target_semaphore(%run_scoped3A_1034 : memref<!tpu.dma_semaphore, #tpu.memory_space<semaphore_mem>>)
        %dma_wait3A_1039 = arith.constant 0 : i32
        %dma_wait3A_1040 = tpu.memref_slice %arg10[%add3A_1033, %dma_wait3A_1039] : memref<50048x32xf32, #tpu.memory_space<vmem_shared>> -> memref<400x32xf32, #tpu.memory_space<vmem_shared>>
        %dma_wait3A_1041 = arith.constant 0 : i32
        %dma_wait3A_1042 = tpu.memref_slice %arg10[%add3A_1033, %dma_wait3A_1041] : memref<50048x32xf32, #tpu.memory_space<vmem_shared>> -> memref<400x32xf32, #tpu.memory_space<vmem_shared>>
        tpu.wait_dma2 semaphore(%run_scoped3A_1034 : memref<!tpu.dma_semaphore, #tpu.memory_space<semaphore_mem>>) src(%arg8 : memref<400x32xf32, #tpu.memory_space<vmem>>) dst(%dma_wait3A_1042 : memref<400x32xf32, #tpu.memory_space<vmem_shared>>)
        tpu.yield
      }) : () -> ()
    }
    %scan3A_776 = arith.constant 7 : i32
    %mul3A_777 = arith.constant 3128 : i32
    %mul3A_778 = arith.muli %arg1, %mul3A_777 : i32
    %add3A_779 = arith.constant 2800 : i32
    %add3A_780 = arith.addi %mul3A_778, %add3A_779 : i32
    "tpu.region"() ({
      %run_scoped3A_1024 = tpu.sem_alloc : memref<!tpu.dma_semaphore, #tpu.memory_space<semaphore_mem>>
      %dma_start3A_1025 = arith.constant 0 : i32
      %dma_start3A_1026 = arith.constant 0 : i32
      %dma_start3A_1027 = tpu.memref_slice %arg8[%dma_start3A_1025, %dma_start3A_1026] : memref<400x32xf32, #tpu.memory_space<vmem>> -> memref<328x32xf32, #tpu.memory_space<vmem>>
      %dma_start3A_1028 = arith.constant 0 : i32
      %dma_start3A_1029 = tpu.memref_slice %arg10[%add3A_780, %dma_start3A_1028] : memref<50048x32xf32, #tpu.memory_space<vmem_shared>> -> memref<328x32xf32, #tpu.memory_space<vmem_shared>>
      %dma_start3A_1030 = arith.constant 0 : i32
      %dma_start3A_1031 = tpu.memref_slice %arg10[%add3A_780, %dma_start3A_1030] : memref<50048x32xf32, #tpu.memory_space<vmem_shared>> -> memref<328x32xf32, #tpu.memory_space<vmem_shared>>
      %dma_start3A_1032 = arith.constant 0 : i32
      %dma_start3A_1033 = arith.constant 0 : i32
      %dma_start3A_1034 = tpu.memref_slice %arg8[%dma_start3A_1032, %dma_start3A_1033] : memref<400x32xf32, #tpu.memory_space<vmem>> -> memref<328x32xf32, #tpu.memory_space<vmem>>
      tpu.enqueue_dma source(%dma_start3A_1034 : memref<328x32xf32, #tpu.memory_space<vmem>>) target(%dma_start3A_1031 : memref<328x32xf32, #tpu.memory_space<vmem_shared>>) target_semaphore(%run_scoped3A_1024 : memref<!tpu.dma_semaphore, #tpu.memory_space<semaphore_mem>>)
      %dma_wait3A_1035 = arith.constant 0 : i32
      %dma_wait3A_1036 = arith.constant 0 : i32
      %dma_wait3A_1037 = tpu.memref_slice %arg8[%dma_wait3A_1035, %dma_wait3A_1036] : memref<400x32xf32, #tpu.memory_space<vmem>> -> memref<328x32xf32, #tpu.memory_space<vmem>>
      %dma_wait3A_1038 = arith.constant 0 : i32
      %dma_wait3A_1039 = tpu.memref_slice %arg10[%add3A_780, %dma_wait3A_1038] : memref<50048x32xf32, #tpu.memory_space<vmem_shared>> -> memref<328x32xf32, #tpu.memory_space<vmem_shared>>
      %dma_wait3A_1040 = arith.constant 0 : i32
      %dma_wait3A_1041 = tpu.memref_slice %arg10[%add3A_780, %dma_wait3A_1040] : memref<50048x32xf32, #tpu.memory_space<vmem_shared>> -> memref<328x32xf32, #tpu.memory_space<vmem_shared>>
      %dma_wait3A_1042 = arith.constant 0 : i32
      %dma_wait3A_1043 = arith.constant 0 : i32
      %dma_wait3A_1044 = tpu.memref_slice %arg8[%dma_wait3A_1042, %dma_wait3A_1043] : memref<400x32xf32, #tpu.memory_space<vmem>> -> memref<328x32xf32, #tpu.memory_space<vmem>>
      tpu.wait_dma2 semaphore(%run_scoped3A_1024 : memref<!tpu.dma_semaphore, #tpu.memory_space<semaphore_mem>>) src(%dma_wait3A_1044 : memref<328x32xf32, #tpu.memory_space<vmem>>) dst(%dma_wait3A_1041 : memref<328x32xf32, #tpu.memory_space<vmem_shared>>)
      tpu.yield
    }) : () -> ()
    %barrier3A_781 = arith.constant 0 : index
    tpu.barrier barrier_id(%barrier3A_781)
    %run_scoped3A_782 = arith.constant 0 : i32
    %run_scoped3A_783 = arith.constant 0 : i32
    "tpu.region"() ({
      %run_scoped3A_1024 = tpu.sem_alloc : memref<!tpu.dma_semaphore, #tpu.memory_space<semaphore_mem>>
      %dma_start3A_1025 = arith.constant 0 : i32
      %dma_start3A_1026 = tpu.memref_slice %arg6[%run_scoped3A_783, %dma_start3A_1025] : memref<2x400xi32, #tpu.memory_space<vmem>> -> memref<1x400xi32, #tpu.memory_space<vmem>>
      %dma_start3A_1027 = tpu.memref_squeeze %dma_start3A_1026 : memref<1x400xi32, #tpu.memory_space<vmem>> -> memref<400xi32, #tpu.memory_space<vmem>>
      %dma_start3A_1028 = arith.constant 0 : i32
      %dma_start3A_1029 = tpu.memref_slice %arg2[%add3A, %run_scoped3A_782, %dma_start3A_1028] : memref<32x125x400xi32, #tpu.memory_space<hbm>> -> memref<1x1x400xi32, #tpu.memory_space<hbm>>
      %dma_start3A_1030 = tpu.memref_squeeze %dma_start3A_1029 : memref<1x1x400xi32, #tpu.memory_space<hbm>> -> memref<400xi32, #tpu.memory_space<hbm>>
      %dma_start3A_1031 = arith.constant 0 : i32
      %dma_start3A_1032 = tpu.memref_slice %arg6[%run_scoped3A_783, %dma_start3A_1031] : memref<2x400xi32, #tpu.memory_space<vmem>> -> memref<1x400xi32, #tpu.memory_space<vmem>>
      %dma_start3A_1033 = tpu.memref_squeeze %dma_start3A_1032 : memref<1x400xi32, #tpu.memory_space<vmem>> -> memref<400xi32, #tpu.memory_space<vmem>>
      %dma_start3A_1034 = arith.constant 0 : i32
      %dma_start3A_1035 = tpu.memref_slice %arg2[%add3A, %run_scoped3A_782, %dma_start3A_1034] : memref<32x125x400xi32, #tpu.memory_space<hbm>> -> memref<1x1x400xi32, #tpu.memory_space<hbm>>
      %dma_start3A_1036 = tpu.memref_squeeze %dma_start3A_1035 : memref<1x1x400xi32, #tpu.memory_space<hbm>> -> memref<400xi32, #tpu.memory_space<hbm>>
      tpu.enqueue_dma source(%dma_start3A_1036 : memref<400xi32, #tpu.memory_space<hbm>>) target(%dma_start3A_1033 : memref<400xi32, #tpu.memory_space<vmem>>) target_semaphore(%run_scoped3A_1024 : memref<!tpu.dma_semaphore, #tpu.memory_space<semaphore_mem>>)
      %dma_wait3A_1037 = arith.constant 0 : i32
      %dma_wait3A_1038 = tpu.memref_slice %arg6[%run_scoped3A_783, %dma_wait3A_1037] : memref<2x400xi32, #tpu.memory_space<vmem>> -> memref<1x400xi32, #tpu.memory_space<vmem>>
      %dma_wait3A_1039 = tpu.memref_squeeze %dma_wait3A_1038 : memref<1x400xi32, #tpu.memory_space<vmem>> -> memref<400xi32, #tpu.memory_space<vmem>>
      %dma_wait3A_1040 = arith.constant 0 : i32
      %dma_wait3A_1041 = tpu.memref_slice %arg2[%add3A, %run_scoped3A_782, %dma_wait3A_1040] : memref<32x125x400xi32, #tpu.memory_space<hbm>> -> memref<1x1x400xi32, #tpu.memory_space<hbm>>
      %dma_wait3A_1042 = tpu.memref_squeeze %dma_wait3A_1041 : memref<1x1x400xi32, #tpu.memory_space<hbm>> -> memref<400xi32, #tpu.memory_space<hbm>>
      %dma_wait3A_1043 = arith.constant 0 : i32
      %dma_wait3A_1044 = tpu.memref_slice %arg6[%run_scoped3A_783, %dma_wait3A_1043] : memref<2x400xi32, #tpu.memory_space<vmem>> -> memref<1x400xi32, #tpu.memory_space<vmem>>
      %dma_wait3A_1045 = tpu.memref_squeeze %dma_wait3A_1044 : memref<1x400xi32, #tpu.memory_space<vmem>> -> memref<400xi32, #tpu.memory_space<vmem>>
      %dma_wait3A_1046 = arith.constant 0 : i32
      %dma_wait3A_1047 = tpu.memref_slice %arg2[%add3A, %run_scoped3A_782, %dma_wait3A_1046] : memref<32x125x400xi32, #tpu.memory_space<hbm>> -> memref<1x1x400xi32, #tpu.memory_space<hbm>>
      %dma_wait3A_1048 = tpu.memref_squeeze %dma_wait3A_1047 : memref<1x1x400xi32, #tpu.memory_space<hbm>> -> memref<400xi32, #tpu.memory_space<hbm>>
      tpu.wait_dma2 semaphore(%run_scoped3A_1024 : memref<!tpu.dma_semaphore, #tpu.memory_space<semaphore_mem>>) src(%dma_wait3A_1048 : memref<400xi32, #tpu.memory_space<hbm>>) dst(%dma_wait3A_1045 : memref<400xi32, #tpu.memory_space<vmem>>)
      tpu.yield
    }) : () -> ()
    %run_scoped3A_784 = arith.constant 0 : i32
    %run_scoped3A_785 = arith.constant 0 : i32
    "tpu.region"() ({
      %run_scoped3A_1024 = tpu.sem_alloc : memref<!tpu.dma_semaphore, #tpu.memory_space<semaphore_mem>>
      %dma_start3A_1025 = arith.constant 0 : i32
      %dma_start3A_1026 = tpu.memref_slice %arg7[%run_scoped3A_785, %dma_start3A_1025] : memref<2x400xi32, #tpu.memory_space<vmem>> -> memref<1x400xi32, #tpu.memory_space<vmem>>
      %dma_start3A_1027 = tpu.memref_squeeze %dma_start3A_1026 : memref<1x400xi32, #tpu.memory_space<vmem>> -> memref<400xi32, #tpu.memory_space<vmem>>
      %dma_start3A_1028 = arith.constant 0 : i32
      %dma_start3A_1029 = tpu.memref_slice %arg3[%add3A, %run_scoped3A_784, %dma_start3A_1028] : memref<32x125x400xi32, #tpu.memory_space<hbm>> -> memref<1x1x400xi32, #tpu.memory_space<hbm>>
      %dma_start3A_1030 = tpu.memref_squeeze %dma_start3A_1029 : memref<1x1x400xi32, #tpu.memory_space<hbm>> -> memref<400xi32, #tpu.memory_space<hbm>>
      %dma_start3A_1031 = arith.constant 0 : i32
      %dma_start3A_1032 = tpu.memref_slice %arg7[%run_scoped3A_785, %dma_start3A_1031] : memref<2x400xi32, #tpu.memory_space<vmem>> -> memref<1x400xi32, #tpu.memory_space<vmem>>
      %dma_start3A_1033 = tpu.memref_squeeze %dma_start3A_1032 : memref<1x400xi32, #tpu.memory_space<vmem>> -> memref<400xi32, #tpu.memory_space<vmem>>
      %dma_start3A_1034 = arith.constant 0 : i32
      %dma_start3A_1035 = tpu.memref_slice %arg3[%add3A, %run_scoped3A_784, %dma_start3A_1034] : memref<32x125x400xi32, #tpu.memory_space<hbm>> -> memref<1x1x400xi32, #tpu.memory_space<hbm>>
      %dma_start3A_1036 = tpu.memref_squeeze %dma_start3A_1035 : memref<1x1x400xi32, #tpu.memory_space<hbm>> -> memref<400xi32, #tpu.memory_space<hbm>>
      tpu.enqueue_dma source(%dma_start3A_1036 : memref<400xi32, #tpu.memory_space<hbm>>) target(%dma_start3A_1033 : memref<400xi32, #tpu.memory_space<vmem>>) target_semaphore(%run_scoped3A_1024 : memref<!tpu.dma_semaphore, #tpu.memory_space<semaphore_mem>>)
      %dma_wait3A_1037 = arith.constant 0 : i32
      %dma_wait3A_1038 = tpu.memref_slice %arg7[%run_scoped3A_785, %dma_wait3A_1037] : memref<2x400xi32, #tpu.memory_space<vmem>> -> memref<1x400xi32, #tpu.memory_space<vmem>>
      %dma_wait3A_1039 = tpu.memref_squeeze %dma_wait3A_1038 : memref<1x400xi32, #tpu.memory_space<vmem>> -> memref<400xi32, #tpu.memory_space<vmem>>
      %dma_wait3A_1040 = arith.constant 0 : i32
      %dma_wait3A_1041 = tpu.memref_slice %arg3[%add3A, %run_scoped3A_784, %dma_wait3A_1040] : memref<32x125x400xi32, #tpu.memory_space<hbm>> -> memref<1x1x400xi32, #tpu.memory_space<hbm>>
      %dma_wait3A_1042 = tpu.memref_squeeze %dma_wait3A_1041 : memref<1x1x400xi32, #tpu.memory_space<hbm>> -> memref<400xi32, #tpu.memory_space<hbm>>
      %dma_wait3A_1043 = arith.constant 0 : i32
      %dma_wait3A_1044 = tpu.memref_slice %arg7[%run_scoped3A_785, %dma_wait3A_1043] : memref<2x400xi32, #tpu.memory_space<vmem>> -> memref<1x400xi32, #tpu.memory_space<vmem>>
      %dma_wait3A_1045 = tpu.memref_squeeze %dma_wait3A_1044 : memref<1x400xi32, #tpu.memory_space<vmem>> -> memref<400xi32, #tpu.memory_space<vmem>>
      %dma_wait3A_1046 = arith.constant 0 : i32
      %dma_wait3A_1047 = tpu.memref_slice %arg3[%add3A, %run_scoped3A_784, %dma_wait3A_1046] : memref<32x125x400xi32, #tpu.memory_space<hbm>> -> memref<1x1x400xi32, #tpu.memory_space<hbm>>
      %dma_wait3A_1048 = tpu.memref_squeeze %dma_wait3A_1047 : memref<1x1x400xi32, #tpu.memory_space<hbm>> -> memref<400xi32, #tpu.memory_space<hbm>>
      tpu.wait_dma2 semaphore(%run_scoped3A_1024 : memref<!tpu.dma_semaphore, #tpu.memory_space<semaphore_mem>>) src(%dma_wait3A_1048 : memref<400xi32, #tpu.memory_space<hbm>>) dst(%dma_wait3A_1045 : memref<400xi32, #tpu.memory_space<vmem>>)
      tpu.yield
    }) : () -> ()
    %dma_start3A_786 = arith.constant 3 : i32
    %dma_start3A_787 = arith.constant 0 : i32
    %dma_start3A_788 = arith.constant 0 : i32
    %dma_start3A_789 = tpu.memref_slice %arg6[%dma_start3A_787, %dma_start3A_788] : memref<2x400xi32, #tpu.memory_space<vmem>> -> memref<1x400xi32, #tpu.memory_space<vmem>>
    %dma_start3A_790 = tpu.memref_squeeze %dma_start3A_789 : memref<1x400xi32, #tpu.memory_space<vmem>> -> memref<400xi32, #tpu.memory_space<vmem>>
    %dma_start3A_791 = arith.constant 0 : i32
    %dma_start3A_792 = arith.constant 0 : i32
    %dma_start3A_793 = tpu.memref_slice %arg4[%dma_start3A_786, %dma_start3A_791, %dma_start3A_792] : memref<4x50000x32xf32, #tpu.memory_space<hbm>> -> memref<1x50000x32xf32, #tpu.memory_space<hbm>>
    %dma_start3A_794 = tpu.memref_squeeze %dma_start3A_793 : memref<1x50000x32xf32, #tpu.memory_space<hbm>> -> memref<50000x32xf32, #tpu.memory_space<hbm>>
    %dma_start3A_795 = arith.constant 0 : i32
    %dma_start3A_796 = arith.constant 0 : i32
    %dma_start3A_797 = tpu.memref_slice %dma_start3A_794[%dma_start3A_795, %dma_start3A_796] : memref<50000x32xf32, #tpu.memory_space<hbm>> -> memref<50000x32xf32, #tpu.memory_space<hbm>>
    tpu.enqueue_indirect_dma source(%dma_start3A_797 : memref<50000x32xf32, #tpu.memory_space<hbm>>) target(%arg8 : memref<400x32xf32, #tpu.memory_space<vmem>>) offsets(%dma_start3A_790 : memref<400xi32, #tpu.memory_space<vmem>>) semaphore(%arg11 : memref<!tpu.dma_semaphore, #tpu.memory_space<semaphore_mem>>)
    %dma_start3A_798 = arith.constant 1 : i32
    %dma_start3A_799 = arith.constant 1 : i32
    %dma_start3A_800 = arith.constant 0 : i32
    %dma_start3A_801 = tpu.memref_slice %arg6[%dma_start3A_799, %dma_start3A_800] : memref<2x400xi32, #tpu.memory_space<vmem>> -> memref<1x400xi32, #tpu.memory_space<vmem>>
    %dma_start3A_802 = tpu.memref_squeeze %dma_start3A_801 : memref<1x400xi32, #tpu.memory_space<vmem>> -> memref<400xi32, #tpu.memory_space<vmem>>
    %dma_start3A_803 = arith.constant 0 : i32
    %dma_start3A_804 = tpu.memref_slice %arg2[%add3A, %dma_start3A_798, %dma_start3A_803] : memref<32x125x400xi32, #tpu.memory_space<hbm>> -> memref<1x1x400xi32, #tpu.memory_space<hbm>>
    %dma_start3A_805 = tpu.memref_squeeze %dma_start3A_804 : memref<1x1x400xi32, #tpu.memory_space<hbm>> -> memref<400xi32, #tpu.memory_space<hbm>>
    %dma_start3A_806 = arith.constant 0 : i32
    %dma_start3A_807 = tpu.memref_slice %arg6[%dma_start3A_799, %dma_start3A_806] : memref<2x400xi32, #tpu.memory_space<vmem>> -> memref<1x400xi32, #tpu.memory_space<vmem>>
    %dma_start3A_808 = tpu.memref_squeeze %dma_start3A_807 : memref<1x400xi32, #tpu.memory_space<vmem>> -> memref<400xi32, #tpu.memory_space<vmem>>
    %dma_start3A_809 = arith.constant 0 : i32
    %dma_start3A_810 = tpu.memref_slice %arg2[%add3A, %dma_start3A_798, %dma_start3A_809] : memref<32x125x400xi32, #tpu.memory_space<hbm>> -> memref<1x1x400xi32, #tpu.memory_space<hbm>>
    %dma_start3A_811 = tpu.memref_squeeze %dma_start3A_810 : memref<1x1x400xi32, #tpu.memory_space<hbm>> -> memref<400xi32, #tpu.memory_space<hbm>>
    tpu.enqueue_dma source(%dma_start3A_811 : memref<400xi32, #tpu.memory_space<hbm>>) target(%dma_start3A_808 : memref<400xi32, #tpu.memory_space<vmem>>) target_semaphore(%arg13 : memref<!tpu.dma_semaphore, #tpu.memory_space<semaphore_mem>>)
    %dma_start3A_812 = arith.constant 1 : i32
    %dma_start3A_813 = arith.constant 1 : i32
    %dma_start3A_814 = arith.constant 0 : i32
    %dma_start3A_815 = tpu.memref_slice %arg7[%dma_start3A_813, %dma_start3A_814] : memref<2x400xi32, #tpu.memory_space<vmem>> -> memref<1x400xi32, #tpu.memory_space<vmem>>
    %dma_start3A_816 = tpu.memref_squeeze %dma_start3A_815 : memref<1x400xi32, #tpu.memory_space<vmem>> -> memref<400xi32, #tpu.memory_space<vmem>>
    %dma_start3A_817 = arith.constant 0 : i32
    %dma_start3A_818 = tpu.memref_slice %arg3[%add3A, %dma_start3A_812, %dma_start3A_817] : memref<32x125x400xi32, #tpu.memory_space<hbm>> -> memref<1x1x400xi32, #tpu.memory_space<hbm>>
    %dma_start3A_819 = tpu.memref_squeeze %dma_start3A_818 : memref<1x1x400xi32, #tpu.memory_space<hbm>> -> memref<400xi32, #tpu.memory_space<hbm>>
    %dma_start3A_820 = arith.constant 0 : i32
    %dma_start3A_821 = tpu.memref_slice %arg7[%dma_start3A_813, %dma_start3A_820] : memref<2x400xi32, #tpu.memory_space<vmem>> -> memref<1x400xi32, #tpu.memory_space<vmem>>
    %dma_start3A_822 = tpu.memref_squeeze %dma_start3A_821 : memref<1x400xi32, #tpu.memory_space<vmem>> -> memref<400xi32, #tpu.memory_space<vmem>>
    %dma_start3A_823 = arith.constant 0 : i32
    %dma_start3A_824 = tpu.memref_slice %arg3[%add3A, %dma_start3A_812, %dma_start3A_823] : memref<32x125x400xi32, #tpu.memory_space<hbm>> -> memref<1x1x400xi32, #tpu.memory_space<hbm>>
    %dma_start3A_825 = tpu.memref_squeeze %dma_start3A_824 : memref<1x1x400xi32, #tpu.memory_space<hbm>> -> memref<400xi32, #tpu.memory_space<hbm>>
    tpu.enqueue_dma source(%dma_start3A_825 : memref<400xi32, #tpu.memory_space<hbm>>) target(%dma_start3A_822 : memref<400xi32, #tpu.memory_space<vmem>>) target_semaphore(%arg13 : memref<!tpu.dma_semaphore, #tpu.memory_space<semaphore_mem>>)
    %scan3A_826 = arith.constant 0 : i32
    %scan3A_827 = arith.constant 61 : i32
    %scan3A_828 = arith.addi %scan3A_826, %scan3A_827 : i32
    %scan3A_829 = arith.constant 1 : i32
    scf.for %scan3A_1024 = %scan3A_826 to %scan3A_828 step %scan3A_829  : i32 {
      %mul3A_1025 = arith.constant 1 : i32
      %mul3A_1026 = arith.muli %scan3A_1024, %mul3A_1025 : i32
      %add3A_1027 = arith.constant 0 : i32
      %add3A_1028 = arith.addi %add3A_1027, %mul3A_1026 : i32
      %mul3A_1029 = arith.constant 2 : i32
      %mul3A_1030 = arith.muli %mul3A_1029, %add3A_1028 : i32
      %dma_wait3A_1031 = arith.constant 3 : i32
      %dma_wait3A_1032 = arith.constant 0 : i32
      %dma_wait3A_1033 = arith.constant 0 : i32
      %dma_wait3A_1034 = tpu.memref_slice %arg6[%dma_wait3A_1032, %dma_wait3A_1033] : memref<2x400xi32, #tpu.memory_space<vmem>> -> memref<1x400xi32, #tpu.memory_space<vmem>>
      %dma_wait3A_1035 = tpu.memref_squeeze %dma_wait3A_1034 : memref<1x400xi32, #tpu.memory_space<vmem>> -> memref<400xi32, #tpu.memory_space<vmem>>
      %dma_wait3A_1036 = arith.constant 0 : i32
      %dma_wait3A_1037 = arith.constant 0 : i32
      %dma_wait3A_1038 = tpu.memref_slice %arg4[%dma_wait3A_1031, %dma_wait3A_1036, %dma_wait3A_1037] : memref<4x50000x32xf32, #tpu.memory_space<hbm>> -> memref<1x50000x32xf32, #tpu.memory_space<hbm>>
      %dma_wait3A_1039 = tpu.memref_squeeze %dma_wait3A_1038 : memref<1x50000x32xf32, #tpu.memory_space<hbm>> -> memref<50000x32xf32, #tpu.memory_space<hbm>>
      %dma_wait3A_1040 = arith.constant 0 : i32
      %dma_wait3A_1041 = arith.constant 0 : i32
      %dma_wait3A_1042 = tpu.memref_slice %dma_wait3A_1039[%dma_wait3A_1040, %dma_wait3A_1041] : memref<50000x32xf32, #tpu.memory_space<hbm>> -> memref<50000x32xf32, #tpu.memory_space<hbm>>
      tpu.wait_indirect_dma semaphore(%arg11 : memref<!tpu.dma_semaphore, #tpu.memory_space<semaphore_mem>>) src(%dma_wait3A_1042 : memref<50000x32xf32, #tpu.memory_space<hbm>>) dst(%arg8 : memref<400x32xf32, #tpu.memory_space<vmem>>)
      %add3A_1043 = arith.constant 1 : i32
      %add3A_1044 = arith.addi %mul3A_1030, %add3A_1043 : i32
      %dma_wait3A_1045 = arith.constant 1 : i32
      %dma_wait3A_1046 = arith.constant 0 : i32
      %dma_wait3A_1047 = tpu.memref_slice %arg6[%dma_wait3A_1045, %dma_wait3A_1046] : memref<2x400xi32, #tpu.memory_space<vmem>> -> memref<1x400xi32, #tpu.memory_space<vmem>>
      %dma_wait3A_1048 = tpu.memref_squeeze %dma_wait3A_1047 : memref<1x400xi32, #tpu.memory_space<vmem>> -> memref<400xi32, #tpu.memory_space<vmem>>
      %dma_wait3A_1049 = arith.constant 0 : i32
      %dma_wait3A_1050 = tpu.memref_slice %arg2[%add3A, %add3A_1044, %dma_wait3A_1049] : memref<32x125x400xi32, #tpu.memory_space<hbm>> -> memref<1x1x400xi32, #tpu.memory_space<hbm>>
      %dma_wait3A_1051 = tpu.memref_squeeze %dma_wait3A_1050 : memref<1x1x400xi32, #tpu.memory_space<hbm>> -> memref<400xi32, #tpu.memory_space<hbm>>
      %dma_wait3A_1052 = arith.constant 0 : i32
      %dma_wait3A_1053 = tpu.memref_slice %arg6[%dma_wait3A_1045, %dma_wait3A_1052] : memref<2x400xi32, #tpu.memory_space<vmem>> -> memref<1x400xi32, #tpu.memory_space<vmem>>
      %dma_wait3A_1054 = tpu.memref_squeeze %dma_wait3A_1053 : memref<1x400xi32, #tpu.memory_space<vmem>> -> memref<400xi32, #tpu.memory_space<vmem>>
      %dma_wait3A_1055 = arith.constant 0 : i32
      %dma_wait3A_1056 = tpu.memref_slice %arg2[%add3A, %add3A_1044, %dma_wait3A_1055] : memref<32x125x400xi32, #tpu.memory_space<hbm>> -> memref<1x1x400xi32, #tpu.memory_space<hbm>>
      %dma_wait3A_1057 = tpu.memref_squeeze %dma_wait3A_1056 : memref<1x1x400xi32, #tpu.memory_space<hbm>> -> memref<400xi32, #tpu.memory_space<hbm>>
      tpu.wait_dma2 semaphore(%arg13 : memref<!tpu.dma_semaphore, #tpu.memory_space<semaphore_mem>>) src(%dma_wait3A_1057 : memref<400xi32, #tpu.memory_space<hbm>>) dst(%dma_wait3A_1054 : memref<400xi32, #tpu.memory_space<vmem>>)
      %dma_wait3A_1058 = arith.constant 1 : i32
      %dma_wait3A_1059 = arith.constant 0 : i32
      %dma_wait3A_1060 = tpu.memref_slice %arg7[%dma_wait3A_1058, %dma_wait3A_1059] : memref<2x400xi32, #tpu.memory_space<vmem>> -> memref<1x400xi32, #tpu.memory_space<vmem>>
      %dma_wait3A_1061 = tpu.memref_squeeze %dma_wait3A_1060 : memref<1x400xi32, #tpu.memory_space<vmem>> -> memref<400xi32, #tpu.memory_space<vmem>>
      %dma_wait3A_1062 = arith.constant 0 : i32
      %dma_wait3A_1063 = tpu.memref_slice %arg3[%add3A, %add3A_1044, %dma_wait3A_1062] : memref<32x125x400xi32, #tpu.memory_space<hbm>> -> memref<1x1x400xi32, #tpu.memory_space<hbm>>
      %dma_wait3A_1064 = tpu.memref_squeeze %dma_wait3A_1063 : memref<1x1x400xi32, #tpu.memory_space<hbm>> -> memref<400xi32, #tpu.memory_space<hbm>>
      %dma_wait3A_1065 = arith.constant 0 : i32
      %dma_wait3A_1066 = tpu.memref_slice %arg7[%dma_wait3A_1058, %dma_wait3A_1065] : memref<2x400xi32, #tpu.memory_space<vmem>> -> memref<1x400xi32, #tpu.memory_space<vmem>>
      %dma_wait3A_1067 = tpu.memref_squeeze %dma_wait3A_1066 : memref<1x400xi32, #tpu.memory_space<vmem>> -> memref<400xi32, #tpu.memory_space<vmem>>
      %dma_wait3A_1068 = arith.constant 0 : i32
      %dma_wait3A_1069 = tpu.memref_slice %arg3[%add3A, %add3A_1044, %dma_wait3A_1068] : memref<32x125x400xi32, #tpu.memory_space<hbm>> -> memref<1x1x400xi32, #tpu.memory_space<hbm>>
      %dma_wait3A_1070 = tpu.memref_squeeze %dma_wait3A_1069 : memref<1x1x400xi32, #tpu.memory_space<hbm>> -> memref<400xi32, #tpu.memory_space<hbm>>
      tpu.wait_dma2 semaphore(%arg13 : memref<!tpu.dma_semaphore, #tpu.memory_space<semaphore_mem>>) src(%dma_wait3A_1070 : memref<400xi32, #tpu.memory_space<hbm>>) dst(%dma_wait3A_1067 : memref<400xi32, #tpu.memory_space<vmem>>)
      %add3A_1071 = arith.constant 1 : i32
      %add3A_1072 = arith.addi %mul3A_1030, %add3A_1071 : i32
      %dma_start3A_1073 = arith.constant 3 : i32
      %dma_start3A_1074 = arith.constant 1 : i32
      %dma_start3A_1075 = arith.constant 0 : i32
      %dma_start3A_1076 = tpu.memref_slice %arg6[%dma_start3A_1074, %dma_start3A_1075] : memref<2x400xi32, #tpu.memory_space<vmem>> -> memref<1x400xi32, #tpu.memory_space<vmem>>
      %dma_start3A_1077 = tpu.memref_squeeze %dma_start3A_1076 : memref<1x400xi32, #tpu.memory_space<vmem>> -> memref<400xi32, #tpu.memory_space<vmem>>
      %dma_start3A_1078 = arith.constant 0 : i32
      %dma_start3A_1079 = arith.constant 0 : i32
      %dma_start3A_1080 = tpu.memref_slice %arg4[%dma_start3A_1073, %dma_start3A_1078, %dma_start3A_1079] : memref<4x50000x32xf32, #tpu.memory_space<hbm>> -> memref<1x50000x32xf32, #tpu.memory_space<hbm>>
      %dma_start3A_1081 = tpu.memref_squeeze %dma_start3A_1080 : memref<1x50000x32xf32, #tpu.memory_space<hbm>> -> memref<50000x32xf32, #tpu.memory_space<hbm>>
      %dma_start3A_1082 = arith.constant 0 : i32
      %dma_start3A_1083 = arith.constant 0 : i32
      %dma_start3A_1084 = tpu.memref_slice %dma_start3A_1081[%dma_start3A_1082, %dma_start3A_1083] : memref<50000x32xf32, #tpu.memory_space<hbm>> -> memref<50000x32xf32, #tpu.memory_space<hbm>>
      tpu.enqueue_indirect_dma source(%dma_start3A_1084 : memref<50000x32xf32, #tpu.memory_space<hbm>>) target(%arg9 : memref<400x32xf32, #tpu.memory_space<vmem>>) offsets(%dma_start3A_1077 : memref<400xi32, #tpu.memory_space<vmem>>) semaphore(%arg11 : memref<!tpu.dma_semaphore, #tpu.memory_space<semaphore_mem>>)
      %dma_start3A_1085 = arith.constant 0 : i32
      %dma_start3A_1086 = arith.constant 0 : i32
      %dma_start3A_1087 = tpu.memref_slice %arg7[%dma_start3A_1085, %dma_start3A_1086] : memref<2x400xi32, #tpu.memory_space<vmem>> -> memref<1x400xi32, #tpu.memory_space<vmem>>
      %dma_start3A_1088 = tpu.memref_squeeze %dma_start3A_1087 : memref<1x400xi32, #tpu.memory_space<vmem>> -> memref<400xi32, #tpu.memory_space<vmem>>
      %dma_start3A_1089 = arith.constant 0 : i32
      %dma_start3A_1090 = arith.constant 0 : i32
      %dma_start3A_1091 = tpu.memref_slice %arg10[%dma_start3A_1089, %dma_start3A_1090] : memref<50048x32xf32, #tpu.memory_space<vmem_shared>> -> memref<50048x32xf32, #tpu.memory_space<vmem_shared>>
      tpu.enqueue_indirect_dma source(%arg8 : memref<400x32xf32, #tpu.memory_space<vmem>>) target(%dma_start3A_1091 : memref<50048x32xf32, #tpu.memory_space<vmem_shared>>) offsets(%dma_start3A_1088 : memref<400xi32, #tpu.memory_space<vmem>>) semaphore(%arg12 : memref<!tpu.dma_semaphore, #tpu.memory_space<semaphore_mem>>) {add = true}
      %dma_wait3A_1092 = arith.constant 0 : i32
      %dma_wait3A_1093 = arith.constant 0 : i32
      %dma_wait3A_1094 = tpu.memref_slice %arg7[%dma_wait3A_1092, %dma_wait3A_1093] : memref<2x400xi32, #tpu.memory_space<vmem>> -> memref<1x400xi32, #tpu.memory_space<vmem>>
      %dma_wait3A_1095 = tpu.memref_squeeze %dma_wait3A_1094 : memref<1x400xi32, #tpu.memory_space<vmem>> -> memref<400xi32, #tpu.memory_space<vmem>>
      %dma_wait3A_1096 = arith.constant 0 : i32
      %dma_wait3A_1097 = arith.constant 0 : i32
      %dma_wait3A_1098 = tpu.memref_slice %arg10[%dma_wait3A_1096, %dma_wait3A_1097] : memref<50048x32xf32, #tpu.memory_space<vmem_shared>> -> memref<50048x32xf32, #tpu.memory_space<vmem_shared>>
      tpu.wait_indirect_dma semaphore(%arg12 : memref<!tpu.dma_semaphore, #tpu.memory_space<semaphore_mem>>) src(%arg8 : memref<400x32xf32, #tpu.memory_space<vmem>>) dst(%dma_wait3A_1098 : memref<50048x32xf32, #tpu.memory_space<vmem_shared>>)
      %add3A_1099 = arith.constant 2 : i32
      %add3A_1100 = arith.addi %mul3A_1030, %add3A_1099 : i32
      %dma_start3A_1101 = arith.constant 0 : i32
      %dma_start3A_1102 = arith.constant 0 : i32
      %dma_start3A_1103 = tpu.memref_slice %arg6[%dma_start3A_1101, %dma_start3A_1102] : memref<2x400xi32, #tpu.memory_space<vmem>> -> memref<1x400xi32, #tpu.memory_space<vmem>>
      %dma_start3A_1104 = tpu.memref_squeeze %dma_start3A_1103 : memref<1x400xi32, #tpu.memory_space<vmem>> -> memref<400xi32, #tpu.memory_space<vmem>>
      %dma_start3A_1105 = arith.constant 0 : i32
      %dma_start3A_1106 = tpu.memref_slice %arg2[%add3A, %add3A_1100, %dma_start3A_1105] : memref<32x125x400xi32, #tpu.memory_space<hbm>> -> memref<1x1x400xi32, #tpu.memory_space<hbm>>
      %dma_start3A_1107 = tpu.memref_squeeze %dma_start3A_1106 : memref<1x1x400xi32, #tpu.memory_space<hbm>> -> memref<400xi32, #tpu.memory_space<hbm>>
      %dma_start3A_1108 = arith.constant 0 : i32
      %dma_start3A_1109 = tpu.memref_slice %arg6[%dma_start3A_1101, %dma_start3A_1108] : memref<2x400xi32, #tpu.memory_space<vmem>> -> memref<1x400xi32, #tpu.memory_space<vmem>>
      %dma_start3A_1110 = tpu.memref_squeeze %dma_start3A_1109 : memref<1x400xi32, #tpu.memory_space<vmem>> -> memref<400xi32, #tpu.memory_space<vmem>>
      %dma_start3A_1111 = arith.constant 0 : i32
      %dma_start3A_1112 = tpu.memref_slice %arg2[%add3A, %add3A_1100, %dma_start3A_1111] : memref<32x125x400xi32, #tpu.memory_space<hbm>> -> memref<1x1x400xi32, #tpu.memory_space<hbm>>
      %dma_start3A_1113 = tpu.memref_squeeze %dma_start3A_1112 : memref<1x1x400xi32, #tpu.memory_space<hbm>> -> memref<400xi32, #tpu.memory_space<hbm>>
      tpu.enqueue_dma source(%dma_start3A_1113 : memref<400xi32, #tpu.memory_space<hbm>>) target(%dma_start3A_1110 : memref<400xi32, #tpu.memory_space<vmem>>) target_semaphore(%arg13 : memref<!tpu.dma_semaphore, #tpu.memory_space<semaphore_mem>>)
      %dma_start3A_1114 = arith.constant 0 : i32
      %dma_start3A_1115 = arith.constant 0 : i32
      %dma_start3A_1116 = tpu.memref_slice %arg7[%dma_start3A_1114, %dma_start3A_1115] : memref<2x400xi32, #tpu.memory_space<vmem>> -> memref<1x400xi32, #tpu.memory_space<vmem>>
      %dma_start3A_1117 = tpu.memref_squeeze %dma_start3A_1116 : memref<1x400xi32, #tpu.memory_space<vmem>> -> memref<400xi32, #tpu.memory_space<vmem>>
      %dma_start3A_1118 = arith.constant 0 : i32
      %dma_start3A_1119 = tpu.memref_slice %arg3[%add3A, %add3A_1100, %dma_start3A_1118] : memref<32x125x400xi32, #tpu.memory_space<hbm>> -> memref<1x1x400xi32, #tpu.memory_space<hbm>>
      %dma_start3A_1120 = tpu.memref_squeeze %dma_start3A_1119 : memref<1x1x400xi32, #tpu.memory_space<hbm>> -> memref<400xi32, #tpu.memory_space<hbm>>
      %dma_start3A_1121 = arith.constant 0 : i32
      %dma_start3A_1122 = tpu.memref_slice %arg7[%dma_start3A_1114, %dma_start3A_1121] : memref<2x400xi32, #tpu.memory_space<vmem>> -> memref<1x400xi32, #tpu.memory_space<vmem>>
      %dma_start3A_1123 = tpu.memref_squeeze %dma_start3A_1122 : memref<1x400xi32, #tpu.memory_space<vmem>> -> memref<400xi32, #tpu.memory_space<vmem>>
      %dma_start3A_1124 = arith.constant 0 : i32
      %dma_start3A_1125 = tpu.memref_slice %arg3[%add3A, %add3A_1100, %dma_start3A_1124] : memref<32x125x400xi32, #tpu.memory_space<hbm>> -> memref<1x1x400xi32, #tpu.memory_space<hbm>>
      %dma_start3A_1126 = tpu.memref_squeeze %dma_start3A_1125 : memref<1x1x400xi32, #tpu.memory_space<hbm>> -> memref<400xi32, #tpu.memory_space<hbm>>
      tpu.enqueue_dma source(%dma_start3A_1126 : memref<400xi32, #tpu.memory_space<hbm>>) target(%dma_start3A_1123 : memref<400xi32, #tpu.memory_space<vmem>>) target_semaphore(%arg13 : memref<!tpu.dma_semaphore, #tpu.memory_space<semaphore_mem>>)
      %add3A_1127 = arith.constant 1 : i32
      %add3A_1128 = arith.addi %mul3A_1030, %add3A_1127 : i32
      %dma_wait3A_1129 = arith.constant 3 : i32
      %dma_wait3A_1130 = arith.constant 1 : i32
      %dma_wait3A_1131 = arith.constant 0 : i32
      %dma_wait3A_1132 = tpu.memref_slice %arg6[%dma_wait3A_1130, %dma_wait3A_1131] : memref<2x400xi32, #tpu.memory_space<vmem>> -> memref<1x400xi32, #tpu.memory_space<vmem>>
      %dma_wait3A_1133 = tpu.memref_squeeze %dma_wait3A_1132 : memref<1x400xi32, #tpu.memory_space<vmem>> -> memref<400xi32, #tpu.memory_space<vmem>>
      %dma_wait3A_1134 = arith.constant 0 : i32
      %dma_wait3A_1135 = arith.constant 0 : i32
      %dma_wait3A_1136 = tpu.memref_slice %arg4[%dma_wait3A_1129, %dma_wait3A_1134, %dma_wait3A_1135] : memref<4x50000x32xf32, #tpu.memory_space<hbm>> -> memref<1x50000x32xf32, #tpu.memory_space<hbm>>
      %dma_wait3A_1137 = tpu.memref_squeeze %dma_wait3A_1136 : memref<1x50000x32xf32, #tpu.memory_space<hbm>> -> memref<50000x32xf32, #tpu.memory_space<hbm>>
      %dma_wait3A_1138 = arith.constant 0 : i32
      %dma_wait3A_1139 = arith.constant 0 : i32
      %dma_wait3A_1140 = tpu.memref_slice %dma_wait3A_1137[%dma_wait3A_1138, %dma_wait3A_1139] : memref<50000x32xf32, #tpu.memory_space<hbm>> -> memref<50000x32xf32, #tpu.memory_space<hbm>>
      tpu.wait_indirect_dma semaphore(%arg11 : memref<!tpu.dma_semaphore, #tpu.memory_space<semaphore_mem>>) src(%dma_wait3A_1140 : memref<50000x32xf32, #tpu.memory_space<hbm>>) dst(%arg9 : memref<400x32xf32, #tpu.memory_space<vmem>>)
      %add3A_1141 = arith.constant 2 : i32
      %add3A_1142 = arith.addi %mul3A_1030, %add3A_1141 : i32
      %dma_wait3A_1143 = arith.constant 0 : i32
      %dma_wait3A_1144 = arith.constant 0 : i32
      %dma_wait3A_1145 = tpu.memref_slice %arg6[%dma_wait3A_1143, %dma_wait3A_1144] : memref<2x400xi32, #tpu.memory_space<vmem>> -> memref<1x400xi32, #tpu.memory_space<vmem>>
      %dma_wait3A_1146 = tpu.memref_squeeze %dma_wait3A_1145 : memref<1x400xi32, #tpu.memory_space<vmem>> -> memref<400xi32, #tpu.memory_space<vmem>>
      %dma_wait3A_1147 = arith.constant 0 : i32
      %dma_wait3A_1148 = tpu.memref_slice %arg2[%add3A, %add3A_1142, %dma_wait3A_1147] : memref<32x125x400xi32, #tpu.memory_space<hbm>> -> memref<1x1x400xi32, #tpu.memory_space<hbm>>
      %dma_wait3A_1149 = tpu.memref_squeeze %dma_wait3A_1148 : memref<1x1x400xi32, #tpu.memory_space<hbm>> -> memref<400xi32, #tpu.memory_space<hbm>>
      %dma_wait3A_1150 = arith.constant 0 : i32
      %dma_wait3A_1151 = tpu.memref_slice %arg6[%dma_wait3A_1143, %dma_wait3A_1150] : memref<2x400xi32, #tpu.memory_space<vmem>> -> memref<1x400xi32, #tpu.memory_space<vmem>>
      %dma_wait3A_1152 = tpu.memref_squeeze %dma_wait3A_1151 : memref<1x400xi32, #tpu.memory_space<vmem>> -> memref<400xi32, #tpu.memory_space<vmem>>
      %dma_wait3A_1153 = arith.constant 0 : i32
      %dma_wait3A_1154 = tpu.memref_slice %arg2[%add3A, %add3A_1142, %dma_wait3A_1153] : memref<32x125x400xi32, #tpu.memory_space<hbm>> -> memref<1x1x400xi32, #tpu.memory_space<hbm>>
      %dma_wait3A_1155 = tpu.memref_squeeze %dma_wait3A_1154 : memref<1x1x400xi32, #tpu.memory_space<hbm>> -> memref<400xi32, #tpu.memory_space<hbm>>
      tpu.wait_dma2 semaphore(%arg13 : memref<!tpu.dma_semaphore, #tpu.memory_space<semaphore_mem>>) src(%dma_wait3A_1155 : memref<400xi32, #tpu.memory_space<hbm>>) dst(%dma_wait3A_1152 : memref<400xi32, #tpu.memory_space<vmem>>)
      %dma_wait3A_1156 = arith.constant 0 : i32
      %dma_wait3A_1157 = arith.constant 0 : i32
      %dma_wait3A_1158 = tpu.memref_slice %arg7[%dma_wait3A_1156, %dma_wait3A_1157] : memref<2x400xi32, #tpu.memory_space<vmem>> -> memref<1x400xi32, #tpu.memory_space<vmem>>
      %dma_wait3A_1159 = tpu.memref_squeeze %dma_wait3A_1158 : memref<1x400xi32, #tpu.memory_space<vmem>> -> memref<400xi32, #tpu.memory_space<vmem>>
      %dma_wait3A_1160 = arith.constant 0 : i32
      %dma_wait3A_1161 = tpu.memref_slice %arg3[%add3A, %add3A_1142, %dma_wait3A_1160] : memref<32x125x400xi32, #tpu.memory_space<hbm>> -> memref<1x1x400xi32, #tpu.memory_space<hbm>>
      %dma_wait3A_1162 = tpu.memref_squeeze %dma_wait3A_1161 : memref<1x1x400xi32, #tpu.memory_space<hbm>> -> memref<400xi32, #tpu.memory_space<hbm>>
      %dma_wait3A_1163 = arith.constant 0 : i32
      %dma_wait3A_1164 = tpu.memref_slice %arg7[%dma_wait3A_1156, %dma_wait3A_1163] : memref<2x400xi32, #tpu.memory_space<vmem>> -> memref<1x400xi32, #tpu.memory_space<vmem>>
      %dma_wait3A_1165 = tpu.memref_squeeze %dma_wait3A_1164 : memref<1x400xi32, #tpu.memory_space<vmem>> -> memref<400xi32, #tpu.memory_space<vmem>>
      %dma_wait3A_1166 = arith.constant 0 : i32
      %dma_wait3A_1167 = tpu.memref_slice %arg3[%add3A, %add3A_1142, %dma_wait3A_1166] : memref<32x125x400xi32, #tpu.memory_space<hbm>> -> memref<1x1x400xi32, #tpu.memory_space<hbm>>
      %dma_wait3A_1168 = tpu.memref_squeeze %dma_wait3A_1167 : memref<1x1x400xi32, #tpu.memory_space<hbm>> -> memref<400xi32, #tpu.memory_space<hbm>>
      tpu.wait_dma2 semaphore(%arg13 : memref<!tpu.dma_semaphore, #tpu.memory_space<semaphore_mem>>) src(%dma_wait3A_1168 : memref<400xi32, #tpu.memory_space<hbm>>) dst(%dma_wait3A_1165 : memref<400xi32, #tpu.memory_space<vmem>>)
      %add3A_1169 = arith.constant 2 : i32
      %add3A_1170 = arith.addi %mul3A_1030, %add3A_1169 : i32
      %dma_start3A_1171 = arith.constant 3 : i32
      %dma_start3A_1172 = arith.constant 0 : i32
      %dma_start3A_1173 = arith.constant 0 : i32
      %dma_start3A_1174 = tpu.memref_slice %arg6[%dma_start3A_1172, %dma_start3A_1173] : memref<2x400xi32, #tpu.memory_space<vmem>> -> memref<1x400xi32, #tpu.memory_space<vmem>>
      %dma_start3A_1175 = tpu.memref_squeeze %dma_start3A_1174 : memref<1x400xi32, #tpu.memory_space<vmem>> -> memref<400xi32, #tpu.memory_space<vmem>>
      %dma_start3A_1176 = arith.constant 0 : i32
      %dma_start3A_1177 = arith.constant 0 : i32
      %dma_start3A_1178 = tpu.memref_slice %arg4[%dma_start3A_1171, %dma_start3A_1176, %dma_start3A_1177] : memref<4x50000x32xf32, #tpu.memory_space<hbm>> -> memref<1x50000x32xf32, #tpu.memory_space<hbm>>
      %dma_start3A_1179 = tpu.memref_squeeze %dma_start3A_1178 : memref<1x50000x32xf32, #tpu.memory_space<hbm>> -> memref<50000x32xf32, #tpu.memory_space<hbm>>
      %dma_start3A_1180 = arith.constant 0 : i32
      %dma_start3A_1181 = arith.constant 0 : i32
      %dma_start3A_1182 = tpu.memref_slice %dma_start3A_1179[%dma_start3A_1180, %dma_start3A_1181] : memref<50000x32xf32, #tpu.memory_space<hbm>> -> memref<50000x32xf32, #tpu.memory_space<hbm>>
      tpu.enqueue_indirect_dma source(%dma_start3A_1182 : memref<50000x32xf32, #tpu.memory_space<hbm>>) target(%arg8 : memref<400x32xf32, #tpu.memory_space<vmem>>) offsets(%dma_start3A_1175 : memref<400xi32, #tpu.memory_space<vmem>>) semaphore(%arg11 : memref<!tpu.dma_semaphore, #tpu.memory_space<semaphore_mem>>)
      %add3A_1183 = arith.constant 1 : i32
      %add3A_1184 = arith.addi %mul3A_1030, %add3A_1183 : i32
      %dma_start3A_1185 = arith.constant 1 : i32
      %dma_start3A_1186 = arith.constant 0 : i32
      %dma_start3A_1187 = tpu.memref_slice %arg7[%dma_start3A_1185, %dma_start3A_1186] : memref<2x400xi32, #tpu.memory_space<vmem>> -> memref<1x400xi32, #tpu.memory_space<vmem>>
      %dma_start3A_1188 = tpu.memref_squeeze %dma_start3A_1187 : memref<1x400xi32, #tpu.memory_space<vmem>> -> memref<400xi32, #tpu.memory_space<vmem>>
      %dma_start3A_1189 = arith.constant 0 : i32
      %dma_start3A_1190 = arith.constant 0 : i32
      %dma_start3A_1191 = tpu.memref_slice %arg10[%dma_start3A_1189, %dma_start3A_1190] : memref<50048x32xf32, #tpu.memory_space<vmem_shared>> -> memref<50048x32xf32, #tpu.memory_space<vmem_shared>>
      tpu.enqueue_indirect_dma source(%arg9 : memref<400x32xf32, #tpu.memory_space<vmem>>) target(%dma_start3A_1191 : memref<50048x32xf32, #tpu.memory_space<vmem_shared>>) offsets(%dma_start3A_1188 : memref<400xi32, #tpu.memory_space<vmem>>) semaphore(%arg12 : memref<!tpu.dma_semaphore, #tpu.memory_space<semaphore_mem>>) {add = true}
      %add3A_1192 = arith.constant 1 : i32
      %add3A_1193 = arith.addi %mul3A_1030, %add3A_1192 : i32
      %dma_wait3A_1194 = arith.constant 1 : i32
      %dma_wait3A_1195 = arith.constant 0 : i32
      %dma_wait3A_1196 = tpu.memref_slice %arg7[%dma_wait3A_1194, %dma_wait3A_1195] : memref<2x400xi32, #tpu.memory_space<vmem>> -> memref<1x400xi32, #tpu.memory_space<vmem>>
      %dma_wait3A_1197 = tpu.memref_squeeze %dma_wait3A_1196 : memref<1x400xi32, #tpu.memory_space<vmem>> -> memref<400xi32, #tpu.memory_space<vmem>>
      %dma_wait3A_1198 = arith.constant 0 : i32
      %dma_wait3A_1199 = arith.constant 0 : i32
      %dma_wait3A_1200 = tpu.memref_slice %arg10[%dma_wait3A_1198, %dma_wait3A_1199] : memref<50048x32xf32, #tpu.memory_space<vmem_shared>> -> memref<50048x32xf32, #tpu.memory_space<vmem_shared>>
      tpu.wait_indirect_dma semaphore(%arg12 : memref<!tpu.dma_semaphore, #tpu.memory_space<semaphore_mem>>) src(%arg9 : memref<400x32xf32, #tpu.memory_space<vmem>>) dst(%dma_wait3A_1200 : memref<50048x32xf32, #tpu.memory_space<vmem_shared>>)
      %add3A_1201 = arith.constant 3 : i32
      %add3A_1202 = arith.addi %mul3A_1030, %add3A_1201 : i32
      %dma_start3A_1203 = arith.constant 1 : i32
      %dma_start3A_1204 = arith.constant 0 : i32
      %dma_start3A_1205 = tpu.memref_slice %arg6[%dma_start3A_1203, %dma_start3A_1204] : memref<2x400xi32, #tpu.memory_space<vmem>> -> memref<1x400xi32, #tpu.memory_space<vmem>>
      %dma_start3A_1206 = tpu.memref_squeeze %dma_start3A_1205 : memref<1x400xi32, #tpu.memory_space<vmem>> -> memref<400xi32, #tpu.memory_space<vmem>>
      %dma_start3A_1207 = arith.constant 0 : i32
      %dma_start3A_1208 = tpu.memref_slice %arg2[%add3A, %add3A_1202, %dma_start3A_1207] : memref<32x125x400xi32, #tpu.memory_space<hbm>> -> memref<1x1x400xi32, #tpu.memory_space<hbm>>
      %dma_start3A_1209 = tpu.memref_squeeze %dma_start3A_1208 : memref<1x1x400xi32, #tpu.memory_space<hbm>> -> memref<400xi32, #tpu.memory_space<hbm>>
      %dma_start3A_1210 = arith.constant 0 : i32
      %dma_start3A_1211 = tpu.memref_slice %arg6[%dma_start3A_1203, %dma_start3A_1210] : memref<2x400xi32, #tpu.memory_space<vmem>> -> memref<1x400xi32, #tpu.memory_space<vmem>>
      %dma_start3A_1212 = tpu.memref_squeeze %dma_start3A_1211 : memref<1x400xi32, #tpu.memory_space<vmem>> -> memref<400xi32, #tpu.memory_space<vmem>>
      %dma_start3A_1213 = arith.constant 0 : i32
      %dma_start3A_1214 = tpu.memref_slice %arg2[%add3A, %add3A_1202, %dma_start3A_1213] : memref<32x125x400xi32, #tpu.memory_space<hbm>> -> memref<1x1x400xi32, #tpu.memory_space<hbm>>
      %dma_start3A_1215 = tpu.memref_squeeze %dma_start3A_1214 : memref<1x1x400xi32, #tpu.memory_space<hbm>> -> memref<400xi32, #tpu.memory_space<hbm>>
      tpu.enqueue_dma source(%dma_start3A_1215 : memref<400xi32, #tpu.memory_space<hbm>>) target(%dma_start3A_1212 : memref<400xi32, #tpu.memory_space<vmem>>) target_semaphore(%arg13 : memref<!tpu.dma_semaphore, #tpu.memory_space<semaphore_mem>>)
      %dma_start3A_1216 = arith.constant 1 : i32
      %dma_start3A_1217 = arith.constant 0 : i32
      %dma_start3A_1218 = tpu.memref_slice %arg7[%dma_start3A_1216, %dma_start3A_1217] : memref<2x400xi32, #tpu.memory_space<vmem>> -> memref<1x400xi32, #tpu.memory_space<vmem>>
      %dma_start3A_1219 = tpu.memref_squeeze %dma_start3A_1218 : memref<1x400xi32, #tpu.memory_space<vmem>> -> memref<400xi32, #tpu.memory_space<vmem>>
      %dma_start3A_1220 = arith.constant 0 : i32
      %dma_start3A_1221 = tpu.memref_slice %arg3[%add3A, %add3A_1202, %dma_start3A_1220] : memref<32x125x400xi32, #tpu.memory_space<hbm>> -> memref<1x1x400xi32, #tpu.memory_space<hbm>>
      %dma_start3A_1222 = tpu.memref_squeeze %dma_start3A_1221 : memref<1x1x400xi32, #tpu.memory_space<hbm>> -> memref<400xi32, #tpu.memory_space<hbm>>
      %dma_start3A_1223 = arith.constant 0 : i32
      %dma_start3A_1224 = tpu.memref_slice %arg7[%dma_start3A_1216, %dma_start3A_1223] : memref<2x400xi32, #tpu.memory_space<vmem>> -> memref<1x400xi32, #tpu.memory_space<vmem>>
      %dma_start3A_1225 = tpu.memref_squeeze %dma_start3A_1224 : memref<1x400xi32, #tpu.memory_space<vmem>> -> memref<400xi32, #tpu.memory_space<vmem>>
      %dma_start3A_1226 = arith.constant 0 : i32
      %dma_start3A_1227 = tpu.memref_slice %arg3[%add3A, %add3A_1202, %dma_start3A_1226] : memref<32x125x400xi32, #tpu.memory_space<hbm>> -> memref<1x1x400xi32, #tpu.memory_space<hbm>>
      %dma_start3A_1228 = tpu.memref_squeeze %dma_start3A_1227 : memref<1x1x400xi32, #tpu.memory_space<hbm>> -> memref<400xi32, #tpu.memory_space<hbm>>
      tpu.enqueue_dma source(%dma_start3A_1228 : memref<400xi32, #tpu.memory_space<hbm>>) target(%dma_start3A_1225 : memref<400xi32, #tpu.memory_space<vmem>>) target_semaphore(%arg13 : memref<!tpu.dma_semaphore, #tpu.memory_space<semaphore_mem>>)
    }
    %scan3A_830 = arith.constant 61 : i32
    %dma_wait3A_831 = arith.constant 3 : i32
    %dma_wait3A_832 = arith.constant 0 : i32
    %dma_wait3A_833 = arith.constant 0 : i32
    %dma_wait3A_834 = tpu.memref_slice %arg6[%dma_wait3A_832, %dma_wait3A_833] : memref<2x400xi32, #tpu.memory_space<vmem>> -> memref<1x400xi32, #tpu.memory_space<vmem>>
    %dma_wait3A_835 = tpu.memref_squeeze %dma_wait3A_834 : memref<1x400xi32, #tpu.memory_space<vmem>> -> memref<400xi32, #tpu.memory_space<vmem>>
    %dma_wait3A_836 = arith.constant 0 : i32
    %dma_wait3A_837 = arith.constant 0 : i32
    %dma_wait3A_838 = tpu.memref_slice %arg4[%dma_wait3A_831, %dma_wait3A_836, %dma_wait3A_837] : memref<4x50000x32xf32, #tpu.memory_space<hbm>> -> memref<1x50000x32xf32, #tpu.memory_space<hbm>>
    %dma_wait3A_839 = tpu.memref_squeeze %dma_wait3A_838 : memref<1x50000x32xf32, #tpu.memory_space<hbm>> -> memref<50000x32xf32, #tpu.memory_space<hbm>>
    %dma_wait3A_840 = arith.constant 0 : i32
    %dma_wait3A_841 = arith.constant 0 : i32
    %dma_wait3A_842 = tpu.memref_slice %dma_wait3A_839[%dma_wait3A_840, %dma_wait3A_841] : memref<50000x32xf32, #tpu.memory_space<hbm>> -> memref<50000x32xf32, #tpu.memory_space<hbm>>
    tpu.wait_indirect_dma semaphore(%arg11 : memref<!tpu.dma_semaphore, #tpu.memory_space<semaphore_mem>>) src(%dma_wait3A_842 : memref<50000x32xf32, #tpu.memory_space<hbm>>) dst(%arg8 : memref<400x32xf32, #tpu.memory_space<vmem>>)
    %dma_wait3A_843 = arith.constant 123 : i32
    %dma_wait3A_844 = arith.constant 1 : i32
    %dma_wait3A_845 = arith.constant 0 : i32
    %dma_wait3A_846 = tpu.memref_slice %arg6[%dma_wait3A_844, %dma_wait3A_845] : memref<2x400xi32, #tpu.memory_space<vmem>> -> memref<1x400xi32, #tpu.memory_space<vmem>>
    %dma_wait3A_847 = tpu.memref_squeeze %dma_wait3A_846 : memref<1x400xi32, #tpu.memory_space<vmem>> -> memref<400xi32, #tpu.memory_space<vmem>>
    %dma_wait3A_848 = arith.constant 0 : i32
    %dma_wait3A_849 = tpu.memref_slice %arg2[%add3A, %dma_wait3A_843, %dma_wait3A_848] : memref<32x125x400xi32, #tpu.memory_space<hbm>> -> memref<1x1x400xi32, #tpu.memory_space<hbm>>
    %dma_wait3A_850 = tpu.memref_squeeze %dma_wait3A_849 : memref<1x1x400xi32, #tpu.memory_space<hbm>> -> memref<400xi32, #tpu.memory_space<hbm>>
    %dma_wait3A_851 = arith.constant 0 : i32
    %dma_wait3A_852 = tpu.memref_slice %arg6[%dma_wait3A_844, %dma_wait3A_851] : memref<2x400xi32, #tpu.memory_space<vmem>> -> memref<1x400xi32, #tpu.memory_space<vmem>>
    %dma_wait3A_853 = tpu.memref_squeeze %dma_wait3A_852 : memref<1x400xi32, #tpu.memory_space<vmem>> -> memref<400xi32, #tpu.memory_space<vmem>>
    %dma_wait3A_854 = arith.constant 0 : i32
    %dma_wait3A_855 = tpu.memref_slice %arg2[%add3A, %dma_wait3A_843, %dma_wait3A_854] : memref<32x125x400xi32, #tpu.memory_space<hbm>> -> memref<1x1x400xi32, #tpu.memory_space<hbm>>
    %dma_wait3A_856 = tpu.memref_squeeze %dma_wait3A_855 : memref<1x1x400xi32, #tpu.memory_space<hbm>> -> memref<400xi32, #tpu.memory_space<hbm>>
    tpu.wait_dma2 semaphore(%arg13 : memref<!tpu.dma_semaphore, #tpu.memory_space<semaphore_mem>>) src(%dma_wait3A_856 : memref<400xi32, #tpu.memory_space<hbm>>) dst(%dma_wait3A_853 : memref<400xi32, #tpu.memory_space<vmem>>)
    %dma_wait3A_857 = arith.constant 123 : i32
    %dma_wait3A_858 = arith.constant 1 : i32
    %dma_wait3A_859 = arith.constant 0 : i32
    %dma_wait3A_860 = tpu.memref_slice %arg7[%dma_wait3A_858, %dma_wait3A_859] : memref<2x400xi32, #tpu.memory_space<vmem>> -> memref<1x400xi32, #tpu.memory_space<vmem>>
    %dma_wait3A_861 = tpu.memref_squeeze %dma_wait3A_860 : memref<1x400xi32, #tpu.memory_space<vmem>> -> memref<400xi32, #tpu.memory_space<vmem>>
    %dma_wait3A_862 = arith.constant 0 : i32
    %dma_wait3A_863 = tpu.memref_slice %arg3[%add3A, %dma_wait3A_857, %dma_wait3A_862] : memref<32x125x400xi32, #tpu.memory_space<hbm>> -> memref<1x1x400xi32, #tpu.memory_space<hbm>>
    %dma_wait3A_864 = tpu.memref_squeeze %dma_wait3A_863 : memref<1x1x400xi32, #tpu.memory_space<hbm>> -> memref<400xi32, #tpu.memory_space<hbm>>
    %dma_wait3A_865 = arith.constant 0 : i32
    %dma_wait3A_866 = tpu.memref_slice %arg7[%dma_wait3A_858, %dma_wait3A_865] : memref<2x400xi32, #tpu.memory_space<vmem>> -> memref<1x400xi32, #tpu.memory_space<vmem>>
    %dma_wait3A_867 = tpu.memref_squeeze %dma_wait3A_866 : memref<1x400xi32, #tpu.memory_space<vmem>> -> memref<400xi32, #tpu.memory_space<vmem>>
    %dma_wait3A_868 = arith.constant 0 : i32
    %dma_wait3A_869 = tpu.memref_slice %arg3[%add3A, %dma_wait3A_857, %dma_wait3A_868] : memref<32x125x400xi32, #tpu.memory_space<hbm>> -> memref<1x1x400xi32, #tpu.memory_space<hbm>>
    %dma_wait3A_870 = tpu.memref_squeeze %dma_wait3A_869 : memref<1x1x400xi32, #tpu.memory_space<hbm>> -> memref<400xi32, #tpu.memory_space<hbm>>
    tpu.wait_dma2 semaphore(%arg13 : memref<!tpu.dma_semaphore, #tpu.memory_space<semaphore_mem>>) src(%dma_wait3A_870 : memref<400xi32, #tpu.memory_space<hbm>>) dst(%dma_wait3A_867 : memref<400xi32, #tpu.memory_space<vmem>>)
    %dma_start3A_871 = arith.constant 3 : i32
    %dma_start3A_872 = arith.constant 1 : i32
    %dma_start3A_873 = arith.constant 0 : i32
    %dma_start3A_874 = tpu.memref_slice %arg6[%dma_start3A_872, %dma_start3A_873] : memref<2x400xi32, #tpu.memory_space<vmem>> -> memref<1x400xi32, #tpu.memory_space<vmem>>
    %dma_start3A_875 = tpu.memref_squeeze %dma_start3A_874 : memref<1x400xi32, #tpu.memory_space<vmem>> -> memref<400xi32, #tpu.memory_space<vmem>>
    %dma_start3A_876 = arith.constant 0 : i32
    %dma_start3A_877 = arith.constant 0 : i32
    %dma_start3A_878 = tpu.memref_slice %arg4[%dma_start3A_871, %dma_start3A_876, %dma_start3A_877] : memref<4x50000x32xf32, #tpu.memory_space<hbm>> -> memref<1x50000x32xf32, #tpu.memory_space<hbm>>
    %dma_start3A_879 = tpu.memref_squeeze %dma_start3A_878 : memref<1x50000x32xf32, #tpu.memory_space<hbm>> -> memref<50000x32xf32, #tpu.memory_space<hbm>>
    %dma_start3A_880 = arith.constant 0 : i32
    %dma_start3A_881 = arith.constant 0 : i32
    %dma_start3A_882 = tpu.memref_slice %dma_start3A_879[%dma_start3A_880, %dma_start3A_881] : memref<50000x32xf32, #tpu.memory_space<hbm>> -> memref<50000x32xf32, #tpu.memory_space<hbm>>
    tpu.enqueue_indirect_dma source(%dma_start3A_882 : memref<50000x32xf32, #tpu.memory_space<hbm>>) target(%arg9 : memref<400x32xf32, #tpu.memory_space<vmem>>) offsets(%dma_start3A_875 : memref<400xi32, #tpu.memory_space<vmem>>) semaphore(%arg11 : memref<!tpu.dma_semaphore, #tpu.memory_space<semaphore_mem>>)
    %dma_start3A_883 = arith.constant 0 : i32
    %dma_start3A_884 = arith.constant 0 : i32
    %dma_start3A_885 = tpu.memref_slice %arg7[%dma_start3A_883, %dma_start3A_884] : memref<2x400xi32, #tpu.memory_space<vmem>> -> memref<1x400xi32, #tpu.memory_space<vmem>>
    %dma_start3A_886 = tpu.memref_squeeze %dma_start3A_885 : memref<1x400xi32, #tpu.memory_space<vmem>> -> memref<400xi32, #tpu.memory_space<vmem>>
    %dma_start3A_887 = arith.constant 0 : i32
    %dma_start3A_888 = arith.constant 0 : i32
    %dma_start3A_889 = tpu.memref_slice %arg10[%dma_start3A_887, %dma_start3A_888] : memref<50048x32xf32, #tpu.memory_space<vmem_shared>> -> memref<50048x32xf32, #tpu.memory_space<vmem_shared>>
    tpu.enqueue_indirect_dma source(%arg8 : memref<400x32xf32, #tpu.memory_space<vmem>>) target(%dma_start3A_889 : memref<50048x32xf32, #tpu.memory_space<vmem_shared>>) offsets(%dma_start3A_886 : memref<400xi32, #tpu.memory_space<vmem>>) semaphore(%arg12 : memref<!tpu.dma_semaphore, #tpu.memory_space<semaphore_mem>>) {add = true}
    %dma_wait3A_890 = arith.constant 0 : i32
    %dma_wait3A_891 = arith.constant 0 : i32
    %dma_wait3A_892 = tpu.memref_slice %arg7[%dma_wait3A_890, %dma_wait3A_891] : memref<2x400xi32, #tpu.memory_space<vmem>> -> memref<1x400xi32, #tpu.memory_space<vmem>>
    %dma_wait3A_893 = tpu.memref_squeeze %dma_wait3A_892 : memref<1x400xi32, #tpu.memory_space<vmem>> -> memref<400xi32, #tpu.memory_space<vmem>>
    %dma_wait3A_894 = arith.constant 0 : i32
    %dma_wait3A_895 = arith.constant 0 : i32
    %dma_wait3A_896 = tpu.memref_slice %arg10[%dma_wait3A_894, %dma_wait3A_895] : memref<50048x32xf32, #tpu.memory_space<vmem_shared>> -> memref<50048x32xf32, #tpu.memory_space<vmem_shared>>
    tpu.wait_indirect_dma semaphore(%arg12 : memref<!tpu.dma_semaphore, #tpu.memory_space<semaphore_mem>>) src(%arg8 : memref<400x32xf32, #tpu.memory_space<vmem>>) dst(%dma_wait3A_896 : memref<50048x32xf32, #tpu.memory_space<vmem_shared>>)
    %dma_start3A_897 = arith.constant 124 : i32
    %dma_start3A_898 = arith.constant 0 : i32
    %dma_start3A_899 = arith.constant 0 : i32
    %dma_start3A_900 = tpu.memref_slice %arg6[%dma_start3A_898, %dma_start3A_899] : memref<2x400xi32, #tpu.memory_space<vmem>> -> memref<1x400xi32, #tpu.memory_space<vmem>>
    %dma_start3A_901 = tpu.memref_squeeze %dma_start3A_900 : memref<1x400xi32, #tpu.memory_space<vmem>> -> memref<400xi32, #tpu.memory_space<vmem>>
    %dma_start3A_902 = arith.constant 0 : i32
    %dma_start3A_903 = tpu.memref_slice %arg2[%add3A, %dma_start3A_897, %dma_start3A_902] : memref<32x125x400xi32, #tpu.memory_space<hbm>> -> memref<1x1x400xi32, #tpu.memory_space<hbm>>
    %dma_start3A_904 = tpu.memref_squeeze %dma_start3A_903 : memref<1x1x400xi32, #tpu.memory_space<hbm>> -> memref<400xi32, #tpu.memory_space<hbm>>
    %dma_start3A_905 = arith.constant 0 : i32
    %dma_start3A_906 = tpu.memref_slice %arg6[%dma_start3A_898, %dma_start3A_905] : memref<2x400xi32, #tpu.memory_space<vmem>> -> memref<1x400xi32, #tpu.memory_space<vmem>>
    %dma_start3A_907 = tpu.memref_squeeze %dma_start3A_906 : memref<1x400xi32, #tpu.memory_space<vmem>> -> memref<400xi32, #tpu.memory_space<vmem>>
    %dma_start3A_908 = arith.constant 0 : i32
    %dma_start3A_909 = tpu.memref_slice %arg2[%add3A, %dma_start3A_897, %dma_start3A_908] : memref<32x125x400xi32, #tpu.memory_space<hbm>> -> memref<1x1x400xi32, #tpu.memory_space<hbm>>
    %dma_start3A_910 = tpu.memref_squeeze %dma_start3A_909 : memref<1x1x400xi32, #tpu.memory_space<hbm>> -> memref<400xi32, #tpu.memory_space<hbm>>
    tpu.enqueue_dma source(%dma_start3A_910 : memref<400xi32, #tpu.memory_space<hbm>>) target(%dma_start3A_907 : memref<400xi32, #tpu.memory_space<vmem>>) target_semaphore(%arg13 : memref<!tpu.dma_semaphore, #tpu.memory_space<semaphore_mem>>)
    %dma_start3A_911 = arith.constant 124 : i32
    %dma_start3A_912 = arith.constant 0 : i32
    %dma_start3A_913 = arith.constant 0 : i32
    %dma_start3A_914 = tpu.memref_slice %arg7[%dma_start3A_912, %dma_start3A_913] : memref<2x400xi32, #tpu.memory_space<vmem>> -> memref<1x400xi32, #tpu.memory_space<vmem>>
    %dma_start3A_915 = tpu.memref_squeeze %dma_start3A_914 : memref<1x400xi32, #tpu.memory_space<vmem>> -> memref<400xi32, #tpu.memory_space<vmem>>
    %dma_start3A_916 = arith.constant 0 : i32
    %dma_start3A_917 = tpu.memref_slice %arg3[%add3A, %dma_start3A_911, %dma_start3A_916] : memref<32x125x400xi32, #tpu.memory_space<hbm>> -> memref<1x1x400xi32, #tpu.memory_space<hbm>>
    %dma_start3A_918 = tpu.memref_squeeze %dma_start3A_917 : memref<1x1x400xi32, #tpu.memory_space<hbm>> -> memref<400xi32, #tpu.memory_space<hbm>>
    %dma_start3A_919 = arith.constant 0 : i32
    %dma_start3A_920 = tpu.memref_slice %arg7[%dma_start3A_912, %dma_start3A_919] : memref<2x400xi32, #tpu.memory_space<vmem>> -> memref<1x400xi32, #tpu.memory_space<vmem>>
    %dma_start3A_921 = tpu.memref_squeeze %dma_start3A_920 : memref<1x400xi32, #tpu.memory_space<vmem>> -> memref<400xi32, #tpu.memory_space<vmem>>
    %dma_start3A_922 = arith.constant 0 : i32
    %dma_start3A_923 = tpu.memref_slice %arg3[%add3A, %dma_start3A_911, %dma_start3A_922] : memref<32x125x400xi32, #tpu.memory_space<hbm>> -> memref<1x1x400xi32, #tpu.memory_space<hbm>>
    %dma_start3A_924 = tpu.memref_squeeze %dma_start3A_923 : memref<1x1x400xi32, #tpu.memory_space<hbm>> -> memref<400xi32, #tpu.memory_space<hbm>>
    tpu.enqueue_dma source(%dma_start3A_924 : memref<400xi32, #tpu.memory_space<hbm>>) target(%dma_start3A_921 : memref<400xi32, #tpu.memory_space<vmem>>) target_semaphore(%arg13 : memref<!tpu.dma_semaphore, #tpu.memory_space<semaphore_mem>>)
    %dma_wait3A_925 = arith.constant 3 : i32
    %dma_wait3A_926 = arith.constant 1 : i32
    %dma_wait3A_927 = arith.constant 0 : i32
    %dma_wait3A_928 = tpu.memref_slice %arg6[%dma_wait3A_926, %dma_wait3A_927] : memref<2x400xi32, #tpu.memory_space<vmem>> -> memref<1x400xi32, #tpu.memory_space<vmem>>
    %dma_wait3A_929 = tpu.memref_squeeze %dma_wait3A_928 : memref<1x400xi32, #tpu.memory_space<vmem>> -> memref<400xi32, #tpu.memory_space<vmem>>
    %dma_wait3A_930 = arith.constant 0 : i32
    %dma_wait3A_931 = arith.constant 0 : i32
    %dma_wait3A_932 = tpu.memref_slice %arg4[%dma_wait3A_925, %dma_wait3A_930, %dma_wait3A_931] : memref<4x50000x32xf32, #tpu.memory_space<hbm>> -> memref<1x50000x32xf32, #tpu.memory_space<hbm>>
    %dma_wait3A_933 = tpu.memref_squeeze %dma_wait3A_932 : memref<1x50000x32xf32, #tpu.memory_space<hbm>> -> memref<50000x32xf32, #tpu.memory_space<hbm>>
    %dma_wait3A_934 = arith.constant 0 : i32
    %dma_wait3A_935 = arith.constant 0 : i32
    %dma_wait3A_936 = tpu.memref_slice %dma_wait3A_933[%dma_wait3A_934, %dma_wait3A_935] : memref<50000x32xf32, #tpu.memory_space<hbm>> -> memref<50000x32xf32, #tpu.memory_space<hbm>>
    tpu.wait_indirect_dma semaphore(%arg11 : memref<!tpu.dma_semaphore, #tpu.memory_space<semaphore_mem>>) src(%dma_wait3A_936 : memref<50000x32xf32, #tpu.memory_space<hbm>>) dst(%arg9 : memref<400x32xf32, #tpu.memory_space<vmem>>)
    %dma_wait3A_937 = arith.constant 124 : i32
    %dma_wait3A_938 = arith.constant 0 : i32
    %dma_wait3A_939 = arith.constant 0 : i32
    %dma_wait3A_940 = tpu.memref_slice %arg6[%dma_wait3A_938, %dma_wait3A_939] : memref<2x400xi32, #tpu.memory_space<vmem>> -> memref<1x400xi32, #tpu.memory_space<vmem>>
    %dma_wait3A_941 = tpu.memref_squeeze %dma_wait3A_940 : memref<1x400xi32, #tpu.memory_space<vmem>> -> memref<400xi32, #tpu.memory_space<vmem>>
    %dma_wait3A_942 = arith.constant 0 : i32
    %dma_wait3A_943 = tpu.memref_slice %arg2[%add3A, %dma_wait3A_937, %dma_wait3A_942] : memref<32x125x400xi32, #tpu.memory_space<hbm>> -> memref<1x1x400xi32, #tpu.memory_space<hbm>>
    %dma_wait3A_944 = tpu.memref_squeeze %dma_wait3A_943 : memref<1x1x400xi32, #tpu.memory_space<hbm>> -> memref<400xi32, #tpu.memory_space<hbm>>
    %dma_wait3A_945 = arith.constant 0 : i32
    %dma_wait3A_946 = tpu.memref_slice %arg6[%dma_wait3A_938, %dma_wait3A_945] : memref<2x400xi32, #tpu.memory_space<vmem>> -> memref<1x400xi32, #tpu.memory_space<vmem>>
    %dma_wait3A_947 = tpu.memref_squeeze %dma_wait3A_946 : memref<1x400xi32, #tpu.memory_space<vmem>> -> memref<400xi32, #tpu.memory_space<vmem>>
    %dma_wait3A_948 = arith.constant 0 : i32
    %dma_wait3A_949 = tpu.memref_slice %arg2[%add3A, %dma_wait3A_937, %dma_wait3A_948] : memref<32x125x400xi32, #tpu.memory_space<hbm>> -> memref<1x1x400xi32, #tpu.memory_space<hbm>>
    %dma_wait3A_950 = tpu.memref_squeeze %dma_wait3A_949 : memref<1x1x400xi32, #tpu.memory_space<hbm>> -> memref<400xi32, #tpu.memory_space<hbm>>
    tpu.wait_dma2 semaphore(%arg13 : memref<!tpu.dma_semaphore, #tpu.memory_space<semaphore_mem>>) src(%dma_wait3A_950 : memref<400xi32, #tpu.memory_space<hbm>>) dst(%dma_wait3A_947 : memref<400xi32, #tpu.memory_space<vmem>>)
    %dma_wait3A_951 = arith.constant 124 : i32
    %dma_wait3A_952 = arith.constant 0 : i32
    %dma_wait3A_953 = arith.constant 0 : i32
    %dma_wait3A_954 = tpu.memref_slice %arg7[%dma_wait3A_952, %dma_wait3A_953] : memref<2x400xi32, #tpu.memory_space<vmem>> -> memref<1x400xi32, #tpu.memory_space<vmem>>
    %dma_wait3A_955 = tpu.memref_squeeze %dma_wait3A_954 : memref<1x400xi32, #tpu.memory_space<vmem>> -> memref<400xi32, #tpu.memory_space<vmem>>
    %dma_wait3A_956 = arith.constant 0 : i32
    %dma_wait3A_957 = tpu.memref_slice %arg3[%add3A, %dma_wait3A_951, %dma_wait3A_956] : memref<32x125x400xi32, #tpu.memory_space<hbm>> -> memref<1x1x400xi32, #tpu.memory_space<hbm>>
    %dma_wait3A_958 = tpu.memref_squeeze %dma_wait3A_957 : memref<1x1x400xi32, #tpu.memory_space<hbm>> -> memref<400xi32, #tpu.memory_space<hbm>>
    %dma_wait3A_959 = arith.constant 0 : i32
    %dma_wait3A_960 = tpu.memref_slice %arg7[%dma_wait3A_952, %dma_wait3A_959] : memref<2x400xi32, #tpu.memory_space<vmem>> -> memref<1x400xi32, #tpu.memory_space<vmem>>
    %dma_wait3A_961 = tpu.memref_squeeze %dma_wait3A_960 : memref<1x400xi32, #tpu.memory_space<vmem>> -> memref<400xi32, #tpu.memory_space<vmem>>
    %dma_wait3A_962 = arith.constant 0 : i32
    %dma_wait3A_963 = tpu.memref_slice %arg3[%add3A, %dma_wait3A_951, %dma_wait3A_962] : memref<32x125x400xi32, #tpu.memory_space<hbm>> -> memref<1x1x400xi32, #tpu.memory_space<hbm>>
    %dma_wait3A_964 = tpu.memref_squeeze %dma_wait3A_963 : memref<1x1x400xi32, #tpu.memory_space<hbm>> -> memref<400xi32, #tpu.memory_space<hbm>>
    tpu.wait_dma2 semaphore(%arg13 : memref<!tpu.dma_semaphore, #tpu.memory_space<semaphore_mem>>) src(%dma_wait3A_964 : memref<400xi32, #tpu.memory_space<hbm>>) dst(%dma_wait3A_961 : memref<400xi32, #tpu.memory_space<vmem>>)
    %dma_start3A_965 = arith.constant 3 : i32
    %dma_start3A_966 = arith.constant 0 : i32
    %dma_start3A_967 = arith.constant 0 : i32
    %dma_start3A_968 = tpu.memref_slice %arg6[%dma_start3A_966, %dma_start3A_967] : memref<2x400xi32, #tpu.memory_space<vmem>> -> memref<1x400xi32, #tpu.memory_space<vmem>>
    %dma_start3A_969 = tpu.memref_squeeze %dma_start3A_968 : memref<1x400xi32, #tpu.memory_space<vmem>> -> memref<400xi32, #tpu.memory_space<vmem>>
    %dma_start3A_970 = arith.constant 0 : i32
    %dma_start3A_971 = arith.constant 0 : i32
    %dma_start3A_972 = tpu.memref_slice %arg4[%dma_start3A_965, %dma_start3A_970, %dma_start3A_971] : memref<4x50000x32xf32, #tpu.memory_space<hbm>> -> memref<1x50000x32xf32, #tpu.memory_space<hbm>>
    %dma_start3A_973 = tpu.memref_squeeze %dma_start3A_972 : memref<1x50000x32xf32, #tpu.memory_space<hbm>> -> memref<50000x32xf32, #tpu.memory_space<hbm>>
    %dma_start3A_974 = arith.constant 0 : i32
    %dma_start3A_975 = arith.constant 0 : i32
    %dma_start3A_976 = tpu.memref_slice %dma_start3A_973[%dma_start3A_974, %dma_start3A_975] : memref<50000x32xf32, #tpu.memory_space<hbm>> -> memref<50000x32xf32, #tpu.memory_space<hbm>>
    tpu.enqueue_indirect_dma source(%dma_start3A_976 : memref<50000x32xf32, #tpu.memory_space<hbm>>) target(%arg8 : memref<400x32xf32, #tpu.memory_space<vmem>>) offsets(%dma_start3A_969 : memref<400xi32, #tpu.memory_space<vmem>>) semaphore(%arg11 : memref<!tpu.dma_semaphore, #tpu.memory_space<semaphore_mem>>)
    %dma_start3A_977 = arith.constant 1 : i32
    %dma_start3A_978 = arith.constant 0 : i32
    %dma_start3A_979 = tpu.memref_slice %arg7[%dma_start3A_977, %dma_start3A_978] : memref<2x400xi32, #tpu.memory_space<vmem>> -> memref<1x400xi32, #tpu.memory_space<vmem>>
    %dma_start3A_980 = tpu.memref_squeeze %dma_start3A_979 : memref<1x400xi32, #tpu.memory_space<vmem>> -> memref<400xi32, #tpu.memory_space<vmem>>
    %dma_start3A_981 = arith.constant 0 : i32
    %dma_start3A_982 = arith.constant 0 : i32
    %dma_start3A_983 = tpu.memref_slice %arg10[%dma_start3A_981, %dma_start3A_982] : memref<50048x32xf32, #tpu.memory_space<vmem_shared>> -> memref<50048x32xf32, #tpu.memory_space<vmem_shared>>
    tpu.enqueue_indirect_dma source(%arg9 : memref<400x32xf32, #tpu.memory_space<vmem>>) target(%dma_start3A_983 : memref<50048x32xf32, #tpu.memory_space<vmem_shared>>) offsets(%dma_start3A_980 : memref<400xi32, #tpu.memory_space<vmem>>) semaphore(%arg12 : memref<!tpu.dma_semaphore, #tpu.memory_space<semaphore_mem>>) {add = true}
    %dma_wait3A_984 = arith.constant 1 : i32
    %dma_wait3A_985 = arith.constant 0 : i32
    %dma_wait3A_986 = tpu.memref_slice %arg7[%dma_wait3A_984, %dma_wait3A_985] : memref<2x400xi32, #tpu.memory_space<vmem>> -> memref<1x400xi32, #tpu.memory_space<vmem>>
    %dma_wait3A_987 = tpu.memref_squeeze %dma_wait3A_986 : memref<1x400xi32, #tpu.memory_space<vmem>> -> memref<400xi32, #tpu.memory_space<vmem>>
    %dma_wait3A_988 = arith.constant 0 : i32
    %dma_wait3A_989 = arith.constant 0 : i32
    %dma_wait3A_990 = tpu.memref_slice %arg10[%dma_wait3A_988, %dma_wait3A_989] : memref<50048x32xf32, #tpu.memory_space<vmem_shared>> -> memref<50048x32xf32, #tpu.memory_space<vmem_shared>>
    tpu.wait_indirect_dma semaphore(%arg12 : memref<!tpu.dma_semaphore, #tpu.memory_space<semaphore_mem>>) src(%arg9 : memref<400x32xf32, #tpu.memory_space<vmem>>) dst(%dma_wait3A_990 : memref<50048x32xf32, #tpu.memory_space<vmem_shared>>)
    %dma_wait3A_991 = arith.constant 3 : i32
    %dma_wait3A_992 = arith.constant 0 : i32
    %dma_wait3A_993 = arith.constant 0 : i32
    %dma_wait3A_994 = tpu.memref_slice %arg6[%dma_wait3A_992, %dma_wait3A_993] : memref<2x400xi32, #tpu.memory_space<vmem>> -> memref<1x400xi32, #tpu.memory_space<vmem>>
    %dma_wait3A_995 = tpu.memref_squeeze %dma_wait3A_994 : memref<1x400xi32, #tpu.memory_space<vmem>> -> memref<400xi32, #tpu.memory_space<vmem>>
    %dma_wait3A_996 = arith.constant 0 : i32
    %dma_wait3A_997 = arith.constant 0 : i32
    %dma_wait3A_998 = tpu.memref_slice %arg4[%dma_wait3A_991, %dma_wait3A_996, %dma_wait3A_997] : memref<4x50000x32xf32, #tpu.memory_space<hbm>> -> memref<1x50000x32xf32, #tpu.memory_space<hbm>>
    %dma_wait3A_999 = tpu.memref_squeeze %dma_wait3A_998 : memref<1x50000x32xf32, #tpu.memory_space<hbm>> -> memref<50000x32xf32, #tpu.memory_space<hbm>>
    %dma_wait3A_1000 = arith.constant 0 : i32
    %dma_wait3A_1001 = arith.constant 0 : i32
    %dma_wait3A_1002 = tpu.memref_slice %dma_wait3A_999[%dma_wait3A_1000, %dma_wait3A_1001] : memref<50000x32xf32, #tpu.memory_space<hbm>> -> memref<50000x32xf32, #tpu.memory_space<hbm>>
    tpu.wait_indirect_dma semaphore(%arg11 : memref<!tpu.dma_semaphore, #tpu.memory_space<semaphore_mem>>) src(%dma_wait3A_1002 : memref<50000x32xf32, #tpu.memory_space<hbm>>) dst(%arg8 : memref<400x32xf32, #tpu.memory_space<vmem>>)
    %dma_start3A_1003 = arith.constant 0 : i32
    %dma_start3A_1004 = arith.constant 0 : i32
    %dma_start3A_1005 = tpu.memref_slice %arg7[%dma_start3A_1003, %dma_start3A_1004] : memref<2x400xi32, #tpu.memory_space<vmem>> -> memref<1x400xi32, #tpu.memory_space<vmem>>
    %dma_start3A_1006 = tpu.memref_squeeze %dma_start3A_1005 : memref<1x400xi32, #tpu.memory_space<vmem>> -> memref<400xi32, #tpu.memory_space<vmem>>
    %dma_start3A_1007 = arith.constant 0 : i32
    %dma_start3A_1008 = arith.constant 0 : i32
    %dma_start3A_1009 = tpu.memref_slice %arg10[%dma_start3A_1007, %dma_start3A_1008] : memref<50048x32xf32, #tpu.memory_space<vmem_shared>> -> memref<50048x32xf32, #tpu.memory_space<vmem_shared>>
    tpu.enqueue_indirect_dma source(%arg8 : memref<400x32xf32, #tpu.memory_space<vmem>>) target(%dma_start3A_1009 : memref<50048x32xf32, #tpu.memory_space<vmem_shared>>) offsets(%dma_start3A_1006 : memref<400xi32, #tpu.memory_space<vmem>>) semaphore(%arg12 : memref<!tpu.dma_semaphore, #tpu.memory_space<semaphore_mem>>) {add = true}
    %dma_wait3A_1010 = arith.constant 0 : i32
    %dma_wait3A_1011 = arith.constant 0 : i32
    %dma_wait3A_1012 = tpu.memref_slice %arg7[%dma_wait3A_1010, %dma_wait3A_1011] : memref<2x400xi32, #tpu.memory_space<vmem>> -> memref<1x400xi32, #tpu.memory_space<vmem>>
    %dma_wait3A_1013 = tpu.memref_squeeze %dma_wait3A_1012 : memref<1x400xi32, #tpu.memory_space<vmem>> -> memref<400xi32, #tpu.memory_space<vmem>>
    %dma_wait3A_1014 = arith.constant 0 : i32
    %dma_wait3A_1015 = arith.constant 0 : i32
    %dma_wait3A_1016 = tpu.memref_slice %arg10[%dma_wait3A_1014, %dma_wait3A_1015] : memref<50048x32xf32, #tpu.memory_space<vmem_shared>> -> memref<50048x32xf32, #tpu.memory_space<vmem_shared>>
    tpu.wait_indirect_dma semaphore(%arg12 : memref<!tpu.dma_semaphore, #tpu.memory_space<semaphore_mem>>) src(%arg8 : memref<400x32xf32, #tpu.memory_space<vmem>>) dst(%dma_wait3A_1016 : memref<50048x32xf32, #tpu.memory_space<vmem_shared>>)
    %barrier3A_1017 = arith.constant 0 : index
    tpu.barrier barrier_id(%barrier3A_1017)
    %mul3A_1018 = arith.constant 3128 : i32
    %mul3A_1019 = arith.muli %arg1, %mul3A_1018 : i32
    %mul3A_1020 = arith.constant 3128 : i32
    %mul3A_1021 = arith.muli %arg1, %mul3A_1020 : i32
    %run_scoped3A_1022 = arith.constant 3 : i32
    "tpu.region"() ({
      %run_scoped3A_1024 = tpu.sem_alloc : memref<!tpu.dma_semaphore, #tpu.memory_space<semaphore_mem>>
      %dma_start3A_1025 = arith.constant 0 : i32
      %dma_start3A_1026 = tpu.memref_slice %arg5[%arg0, %run_scoped3A_1022, %mul3A_1021, %dma_start3A_1025] : memref<2x4x50048x32xf32, #tpu.memory_space<hbm>> -> memref<1x1x3128x32xf32, #tpu.memory_space<hbm>>
      %dma_start3A_1027 = tpu.memref_squeeze %dma_start3A_1026 : memref<1x1x3128x32xf32, #tpu.memory_space<hbm>> -> memref<3128x32xf32, #tpu.memory_space<hbm>>
      %dma_start3A_1028 = arith.constant 0 : i32
      %dma_start3A_1029 = tpu.memref_slice %arg10[%mul3A_1019, %dma_start3A_1028] : memref<50048x32xf32, #tpu.memory_space<vmem_shared>> -> memref<3128x32xf32, #tpu.memory_space<vmem_shared>>
      tpu.enqueue_dma source(%dma_start3A_1029 : memref<3128x32xf32, #tpu.memory_space<vmem_shared>>) target(%dma_start3A_1027 : memref<3128x32xf32, #tpu.memory_space<hbm>>) target_semaphore(%run_scoped3A_1024 : memref<!tpu.dma_semaphore, #tpu.memory_space<semaphore_mem>>)
      %dma_wait3A_1030 = arith.constant 0 : i32
      %dma_wait3A_1031 = tpu.memref_slice %arg5[%arg0, %run_scoped3A_1022, %mul3A_1021, %dma_wait3A_1030] : memref<2x4x50048x32xf32, #tpu.memory_space<hbm>> -> memref<1x1x3128x32xf32, #tpu.memory_space<hbm>>
      %dma_wait3A_1032 = tpu.memref_squeeze %dma_wait3A_1031 : memref<1x1x3128x32xf32, #tpu.memory_space<hbm>> -> memref<3128x32xf32, #tpu.memory_space<hbm>>
      %dma_wait3A_1033 = arith.constant 0 : i32
      %dma_wait3A_1034 = tpu.memref_slice %arg10[%mul3A_1019, %dma_wait3A_1033] : memref<50048x32xf32, #tpu.memory_space<vmem_shared>> -> memref<3128x32xf32, #tpu.memory_space<vmem_shared>>
      tpu.wait_dma2 semaphore(%run_scoped3A_1024 : memref<!tpu.dma_semaphore, #tpu.memory_space<semaphore_mem>>) src(%dma_wait3A_1034 : memref<3128x32xf32, #tpu.memory_space<vmem_shared>>) dst(%dma_wait3A_1032 : memref<3128x32xf32, #tpu.memory_space<hbm>>)
      tpu.yield
    }) : () -> ()
    %barrier3A_1023 = arith.constant 0 : index
    tpu.barrier barrier_id(%barrier3A_1023)
    return
  }
}

#map = affine_map<(d0, d1) -> (0, 0, 0)>
module attributes {stable_mosaic.version = 14 : i64} {
  func.func @_sc_degree(%arg0: i32, %arg1: i32, %arg2: memref<32x50x1000xi32, #tpu.memory_space<hbm>>, %arg3: memref<2x50048x16xf32, #tpu.memory_space<hbm>>, %arg4: memref<50x1000xi32, #tpu.memory_space<vmem>>, %arg5: memref<1000x16xf32, #tpu.memory_space<vmem>>, %arg6: memref<136x16xf32, #tpu.memory_space<vmem>>, %arg7: memref<50048x16xf32, #tpu.memory_space<vmem_shared>>, %arg8: memref<!tpu.dma_semaphore, #tpu.memory_space<semaphore_mem>>) attributes {dimension_semantics = [#tpu.dimension_semantics<core_parallel>, #tpu.dimension_semantics<subcore_parallel>], iteration_bounds = array<i64: 2, 16>, scalar_prefetch = 0 : i64, scratch_operands = 5 : i64, tpu.core_type = #tpu.core_type<sc_vector_subcore>, window_params = [{transform_indices = #map}, {transform_indices = #map}]} {
    %mul3A = arith.constant 16 : i32
    %mul3A_0 = arith.muli %arg0, %mul3A : i32
    %add3A = arith.addi %mul3A_0, %arg1 : i32
    %scan3A = arith.constant 0 : i32
    %scan3A_1 = arith.constant 1000 : i32
    %scan3A_2 = arith.addi %scan3A, %scan3A_1 : i32
    %scan3A_3 = arith.constant 1 : i32
    scf.for %scan3A_38 = %scan3A to %scan3A_2 step %scan3A_3  : i32 {
      %mul3A_39 = arith.constant 1 : i32
      %mul3A_40 = arith.muli %scan3A_38, %mul3A_39 : i32
      %add3A_41 = arith.constant 0 : i32
      %add3A_42 = arith.addi %add3A_41, %mul3A_40 : i32
      %broadcast_in_dim3A = arith.constant 1.000000e+00 : f32
      %broadcast_in_dim3A_43 = vector.broadcast %broadcast_in_dim3A : f32 to vector<16xf32>
      %swap3A = arith.index_cast %add3A_42 : i32 to index
      %swap3A_44 = arith.constant 0 : index
      %swap3A_45 = tpu.vector_load %arg5[%swap3A, %swap3A_44] {strides = array<i32>} : memref<1000x16xf32, #tpu.memory_space<vmem>>, vector<1x16xf32>,
      %swap3A_46 = vector.shape_cast %swap3A_45 : vector<1x16xf32> to vector<16xf32>
      %swap3A_47 = vector.shape_cast %broadcast_in_dim3A_43 : vector<16xf32> to vector<1x16xf32>
      tpu.vector_store %arg5[%swap3A, %swap3A_44], %swap3A_47 {strides = array<i32>} : memref<1000x16xf32, #tpu.memory_space<vmem>>, vector<1x16xf32>,
    }
    %scan3A_4 = arith.constant 1000 : i32
    %scan3A_5 = arith.constant 0 : i32
    %scan3A_6 = arith.constant 136 : i32
    %scan3A_7 = arith.addi %scan3A_5, %scan3A_6 : i32
    %scan3A_8 = arith.constant 1 : i32
    scf.for %scan3A_38 = %scan3A_5 to %scan3A_7 step %scan3A_8  : i32 {
      %mul3A_39 = arith.constant 1 : i32
      %mul3A_40 = arith.muli %scan3A_38, %mul3A_39 : i32
      %add3A_41 = arith.constant 0 : i32
      %add3A_42 = arith.addi %add3A_41, %mul3A_40 : i32
      %broadcast_in_dim3A = arith.constant 0.000000e+00 : f32
      %broadcast_in_dim3A_43 = vector.broadcast %broadcast_in_dim3A : f32 to vector<16xf32>
      %swap3A = arith.index_cast %add3A_42 : i32 to index
      %swap3A_44 = arith.constant 0 : index
      %swap3A_45 = tpu.vector_load %arg6[%swap3A, %swap3A_44] {strides = array<i32>} : memref<136x16xf32, #tpu.memory_space<vmem>>, vector<1x16xf32>,
      %swap3A_46 = vector.shape_cast %swap3A_45 : vector<1x16xf32> to vector<16xf32>
      %swap3A_47 = vector.shape_cast %broadcast_in_dim3A_43 : vector<16xf32> to vector<1x16xf32>
      tpu.vector_store %arg6[%swap3A, %swap3A_44], %swap3A_47 {strides = array<i32>} : memref<136x16xf32, #tpu.memory_space<vmem>>, vector<1x16xf32>,
    }
    %scan3A_9 = arith.constant 136 : i32
    %scan3A_10 = arith.constant 0 : i32
    %scan3A_11 = arith.constant 23 : i32
    %scan3A_12 = arith.addi %scan3A_10, %scan3A_11 : i32
    %scan3A_13 = arith.constant 1 : i32
    scf.for %scan3A_38 = %scan3A_10 to %scan3A_12 step %scan3A_13  : i32 {
      %mul3A_39 = arith.constant 1 : i32
      %mul3A_40 = arith.muli %scan3A_38, %mul3A_39 : i32
      %add3A_41 = arith.constant 0 : i32
      %add3A_42 = arith.addi %add3A_41, %mul3A_40 : i32
      %mul3A_43 = arith.constant 3128 : i32
      %mul3A_44 = arith.muli %arg1, %mul3A_43 : i32
      %mul3A_45 = arith.constant 136 : i32
      %mul3A_46 = arith.muli %add3A_42, %mul3A_45 : i32
      %add3A_47 = arith.addi %mul3A_44, %mul3A_46 : i32
      "tpu.region"() ({
        %run_scoped3A = tpu.sem_alloc : memref<!tpu.dma_semaphore, #tpu.memory_space<semaphore_mem>>
        %dma_start3A = arith.constant 0 : i32
        %dma_start3A_48 = tpu.memref_slice %arg7[%add3A_47, %dma_start3A] : memref<50048x16xf32, #tpu.memory_space<vmem_shared>> -> memref<136x16xf32, #tpu.memory_space<vmem_shared>>
        %dma_start3A_49 = arith.constant 0 : i32
        %dma_start3A_50 = tpu.memref_slice %arg7[%add3A_47, %dma_start3A_49] : memref<50048x16xf32, #tpu.memory_space<vmem_shared>> -> memref<136x16xf32, #tpu.memory_space<vmem_shared>>
        tpu.enqueue_dma source(%arg6 : memref<136x16xf32, #tpu.memory_space<vmem>>) target(%dma_start3A_50 : memref<136x16xf32, #tpu.memory_space<vmem_shared>>) target_semaphore(%run_scoped3A : memref<!tpu.dma_semaphore, #tpu.memory_space<semaphore_mem>>)
        %dma_wait3A_51 = arith.constant 0 : i32
        %dma_wait3A_52 = tpu.memref_slice %arg7[%add3A_47, %dma_wait3A_51] : memref<50048x16xf32, #tpu.memory_space<vmem_shared>> -> memref<136x16xf32, #tpu.memory_space<vmem_shared>>
        %dma_wait3A_53 = arith.constant 0 : i32
        %dma_wait3A_54 = tpu.memref_slice %arg7[%add3A_47, %dma_wait3A_53] : memref<50048x16xf32, #tpu.memory_space<vmem_shared>> -> memref<136x16xf32, #tpu.memory_space<vmem_shared>>
        tpu.wait_dma2 semaphore(%run_scoped3A : memref<!tpu.dma_semaphore, #tpu.memory_space<semaphore_mem>>) src(%arg6 : memref<136x16xf32, #tpu.memory_space<vmem>>) dst(%dma_wait3A_54 : memref<136x16xf32, #tpu.memory_space<vmem_shared>>)
        tpu.yield
      }) : () -> ()
    }
    %scan3A_14 = arith.constant 23 : i32
    "tpu.region"() ({
      %run_scoped3A = tpu.sem_alloc : memref<!tpu.dma_semaphore, #tpu.memory_space<semaphore_mem>>
      %dma_start3A = arith.constant 0 : i32
      %dma_start3A_38 = arith.constant 0 : i32
      %dma_start3A_39 = tpu.memref_slice %arg2[%add3A, %dma_start3A, %dma_start3A_38] : memref<32x50x1000xi32, #tpu.memory_space<hbm>> -> memref<1x50x1000xi32, #tpu.memory_space<hbm>>
      %dma_start3A_40 = tpu.memref_squeeze %dma_start3A_39 : memref<1x50x1000xi32, #tpu.memory_space<hbm>> -> memref<50x1000xi32, #tpu.memory_space<hbm>>
      %dma_start3A_41 = arith.constant 0 : i32
      %dma_start3A_42 = arith.constant 0 : i32
      %dma_start3A_43 = tpu.memref_slice %arg2[%add3A, %dma_start3A_41, %dma_start3A_42] : memref<32x50x1000xi32, #tpu.memory_space<hbm>> -> memref<1x50x1000xi32, #tpu.memory_space<hbm>>
      %dma_start3A_44 = tpu.memref_squeeze %dma_start3A_43 : memref<1x50x1000xi32, #tpu.memory_space<hbm>> -> memref<50x1000xi32, #tpu.memory_space<hbm>>
      tpu.enqueue_dma source(%dma_start3A_44 : memref<50x1000xi32, #tpu.memory_space<hbm>>) target(%arg4 : memref<50x1000xi32, #tpu.memory_space<vmem>>) target_semaphore(%run_scoped3A : memref<!tpu.dma_semaphore, #tpu.memory_space<semaphore_mem>>)
      %dma_wait3A_45 = arith.constant 0 : i32
      %dma_wait3A_46 = arith.constant 0 : i32
      %dma_wait3A_47 = tpu.memref_slice %arg2[%add3A, %dma_wait3A_45, %dma_wait3A_46] : memref<32x50x1000xi32, #tpu.memory_space<hbm>> -> memref<1x50x1000xi32, #tpu.memory_space<hbm>>
      %dma_wait3A_48 = tpu.memref_squeeze %dma_wait3A_47 : memref<1x50x1000xi32, #tpu.memory_space<hbm>> -> memref<50x1000xi32, #tpu.memory_space<hbm>>
      %dma_wait3A_49 = arith.constant 0 : i32
      %dma_wait3A_50 = arith.constant 0 : i32
      %dma_wait3A_51 = tpu.memref_slice %arg2[%add3A, %dma_wait3A_49, %dma_wait3A_50] : memref<32x50x1000xi32, #tpu.memory_space<hbm>> -> memref<1x50x1000xi32, #tpu.memory_space<hbm>>
      %dma_wait3A_52 = tpu.memref_squeeze %dma_wait3A_51 : memref<1x50x1000xi32, #tpu.memory_space<hbm>> -> memref<50x1000xi32, #tpu.memory_space<hbm>>
      tpu.wait_dma2 semaphore(%run_scoped3A : memref<!tpu.dma_semaphore, #tpu.memory_space<semaphore_mem>>) src(%dma_wait3A_52 : memref<50x1000xi32, #tpu.memory_space<hbm>>) dst(%arg4 : memref<50x1000xi32, #tpu.memory_space<vmem>>)
      tpu.yield
    }) : () -> ()
    %barrier3A = arith.constant 0 : index
    tpu.barrier barrier_id(%barrier3A)
    %scan3A_15 = arith.constant 0 : i32
    %scan3A_16 = arith.constant 50 : i32
    %scan3A_17 = arith.addi %scan3A_15, %scan3A_16 : i32
    %scan3A_18 = arith.constant 1 : i32
    scf.for %scan3A_38 = %scan3A_15 to %scan3A_17 step %scan3A_18  : i32 {
      %mul3A_39 = arith.constant 1 : i32
      %mul3A_40 = arith.muli %scan3A_38, %mul3A_39 : i32
      %add3A_41 = arith.constant 0 : i32
      %add3A_42 = arith.addi %add3A_41, %mul3A_40 : i32
      %ge3A = arith.constant 2 : i32
      %ge3A_43 = arith.cmpi sge, %add3A_42, %ge3A : i32
      %convert_element_type3A = arith.extui %ge3A_43 : i1 to i32
      %cond3A = arith.constant 0 : i32
      %cond3A_44 = arith.cmpi ne, %convert_element_type3A, %cond3A : i32
      scf.if %cond3A_44 {
        %sub3A = arith.constant 2 : i32
        %sub3A_50 = arith.subi %add3A_42, %sub3A : i32
        %dma_wait3A_51 = arith.constant 0 : i32
        %dma_wait3A_52 = tpu.memref_slice %arg4[%sub3A_50, %dma_wait3A_51] : memref<50x1000xi32, #tpu.memory_space<vmem>> -> memref<1x1000xi32, #tpu.memory_space<vmem>>
        %dma_wait3A_53 = tpu.memref_squeeze %dma_wait3A_52 : memref<1x1000xi32, #tpu.memory_space<vmem>> -> memref<1000xi32, #tpu.memory_space<vmem>>
        %dma_wait3A_54 = arith.constant 0 : i32
        %dma_wait3A_55 = arith.constant 0 : i32
        %dma_wait3A_56 = tpu.memref_slice %arg7[%dma_wait3A_54, %dma_wait3A_55] : memref<50048x16xf32, #tpu.memory_space<vmem_shared>> -> memref<50048x16xf32, #tpu.memory_space<vmem_shared>>
        tpu.wait_indirect_dma semaphore(%arg8 : memref<!tpu.dma_semaphore, #tpu.memory_space<semaphore_mem>>) src(%arg5 : memref<1000x16xf32, #tpu.memory_space<vmem>>) dst(%dma_wait3A_56 : memref<50048x16xf32, #tpu.memory_space<vmem_shared>>)
      } else {
      }
      %dma_start3A = arith.constant 0 : i32
      %dma_start3A_45 = tpu.memref_slice %arg4[%add3A_42, %dma_start3A] : memref<50x1000xi32, #tpu.memory_space<vmem>> -> memref<1x1000xi32, #tpu.memory_space<vmem>>
      %dma_start3A_46 = tpu.memref_squeeze %dma_start3A_45 : memref<1x1000xi32, #tpu.memory_space<vmem>> -> memref<1000xi32, #tpu.memory_space<vmem>>
      %dma_start3A_47 = arith.constant 0 : i32
      %dma_start3A_48 = arith.constant 0 : i32
      %dma_start3A_49 = tpu.memref_slice %arg7[%dma_start3A_47, %dma_start3A_48] : memref<50048x16xf32, #tpu.memory_space<vmem_shared>> -> memref<50048x16xf32, #tpu.memory_space<vmem_shared>>
      tpu.enqueue_indirect_dma source(%arg5 : memref<1000x16xf32, #tpu.memory_space<vmem>>) target(%dma_start3A_49 : memref<50048x16xf32, #tpu.memory_space<vmem_shared>>) offsets(%dma_start3A_46 : memref<1000xi32, #tpu.memory_space<vmem>>) semaphore(%arg8 : memref<!tpu.dma_semaphore, #tpu.memory_space<semaphore_mem>>) {add = true}
    }
    %scan3A_19 = arith.constant 50 : i32
    %dma_wait3A = arith.constant 48 : i32
    %dma_wait3A_20 = arith.constant 0 : i32
    %dma_wait3A_21 = tpu.memref_slice %arg4[%dma_wait3A, %dma_wait3A_20] : memref<50x1000xi32, #tpu.memory_space<vmem>> -> memref<1x1000xi32, #tpu.memory_space<vmem>>
    %dma_wait3A_22 = tpu.memref_squeeze %dma_wait3A_21 : memref<1x1000xi32, #tpu.memory_space<vmem>> -> memref<1000xi32, #tpu.memory_space<vmem>>
    %dma_wait3A_23 = arith.constant 0 : i32
    %dma_wait3A_24 = arith.constant 0 : i32
    %dma_wait3A_25 = tpu.memref_slice %arg7[%dma_wait3A_23, %dma_wait3A_24] : memref<50048x16xf32, #tpu.memory_space<vmem_shared>> -> memref<50048x16xf32, #tpu.memory_space<vmem_shared>>
    tpu.wait_indirect_dma semaphore(%arg8 : memref<!tpu.dma_semaphore, #tpu.memory_space<semaphore_mem>>) src(%arg5 : memref<1000x16xf32, #tpu.memory_space<vmem>>) dst(%dma_wait3A_25 : memref<50048x16xf32, #tpu.memory_space<vmem_shared>>)
    %dma_wait3A_26 = arith.constant 49 : i32
    %dma_wait3A_27 = arith.constant 0 : i32
    %dma_wait3A_28 = tpu.memref_slice %arg4[%dma_wait3A_26, %dma_wait3A_27] : memref<50x1000xi32, #tpu.memory_space<vmem>> -> memref<1x1000xi32, #tpu.memory_space<vmem>>
    %dma_wait3A_29 = tpu.memref_squeeze %dma_wait3A_28 : memref<1x1000xi32, #tpu.memory_space<vmem>> -> memref<1000xi32, #tpu.memory_space<vmem>>
    %dma_wait3A_30 = arith.constant 0 : i32
    %dma_wait3A_31 = arith.constant 0 : i32
    %dma_wait3A_32 = tpu.memref_slice %arg7[%dma_wait3A_30, %dma_wait3A_31] : memref<50048x16xf32, #tpu.memory_space<vmem_shared>> -> memref<50048x16xf32, #tpu.memory_space<vmem_shared>>
    tpu.wait_indirect_dma semaphore(%arg8 : memref<!tpu.dma_semaphore, #tpu.memory_space<semaphore_mem>>) src(%arg5 : memref<1000x16xf32, #tpu.memory_space<vmem>>) dst(%dma_wait3A_32 : memref<50048x16xf32, #tpu.memory_space<vmem_shared>>)
    %barrier3A_33 = arith.constant 0 : index
    tpu.barrier barrier_id(%barrier3A_33)
    %mul3A_34 = arith.constant 3128 : i32
    %mul3A_35 = arith.muli %arg1, %mul3A_34 : i32
    %mul3A_36 = arith.constant 3128 : i32
    %mul3A_37 = arith.muli %arg1, %mul3A_36 : i32
    "tpu.region"() ({
      %run_scoped3A = tpu.sem_alloc : memref<!tpu.dma_semaphore, #tpu.memory_space<semaphore_mem>>
      %dma_start3A = arith.constant 0 : i32
      %dma_start3A_38 = tpu.memref_slice %arg3[%arg0, %mul3A_37, %dma_start3A] : memref<2x50048x16xf32, #tpu.memory_space<hbm>> -> memref<1x3128x16xf32, #tpu.memory_space<hbm>>
      %dma_start3A_39 = tpu.memref_squeeze %dma_start3A_38 : memref<1x3128x16xf32, #tpu.memory_space<hbm>> -> memref<3128x16xf32, #tpu.memory_space<hbm>>
      %dma_start3A_40 = arith.constant 0 : i32
      %dma_start3A_41 = tpu.memref_slice %arg7[%mul3A_35, %dma_start3A_40] : memref<50048x16xf32, #tpu.memory_space<vmem_shared>> -> memref<3128x16xf32, #tpu.memory_space<vmem_shared>>
      tpu.enqueue_dma source(%dma_start3A_41 : memref<3128x16xf32, #tpu.memory_space<vmem_shared>>) target(%dma_start3A_39 : memref<3128x16xf32, #tpu.memory_space<hbm>>) target_semaphore(%run_scoped3A : memref<!tpu.dma_semaphore, #tpu.memory_space<semaphore_mem>>)
      %dma_wait3A_42 = arith.constant 0 : i32
      %dma_wait3A_43 = tpu.memref_slice %arg3[%arg0, %mul3A_37, %dma_wait3A_42] : memref<2x50048x16xf32, #tpu.memory_space<hbm>> -> memref<1x3128x16xf32, #tpu.memory_space<hbm>>
      %dma_wait3A_44 = tpu.memref_squeeze %dma_wait3A_43 : memref<1x3128x16xf32, #tpu.memory_space<hbm>> -> memref<3128x16xf32, #tpu.memory_space<hbm>>
      %dma_wait3A_45 = arith.constant 0 : i32
      %dma_wait3A_46 = tpu.memref_slice %arg7[%mul3A_35, %dma_wait3A_45] : memref<50048x16xf32, #tpu.memory_space<vmem_shared>> -> memref<3128x16xf32, #tpu.memory_space<vmem_shared>>
      tpu.wait_dma2 semaphore(%run_scoped3A : memref<!tpu.dma_semaphore, #tpu.memory_space<semaphore_mem>>) src(%dma_wait3A_46 : memref<3128x16xf32, #tpu.memory_space<vmem_shared>>) dst(%dma_wait3A_44 : memref<3128x16xf32, #tpu.memory_space<hbm>>)
      tpu.yield
    }) : () -> ()
    return
  }
}

module attributes {stable_mosaic.version = 14 : i64} {
  func.func @_tc1_body(%arg0: i32, %arg1: memref<2x400x16xf32, #tpu.memory_space<vmem>>, %arg2: memref<400x16xf32, #tpu.memory_space<vmem>>, %arg3: memref<400x16xf32, #tpu.memory_space<vmem>>, %arg4: memref<400x16xf32, #tpu.memory_space<vmem>>) attributes {dimension_semantics = [#tpu.dimension_semantics<arbitrary>], iteration_bounds = array<i64: 125>, scalar_prefetch = 0 : i64, scratch_operands = 0 : i64, tpu.core_type = #tpu.core_type<tc>, window_params = [{transform_indices = @transform_0, window_bounds = array<i64: 2, 400, 16>}, {transform_indices = @transform_1, window_bounds = array<i64: 400, 16>}, {transform_indices = @transform_2, window_bounds = array<i64: 400, 16>}, {transform_indices = @transform_3, window_bounds = array<i64: 400, 16>}]} {
    %get3A = arith.constant 0 : index
    %get3A_0 = arith.constant 0 : index
    %get3A_1 = arith.constant 0 : index
    %get3A_2 = vector.load %arg1[%get3A, %get3A_0, %get3A_1] : memref<2x400x16xf32, #tpu.memory_space<vmem>>, vector<1x400x16xf32>
    %get3A_3 = vector.shape_cast %get3A_2 : vector<1x400x16xf32> to vector<400x16xf32>
    %get3A_4 = arith.constant 1 : index
    %get3A_5 = arith.constant 0 : index
    %get3A_6 = arith.constant 0 : index
    %get3A_7 = vector.load %arg1[%get3A_4, %get3A_5, %get3A_6] : memref<2x400x16xf32, #tpu.memory_space<vmem>>, vector<1x400x16xf32>
    %get3A_8 = vector.shape_cast %get3A_7 : vector<1x400x16xf32> to vector<400x16xf32>
    %add3A = arith.addf %get3A_3, %get3A_8 : vector<400x16xf32>
    %add3A_9 = arith.constant 1.000000e+00 : f32
    %add3A_10 = vector.broadcast %add3A_9 : f32 to vector<400x16xf32>
    %add3A_11 = arith.addf %add3A, %add3A_10 : vector<400x16xf32>
    %rsqrt3A = math.rsqrt %add3A_11 : vector<400x16xf32>
    %swap3A = arith.constant 0 : index
    %swap3A_12 = arith.constant 0 : index
    %swap3A_13 = vector.load %arg3[%swap3A, %swap3A_12] : memref<400x16xf32, #tpu.memory_space<vmem>>, vector<400x16xf32>
    tpu.vector_store %arg3[%swap3A, %swap3A_12], %rsqrt3A {strides = array<i32>} : memref<400x16xf32, #tpu.memory_space<vmem>>, vector<400x16xf32>,
    %get3A_14 = arith.constant 0 : index
    %get3A_15 = arith.constant 0 : index
    %get3A_16 = vector.load %arg2[%get3A_14, %get3A_15] : memref<400x16xf32, #tpu.memory_space<vmem>>, vector<400x16xf32>
    %mul3A = arith.mulf %get3A_16, %rsqrt3A : vector<400x16xf32>
    %swap3A_17 = arith.constant 0 : index
    %swap3A_18 = arith.constant 0 : index
    %swap3A_19 = vector.load %arg4[%swap3A_17, %swap3A_18] : memref<400x16xf32, #tpu.memory_space<vmem>>, vector<400x16xf32>
    tpu.vector_store %arg4[%swap3A_17, %swap3A_18], %mul3A {strides = array<i32>} : memref<400x16xf32, #tpu.memory_space<vmem>>, vector<400x16xf32>,
    return
  }
  func.func @transform_0(%arg0: i32) -> (i32, i32, i32) {
    %c0_i32 = arith.constant 0 : i32
    %c0_i32_0 = arith.constant 0 : i32
    %c0_i32_1 = arith.constant 0 : i32
    return %c0_i32, %arg0, %c0_i32_0 : i32, i32, i32
  }
  func.func @transform_1(%arg0: i32) -> (i32, i32) {
    %c0_i32 = arith.constant 0 : i32
    %c0_i32_0 = arith.constant 0 : i32
    return %arg0, %c0_i32 : i32, i32
  }
  func.func @transform_2(%arg0: i32) -> (i32, i32) {
    %c0_i32 = arith.constant 0 : i32
    %c0_i32_0 = arith.constant 0 : i32
    return %arg0, %c0_i32 : i32, i32
  }
  func.func @transform_3(%arg0: i32) -> (i32, i32) {
    %c0_i32 = arith.constant 0 : i32
    %c0_i32_0 = arith.constant 0 : i32
    return %arg0, %c0_i32 : i32, i32
  }
}

module attributes {stable_mosaic.version = 14 : i64} {
  func.func @_tc2_body(%arg0: i32, %arg1: memref<2x400x16xf32, #tpu.memory_space<vmem>>, %arg2: memref<400x16xf32, #tpu.memory_space<vmem>>, %arg3: memref<400x16xf32, #tpu.memory_space<vmem>>, %arg4: memref<16x400xf32, #tpu.memory_space<vmem>>, %arg5: memref<1x400xf32, #tpu.memory_space<vmem>>, %arg6: memref<400x128xf32, #tpu.memory_space<vmem>>, %arg7: memref<4x400x32xf32, #tpu.memory_space<vmem>>) attributes {dimension_semantics = [#tpu.dimension_semantics<arbitrary>], iteration_bounds = array<i64: 125>, scalar_prefetch = 0 : i64, scratch_operands = 0 : i64, tpu.core_type = #tpu.core_type<tc>, window_params = [{transform_indices = @transform_0, window_bounds = array<i64: 2, 400, 16>}, {transform_indices = @transform_1, window_bounds = array<i64: 400, 16>}, {transform_indices = @transform_2, window_bounds = array<i64: 400, 16>}, {pipeline_mode = #tpu.pipeline_mode<synchronous>, transform_indices = @transform_3, window_bounds = array<i64: 16, 400>}, {pipeline_mode = #tpu.pipeline_mode<synchronous>, transform_indices = @transform_4, window_bounds = array<i64: 1, 400>}, {pipeline_mode = #tpu.pipeline_mode<synchronous>, transform_indices = @transform_5, window_bounds = array<i64: 400, 128>}, {transform_indices = @transform_6, window_bounds = array<i64: 4, 400, 32>}]} {
    %get3A = arith.constant 0 : index
    %get3A_0 = arith.constant 0 : index
    %get3A_1 = vector.load %arg3[%get3A, %get3A_0] : memref<400x16xf32, #tpu.memory_space<vmem>>, vector<400x16xf32>
    %get3A_2 = arith.constant 0 : index
    %get3A_3 = arith.constant 0 : index
    %get3A_4 = arith.constant 0 : index
    %get3A_5 = vector.load %arg1[%get3A_2, %get3A_3, %get3A_4] : memref<2x400x16xf32, #tpu.memory_space<vmem>>, vector<1x400x16xf32>
    %get3A_6 = vector.shape_cast %get3A_5 : vector<1x400x16xf32> to vector<400x16xf32>
    %get3A_7 = arith.constant 1 : index
    %get3A_8 = arith.constant 0 : index
    %get3A_9 = arith.constant 0 : index
    %get3A_10 = vector.load %arg1[%get3A_7, %get3A_8, %get3A_9] : memref<2x400x16xf32, #tpu.memory_space<vmem>>, vector<1x400x16xf32>
    %get3A_11 = vector.shape_cast %get3A_10 : vector<1x400x16xf32> to vector<400x16xf32>
    %add3A = arith.addf %get3A_6, %get3A_11 : vector<400x16xf32>
    %get3A_12 = arith.constant 0 : index
    %get3A_13 = arith.constant 0 : index
    %get3A_14 = vector.load %arg2[%get3A_12, %get3A_13] : memref<400x16xf32, #tpu.memory_space<vmem>>, vector<400x16xf32>
    %add3A_15 = arith.addf %add3A, %get3A_14 : vector<400x16xf32>
    %mul3A = arith.mulf %add3A_15, %get3A_1 : vector<400x16xf32>
    %get3A_16 = arith.constant 0 : index
    %get3A_17 = arith.constant 0 : index
    %get3A_18 = vector.load %arg4[%get3A_16, %get3A_17] : memref<16x400xf32, #tpu.memory_space<vmem>>, vector<16x400xf32>
    %dot_general3A = arith.constant dense<0.000000e+00> : vector<400x400xf32>
    %dot_general3A_19 = tpu.matmul %mul3A, %get3A_18, %dot_general3A {dimension_numbers = #tpu.dot_dimension_numbers<[1], [0], [0], [1], [0, 0, 1, 1], [], []>, transpose_lhs_hint = false} : vector<400x16xf32>, vector<16x400xf32>, vector<400x400xf32> -> vector<400x400xf32>
    %get3A_20 = arith.constant 0 : index
    %get3A_21 = arith.constant 0 : index
    %get3A_22 = vector.load %arg5[%get3A_20, %get3A_21] : memref<1x400xf32, #tpu.memory_space<vmem>>, vector<1x400xf32>
    %add3A_23 = vector.broadcast %get3A_22 : vector<1x400xf32> to vector<400x400xf32>
    %add3A_24 = arith.addf %dot_general3A_19, %add3A_23 : vector<400x400xf32>
    %custom_jvp_call3A = arith.constant 0.000000e+00 : f32
    %max3A = vector.broadcast %custom_jvp_call3A : f32 to vector<400x400xf32>
    %max3A_25 = arith.maximumf %add3A_24, %max3A : vector<400x400xf32>
    %sub3A = vector.broadcast %custom_jvp_call3A : f32 to vector<400x400xf32>
    %sub3A_26 = arith.subf %add3A_24, %sub3A : vector<400x400xf32>
    %ne3A = arith.cmpf one, %sub3A_26, %sub3A_26 : vector<400x400xf32>
    %add3A_27 = vector.broadcast %custom_jvp_call3A : f32 to vector<400x400xf32>
    %add3A_28 = arith.addf %add3A_24, %add3A_27 : vector<400x400xf32>
    %abs3A = math.absf %sub3A_26 : vector<400x400xf32>
    %neg3A = arith.constant 0.000000e+00 : f32
    %neg3A_29 = vector.broadcast %neg3A : f32 to vector<400x400xf32>
    %neg3A_30 = arith.subf %neg3A_29, %abs3A : vector<400x400xf32>
    %exp3A = math.exp %neg3A_30 : vector<400x400xf32>
    %log1p3A = math.log1p %exp3A : vector<400x400xf32>
    %add3A_31 = arith.addf %max3A_25, %log1p3A : vector<400x400xf32>
    %select_n3A = arith.select %ne3A, %add3A_28, %add3A_31 : vector<400x400xi1>, vector<400x400xf32>
    %get3A_32 = arith.constant 0 : index
    %get3A_33 = arith.constant 0 : index
    %get3A_34 = vector.load %arg6[%get3A_32, %get3A_33] : memref<400x128xf32, #tpu.memory_space<vmem>>, vector<400x128xf32>
    %dot_general3A_35 = arith.constant dense<0.000000e+00> : vector<400x128xf32>
    %dot_general3A_36 = tpu.matmul %select_n3A, %get3A_34, %dot_general3A_35 {dimension_numbers = #tpu.dot_dimension_numbers<[1], [0], [0], [1], [0, 0, 1, 1], [], []>, transpose_lhs_hint = false} : vector<400x400xf32>, vector<400x128xf32>, vector<400x128xf32> -> vector<400x128xf32>
    %slice3A = vector.extract_strided_slice %get3A_1 {offsets = [0, 0], sizes = [400, 1], strides = [1, 1]} : vector<400x16xf32> to vector<400x1xf32>
    %mul3A_37 = vector.broadcast %slice3A : vector<400x1xf32> to vector<400x128xf32>
    %mul3A_38 = arith.mulf %dot_general3A_36, %mul3A_37 : vector<400x128xf32>
    %slice3A_39 = vector.extract_strided_slice %mul3A_38 {offsets = [0, 0], sizes = [400, 32], strides = [1, 1]} : vector<400x128xf32> to vector<400x32xf32>
    %swap3A = arith.constant 0 : index
    %swap3A_40 = arith.constant 0 : index
    %swap3A_41 = arith.constant 0 : index
    %swap3A_42 = vector.load %arg7[%swap3A, %swap3A_40, %swap3A_41] : memref<4x400x32xf32, #tpu.memory_space<vmem>>, vector<1x400x32xf32>
    %swap3A_43 = vector.shape_cast %swap3A_42 : vector<1x400x32xf32> to vector<400x32xf32>
    %swap3A_44 = vector.shape_cast %slice3A_39 : vector<400x32xf32> to vector<1x400x32xf32>
    tpu.vector_store %arg7[%swap3A, %swap3A_40, %swap3A_41], %swap3A_44 {strides = array<i32>} : memref<4x400x32xf32, #tpu.memory_space<vmem>>, vector<1x400x32xf32>,
    %slice3A_45 = vector.extract_strided_slice %mul3A_38 {offsets = [0, 32], sizes = [400, 32], strides = [1, 1]} : vector<400x128xf32> to vector<400x32xf32>
    %swap3A_46 = arith.constant 1 : index
    %swap3A_47 = arith.constant 0 : index
    %swap3A_48 = arith.constant 0 : index
    %swap3A_49 = vector.load %arg7[%swap3A_46, %swap3A_47, %swap3A_48] : memref<4x400x32xf32, #tpu.memory_space<vmem>>, vector<1x400x32xf32>
    %swap3A_50 = vector.shape_cast %swap3A_49 : vector<1x400x32xf32> to vector<400x32xf32>
    %swap3A_51 = vector.shape_cast %slice3A_45 : vector<400x32xf32> to vector<1x400x32xf32>
    tpu.vector_store %arg7[%swap3A_46, %swap3A_47, %swap3A_48], %swap3A_51 {strides = array<i32>} : memref<4x400x32xf32, #tpu.memory_space<vmem>>, vector<1x400x32xf32>,
    %slice3A_52 = vector.extract_strided_slice %mul3A_38 {offsets = [0, 64], sizes = [400, 32], strides = [1, 1]} : vector<400x128xf32> to vector<400x32xf32>
    %swap3A_53 = arith.constant 2 : index
    %swap3A_54 = arith.constant 0 : index
    %swap3A_55 = arith.constant 0 : index
    %swap3A_56 = vector.load %arg7[%swap3A_53, %swap3A_54, %swap3A_55] : memref<4x400x32xf32, #tpu.memory_space<vmem>>, vector<1x400x32xf32>
    %swap3A_57 = vector.shape_cast %swap3A_56 : vector<1x400x32xf32> to vector<400x32xf32>
    %swap3A_58 = vector.shape_cast %slice3A_52 : vector<400x32xf32> to vector<1x400x32xf32>
    tpu.vector_store %arg7[%swap3A_53, %swap3A_54, %swap3A_55], %swap3A_58 {strides = array<i32>} : memref<4x400x32xf32, #tpu.memory_space<vmem>>, vector<1x400x32xf32>,
    %slice3A_59 = vector.extract_strided_slice %mul3A_38 {offsets = [0, 96], sizes = [400, 32], strides = [1, 1]} : vector<400x128xf32> to vector<400x32xf32>
    %swap3A_60 = arith.constant 3 : index
    %swap3A_61 = arith.constant 0 : index
    %swap3A_62 = arith.constant 0 : index
    %swap3A_63 = vector.load %arg7[%swap3A_60, %swap3A_61, %swap3A_62] : memref<4x400x32xf32, #tpu.memory_space<vmem>>, vector<1x400x32xf32>
    %swap3A_64 = vector.shape_cast %swap3A_63 : vector<1x400x32xf32> to vector<400x32xf32>
    %swap3A_65 = vector.shape_cast %slice3A_59 : vector<400x32xf32> to vector<1x400x32xf32>
    tpu.vector_store %arg7[%swap3A_60, %swap3A_61, %swap3A_62], %swap3A_65 {strides = array<i32>} : memref<4x400x32xf32, #tpu.memory_space<vmem>>, vector<1x400x32xf32>,
    return
  }
  func.func @transform_0(%arg0: i32) -> (i32, i32, i32) {
    %c0_i32 = arith.constant 0 : i32
    %c0_i32_0 = arith.constant 0 : i32
    %c0_i32_1 = arith.constant 0 : i32
    return %c0_i32, %arg0, %c0_i32_0 : i32, i32, i32
  }
  func.func @transform_1(%arg0: i32) -> (i32, i32) {
    %c0_i32 = arith.constant 0 : i32
    %c0_i32_0 = arith.constant 0 : i32
    return %arg0, %c0_i32 : i32, i32
  }
  func.func @transform_2(%arg0: i32) -> (i32, i32) {
    %c0_i32 = arith.constant 0 : i32
    %c0_i32_0 = arith.constant 0 : i32
    return %arg0, %c0_i32 : i32, i32
  }
  func.func @transform_3(%arg0: i32) -> (i32, i32) {
    %c0_i32 = arith.constant 0 : i32
    %c0_i32_0 = arith.constant 0 : i32
    %c0_i32_1 = arith.constant 0 : i32
    return %c0_i32, %c0_i32_0 : i32, i32
  }
  func.func @transform_4(%arg0: i32) -> (i32, i32) {
    %c0_i32 = arith.constant 0 : i32
    %c0_i32_0 = arith.constant 0 : i32
    %c0_i32_1 = arith.constant 0 : i32
    return %c0_i32, %c0_i32_0 : i32, i32
  }
  func.func @transform_5(%arg0: i32) -> (i32, i32) {
    %c0_i32 = arith.constant 0 : i32
    %c0_i32_0 = arith.constant 0 : i32
    %c0_i32_1 = arith.constant 0 : i32
    return %c0_i32, %c0_i32_0 : i32, i32
  }
  func.func @transform_6(%arg0: i32) -> (i32, i32, i32) {
    %c0_i32 = arith.constant 0 : i32
    %c0_i32_0 = arith.constant 0 : i32
    %c0_i32_1 = arith.constant 0 : i32
    return %c0_i32, %arg0, %c0_i32_0 : i32, i32, i32
  }
}

module attributes {stable_mosaic.version = 14 : i64} {
  func.func @_tc3_body(%arg0: i32, %arg1: memref<2x4x400x32xf32, #tpu.memory_space<vmem>>, %arg2: memref<4x400x32xf32, #tpu.memory_space<vmem>>, %arg3: memref<400x16xf32, #tpu.memory_space<vmem>>, %arg4: memref<1x50xf32, #tpu.memory_space<vmem>>, %arg5: memref<1x50xf32, #tpu.memory_space<vmem>>, %arg6: memref<400x50xf32, #tpu.memory_space<vmem>>, %arg7: memref<50x400xf32, #tpu.memory_space<vmem>>, %arg8: memref<1x400xf32, #tpu.memory_space<vmem>>, %arg9: memref<400x5xf32, #tpu.memory_space<vmem>>, %arg10: memref<1x5xf32, #tpu.memory_space<vmem>>, %arg11: memref<400x5xf32, #tpu.memory_space<vmem>>) attributes {dimension_semantics = [#tpu.dimension_semantics<arbitrary>], iteration_bounds = array<i64: 125>, scalar_prefetch = 0 : i64, scratch_operands = 0 : i64, tpu.core_type = #tpu.core_type<tc>, window_params = [{transform_indices = @transform_0, window_bounds = array<i64: 2, 4, 400, 32>}, {transform_indices = @transform_1, window_bounds = array<i64: 4, 400, 32>}, {transform_indices = @transform_2, window_bounds = array<i64: 400, 16>}, {pipeline_mode = #tpu.pipeline_mode<synchronous>, transform_indices = @transform_3, window_bounds = array<i64: 1, 50>}, {pipeline_mode = #tpu.pipeline_mode<synchronous>, transform_indices = @transform_4, window_bounds = array<i64: 1, 50>}, {transform_indices = @transform_5, window_bounds = array<i64: 400, 50>}, {pipeline_mode = #tpu.pipeline_mode<synchronous>, transform_indices = @transform_6, window_bounds = array<i64: 50, 400>}, {pipeline_mode = #tpu.pipeline_mode<synchronous>, transform_indices = @transform_7, window_bounds = array<i64: 1, 400>}, {pipeline_mode = #tpu.pipeline_mode<synchronous>, transform_indices = @transform_8, window_bounds = array<i64: 400, 5>}, {pipeline_mode = #tpu.pipeline_mode<synchronous>, transform_indices = @transform_9, window_bounds = array<i64: 1, 5>}, {transform_indices = @transform_10, window_bounds = array<i64: 400, 5>}]} {
    %get3A = arith.constant 0 : index
    %get3A_0 = arith.constant 0 : index
    %get3A_1 = vector.load %arg3[%get3A, %get3A_0] : memref<400x16xf32, #tpu.memory_space<vmem>>, vector<400x16xf32>
    %get3A_2 = arith.constant 0 : index
    %get3A_3 = arith.constant 0 : index
    %get3A_4 = arith.constant 0 : index
    %get3A_5 = arith.constant 0 : index
    %get3A_6 = vector.load %arg1[%get3A_2, %get3A_3, %get3A_4, %get3A_5] : memref<2x4x400x32xf32, #tpu.memory_space<vmem>>, vector<1x1x400x32xf32>
    %get3A_7 = vector.shape_cast %get3A_6 : vector<1x1x400x32xf32> to vector<400x32xf32>
    %get3A_8 = arith.constant 1 : index
    %get3A_9 = arith.constant 0 : index
    %get3A_10 = arith.constant 0 : index
    %get3A_11 = arith.constant 0 : index
    %get3A_12 = vector.load %arg1[%get3A_8, %get3A_9, %get3A_10, %get3A_11] : memref<2x4x400x32xf32, #tpu.memory_space<vmem>>, vector<1x1x400x32xf32>
    %get3A_13 = vector.shape_cast %get3A_12 : vector<1x1x400x32xf32> to vector<400x32xf32>
    %add3A = arith.addf %get3A_7, %get3A_13 : vector<400x32xf32>
    %get3A_14 = arith.constant 0 : index
    %get3A_15 = arith.constant 0 : index
    %get3A_16 = arith.constant 0 : index
    %get3A_17 = vector.load %arg2[%get3A_14, %get3A_15, %get3A_16] : memref<4x400x32xf32, #tpu.memory_space<vmem>>, vector<1x400x32xf32>
    %get3A_18 = vector.shape_cast %get3A_17 : vector<1x400x32xf32> to vector<400x32xf32>
    %add3A_19 = arith.addf %add3A, %get3A_18 : vector<400x32xf32>
    %slice3A = vector.extract_strided_slice %get3A_1 {offsets = [0, 0], sizes = [400, 1], strides = [1, 1]} : vector<400x16xf32> to vector<400x1xf32>
    %mul3A = vector.broadcast %slice3A : vector<400x1xf32> to vector<400x32xf32>
    %mul3A_20 = arith.mulf %add3A_19, %mul3A : vector<400x32xf32>
    %get3A_21 = arith.constant 0 : index
    %get3A_22 = arith.constant 1 : index
    %get3A_23 = arith.constant 0 : index
    %get3A_24 = arith.constant 0 : index
    %get3A_25 = vector.load %arg1[%get3A_21, %get3A_22, %get3A_23, %get3A_24] : memref<2x4x400x32xf32, #tpu.memory_space<vmem>>, vector<1x1x400x32xf32>
    %get3A_26 = vector.shape_cast %get3A_25 : vector<1x1x400x32xf32> to vector<400x32xf32>
    %get3A_27 = arith.constant 1 : index
    %get3A_28 = arith.constant 1 : index
    %get3A_29 = arith.constant 0 : index
    %get3A_30 = arith.constant 0 : index
    %get3A_31 = vector.load %arg1[%get3A_27, %get3A_28, %get3A_29, %get3A_30] : memref<2x4x400x32xf32, #tpu.memory_space<vmem>>, vector<1x1x400x32xf32>
    %get3A_32 = vector.shape_cast %get3A_31 : vector<1x1x400x32xf32> to vector<400x32xf32>
    %add3A_33 = arith.addf %get3A_26, %get3A_32 : vector<400x32xf32>
    %get3A_34 = arith.constant 1 : index
    %get3A_35 = arith.constant 0 : index
    %get3A_36 = arith.constant 0 : index
    %get3A_37 = vector.load %arg2[%get3A_34, %get3A_35, %get3A_36] : memref<4x400x32xf32, #tpu.memory_space<vmem>>, vector<1x400x32xf32>
    %get3A_38 = vector.shape_cast %get3A_37 : vector<1x400x32xf32> to vector<400x32xf32>
    %add3A_39 = arith.addf %add3A_33, %get3A_38 : vector<400x32xf32>
    %slice3A_40 = vector.extract_strided_slice %get3A_1 {offsets = [0, 0], sizes = [400, 1], strides = [1, 1]} : vector<400x16xf32> to vector<400x1xf32>
    %mul3A_41 = vector.broadcast %slice3A_40 : vector<400x1xf32> to vector<400x32xf32>
    %mul3A_42 = arith.mulf %add3A_39, %mul3A_41 : vector<400x32xf32>
    %get3A_43 = arith.constant 0 : index
    %get3A_44 = arith.constant 2 : index
    %get3A_45 = arith.constant 0 : index
    %get3A_46 = arith.constant 0 : index
    %get3A_47 = vector.load %arg1[%get3A_43, %get3A_44, %get3A_45, %get3A_46] : memref<2x4x400x32xf32, #tpu.memory_space<vmem>>, vector<1x1x400x32xf32>
    %get3A_48 = vector.shape_cast %get3A_47 : vector<1x1x400x32xf32> to vector<400x32xf32>
    %get3A_49 = arith.constant 1 : index
    %get3A_50 = arith.constant 2 : index
    %get3A_51 = arith.constant 0 : index
    %get3A_52 = arith.constant 0 : index
    %get3A_53 = vector.load %arg1[%get3A_49, %get3A_50, %get3A_51, %get3A_52] : memref<2x4x400x32xf32, #tpu.memory_space<vmem>>, vector<1x1x400x32xf32>
    %get3A_54 = vector.shape_cast %get3A_53 : vector<1x1x400x32xf32> to vector<400x32xf32>
    %add3A_55 = arith.addf %get3A_48, %get3A_54 : vector<400x32xf32>
    %get3A_56 = arith.constant 2 : index
    %get3A_57 = arith.constant 0 : index
    %get3A_58 = arith.constant 0 : index
    %get3A_59 = vector.load %arg2[%get3A_56, %get3A_57, %get3A_58] : memref<4x400x32xf32, #tpu.memory_space<vmem>>, vector<1x400x32xf32>
    %get3A_60 = vector.shape_cast %get3A_59 : vector<1x400x32xf32> to vector<400x32xf32>
    %add3A_61 = arith.addf %add3A_55, %get3A_60 : vector<400x32xf32>
    %slice3A_62 = vector.extract_strided_slice %get3A_1 {offsets = [0, 0], sizes = [400, 1], strides = [1, 1]} : vector<400x16xf32> to vector<400x1xf32>
    %mul3A_63 = vector.broadcast %slice3A_62 : vector<400x1xf32> to vector<400x32xf32>
    %mul3A_64 = arith.mulf %add3A_61, %mul3A_63 : vector<400x32xf32>
    %get3A_65 = arith.constant 0 : index
    %get3A_66 = arith.constant 3 : index
    %get3A_67 = arith.constant 0 : index
    %get3A_68 = arith.constant 0 : index
    %get3A_69 = vector.load %arg1[%get3A_65, %get3A_66, %get3A_67, %get3A_68] : memref<2x4x400x32xf32, #tpu.memory_space<vmem>>, vector<1x1x400x32xf32>
    %get3A_70 = vector.shape_cast %get3A_69 : vector<1x1x400x32xf32> to vector<400x32xf32>
    %get3A_71 = arith.constant 1 : index
    %get3A_72 = arith.constant 3 : index
    %get3A_73 = arith.constant 0 : index
    %get3A_74 = arith.constant 0 : index
    %get3A_75 = vector.load %arg1[%get3A_71, %get3A_72, %get3A_73, %get3A_74] : memref<2x4x400x32xf32, #tpu.memory_space<vmem>>, vector<1x1x400x32xf32>
    %get3A_76 = vector.shape_cast %get3A_75 : vector<1x1x400x32xf32> to vector<400x32xf32>
    %add3A_77 = arith.addf %get3A_70, %get3A_76 : vector<400x32xf32>
    %get3A_78 = arith.constant 3 : index
    %get3A_79 = arith.constant 0 : index
    %get3A_80 = arith.constant 0 : index
    %get3A_81 = vector.load %arg2[%get3A_78, %get3A_79, %get3A_80] : memref<4x400x32xf32, #tpu.memory_space<vmem>>, vector<1x400x32xf32>
    %get3A_82 = vector.shape_cast %get3A_81 : vector<1x400x32xf32> to vector<400x32xf32>
    %add3A_83 = arith.addf %add3A_77, %get3A_82 : vector<400x32xf32>
    %slice3A_84 = vector.extract_strided_slice %get3A_1 {offsets = [0, 0], sizes = [400, 1], strides = [1, 1]} : vector<400x16xf32> to vector<400x1xf32>
    %mul3A_85 = vector.broadcast %slice3A_84 : vector<400x1xf32> to vector<400x32xf32>
    %mul3A_86 = arith.mulf %add3A_83, %mul3A_85 : vector<400x32xf32>
    %concatenate3A = tpu.concatenate %mul3A_20, %mul3A_42, %mul3A_64, %mul3A_86 in 1 : vector<400x32xf32>, vector<400x32xf32>, vector<400x32xf32>, vector<400x32xf32> -> vector<400x128xf32>
    %slice3A_87 = vector.extract_strided_slice %concatenate3A {offsets = [0, 0], sizes = [400, 50], strides = [1, 1]} : vector<400x128xf32> to vector<400x50xf32>
    %get3A_88 = arith.constant 0 : index
    %get3A_89 = arith.constant 0 : index
    %get3A_90 = vector.load %arg4[%get3A_88, %get3A_89] : memref<1x50xf32, #tpu.memory_space<vmem>>, vector<1x50xf32>
    %add3A_91 = vector.broadcast %get3A_90 : vector<1x50xf32> to vector<400x50xf32>
    %add3A_92 = arith.addf %slice3A_87, %add3A_91 : vector<400x50xf32>
    %slice3A_93 = vector.extract_strided_slice %concatenate3A {offsets = [0, 50], sizes = [400, 50], strides = [1, 1]} : vector<400x128xf32> to vector<400x50xf32>
    %get3A_94 = arith.constant 0 : index
    %get3A_95 = arith.constant 0 : index
    %get3A_96 = vector.load %arg5[%get3A_94, %get3A_95] : memref<1x50xf32, #tpu.memory_space<vmem>>, vector<1x50xf32>
    %add3A_97 = vector.broadcast %get3A_96 : vector<1x50xf32> to vector<400x50xf32>
    %add3A_98 = arith.addf %slice3A_93, %add3A_97 : vector<400x50xf32>
    %exp3A = math.exp %add3A_98 : vector<400x50xf32>
    %get3A_99 = arith.constant 0 : index
    %get3A_100 = arith.constant 0 : index
    %get3A_101 = vector.load %arg6[%get3A_99, %get3A_100] : memref<400x50xf32, #tpu.memory_space<vmem>>, vector<400x50xf32>
    %mul3A_102 = arith.mulf %exp3A, %get3A_101 : vector<400x50xf32>
    %add3A_103 = arith.addf %add3A_92, %mul3A_102 : vector<400x50xf32>
    %get3A_104 = arith.constant 0 : index
    %get3A_105 = arith.constant 0 : index
    %get3A_106 = vector.load %arg7[%get3A_104, %get3A_105] : memref<50x400xf32, #tpu.memory_space<vmem>>, vector<50x400xf32>
    %dot_general3A = arith.constant dense<0.000000e+00> : vector<400x400xf32>
    %dot_general3A_107 = tpu.matmul %add3A_103, %get3A_106, %dot_general3A {dimension_numbers = #tpu.dot_dimension_numbers<[1], [0], [0], [1], [0, 0, 1, 1], [], []>, transpose_lhs_hint = false} : vector<400x50xf32>, vector<50x400xf32>, vector<400x400xf32> -> vector<400x400xf32>
    %get3A_108 = arith.constant 0 : index
    %get3A_109 = arith.constant 0 : index
    %get3A_110 = vector.load %arg8[%get3A_108, %get3A_109] : memref<1x400xf32, #tpu.memory_space<vmem>>, vector<1x400xf32>
    %add3A_111 = vector.broadcast %get3A_110 : vector<1x400xf32> to vector<400x400xf32>
    %add3A_112 = arith.addf %dot_general3A_107, %add3A_111 : vector<400x400xf32>
    %custom_jvp_call3A = arith.constant 0.000000e+00 : f32
    %max3A = vector.broadcast %custom_jvp_call3A : f32 to vector<400x400xf32>
    %max3A_113 = arith.maximumf %add3A_112, %max3A : vector<400x400xf32>
    %sub3A = vector.broadcast %custom_jvp_call3A : f32 to vector<400x400xf32>
    %sub3A_114 = arith.subf %add3A_112, %sub3A : vector<400x400xf32>
    %ne3A = arith.cmpf one, %sub3A_114, %sub3A_114 : vector<400x400xf32>
    %add3A_115 = vector.broadcast %custom_jvp_call3A : f32 to vector<400x400xf32>
    %add3A_116 = arith.addf %add3A_112, %add3A_115 : vector<400x400xf32>
    %abs3A = math.absf %sub3A_114 : vector<400x400xf32>
    %neg3A = arith.constant 0.000000e+00 : f32
    %neg3A_117 = vector.broadcast %neg3A : f32 to vector<400x400xf32>
    %neg3A_118 = arith.subf %neg3A_117, %abs3A : vector<400x400xf32>
    %exp3A_119 = math.exp %neg3A_118 : vector<400x400xf32>
    %log1p3A = math.log1p %exp3A_119 : vector<400x400xf32>
    %add3A_120 = arith.addf %max3A_113, %log1p3A : vector<400x400xf32>
    %select_n3A = arith.select %ne3A, %add3A_116, %add3A_120 : vector<400x400xi1>, vector<400x400xf32>
    %get3A_121 = arith.constant 0 : index
    %get3A_122 = arith.constant 0 : index
    %get3A_123 = vector.load %arg9[%get3A_121, %get3A_122] : memref<400x5xf32, #tpu.memory_space<vmem>>, vector<400x5xf32>
    %dot_general3A_124 = arith.constant dense<0.000000e+00> : vector<400x5xf32>
    %dot_general3A_125 = tpu.matmul %select_n3A, %get3A_123, %dot_general3A_124 {dimension_numbers = #tpu.dot_dimension_numbers<[1], [0], [0], [1], [0, 0, 1, 1], [], []>, transpose_lhs_hint = false} : vector<400x400xf32>, vector<400x5xf32>, vector<400x5xf32> -> vector<400x5xf32>
    %get3A_126 = arith.constant 0 : index
    %get3A_127 = arith.constant 0 : index
    %get3A_128 = vector.load %arg10[%get3A_126, %get3A_127] : memref<1x5xf32, #tpu.memory_space<vmem>>, vector<1x5xf32>
    %add3A_129 = vector.broadcast %get3A_128 : vector<1x5xf32> to vector<400x5xf32>
    %add3A_130 = arith.addf %dot_general3A_125, %add3A_129 : vector<400x5xf32>
    %logistic3A = arith.negf %add3A_130 : vector<400x5xf32>
    %logistic3A_131 = math.exp %logistic3A : vector<400x5xf32>
    %logistic3A_132 = arith.constant 1.000000e+00 : f32
    %logistic3A_133 = vector.broadcast %logistic3A_132 : f32 to vector<400x5xf32>
    %logistic3A_134 = arith.addf %logistic3A_133, %logistic3A_131 : vector<400x5xf32>
    %logistic3A_135 = arith.divf %logistic3A_133, %logistic3A_134 : vector<400x5xf32>
    %swap3A = arith.constant 0 : index
    %swap3A_136 = arith.constant 0 : index
    %swap3A_137 = vector.load %arg11[%swap3A, %swap3A_136] : memref<400x5xf32, #tpu.memory_space<vmem>>, vector<400x5xf32>
    tpu.vector_store %arg11[%swap3A, %swap3A_136], %logistic3A_135 {strides = array<i32>} : memref<400x5xf32, #tpu.memory_space<vmem>>, vector<400x5xf32>,
    return
  }
  func.func @transform_0(%arg0: i32) -> (i32, i32, i32, i32) {
    %c0_i32 = arith.constant 0 : i32
    %c0_i32_0 = arith.constant 0 : i32
    %c0_i32_1 = arith.constant 0 : i32
    %c0_i32_2 = arith.constant 0 : i32
    return %c0_i32, %c0_i32_0, %arg0, %c0_i32_1 : i32, i32, i32, i32
  }
  func.func @transform_1(%arg0: i32) -> (i32, i32, i32) {
    %c0_i32 = arith.constant 0 : i32
    %c0_i32_0 = arith.constant 0 : i32
    %c0_i32_1 = arith.constant 0 : i32
    return %c0_i32, %arg0, %c0_i32_0 : i32, i32, i32
  }
  func.func @transform_2(%arg0: i32) -> (i32, i32) {
    %c0_i32 = arith.constant 0 : i32
    %c0_i32_0 = arith.constant 0 : i32
    return %arg0, %c0_i32 : i32, i32
  }
  func.func @transform_3(%arg0: i32) -> (i32, i32) {
    %c0_i32 = arith.constant 0 : i32
    %c0_i32_0 = arith.constant 0 : i32
    %c0_i32_1 = arith.constant 0 : i32
    return %c0_i32, %c0_i32_0 : i32, i32
  }
  func.func @transform_4(%arg0: i32) -> (i32, i32) {
    %c0_i32 = arith.constant 0 : i32
    %c0_i32_0 = arith.constant 0 : i32
    %c0_i32_1 = arith.constant 0 : i32
    return %c0_i32, %c0_i32_0 : i32, i32
  }
  func.func @transform_5(%arg0: i32) -> (i32, i32) {
    %c0_i32 = arith.constant 0 : i32
    %c0_i32_0 = arith.constant 0 : i32
    return %arg0, %c0_i32 : i32, i32
  }
  func.func @transform_6(%arg0: i32) -> (i32, i32) {
    %c0_i32 = arith.constant 0 : i32
    %c0_i32_0 = arith.constant 0 : i32
    %c0_i32_1 = arith.constant 0 : i32
    return %c0_i32, %c0_i32_0 : i32, i32
  }
  func.func @transform_7(%arg0: i32) -> (i32, i32) {
    %c0_i32 = arith.constant 0 : i32
    %c0_i32_0 = arith.constant 0 : i32
    %c0_i32_1 = arith.constant 0 : i32
    return %c0_i32, %c0_i32_0 : i32, i32
  }
  func.func @transform_8(%arg0: i32) -> (i32, i32) {
    %c0_i32 = arith.constant 0 : i32
    %c0_i32_0 = arith.constant 0 : i32
    %c0_i32_1 = arith.constant 0 : i32
    return %c0_i32, %c0_i32_0 : i32, i32
  }
  func.func @transform_9(%arg0: i32) -> (i32, i32) {
    %c0_i32 = arith.constant 0 : i32
    %c0_i32_0 = arith.constant 0 : i32
    %c0_i32_1 = arith.constant 0 : i32
    return %c0_i32, %c0_i32_0 : i32, i32
  }
  func.func @transform_10(%arg0: i32) -> (i32, i32) {
    %c0_i32 = arith.constant 0 : i32
    %c0_i32_0 = arith.constant 0 : i32
    return %arg0, %c0_i32 : i32, i32
  }
}

</mosaic_0001>

<sc_bundles>
// kernel: kernel.11.cloned.1.call-start
scs
__scs_entry_jumppad:
0x0: {  	(pc) =	sbr.rel $0x88, $3  }
0x1: {  	(tag) =	ssettag $0x0;
	lr =	simm.s32 $0x1  }
0x2: {  	[smem:$0x3F95] =	sst lr;
	_ =	strace $0xD0000000  }
0x3: {  	_ = 	snop  }
0x4: {  	_ = 	snop  }
0x5: {  	_ = 	snop  }
0x6: {  	_ = 	snop  }
0x7: {  	_ = 	snop  }
__scs_overlays_trampoline_lowered:
0x8: {  	[smem:$0x3FA4] =	sst s0  }
0x9: {  	[smem:$0x3FA5] =	sst s1  }
0xa: {  	[smem:$0x3FA6] =	sst s2  }
0xb: {  	[smem:$0x3FA7] =	sst s3  }
0xc: {  	[smem:$0x3FA8] =	sst s4  }
0xd: {  	[smem:$0x3FA9] =	sst s5  }
0xe: {  	[smem:$0x3FAA] =	sst s6  }
0xf: {  	[smem:$0x3FAB] =	sst s7  }
0x10: {  	[smem:$0x3FAC] =	sst s8  }
0x11: {  	[smem:$0x3FAD] =	sst s9;
	s0 =	simm.s32 @!p0 $0x0  }
0x12: {  	s1 =	sld [smem:$0x3F93];
	s0 =	simm.s32 @p0 $0x1  }
0x13: {  	[smem:$0x3FAE] =	sst s0;
	s0 =	simm.s32 @!p1 $0x0  }
0x14: {  	s2 =	sld [smem:$0x3F92];
	s0 =	simm.s32 @p1 $0x1  }
0x15: {  	[smem:$0x3FAF] =	sst s0;
	s0 =	simm.s32 @!p2 $0x0  }
0x16: {  	s3 =	sld [smem:$0x3FDB];
	s0 =	simm.s32 @p2 $0x1  }
0x17: {  	s4 =	simm.s32 $0x1BF5;
	[smem:$0x3FB1] =	sst s0  }
0x18: {  	s0 =	sld [smem:$0x3F94];
	_ =	swait.ge [sflag:s4], $0x0  }
0x19: {  	s7 =	sld [smem:$0x3F95]  }
0x1a: {  	s8 =	sadd.s32 $0xFFFFE003, lr  }
0x1b: {  	s9 =	sadd.s32 $0xFFFFFEF7, lr;
	s5 =	simm.s32 $0xFFFFFFFF;
	p2 =	slt.u32 s8, $0xFFFFF086  }
0x1c: {  	p1 =	slt.u32 s9, $0xF7A;
	s5 =	simm.s32 @!p2 $0x0  }
0x1d: {  	s5 =	simm.s32 @p1 $0x1;
	p0 =	seq.s32 s7, s2  }
0x1e: {  	s7 =	smul.u32 @!p0 $0xF7A, s2;
	p2 =	seq.s32 @!p0 s5, $0x0  }
0x1f: {  	s9 =	smul.u32 $0xF7A, s1;
	s8 =	simm.s32 @!p0 $0x1BF5;
	p2 =	por !p2, p0  }
0x20: {  	[sflag:s8] =	ssyncset.s32 @!p0 $0xFFFFF086;
	s6 =	sadd.s32 @!p0 s3, s7;
	s7 =	simm.s32 @!p0 $0x108  }
0x21: {  	s3 =	sadd.s32 s3, s9;
	s6 =	sadd.s32 @!p0 $0x88, s6;
	s7 =	simm.s32 @p2 $0x1082  }
0x22: {  	[simem:s7], [sflag:s8] =	dma.local @!p0 [hbm:s6], $0xF7A  }
0x23: {  	s9 =	sor.u32 $0xD0000000, s2;
	s6 =	simm.s32 $0x108;
	_ =	swait.ge @!p0 [sflag:s8], $0x0  }
0x24: {  	s3 =	sadd.s32 $0x88, s3;
	s6 =	simm.s32 @!p1 $0x1082;
	[sflag:s4] =	ssyncset.s32 $0xFFFFF086  }
0x25: {  	[simem:s6], [sflag:s4] =	dma.local [hbm:s3], $0xF7A  }
0x26: {  	[smem:$0x3F95] =	sst s1;
	(tag) =	ssettag s2;
	_ =	strace s9  }
0x27: {  	s1 =	sld [smem:$0x3FA5]  }
0x28: {  	s2 =	sld [smem:$0x3FA6]  }
0x29: {  	s4 =	sld [smem:$0x3FA8]  }
0x2a: {  	p0 =	seq.s32 s5, $0x0;
	s5 =	sld [smem:$0x3FA9]  }
0x2b: {  	s6 =	sld [smem:$0x3FAA]  }
0x2c: {  	s7 =	sld [smem:$0x3FAB]  }
0x2d: {  	s3 =	simm.s32 $0x108;
	s8 =	sld [smem:$0x3FAC]  }
0x2e: {  	s3 =	simm.s32 @!p0 $0x1082;
	s9 =	sld [smem:$0x3FAD]  }
0x2f: {  	lr =	sadd.s32 s0, s3;
	s0 =	sld [smem:$0x3FA4]  }
0x30: {  	s3 =	sld [smem:$0x3FA7]  }
0x31: {  	[smem:$0x3FB0] =	sst s10  }
0x32: {  	s10 =	sld [smem:$0x3FAE];
	_ =	sdelay $0x3  }
0x33: {  	p0 =	seq.s32 s10, $0x1;
	s10 =	sld [smem:$0x3FB0];
	_ =	sdelay $0x3  }
0x34: {  	[smem:$0x3FB0] =	sst s10  }
0x35: {  	s10 =	sld [smem:$0x3FAF];
	_ =	sdelay $0x3  }
0x36: {  	p1 =	seq.s32 s10, $0x1;
	s10 =	sld [smem:$0x3FB0];
	_ =	sdelay $0x3  }
0x37: {  	[smem:$0x3FB0] =	sst s10  }
0x38: {  	s10 =	sld [smem:$0x3FB1]  }
0x39: {  	_ = 	snop;
	(pc) =	sbr.ind lr, $3  }
0x3a: {  	_ = 	snop  }
0x3b: {  	_ = 	snop  }
0x3c: {  	p2 =	seq.s32 s10, $0x1;
	s10 =	sld [smem:$0x3FB0]  }
0x3d: {  	_ =	shalt  }
0x3e: {  	_ =	shalt  }
0x3f: {  	_ =	shalt  }
0x40: {  	_ =	shalt  }
0x41: {  	_ =	shalt  }
0x42: {  	_ =	shalt  }
0x43: {  	_ =	shalt  }
0x44: {  	_ =	shalt  }
0x45: {  	_ =	shalt  }
0x46: {  	_ =	shalt  }
0x47: {  	_ =	shalt  }
0x48: {  	_ =	shalt  }
0x49: {  	_ =	shalt  }
0x4a: {  	_ =	shalt  }
0x4b: {  	_ =	shalt  }
0x4c: {  	_ =	shalt  }
0x4d: {  	_ =	shalt  }
0x4e: {  	_ =	shalt  }
0x4f: {  	_ =	shalt  }
0x50: {  	_ =	shalt  }
0x51: {  	_ =	shalt  }
0x52: {  	_ =	shalt  }
0x53: {  	_ =	shalt  }
0x54: {  	_ =	shalt  }
0x55: {  	_ =	shalt  }
0x56: {  	_ =	shalt  }
0x57: {  	_ =	shalt  }
0x58: {  	_ =	shalt  }
0x59: {  	_ =	shalt  }
0x5a: {  	_ =	shalt  }
0x5b: {  	_ =	shalt  }
0x5c: {  	_ =	shalt  }
0x5d: {  	_ =	shalt  }
0x5e: {  	_ =	shalt  }
0x5f: {  	_ =	shalt  }
0x60: {  	_ =	shalt  }
0x61: {  	_ =	shalt  }
0x62: {  	_ =	shalt  }
0x63: {  	_ =	shalt  }
0x64: {  	_ =	shalt  }
0x65: {  	_ =	shalt  }
0x66: {  	_ =	shalt  }
0x67: {  	_ =	shalt  }
0x68: {  	_ =	shalt  }
0x69: {  	_ =	shalt  }
0x6a: {  	_ =	shalt  }
0x6b: {  	_ =	shalt  }
0x6c: {  	_ =	shalt  }
0x6d: {  	_ =	shalt  }
0x6e: {  	_ =	shalt  }
0x6f: {  	_ =	shalt  }
0x70: {  	_ =	shalt  }
0x71: {  	_ =	shalt  }
0x72: {  	_ =	shalt  }
0x73: {  	_ =	shalt  }
0x74: {  	_ =	shalt  }
0x75: {  	_ =	shalt  }
0x76: {  	_ =	shalt  }
0x77: {  	_ =	shalt  }
0x78: {  	_ =	shalt  }
0x79: {  	_ =	shalt  }
0x7a: {  	_ =	shalt  }
0x7b: {  	_ =	shalt  }
0x7c: {  	_ =	shalt  }
0x7d: {  	_ =	shalt  }
0x7e: {  	_ =	shalt  }
0x7f: {  	_ =	shalt  }
0x80: {  	_ =	shalt  }
0x81: {  	_ =	shalt  }
0x82: {  	_ =	shalt  }
0x83: {  	_ =	shalt  }
0x84: {  	_ =	shalt  }
0x85: {  	_ =	shalt  }
0x86: {  	_ =	shalt  }
0x87: {  	_ =	shalt  }
.Lfunc_end0:
.L_simem_size_0:
called_computation.1_lowered:
.L_overlay_start_0:
0x88: {  	s2 =	sld [smem:$0x3FD9]  }
0x89: {  	s3 =	sld [smem:$0x3FFE];
	_ =	sdelay $0x1  }
0x8a: {  	s1 =	srdreg.scid  }
0x8b: {  	s0 =	sand.u32 $0x1, s1  }
0x8c: {  	s16 =	sshll.u32 s0, $0xA;
	s2 =	sadd.s32 s3, s2  }
0x8d: {  	s2 =	sadd.s32 s2, s16  }
0x8e: {  	[smem:$0x3FBC] =	sst s2  }
0x8f: {  	_ = 	snop  }
0x90: {  	(tm) =	ssettm $0x1  }
0x91: {  	s17 =	sld [smem:$0x3FFB];
	_ =	sdelay $0x3  }
0x92: {  	_ =	strace s17  }
0x93: {  	s2 =	sld [smem:$0x3FFC];
	_ =	sdelay $0x3  }
0x94: {  	_ =	strace s2  }
0x95: {  	s2 =	sld [smem:$0x3FFD];
	_ =	sdelay $0x3  }
0x96: {  	_ =	strace s2  }
0x97: {  	_ =	strace $0x8FFFFFFF  }
0x98: {  	s18 =	sld [smem:$0x3FDB];
	_ =	sdelay $0x1  }
0x99: {  	s19 =	simm.s32 $_scs_section_size  }
0x9a: {  	s4 =	simm.s32 $_size__tile_overlayer_lowered;
	s5 =	simm.s32 $_tile_overlayer_lowered  }
0x9b: {  	s22 =	simm.s32 $0x1BFF;
	s21 =	sshll.u32 s5, $0x1;
	s2 =	sadd.s32 s19, s18  }
0x9c: {  	s6 =	simm.s32 $0x0;
	s20 =	sshll.u32 s4, $0x1;
	s4 =	sadd.s32 s21, s2  }
0x9d: {  	[timem:s6], [sflag:s22] =	dma.local [hbm:s4], s20  }
0x9e: {  	_ =	swait.ge [sflag:s22], s20  }
0x9f: {  	s3 =	ssub.s32 $0x0, s20;
	[sflag:s22] =	ssyncset.done $0x0  }
0xa0: {  	[sflag:s22] =	ssyncadd.s32 s3;
	_ =	sdelay $0x1  }
0xa1: {  	s23 =	simm.s32 $0x1B8B  }
0xa2: {  	_ =	swait.ge [sflag:s23], $0x1  }
0xa3: {  	[sflag:s23] =	ssyncset.done $0x0  }
0xa4: {  	s25 =	simm.s32 $0x1B8E;
	s24 =	sld [smem:$0x3FFE];
	[sflag:s23] =	ssyncadd.s32 $0xFFFFFFFF  }
0xa5: {  	s26 =	simm.s32 $execute0_lowered;
	[smem:$0x3FD2] =	sst s25  }
0xa6: {  	s4 =	sshll.u32 s26, $0x1;
	_ =	strace $0x80000049;
	[dreg:$0x1] =	wrdreg $0xFFFFFFFF  }
0xa7: {  	s28 =	simm.s32 $_size_execute0_lowered;
	s2 =	sadd.s32 s2, s4;
	[dreg:$0x0] =	wrdreg $0x0  }
0xa8: {  	s4 =	sshll.u32 s28, $0x1;
	[dreg:$0x2] =	wrdreg s2  }
0xa9: {  	[dreg:$0x3] =	wrdreg s4  }
0xaa: {  	[dreg:$0x4] =	wrdreg $0xC0  }
0xab: {  	_ =	task [dreg:s6], $0x5FFFF  }
0xac: {  	[dreg:$0x1] =	wrdreg $0xFFFFFFFF  }
0xad: {  	[dreg:$0x0] =	wrdreg $0x60  }
0xae: {  	[dreg:$0x2] =	wrdreg s24  }
0xaf: {  	[dreg:$0x3] =	wrdreg $0x119400  }
0xb0: {  	[dreg:$0x4] =	wrdreg $0x9  }
0xb1: {  	_ =	task.clear_ibuf [dreg:s6], $0x5FFFF;
	_ =	strace $0x90000049  }
0xb2: {  	s29 =	simm.s32 $0x9;
	_ =	strace $0x8000004B  }
0xb3: {  	_ =	swait.ge [sflag:s29], $0x1  }
0xb4: {  	[sflag:s29] =	ssyncadd.s32 $0xFFFFFFFF  }
0xb5: {  	_ =	strace $0x9000004B  }
0xb6: {  	_ =	sfence  }
0xb7: {  	s30 =	sld [smem:$0x0];
	_ =	sdelay $0x2  }
0xb8: {  	s31 =	sshll.u32 s1, $0xD;
	s1 =	sshrl.u32 s1, $0x2  }
0xb9: {  	s3 =	sand.u32 $0x4000, s31;
	s1 =	sadd.s32 s1, s30  }
0xba: {  	s0 =	sor.u32 s3, s0;
	s1 =	sshll.u32 s1, $0x11  }
0xbb: {  	s0 =	sor.u32 s1, s0  }
0xbc: {  	s0 =	sadd.s32 $0x8F2B, s0  }
0xbd: {  	[sflag:s0] =	ssyncadd.remote.s32 $0x1  }
0xbe: {  	_ =	sfence.sel $0xFFFF  }
0xbf: {  	[dreg:$0x0] =	wrdreg $0xFFFFFFFF;
	(pc) =	sbr.abs _section_cstart, $3  }
0xc0: {  	[dreg:$0x1] =	wrdreg $0xFFFFFFFF  }
0xc1: {  	_ =	task.clear_ibuf [dreg:s6], $0x2FFFF;
	_ =	strace $0x9FFFFFFF  }
0xc2: {  	(tm) =	ssettm $0x7FFFFFFF  }
0xc3: {  	_ =	shalt  }
tec
execute0_lowered:
.L_overlay_start_1:
0x0: {  	(tag) =	ssettag $0x1  }
0x1: {  	s0 =	rddreg [dreg:$0x0]  }
0x2: {  	s2 =	rddreg [dreg:$0x1]  }
0x3: {  	s1 =	srdreg.scid;
	s14 =	stileid.u32  }
0x4: {  	s3 =	simm.s32 $0x0;
	s20 =	simm.s32 $0x1F40;
	s28 =	simm.s32 $0x9C40  }
0x5: {  	s29 =	simm.s32 $0x2;
	s30 =	simm.s32 $0x0;
	s7 =	smul.u32 $0xC380, s14  }
0x6: {  	s1 =	sand.u32 $0x1, s1;
	[smem:$0x7FF] =	sst s3;
	s12 =	smul.u32 $0x30E00, s14  }
0x7: {  	s4 =	sadd.s32 $0x32C00, s0;
	s5 =	sadd.s32 $0x1E00, s0;
	s23 =	smul.u32 $0xC350, s14  }
0x8: {  	s6 =	sadd.s32 $0x63A00, s0;
	s8 =	smul.u32 $0xC3800, s1;
	_ =	strace $0x8000004A  }
0x9: {  	s9 =	ssub.s32 $0x2, s1;
	s10 =	sshll.u32 s1, $0x4;
	s1 =	smul.u32 $0xC3500, s1  }
0xa: {  	s11 =	sshrl.u32 s9, $0x1;
	s10 =	sor.u32 s14, s10;
	s22 =	sshrl.u32 s12, $0x2  }
0xb: {  	s8 =	sadd.s32 s7, s8;
	s16 =	ssub.s32 s9, s11;
	s21 =	smul.u32 $0xC350, s10  }
0xc: {  	s7 =	sadd.s32 s7, s2;
	s9 =	sadd.s32 s22, s2;
	s1 =	sadd.s32 s23, s1  }
0xd: {  	s22 =	simm.s32 $0xFA0;
	s23 =	simm.s32 $0x7D0;
	s8 =	sshrl.u32 s8, $0x3  }
0xe: {  	s24 =	sadd.s32 $0x7D00, s9;
	s15 =	sadd.s32 $0x1770, s1;
	s16 =	smax.u32 s16, $0x1  }
0xf: {  	s19 =	sadd.s32 $0xFA0, s1;
	s0 =	sadd.s32 s8, s0;
	s13 =	sshrl.u32 s21, $0x3  }
0x10: {  	[dreg:$0x3] =	wrdreg s24;
	s18 =	sshrl.u32 s15, $0x3;
	s21 =	simm.s32 $0x4  }
0x11: {  	s24 =	simm.s32 $0x1770;
	s25 =	sadd.s32 s4, s13;
	s26 =	sadd.s32 $0xFA, s13  }
0x12: {  	s10 =	sadd.s32 s5, s13;
	s31 =	sadd.s32 $0x1770, s13;
	s15 =	sadd.s32 $0x7C200, s0  }
0x13: {  	s17 =	sadd.s32 s18, s5;
	s18 =	sadd.s32 s18, s4;
	[dreg:$0x4] =	wrdreg s25  }
0x14: {  	s11 =	sadd.s32 s4, s26;
	s12 =	sadd.s32 s5, s26;
	s13 =	sadd.s32 s4, s31  }
0x15: {  	v0 =	vimm.f32 $0.0e+00;
	s14 =	sadd.s32 s5, s31;
	s25 =	simm.s32 $0x1;
	s26 =	simm.s32 $0x3  }
.LBB2_1:
0x16: {  	s0 =	simm.s32 $0x40;
	s1 =	simm.s32 $0x0  }
.LBB2_2:
0x17: {  	p0 =	sne.s32 s0, $0x1F3C0;
	[tilespmem:s1+$0x1F40] =	vst v0;
	s1 =	smov.u32 s0;
	s0 =	sadd.s32 $0x40, s0  }
.Ltmp0:
0x18: {  	(pc) =	sbr.rel @p0 .LBB2_2-.Ltmp0, $2  }
0x19: {  	_ =	sdelay $0x2  }
0x1a: {  	s1 =	sshra.s32 s1, $0x2  }
0x1b: {  	[tilespmem:s1+$0x1F40] =	vst v0  }
0x1c: {  	[spmem:s7] =	stream.linear.scatter [tilespmem:s20], [sflag:$0x4], $0x7D00, $0x38;
	[tilespmem:$0x1DCC0] =	vst v63  }
0x1d: {  	_ =	swait.ge [sflag:s21], $0x7D00  }
0x1e: {  	[sflag:s21] =	ssyncset.done $0x0  }
0x1f: {  	s0 =	rddreg [dreg:$0x3];
	[sflag:s21] =	ssyncadd.s32 $0xFFFF8300  }
0x20: {  	[spmem:s0] =	stream.linear.scatter [tilespmem:s20], [sflag:$0x4], $0x4680, $0x38;
	[tilespmem:$0x1DCC0] =	vst v63  }
0x21: {  	_ =	swait.ge [sflag:s21], $0x4680  }
0x22: {  	[sflag:s21] =	ssyncset.done $0x0  }
0x23: {  	[sflag:s21] =	ssyncadd.s32 $0xFFFFB980  }
0x24: {  	[bflag:$0x0] =	sbarrier.arrive $0xFFFF  }
0x25: {  	s9 =	simm.s32 $0x0;
	s8 =	rddreg [dreg:$0x4]  }
0x26: {  	[tilespmem:s9], [sflag:$0x4] =	stream.linear.gather [hbm4b:s8+s9], $0x7D0, $0x38;
	[tilespmem:$0x1DCC0] =	vst v63  }
0x27: {  	_ =	swait.ge [sflag:s21], $0x7D0  }
0x28: {  	[sflag:s21] =	ssyncset.done $0x0  }
0x29: {  	[sflag:s21] =	ssyncadd.s32 $0xFFFFF830  }
0x2a: {  	[tilespmem:s22], [sflag:$0x4] =	stream.linear.gather [hbm4b:s10+s9], $0x7D0, $0x38;
	[tilespmem:$0x1DCC0] =	vst v63  }
0x2b: {  	_ =	swait.ge [sflag:s21], $0x7D0  }
0x2c: {  	[sflag:s21] =	ssyncset.done $0x0  }
0x2d: {  	[sflag:s21] =	ssyncadd.s32 $0xFFFFF830  }
0x2e: {  	[tilespmem:s20], [sflag:$0x1] =	stream.indirect.gather [hbm4b:s6+s23], $0x10, s9, s23, $0xb8;
	[tilespmem:$0x1DCC0] =	vst v63  }
0x2f: {  	_ = 	snop  }
0x30: {  	[tilespmem:s23], [sflag:$0x3] =	stream.linear.gather [hbm4b:s11+s9], $0x7D0, $0x38;
	[tilespmem:$0x1DCC0] =	vst v63  }
0x31: {  	_ = 	snop  }
0x32: {  	[tilespmem:s24], [sflag:$0x3] =	stream.linear.gather [hbm4b:s12+s9], $0x7D0, $0x38;
	[tilespmem:$0x1DCC0] =	vst v63  }
0x33: {  	_ =	swait.ge [sflag:s25], $0x7D00  }
0x34: {  	[sflag:s25] =	ssyncset.done $0x0  }
0x35: {  	[sflag:s25] =	ssyncadd.s32 $0xFFFF8300  }
0x36: {  	_ =	swait.ge [sflag:s26], $0x7D0  }
0x37: {  	[sflag:s26] =	ssyncset.done $0x0  }
0x38: {  	[sflag:s26] =	ssyncadd.s32 $0xFFFFF830  }
0x39: {  	_ =	swait.ge [sflag:s26], $0x7D0  }
0x3a: {  	[sflag:s26] =	ssyncset.done $0x0  }
0x3b: {  	[sflag:s26] =	ssyncadd.s32 $0xFFFFF830  }
0x3c: {  	[tilespmem:s28], [sflag:$0x1] =	stream.indirect.gather [hbm4b:s6+s23], $0x10, s23, s23, $0xb8;
	[tilespmem:$0x1DCC0] =	vst v63  }
0x3d: {  	_ = 	snop  }
0x3e: {  	[spmem:s2] =	stream.indirect.scatter.add.f32 [tilespmem:s20], [sflag:$0x2], $0x10, s22, s23, $0xb8;
	[tilespmem:$0x1DCC0] =	vst v63  }
0x3f: {  	_ =	swait.ge [sflag:s29], $0x7D00  }
0x40: {  	s9 =	sshrl.u32 s19, $0x3;
	[sflag:s29] =	ssyncset.done $0x0  }
0x41: {  	s8 =	sadd.s32 s4, s9;
	[sflag:s29] =	ssyncadd.s32 $0xFFFF8300  }
0x42: {  	[tilespmem:s3], [sflag:$0x3] =	stream.linear.gather [hbm4b:s8+s3], $0x7D0, $0x38;
	[tilespmem:$0x1DCC0] =	vst v63  }
0x43: {  	s0 =	sadd.s32 s5, s9  }
0x44: {  	[tilespmem:s22], [sflag:$0x3] =	stream.linear.gather [hbm4b:s0+s3], $0x7D0, $0x38;
	[tilespmem:$0x1DCC0] =	vst v63  }
0x45: {  	_ =	swait.ge [sflag:s25], $0x7D00  }
0x46: {  	[sflag:s25] =	ssyncset.done $0x0  }
0x47: {  	[sflag:s25] =	ssyncadd.s32 $0xFFFF8300  }
0x48: {  	_ =	swait.ge [sflag:s26], $0x7D0  }
0x49: {  	[sflag:s26] =	ssyncset.done $0x0  }
0x4a: {  	[sflag:s26] =	ssyncadd.s32 $0xFFFFF830  }
0x4b: {  	_ =	swait.ge [sflag:s26], $0x7D0  }
0x4c: {  	[sflag:s26] =	ssyncset.done $0x0  }
0x4d: {  	[sflag:s26] =	ssyncadd.s32 $0xFFFFF830  }
0x4e: {  	[tilespmem:s20], [sflag:$0x1] =	stream.indirect.gather [hbm4b:s6+s23], $0x10, s3, s23, $0xb8;
	[tilespmem:$0x1DCC0] =	vst v63  }
0x4f: {  	_ = 	snop  }
0x50: {  	[spmem:s2] =	stream.indirect.scatter.add.f32 [tilespmem:s28], [sflag:$0x2], $0x10, s24, s23, $0xb8;
	[tilespmem:$0x1DCC0] =	vst v63  }
0x51: {  	_ =	swait.ge [sflag:s29], $0x7D00  }
0x52: {  	s31 =	simm.s32 $0x1F4;
	s1 =	sadd.s32 $0x0, s17;
	[sflag:s29] =	ssyncset.done $0x0  }
0x53: {  	s9 =	sadd.s32 $0x0, s18;
	s0 =	sadd.s32 $0xFA0, s19;
	[sflag:s29] =	ssyncadd.s32 $0xFFFF8300  }
0x54: {  	[tilespmem:s23], [sflag:$0x3] =	stream.linear.gather [hbm4b:s9+s3], $0x7D0, $0x38;
	[tilespmem:$0x1DCC0] =	vst v63  }
.LBB2_4:
0x55: {  	[tilespmem:s24], [sflag:$0x3] =	stream.linear.gather [hbm4b:s1+s3], $0x7D0, $0x38;
	[tilespmem:$0x1DCC0] =	vst v63  }
0x56: {  	s1 =	smov.u32 s31  }
0x57: {  	p0 =	sne.s32 s31, $0x1388;
	s31 =	sadd.s32 $0x1F4, s31;
	_ =	swait.ge [sflag:s25], $0x7D00  }
0x58: {  	[sflag:s25] =	ssyncset.done $0x0  }
0x59: {  	[sflag:s25] =	ssyncadd.s32 $0xFFFF8300  }
0x5a: {  	_ =	swait.ge [sflag:s26], $0x7D0  }
0x5b: {  	[sflag:s26] =	ssyncset.done $0x0  }
0x5c: {  	[sflag:s26] =	ssyncadd.s32 $0xFFFFF830  }
0x5d: {  	_ =	swait.ge [sflag:s26], $0x7D0  }
0x5e: {  	[sflag:s26] =	ssyncset.done $0x0  }
0x5f: {  	[sflag:s26] =	ssyncadd.s32 $0xFFFFF830  }
0x60: {  	[tilespmem:s28], [sflag:$0x1] =	stream.indirect.gather [hbm4b:s6+s23], $0x10, s23, s23, $0xb8;
	[tilespmem:$0x1DCC0] =	vst v63  }
0x61: {  	_ = 	snop  }
0x62: {  	[spmem:s2] =	stream.indirect.scatter.add.f32 [tilespmem:s20], [sflag:$0x2], $0x10, s22, s23, $0xb8;
	[tilespmem:$0x1DCC0] =	vst v63  }
0x63: {  	_ =	swait.ge [sflag:s29], $0x7D00  }
0x64: {  	s8 =	sshrl.u32 s0, $0x3;
	[sflag:s29] =	ssyncset.done $0x0  }
0x65: {  	s9 =	sadd.s32 s4, s8;
	[sflag:s29] =	ssyncadd.s32 $0xFFFF8300  }
0x66: {  	[tilespmem:s3], [sflag:$0x3] =	stream.linear.gather [hbm4b:s9+s3], $0x7D0, $0x38;
	[tilespmem:$0x1DCC0] =	vst v63  }
0x67: {  	s8 =	sadd.s32 s5, s8  }
0x68: {  	[tilespmem:s22], [sflag:$0x3] =	stream.linear.gather [hbm4b:s8+s3], $0x7D0, $0x38;
	[tilespmem:$0x1DCC0] =	vst v63  }
0x69: {  	_ =	swait.ge [sflag:s25], $0x7D00  }
0x6a: {  	[sflag:s25] =	ssyncset.done $0x0  }
0x6b: {  	[sflag:s25] =	ssyncadd.s32 $0xFFFF8300  }
0x6c: {  	_ =	swait.ge [sflag:s26], $0x7D0  }
0x6d: {  	[sflag:s26] =	ssyncset.done $0x0  }
0x6e: {  	[sflag:s26] =	ssyncadd.s32 $0xFFFFF830  }
0x6f: {  	_ =	swait.ge [sflag:s26], $0x7D0  }
0x70: {  	[sflag:s26] =	ssyncset.done $0x0  }
0x71: {  	[sflag:s26] =	ssyncadd.s32 $0xFFFFF830  }
0x72: {  	[tilespmem:s20], [sflag:$0x1] =	stream.indirect.gather [hbm4b:s6+s23], $0x10, s3, s23, $0xb8;
	[tilespmem:$0x1DCC0] =	vst v63  }
0x73: {  	_ = 	snop  }
0x74: {  	[spmem:s2] =	stream.indirect.scatter.add.f32 [tilespmem:s28], [sflag:$0x2], $0x10, s24, s23, $0xb8;
	[tilespmem:$0x1DCC0] =	vst v63  }
.Ltmp1:
0x75: {  	_ =	swait.ge [sflag:s29], $0x7D00;
	(pc) =	sbr.rel @p0 .LBB2_4-.Ltmp1, $4  }
0x76: {  	[sflag:s29] =	ssyncset.done $0x0  }
0x77: {  	s8 =	sadd.s32 s1, s18;
	[sflag:s29] =	ssyncadd.s32 $0xFFFF8300  }
0x78: {  	[tilespmem:s23], [sflag:$0x3] =	stream.linear.gather [hbm4b:s8+s3], $0x7D0, $0x38;
	[tilespmem:$0x1DCC0] =	vst v63  }
0x79: {  	s0 =	sadd.s32 $0xFA0, s0;
	s1 =	sadd.s32 s1, s17  }
0x7a: {  	[tilespmem:s24], [sflag:$0x3] =	stream.linear.gather [hbm4b:s1+s3], $0x7D0, $0x38;
	[tilespmem:$0x1DCC0] =	vst v63  }
0x7b: {  	_ =	swait.ge [sflag:s25], $0x7D00  }
0x7c: {  	[sflag:s25] =	ssyncset.done $0x0  }
0x7d: {  	[sflag:s25] =	ssyncadd.s32 $0xFFFF8300  }
0x7e: {  	_ =	swait.ge [sflag:s26], $0x7D0  }
0x7f: {  	[sflag:s26] =	ssyncset.done $0x0  }
0x80: {  	[sflag:s26] =	ssyncadd.s32 $0xFFFFF830  }
0x81: {  	_ =	swait.ge [sflag:s26], $0x7D0  }
0x82: {  	[sflag:s26] =	ssyncset.done $0x0  }
0x83: {  	[sflag:s26] =	ssyncadd.s32 $0xFFFFF830  }
0x84: {  	[tilespmem:s28], [sflag:$0x1] =	stream.indirect.gather [hbm4b:s6+s23], $0x10, s23, s23, $0xb8;
	[tilespmem:$0x1DCC0] =	vst v63  }
0x85: {  	_ = 	snop  }
0x86: {  	[spmem:s2] =	stream.indirect.scatter.add.f32 [tilespmem:s20], [sflag:$0x2], $0x10, s22, s23, $0xb8;
	[tilespmem:$0x1DCC0] =	vst v63  }
0x87: {  	_ =	swait.ge [sflag:s29], $0x7D00  }
0x88: {  	[sflag:s29] =	ssyncset.done $0x0  }
0x89: {  	[sflag:s29] =	ssyncadd.s32 $0xFFFF8300  }
0x8a: {  	[tilespmem:s3], [sflag:$0x3] =	stream.linear.gather [hbm4b:s13+s3], $0x7D0, $0x38;
	[tilespmem:$0x1DCC0] =	vst v63  }
0x8b: {  	_ = 	snop  }
0x8c: {  	[tilespmem:s22], [sflag:$0x3] =	stream.linear.gather [hbm4b:s14+s3], $0x7D0, $0x38;
	[tilespmem:$0x1DCC0] =	vst v63  }
0x8d: {  	_ =	swait.ge [sflag:s25], $0x7D00  }
0x8e: {  	[sflag:s25] =	ssyncset.done $0x0  }
0x8f: {  	[sflag:s25] =	ssyncadd.s32 $0xFFFF8300  }
0x90: {  	_ =	swait.ge [sflag:s26], $0x7D0  }
0x91: {  	[sflag:s26] =	ssyncset.done $0x0  }
0x92: {  	[sflag:s26] =	ssyncadd.s32 $0xFFFFF830  }
0x93: {  	_ =	swait.ge [sflag:s26], $0x7D0  }
0x94: {  	[sflag:s26] =	ssyncset.done $0x0  }
0x95: {  	[sflag:s26] =	ssyncadd.s32 $0xFFFFF830  }
0x96: {  	[tilespmem:s20], [sflag:$0x1] =	stream.indirect.gather [hbm4b:s6+s23], $0x10, s3, s23, $0xb8;
	[tilespmem:$0x1DCC0] =	vst v63  }
0x97: {  	_ = 	snop  }
0x98: {  	[spmem:s2] =	stream.indirect.scatter.add.f32 [tilespmem:s28], [sflag:$0x2], $0x10, s24, s23, $0xb8;
	[tilespmem:$0x1DCC0] =	vst v63  }
0x99: {  	_ =	swait.ge [sflag:s29], $0x7D00  }
0x9a: {  	[sflag:s29] =	ssyncset.done $0x0  }
0x9b: {  	[sflag:s29] =	ssyncadd.s32 $0xFFFF8300  }
0x9c: {  	_ =	swait.ge [sflag:s25], $0x7D00  }
0x9d: {  	[sflag:s25] =	ssyncset.done $0x0  }
0x9e: {  	[sflag:s25] =	ssyncadd.s32 $0xFFFF8300  }
0x9f: {  	[spmem:s2] =	stream.indirect.scatter.add.f32 [tilespmem:s20], [sflag:$0x2], $0x10, s22, s23, $0xb8;
	[tilespmem:$0x1DCC0] =	vst v63  }
0xa0: {  	_ =	swait.ge [sflag:s29], $0x7D00  }
0xa1: {  	s0 =	stileid.u32;
	s31 =	sshrl.u32 s7, $0x3;
	[sflag:s29] =	ssyncset.done $0x0  }
0xa2: {  	s30 =	sadd.s32 $0x1, s30;
	s0 =	sshll.u32 s0, $0x6;
	[sflag:s29] =	ssyncadd.s32 $0xFFFF8300  }
0xa3: {  	p0 =	sne.s32 s30, s16;
	s0 =	sor.u32 $0x1C04, s0;
	[bflag:$0x0] =	sbarrier.arrive $0xFFFF  }
0xa4: {  	[hbm:s15], [sflag:s0] =	dma.local [spmem:s31], $0x1870  }
.Ltmp2:
0xa5: {  	_ =	swait.ge [sflag:s21], $0x1870;
	(pc) =	sbr.rel @p0 .LBB2_1-.Ltmp2, $3  }
0xa6: {  	[sflag:s21] =	ssyncset.done $0x0  }
0xa7: {  	[sflag:s21] =	ssyncadd.s32 $0xFFFFE790  }
0xa8: {  	[bflag:$0x0] =	sbarrier.arrive $0xFFFF;
	_ =	sdelay $0x1  }
0xa9: {  	_ =	sfence.sel $0x180000  }
0xaa: {  	[bflag:$0x0] =	sbarrier.arrive $0xFFFF  }
0xab: {  	_ =	strace $0x9000004A  }
0xac: {  	s0 =	stileid.u32;
	[bflag:$0x2] =	sbarrier.arrive $0xFFFF  }
0xad: {  	p0 =	sne.s32 s0, $0x0;
	s0 =	rddreg [dreg:$0x2]  }
0xae: {  	s0 =	sadd.s32 @!p0 $0x100000, s0  }
0xaf: {  	[sflag:s0] =	ssyncadd.tile.s32 @!p0 $0x1;
	_ =	shalt  }
.Lfunc_end2:
_tile_overlayer_lowered:
.L_overlay_start_2:
0xb0: {  	(tag) =	ssettag $0x2  }
0xb1: {  	s0 =	rddreg [dreg:$0x0];
	s2 =	stileid.u32  }
0xb2: {  	s1 =	rddreg [dreg:$0x1];
	p0 =	sne.s32 s2, $0x0  }
0xb3: {  	s3 =	rddreg [dreg:$0x2];
	[bflag:$0x3] =	sbarrier.arrive $0xFFFF;
	s2 =	simm.s32 @!p0 $0x1C04  }
0xb4: {  	[timem:s3], [sflag:s2] =	dma.local @!p0 [hbm:s0], s1  }
0xb5: {  	s0 =	simm.s32 @!p0 $0x4  }
0xb6: {  	_ =	swait.ge @!p0 [sflag:s0], s1  }
0xb7: {  	s1 =	ssub.s32 @!p0 $0x0, s1;
	[sflag:s0] =	ssyncset.done @!p0 $0x0  }
0xb8: {  	[sflag:s0] =	ssyncadd.s32 @!p0 s1  }
0xb9: {  	[bflag:$0x3] =	sbarrier.arrive $0xFFFF  }
0xba: {  	_ =	shalt  }

// kernel: kernel.14.cloned.1.call-start
scs
__scs_entry_jumppad:
0x0: {  	(pc) =	sbr.rel $0x88, $3  }
0x1: {  	(tag) =	ssettag $0x0;
	lr =	simm.s32 $0x1  }
0x2: {  	[smem:$0x3F95] =	sst lr;
	_ =	strace $0xD0000000  }
0x3: {  	_ = 	snop  }
0x4: {  	_ = 	snop  }
0x5: {  	_ = 	snop  }
0x6: {  	_ = 	snop  }
0x7: {  	_ = 	snop  }
__scs_overlays_trampoline_lowered:
0x8: {  	[smem:$0x3FA4] =	sst s0  }
0x9: {  	[smem:$0x3FA5] =	sst s1  }
0xa: {  	[smem:$0x3FA6] =	sst s2  }
0xb: {  	[smem:$0x3FA7] =	sst s3  }
0xc: {  	[smem:$0x3FA8] =	sst s4  }
0xd: {  	[smem:$0x3FA9] =	sst s5  }
0xe: {  	[smem:$0x3FAA] =	sst s6  }
0xf: {  	[smem:$0x3FAB] =	sst s7  }
0x10: {  	[smem:$0x3FAC] =	sst s8  }
0x11: {  	[smem:$0x3FAD] =	sst s9;
	s0 =	simm.s32 @!p0 $0x0  }
0x12: {  	s1 =	sld [smem:$0x3F93];
	s0 =	simm.s32 @p0 $0x1  }
0x13: {  	[smem:$0x3FAE] =	sst s0;
	s0 =	simm.s32 @!p1 $0x0  }
0x14: {  	s2 =	sld [smem:$0x3F92];
	s0 =	simm.s32 @p1 $0x1  }
0x15: {  	[smem:$0x3FAF] =	sst s0;
	s0 =	simm.s32 @!p2 $0x0  }
0x16: {  	s3 =	sld [smem:$0x3FDB];
	s0 =	simm.s32 @p2 $0x1  }
0x17: {  	s4 =	simm.s32 $0x1BF5;
	[smem:$0x3FB1] =	sst s0  }
0x18: {  	s0 =	sld [smem:$0x3F94];
	_ =	swait.ge [sflag:s4], $0x0  }
0x19: {  	s7 =	sld [smem:$0x3F95]  }
0x1a: {  	s8 =	sadd.s32 $0xFFFFE003, lr  }
0x1b: {  	s9 =	sadd.s32 $0xFFFFFEF7, lr;
	s5 =	simm.s32 $0xFFFFFFFF;
	p2 =	slt.u32 s8, $0xFFFFF086  }
0x1c: {  	p1 =	slt.u32 s9, $0xF7A;
	s5 =	simm.s32 @!p2 $0x0  }
0x1d: {  	s5 =	simm.s32 @p1 $0x1;
	p0 =	seq.s32 s7, s2  }
0x1e: {  	s7 =	smul.u32 @!p0 $0xF7A, s2;
	p2 =	seq.s32 @!p0 s5, $0x0  }
0x1f: {  	s9 =	smul.u32 $0xF7A, s1;
	s8 =	simm.s32 @!p0 $0x1BF5;
	p2 =	por !p2, p0  }
0x20: {  	[sflag:s8] =	ssyncset.s32 @!p0 $0xFFFFF086;
	s6 =	sadd.s32 @!p0 s3, s7;
	s7 =	simm.s32 @!p0 $0x108  }
0x21: {  	s3 =	sadd.s32 s3, s9;
	s6 =	sadd.s32 @!p0 $0x88, s6;
	s7 =	simm.s32 @p2 $0x1082  }
0x22: {  	[simem:s7], [sflag:s8] =	dma.local @!p0 [hbm:s6], $0xF7A  }
0x23: {  	s9 =	sor.u32 $0xD0000000, s2;
	s6 =	simm.s32 $0x108;
	_ =	swait.ge @!p0 [sflag:s8], $0x0  }
0x24: {  	s3 =	sadd.s32 $0x88, s3;
	s6 =	simm.s32 @!p1 $0x1082;
	[sflag:s4] =	ssyncset.s32 $0xFFFFF086  }
0x25: {  	[simem:s6], [sflag:s4] =	dma.local [hbm:s3], $0xF7A  }
0x26: {  	[smem:$0x3F95] =	sst s1;
	(tag) =	ssettag s2;
	_ =	strace s9  }
0x27: {  	s1 =	sld [smem:$0x3FA5]  }
0x28: {  	s2 =	sld [smem:$0x3FA6]  }
0x29: {  	s4 =	sld [smem:$0x3FA8]  }
0x2a: {  	p0 =	seq.s32 s5, $0x0;
	s5 =	sld [smem:$0x3FA9]  }
0x2b: {  	s6 =	sld [smem:$0x3FAA]  }
0x2c: {  	s7 =	sld [smem:$0x3FAB]  }
0x2d: {  	s3 =	simm.s32 $0x108;
	s8 =	sld [smem:$0x3FAC]  }
0x2e: {  	s3 =	simm.s32 @!p0 $0x1082;
	s9 =	sld [smem:$0x3FAD]  }
0x2f: {  	lr =	sadd.s32 s0, s3;
	s0 =	sld [smem:$0x3FA4]  }
0x30: {  	s3 =	sld [smem:$0x3FA7]  }
0x31: {  	[smem:$0x3FB0] =	sst s10  }
0x32: {  	s10 =	sld [smem:$0x3FAE];
	_ =	sdelay $0x3  }
0x33: {  	p0 =	seq.s32 s10, $0x1;
	s10 =	sld [smem:$0x3FB0];
	_ =	sdelay $0x3  }
0x34: {  	[smem:$0x3FB0] =	sst s10  }
0x35: {  	s10 =	sld [smem:$0x3FAF];
	_ =	sdelay $0x3  }
0x36: {  	p1 =	seq.s32 s10, $0x1;
	s10 =	sld [smem:$0x3FB0];
	_ =	sdelay $0x3  }
0x37: {  	[smem:$0x3FB0] =	sst s10  }
0x38: {  	s10 =	sld [smem:$0x3FB1]  }
0x39: {  	_ = 	snop;
	(pc) =	sbr.ind lr, $3  }
0x3a: {  	_ = 	snop  }
0x3b: {  	_ = 	snop  }
0x3c: {  	p2 =	seq.s32 s10, $0x1;
	s10 =	sld [smem:$0x3FB0]  }
0x3d: {  	_ =	shalt  }
0x3e: {  	_ =	shalt  }
0x3f: {  	_ =	shalt  }
0x40: {  	_ =	shalt  }
0x41: {  	_ =	shalt  }
0x42: {  	_ =	shalt  }
0x43: {  	_ =	shalt  }
0x44: {  	_ =	shalt  }
0x45: {  	_ =	shalt  }
0x46: {  	_ =	shalt  }
0x47: {  	_ =	shalt  }
0x48: {  	_ =	shalt  }
0x49: {  	_ =	shalt  }
0x4a: {  	_ =	shalt  }
0x4b: {  	_ =	shalt  }
0x4c: {  	_ =	shalt  }
0x4d: {  	_ =	shalt  }
0x4e: {  	_ =	shalt  }
0x4f: {  	_ =	shalt  }
0x50: {  	_ =	shalt  }
0x51: {  	_ =	shalt  }
0x52: {  	_ =	shalt  }
0x53: {  	_ =	shalt  }
0x54: {  	_ =	shalt  }
0x55: {  	_ =	shalt  }
0x56: {  	_ =	shalt  }
0x57: {  	_ =	shalt  }
0x58: {  	_ =	shalt  }
0x59: {  	_ =	shalt  }
0x5a: {  	_ =	shalt  }
0x5b: {  	_ =	shalt  }
0x5c: {  	_ =	shalt  }
0x5d: {  	_ =	shalt  }
0x5e: {  	_ =	shalt  }
0x5f: {  	_ =	shalt  }
0x60: {  	_ =	shalt  }
0x61: {  	_ =	shalt  }
0x62: {  	_ =	shalt  }
0x63: {  	_ =	shalt  }
0x64: {  	_ =	shalt  }
0x65: {  	_ =	shalt  }
0x66: {  	_ =	shalt  }
0x67: {  	_ =	shalt  }
0x68: {  	_ =	shalt  }
0x69: {  	_ =	shalt  }
0x6a: {  	_ =	shalt  }
0x6b: {  	_ =	shalt  }
0x6c: {  	_ =	shalt  }
0x6d: {  	_ =	shalt  }
0x6e: {  	_ =	shalt  }
0x6f: {  	_ =	shalt  }
0x70: {  	_ =	shalt  }
0x71: {  	_ =	shalt  }
0x72: {  	_ =	shalt  }
0x73: {  	_ =	shalt  }
0x74: {  	_ =	shalt  }
0x75: {  	_ =	shalt  }
0x76: {  	_ =	shalt  }
0x77: {  	_ =	shalt  }
0x78: {  	_ =	shalt  }
0x79: {  	_ =	shalt  }
0x7a: {  	_ =	shalt  }
0x7b: {  	_ =	shalt  }
0x7c: {  	_ =	shalt  }
0x7d: {  	_ =	shalt  }
0x7e: {  	_ =	shalt  }
0x7f: {  	_ =	shalt  }
0x80: {  	_ =	shalt  }
0x81: {  	_ =	shalt  }
0x82: {  	_ =	shalt  }
0x83: {  	_ =	shalt  }
0x84: {  	_ =	shalt  }
0x85: {  	_ =	shalt  }
0x86: {  	_ =	shalt  }
0x87: {  	_ =	shalt  }
.Lfunc_end0:
.L_simem_size_0:
called_computation.2_lowered:
.L_overlay_start_0:
0x88: {  	s2 =	sld [smem:$0x3FD9]  }
0x89: {  	s3 =	sld [smem:$0x3FFE];
	_ =	sdelay $0x1  }
0x8a: {  	s1 =	srdreg.scid  }
0x8b: {  	s0 =	sand.u32 $0x1, s1  }
0x8c: {  	s16 =	sshll.u32 s0, $0xA;
	s2 =	sadd.s32 s3, s2  }
0x8d: {  	s2 =	sadd.s32 s2, s16  }
0x8e: {  	[smem:$0x3FBC] =	sst s2  }
0x8f: {  	_ = 	snop  }
0x90: {  	(tm) =	ssettm $0x1  }
0x91: {  	s17 =	sld [smem:$0x3FFB];
	_ =	sdelay $0x3  }
0x92: {  	_ =	strace s17  }
0x93: {  	s2 =	sld [smem:$0x3FFC];
	_ =	sdelay $0x3  }
0x94: {  	_ =	strace s2  }
0x95: {  	s2 =	sld [smem:$0x3FFD];
	_ =	sdelay $0x3  }
0x96: {  	_ =	strace s2  }
0x97: {  	_ =	strace $0x8FFFFFFF  }
0x98: {  	s18 =	sld [smem:$0x3FDB];
	_ =	sdelay $0x1  }
0x99: {  	s19 =	simm.s32 $_scs_section_size  }
0x9a: {  	s4 =	simm.s32 $_size__tile_overlayer_lowered;
	s5 =	simm.s32 $_tile_overlayer_lowered  }
0x9b: {  	s22 =	simm.s32 $0x1BFF;
	s21 =	sshll.u32 s5, $0x1;
	s2 =	sadd.s32 s19, s18  }
0x9c: {  	s6 =	simm.s32 $0x0;
	s20 =	sshll.u32 s4, $0x1;
	s4 =	sadd.s32 s21, s2  }
0x9d: {  	[timem:s6], [sflag:s22] =	dma.local [hbm:s4], s20  }
0x9e: {  	_ =	swait.ge [sflag:s22], s20  }
0x9f: {  	s3 =	ssub.s32 $0x0, s20;
	[sflag:s22] =	ssyncset.done $0x0  }
0xa0: {  	[sflag:s22] =	ssyncadd.s32 s3;
	_ =	sdelay $0x1  }
0xa1: {  	s23 =	simm.s32 $0x1B8B  }
0xa2: {  	_ =	swait.ge [sflag:s23], $0x1  }
0xa3: {  	[sflag:s23] =	ssyncset.done $0x0  }
0xa4: {  	s25 =	simm.s32 $0x1B8E;
	s24 =	sld [smem:$0x3FFE];
	[sflag:s23] =	ssyncadd.s32 $0xFFFFFFFF  }
0xa5: {  	s26 =	simm.s32 $execute0_lowered;
	[smem:$0x3FD2] =	sst s25  }
0xa6: {  	s4 =	sshll.u32 s26, $0x1;
	_ =	strace $0x8000004C;
	[dreg:$0x1] =	wrdreg $0xFFFFFFFF  }
0xa7: {  	s28 =	simm.s32 $_size_execute0_lowered;
	s2 =	sadd.s32 s2, s4;
	[dreg:$0x0] =	wrdreg $0x0  }
0xa8: {  	s4 =	sshll.u32 s28, $0x1;
	[dreg:$0x2] =	wrdreg s2  }
0xa9: {  	[dreg:$0x3] =	wrdreg s4  }
0xaa: {  	[dreg:$0x4] =	wrdreg $0xC0  }
0xab: {  	_ =	task [dreg:s6], $0x5FFFF  }
0xac: {  	[dreg:$0x1] =	wrdreg $0xFFFFFFFF  }
0xad: {  	[dreg:$0x0] =	wrdreg $0x60  }
0xae: {  	[dreg:$0x2] =	wrdreg s24  }
0xaf: {  	[dreg:$0x3] =	wrdreg $0x6A400  }
0xb0: {  	[dreg:$0x4] =	wrdreg $0x9  }
0xb1: {  	_ =	task.clear_ibuf [dreg:s6], $0x5FFFF;
	_ =	strace $0x9000004C  }
0xb2: {  	s29 =	simm.s32 $0x9;
	_ =	strace $0x8000004E  }
0xb3: {  	_ =	swait.ge [sflag:s29], $0x1  }
0xb4: {  	[sflag:s29] =	ssyncadd.s32 $0xFFFFFFFF  }
0xb5: {  	_ =	strace $0x9000004E  }
0xb6: {  	_ =	sfence  }
0xb7: {  	s30 =	sld [smem:$0x0];
	_ =	sdelay $0x2  }
0xb8: {  	s31 =	sshll.u32 s1, $0xD;
	s1 =	sshrl.u32 s1, $0x2  }
0xb9: {  	s3 =	sand.u32 $0x4000, s31;
	s1 =	sadd.s32 s1, s30  }
0xba: {  	s0 =	sor.u32 s3, s0;
	s1 =	sshll.u32 s1, $0x11  }
0xbb: {  	s0 =	sor.u32 s1, s0  }
0xbc: {  	s0 =	sadd.s32 $0x8F2B, s0  }
0xbd: {  	[sflag:s0] =	ssyncadd.remote.s32 $0x1  }
0xbe: {  	_ =	sfence.sel $0xFFFF  }
0xbf: {  	[dreg:$0x0] =	wrdreg $0xFFFFFFFF;
	(pc) =	sbr.abs _section_cstart, $3  }
0xc0: {  	[dreg:$0x1] =	wrdreg $0xFFFFFFFF  }
0xc1: {  	_ =	task.clear_ibuf [dreg:s6], $0x2FFFF;
	_ =	strace $0x9FFFFFFF  }
0xc2: {  	(tm) =	ssettm $0x7FFFFFFF  }
0xc3: {  	_ =	shalt  }
tec
execute0_lowered:
.L_overlay_start_1:
0x0: {  	(tag) =	ssettag $0x1  }
0x1: {  	s0 =	rddreg [dreg:$0x0]  }
0x2: {  	s1 =	rddreg [dreg:$0x1];
	s3 =	simm.s32 $0x0;
	s2 =	srdreg.scid  }
0x3: {  	s13 =	stileid.u32;
	[smem:$0x7FF] =	sst s3  }
0x4: {  	s2 =	sand.u32 $0x1, s2;
	s4 =	sadd.s32 $0x32C00, s0;
	s8 =	smul.u32 $0x18700, s13  }
0x5: {  	s5 =	sadd.s32 $0x1E00, s0;
	s6 =	sadd.s32 $0x63A00, s0;
	s10 =	smul.u32 $0x61C00, s13  }
0x6: {  	s30 =	smul.u32 $0xC350, s13;
	s16 =	sadd.s32 $0x94740, s0;
	s18 =	sadd.s32 $0xC5480, s0  }
0x7: {  	s20 =	sadd.s32 $0xF61C0, s0;
	s7 =	smul.u32 $0x61C000, s2;
	s9 =	sshll.u32 s2, $0x4  }
0x8: {  	s11 =	ssub.s32 $0x2, s2;
	s2 =	smul.u32 $0xC3500, s2;
	s9 =	sor.u32 s13, s9  }
0x9: {  	_ =	strace $0x8000004D;
	s24 =	sshrl.u32 s11, $0x1;
	s9 =	smul.u32 $0xC350, s9  }
0xa: {  	s7 =	sadd.s32 s8, s7;
	s11 =	ssub.s32 s11, s24;
	s8 =	sadd.s32 s8, s1  }
0xb: {  	[dreg:$0xa] =	wrdreg s8;
	s19 =	smax.u32 s11, $0x1;
	s9 =	sshrl.u32 s9, $0x3  }
0xc: {  	s7 =	sshrl.u32 s7, $0x3;
	[dreg:$0xe] =	wrdreg s19;
	s25 =	sadd.s32 s4, s9  }
0xd: {  	s12 =	sadd.s32 s7, s0;
	s26 =	sadd.s32 s5, s9;
	[dreg:$0x3] =	wrdreg s25  }
0xe: {  	s10 =	sshrl.u32 s10, $0x2;
	s31 =	sadd.s32 $0x127000, s12;
	[dreg:$0x4] =	wrdreg s26  }
0xf: {  	s2 =	sadd.s32 s30, s2;
	s13 =	sadd.s32 $0x188C00, s12;
	[dreg:$0x9] =	wrdreg s31  }
0x10: {  	s7 =	sadd.s32 s10, s1;
	s15 =	sadd.s32 $0x1B9A00, s12;
	[dreg:$0xc] =	wrdreg s13  }
0x11: {  	s8 =	simm.s32 $0x3;
	s21 =	sadd.s32 $0x15E00, s7;
	[dreg:$0xd] =	wrdreg s15  }
0x12: {  	s11 =	simm.s32 $0x0;
	s22 =	sadd.s32 $0x3200, s7;
	[dreg:$0xf] =	wrdreg s21  }
0x13: {  	s28 =	sadd.s32 $0x32, s9;
	s30 =	sadd.s32 $0xFA00, s7;
	[dreg:$0x10] =	wrdreg s22  }
0x14: {  	s19 =	simm.s32 $0x190;
	s14 =	sadd.s32 s4, s28;
	[dreg:$0x14] =	wrdreg s30  }
0x15: {  	s9 =	sadd.s32 $0x1838, s9;
	s10 =	sadd.s32 s5, s28;
	[dreg:$0x5] =	wrdreg s14  }
0x16: {  	s29 =	sadd.s32 s4, s9;
	s9 =	sadd.s32 s5, s9;
	[dreg:$0x6] =	wrdreg s10  }
0x17: {  	s25 =	sadd.s32 $0x320, s2;
	s26 =	sadd.s32 $0x6400, s7;
	[dreg:$0x7] =	wrdreg s29  }
0x18: {  	s28 =	sadd.s32 $0x9600, s7;
	s31 =	sadd.s32 $0x12C00, s7;
	[dreg:$0x8] =	wrdreg s9  }
0x19: {  	s15 =	simm.s32 $0x4;
	s21 =	simm.s32 $0x4B0;
	[dreg:$0x11] =	wrdreg s26  }
0x1a: {  	s22 =	simm.s32 $0x1;
	s9 =	sadd.s32 $0x157E00, s12;
	[dreg:$0x12] =	wrdreg s28  }
0x1b: {  	s14 =	sadd.s32 $0x4B0, s2;
	s29 =	sadd.s32 $0xC800, s7;
	[dreg:$0x15] =	wrdreg s31  }
0x1c: {  	s10 =	simm.s32 $0x2;
	[dreg:$0xb] =	wrdreg s9;
	s17 =	sshrl.u32 s14, $0x3  }
0x1d: {  	[dreg:$0x13] =	wrdreg s29;
	s14 =	simm.s32 $0x640;
	s9 =	simm.s32 $0x3840  }
0x1e: {  	v0 =	vimm.f32 $0.0e+00;
	s23 =	sadd.s32 s17, s5;
	s24 =	sadd.s32 s17, s4;
	s17 =	simm.s32 $0x320  }
.LBB2_1:
0x1f: {  	s12 =	simm.s32 $0x80;
	s13 =	simm.s32 $0x0  }
.LBB2_2:
0x20: {  	p0 =	sne.s32 s12, $0xC780;
	[tilespmem:s13+$0x640] =	vst v0;
	s26 =	smov.u32 s12;
	s12 =	sadd.s32 $0x80, s12  }
.Ltmp0:
0x21: {  	[tilespmem:s13+$0x650] =	vst v0;
	(pc) =	sbr.rel @p0 .LBB2_2-.Ltmp0, $2  }
0x22: {  	_ =	sdelay $0x2  }
0x23: {  	s13 =	sshra.s32 s26, $0x2  }
0x24: {  	[tilespmem:s13+$0x640] =	vst v0  }
0x25: {  	[tilespmem:s13+$0x650] =	vst v0  }
0x26: {  	[spmem:s7] =	stream.linear.scatter [tilespmem:s14], [sflag:$0x4], $0x3200, $0x38;
	[tilespmem:$0x1F140] =	vst v63  }
0x27: {  	_ =	swait.ge [sflag:s15], $0x3200  }
0x28: {  	[sflag:s15] =	ssyncset.done $0x0  }
0x29: {  	s0 =	rddreg [dreg:$0x10];
	[sflag:s15] =	ssyncadd.s32 $0xFFFFCE00  }
0x2a: {  	[spmem:s0] =	stream.linear.scatter [tilespmem:s14], [sflag:$0x4], $0x3200, $0x38;
	[tilespmem:$0x1F140] =	vst v63  }
0x2b: {  	_ =	swait.ge [sflag:s15], $0x3200  }
0x2c: {  	[sflag:s15] =	ssyncset.done $0x0  }
0x2d: {  	s2 =	rddreg [dreg:$0x11];
	[sflag:s15] =	ssyncadd.s32 $0xFFFFCE00  }
0x2e: {  	[spmem:s2] =	stream.linear.scatter [tilespmem:s14], [sflag:$0x4], $0x3200, $0x38;
	[tilespmem:$0x1F140] =	vst v63  }
0x2f: {  	_ =	swait.ge [sflag:s15], $0x3200  }
0x30: {  	[sflag:s15] =	ssyncset.done $0x0  }
0x31: {  	s12 =	rddreg [dreg:$0x12];
	[sflag:s15] =	ssyncadd.s32 $0xFFFFCE00  }
0x32: {  	[spmem:s12] =	stream.linear.scatter [tilespmem:s14], [sflag:$0x4], $0x3200, $0x38;
	[tilespmem:$0x1F140] =	vst v63  }
0x33: {  	_ =	swait.ge [sflag:s15], $0x3200  }
0x34: {  	[sflag:s15] =	ssyncset.done $0x0  }
0x35: {  	s13 =	rddreg [dreg:$0x13];
	[sflag:s15] =	ssyncadd.s32 $0xFFFFCE00  }
0x36: {  	[spmem:s13] =	stream.linear.scatter [tilespmem:s14], [sflag:$0x4], $0x3200, $0x38;
	[tilespmem:$0x1F140] =	vst v63  }
0x37: {  	_ =	swait.ge [sflag:s15], $0x3200  }
0x38: {  	[sflag:s15] =	ssyncset.done $0x0  }
0x39: {  	s26 =	rddreg [dreg:$0x14];
	[sflag:s15] =	ssyncadd.s32 $0xFFFFCE00  }
0x3a: {  	[spmem:s26] =	stream.linear.scatter [tilespmem:s14], [sflag:$0x4], $0x3200, $0x38;
	[tilespmem:$0x1F140] =	vst v63  }
0x3b: {  	_ =	swait.ge [sflag:s15], $0x3200  }
0x3c: {  	[sflag:s15] =	ssyncset.done $0x0  }
0x3d: {  	s30 =	rddreg [dreg:$0x15];
	[sflag:s15] =	ssyncadd.s32 $0xFFFFCE00  }
0x3e: {  	[spmem:s30] =	stream.linear.scatter [tilespmem:s14], [sflag:$0x4], $0x3200, $0x38;
	[tilespmem:$0x1F140] =	vst v63  }
0x3f: {  	_ =	swait.ge [sflag:s15], $0x3200  }
0x40: {  	[sflag:s15] =	ssyncset.done $0x0  }
0x41: {  	s31 =	rddreg [dreg:$0xf];
	[sflag:s15] =	ssyncadd.s32 $0xFFFFCE00  }
0x42: {  	[spmem:s31] =	stream.linear.scatter [tilespmem:s14], [sflag:$0x4], $0x2900, $0x38;
	[tilespmem:$0x1F140] =	vst v63  }
0x43: {  	_ =	swait.ge [sflag:s15], $0x2900  }
0x44: {  	[sflag:s15] =	ssyncset.done $0x0  }
0x45: {  	[sflag:s15] =	ssyncadd.s32 $0xFFFFD700  }
0x46: {  	[bflag:$0x0] =	sbarrier.arrive $0xFFFF  }
0x47: {  	s12 =	simm.s32 $0x0;
	s2 =	rddreg [dreg:$0x3]  }
0x48: {  	[tilespmem:s12], [sflag:$0x4] =	stream.linear.gather [hbm4b:s2+s12], $0x190, $0x38;
	[tilespmem:$0x1F140] =	vst v63  }
0x49: {  	_ =	swait.ge [sflag:s15], $0x190  }
0x4a: {  	[sflag:s15] =	ssyncset.done $0x0  }
0x4b: {  	s13 =	rddreg [dreg:$0x4];
	[sflag:s15] =	ssyncadd.s32 $0xFFFFFE70  }
0x4c: {  	[tilespmem:s17], [sflag:$0x4] =	stream.linear.gather [hbm4b:s13+s12], $0x190, $0x38;
	[tilespmem:$0x1F140] =	vst v63  }
0x4d: {  	_ =	swait.ge [sflag:s15], $0x190  }
0x4e: {  	[sflag:s15] =	ssyncset.done $0x0  }
0x4f: {  	[sflag:s15] =	ssyncadd.s32 $0xFFFFFE70  }
0x50: {  	[tilespmem:s14], [sflag:$0x1] =	stream.indirect.gather [hbm4b:s6+s19], $0x20, s12, s19, $0xb8;
	[tilespmem:$0x1F140] =	vst v63  }
0x51: {  	s26 =	rddreg [dreg:$0x5]  }
0x52: {  	[tilespmem:s19], [sflag:$0x3] =	stream.linear.gather [hbm4b:s26+s12], $0x190, $0x38;
	[tilespmem:$0x1F140] =	vst v63  }
0x53: {  	s30 =	rddreg [dreg:$0x6]  }
0x54: {  	[tilespmem:s21], [sflag:$0x3] =	stream.linear.gather [hbm4b:s30+s12], $0x190, $0x38;
	[tilespmem:$0x1F140] =	vst v63  }
0x55: {  	_ =	swait.ge [sflag:s22], $0x3200  }
0x56: {  	[sflag:s22] =	ssyncset.done $0x0  }
0x57: {  	[sflag:s22] =	ssyncadd.s32 $0xFFFFCE00  }
0x58: {  	_ =	swait.ge [sflag:s8], $0x190  }
0x59: {  	[sflag:s8] =	ssyncset.done $0x0  }
0x5a: {  	[sflag:s8] =	ssyncadd.s32 $0xFFFFFE70  }
0x5b: {  	_ =	swait.ge [sflag:s8], $0x190  }
0x5c: {  	[sflag:s8] =	ssyncset.done $0x0  }
0x5d: {  	[sflag:s8] =	ssyncadd.s32 $0xFFFFFE70  }
0x5e: {  	[tilespmem:s9], [sflag:$0x1] =	stream.indirect.gather [hbm4b:s6+s19], $0x20, s19, s19, $0xb8;
	[tilespmem:$0x1F140] =	vst v63  }
0x5f: {  	_ = 	snop  }
0x60: {  	[spmem:s1] =	stream.indirect.scatter.add.f32 [tilespmem:s14], [sflag:$0x2], $0x20, s17, s19, $0xb8;
	[tilespmem:$0x1F140] =	vst v63  }
0x61: {  	_ =	swait.ge [sflag:s10], $0x3200  }
0x62: {  	s31 =	sshrl.u32 s25, $0x3;
	[sflag:s10] =	ssyncset.done $0x0  }
0x63: {  	s12 =	sadd.s32 s4, s31;
	[sflag:s10] =	ssyncadd.s32 $0xFFFFCE00  }
0x64: {  	[tilespmem:s3], [sflag:$0x3] =	stream.linear.gather [hbm4b:s12+s3], $0x190, $0x38;
	[tilespmem:$0x1F140] =	vst v63  }
0x65: {  	s13 =	sadd.s32 s5, s31  }
0x66: {  	[tilespmem:s17], [sflag:$0x3] =	stream.linear.gather [hbm4b:s13+s3], $0x190, $0x38;
	[tilespmem:$0x1F140] =	vst v63  }
0x67: {  	_ =	swait.ge [sflag:s22], $0x3200  }
0x68: {  	[sflag:s22] =	ssyncset.done $0x0  }
0x69: {  	[sflag:s22] =	ssyncadd.s32 $0xFFFFCE00  }
0x6a: {  	_ =	swait.ge [sflag:s8], $0x190  }
0x6b: {  	[sflag:s8] =	ssyncset.done $0x0  }
0x6c: {  	[sflag:s8] =	ssyncadd.s32 $0xFFFFFE70  }
0x6d: {  	_ =	swait.ge [sflag:s8], $0x190  }
0x6e: {  	[sflag:s8] =	ssyncset.done $0x0  }
0x6f: {  	[sflag:s8] =	ssyncadd.s32 $0xFFFFFE70  }
0x70: {  	[tilespmem:s14], [sflag:$0x1] =	stream.indirect.gather [hbm4b:s6+s19], $0x20, s3, s19, $0xb8;
	[tilespmem:$0x1F140] =	vst v63  }
0x71: {  	_ = 	snop  }
0x72: {  	[spmem:s1] =	stream.indirect.scatter.add.f32 [tilespmem:s9], [sflag:$0x2], $0x20, s21, s19, $0xb8;
	[tilespmem:$0x1F140] =	vst v63  }
0x73: {  	_ =	swait.ge [sflag:s10], $0x3200  }
0x74: {  	[sflag:s10] =	ssyncset.done $0x0  }
0x75: {  	s26 =	sadd.s32 $0x0, s24;
	[sflag:s10] =	ssyncadd.s32 $0xFFFFCE00  }
0x76: {  	[tilespmem:s19], [sflag:$0x3] =	stream.linear.gather [hbm4b:s26+s3], $0x190, $0x38;
	[tilespmem:$0x1F140] =	vst v63  }
0x77: {  	s29 =	sadd.s32 $0x0, s23;
	s28 =	sadd.s32 $0x320, s25;
	s26 =	simm.s32 $0x64  }
.LBB2_4:
0x78: {  	[tilespmem:s21], [sflag:$0x3] =	stream.linear.gather [hbm4b:s29+s3], $0x190, $0x38;
	[tilespmem:$0x1F140] =	vst v63  }
0x79: {  	s29 =	smov.u32 s26  }
0x7a: {  	p0 =	sne.s32 s26, $0x1770;
	s26 =	sadd.s32 $0x64, s26;
	_ =	swait.ge [sflag:s22], $0x3200  }
0x7b: {  	[sflag:s22] =	ssyncset.done $0x0  }
0x7c: {  	[sflag:s22] =	ssyncadd.s32 $0xFFFFCE00  }
0x7d: {  	_ =	swait.ge [sflag:s8], $0x190  }
0x7e: {  	[sflag:s8] =	ssyncset.done $0x0  }
0x7f: {  	[sflag:s8] =	ssyncadd.s32 $0xFFFFFE70  }
0x80: {  	_ =	swait.ge [sflag:s8], $0x190  }
0x81: {  	[sflag:s8] =	ssyncset.done $0x0  }
0x82: {  	[sflag:s8] =	ssyncadd.s32 $0xFFFFFE70  }
0x83: {  	[tilespmem:s9], [sflag:$0x1] =	stream.indirect.gather [hbm4b:s6+s19], $0x20, s19, s19, $0xb8;
	[tilespmem:$0x1F140] =	vst v63  }
0x84: {  	_ = 	snop  }
0x85: {  	[spmem:s1] =	stream.indirect.scatter.add.f32 [tilespmem:s14], [sflag:$0x2], $0x20, s17, s19, $0xb8;
	[tilespmem:$0x1F140] =	vst v63  }
0x86: {  	_ =	swait.ge [sflag:s10], $0x3200  }
0x87: {  	s30 =	sshrl.u32 s28, $0x3;
	[sflag:s10] =	ssyncset.done $0x0  }
0x88: {  	s31 =	sadd.s32 s4, s30;
	[sflag:s10] =	ssyncadd.s32 $0xFFFFCE00  }
0x89: {  	[tilespmem:s3], [sflag:$0x3] =	stream.linear.gather [hbm4b:s31+s3], $0x190, $0x38;
	[tilespmem:$0x1F140] =	vst v63  }
0x8a: {  	s30 =	sadd.s32 s5, s30  }
0x8b: {  	[tilespmem:s17], [sflag:$0x3] =	stream.linear.gather [hbm4b:s30+s3], $0x190, $0x38;
	[tilespmem:$0x1F140] =	vst v63  }
0x8c: {  	_ =	swait.ge [sflag:s22], $0x3200  }
0x8d: {  	[sflag:s22] =	ssyncset.done $0x0  }
0x8e: {  	[sflag:s22] =	ssyncadd.s32 $0xFFFFCE00  }
0x8f: {  	_ =	swait.ge [sflag:s8], $0x190  }
0x90: {  	[sflag:s8] =	ssyncset.done $0x0  }
0x91: {  	[sflag:s8] =	ssyncadd.s32 $0xFFFFFE70  }
0x92: {  	_ =	swait.ge [sflag:s8], $0x190  }
0x93: {  	[sflag:s8] =	ssyncset.done $0x0  }
0x94: {  	[sflag:s8] =	ssyncadd.s32 $0xFFFFFE70  }
0x95: {  	[tilespmem:s14], [sflag:$0x1] =	stream.indirect.gather [hbm4b:s6+s19], $0x20, s3, s19, $0xb8;
	[tilespmem:$0x1F140] =	vst v63  }
0x96: {  	_ = 	snop  }
0x97: {  	[spmem:s1] =	stream.indirect.scatter.add.f32 [tilespmem:s9], [sflag:$0x2], $0x20, s21, s19, $0xb8;
	[tilespmem:$0x1F140] =	vst v63  }
.Ltmp1:
0x98: {  	_ =	swait.ge [sflag:s10], $0x3200;
	(pc) =	sbr.rel @p0 .LBB2_4-.Ltmp1, $4  }
0x99: {  	[sflag:s10] =	ssyncset.done $0x0  }
0x9a: {  	s30 =	sadd.s32 s29, s24;
	[sflag:s10] =	ssyncadd.s32 $0xFFFFCE00  }
0x9b: {  	[tilespmem:s19], [sflag:$0x3] =	stream.linear.gather [hbm4b:s30+s3], $0x190, $0x38;
	[tilespmem:$0x1F140] =	vst v63  }
0x9c: {  	s28 =	sadd.s32 $0x320, s28;
	s29 =	sadd.s32 s29, s23  }
0x9d: {  	[tilespmem:s21], [sflag:$0x3] =	stream.linear.gather [hbm4b:s29+s3], $0x190, $0x38;
	[tilespmem:$0x1F140] =	vst v63  }
0x9e: {  	_ =	swait.ge [sflag:s22], $0x3200  }
0x9f: {  	[sflag:s22] =	ssyncset.done $0x0  }
0xa0: {  	[sflag:s22] =	ssyncadd.s32 $0xFFFFCE00  }
0xa1: {  	_ =	swait.ge [sflag:s8], $0x190  }
0xa2: {  	[sflag:s8] =	ssyncset.done $0x0  }
0xa3: {  	[sflag:s8] =	ssyncadd.s32 $0xFFFFFE70  }
0xa4: {  	_ =	swait.ge [sflag:s8], $0x190  }
0xa5: {  	[sflag:s8] =	ssyncset.done $0x0  }
0xa6: {  	[sflag:s8] =	ssyncadd.s32 $0xFFFFFE70  }
0xa7: {  	[tilespmem:s9], [sflag:$0x1] =	stream.indirect.gather [hbm4b:s6+s19], $0x20, s19, s19, $0xb8;
	[tilespmem:$0x1F140] =	vst v63  }
0xa8: {  	_ = 	snop  }
0xa9: {  	[spmem:s1] =	stream.indirect.scatter.add.f32 [tilespmem:s14], [sflag:$0x2], $0x20, s17, s19, $0xb8;
	[tilespmem:$0x1F140] =	vst v63  }
0xaa: {  	_ =	swait.ge [sflag:s10], $0x3200  }
0xab: {  	[sflag:s10] =	ssyncset.done $0x0  }
0xac: {  	s26 =	simm.s32 $0x0;
	s0 =	rddreg [dreg:$0x7];
	[sflag:s10] =	ssyncadd.s32 $0xFFFFCE00  }
0xad: {  	[tilespmem:s26], [sflag:$0x3] =	stream.linear.gather [hbm4b:s0+s26], $0x190, $0x38;
	[tilespmem:$0x1F140] =	vst v63  }
0xae: {  	s2 =	rddreg [dreg:$0x8]  }
0xaf: {  	[tilespmem:s17], [sflag:$0x3] =	stream.linear.gather [hbm4b:s2+s26], $0x190, $0x38;
	[tilespmem:$0x1F140] =	vst v63  }
0xb0: {  	_ =	swait.ge [sflag:s22], $0x3200  }
0xb1: {  	[sflag:s22] =	ssyncset.done $0x0  }
0xb2: {  	[sflag:s22] =	ssyncadd.s32 $0xFFFFCE00  }
0xb3: {  	_ =	swait.ge [sflag:s8], $0x190  }
0xb4: {  	[sflag:s8] =	ssyncset.done $0x0  }
0xb5: {  	[sflag:s8] =	ssyncadd.s32 $0xFFFFFE70  }
0xb6: {  	_ =	swait.ge [sflag:s8], $0x190  }
0xb7: {  	[sflag:s8] =	ssyncset.done $0x0  }
0xb8: {  	[sflag:s8] =	ssyncadd.s32 $0xFFFFFE70  }
0xb9: {  	[tilespmem:s14], [sflag:$0x1] =	stream.indirect.gather [hbm4b:s6+s19], $0x20, s26, s19, $0xb8;
	[tilespmem:$0x1F140] =	vst v63  }
0xba: {  	_ = 	snop  }
0xbb: {  	[spmem:s1] =	stream.indirect.scatter.add.f32 [tilespmem:s9], [sflag:$0x2], $0x20, s21, s19, $0xb8;
	[tilespmem:$0x1F140] =	vst v63  }
0xbc: {  	_ =	swait.ge [sflag:s10], $0x3200  }
0xbd: {  	[sflag:s10] =	ssyncset.done $0x0  }
0xbe: {  	[sflag:s10] =	ssyncadd.s32 $0xFFFFCE00  }
0xbf: {  	_ =	swait.ge [sflag:s22], $0x3200  }
0xc0: {  	[sflag:s22] =	ssyncset.done $0x0  }
0xc1: {  	[sflag:s22] =	ssyncadd.s32 $0xFFFFCE00  }
0xc2: {  	[spmem:s1] =	stream.indirect.scatter.add.f32 [tilespmem:s14], [sflag:$0x2], $0x20, s17, s19, $0xb8;
	[tilespmem:$0x1F140] =	vst v63  }
0xc3: {  	_ =	swait.ge [sflag:s10], $0x3200  }
0xc4: {  	[sflag:s10] =	ssyncset.done $0x0  }
0xc5: {  	[sflag:s10] =	ssyncadd.s32 $0xFFFFCE00  }
0xc6: {  	s31 =	stileid.u32;
	[bflag:$0x0] =	sbarrier.arrive $0xFFFF  }
0xc7: {  	s0 =	sshll.u32 s31, $0x6;
	s2 =	rddreg [dreg:$0xa]  }
0xc8: {  	s26 =	sor.u32 $0x1C04, s0;
	s31 =	rddreg [dreg:$0x9];
	s28 =	sshrl.u32 s2, $0x3  }
0xc9: {  	[hbm:s31], [sflag:s26] =	dma.local [spmem:s28], $0x30E0  }
0xca: {  	_ =	swait.ge [sflag:s15], $0x30E0  }
0xcb: {  	[sflag:s15] =	ssyncset.done $0x0  }
0xcc: {  	[sflag:s15] =	ssyncadd.s32 $0xFFFFCF20  }
0xcd: {  	s29 =	simm.s32 $0x80;
	s30 =	simm.s32 $0x0;
	[bflag:$0x0] =	sbarrier.arrive $0xFFFF  }
.LBB2_6:
0xce: {  	p0 =	sne.s32 s29, $0xC780;
	[tilespmem:s30+$0x640] =	vst v0;
	s31 =	smov.u32 s29;
	s29 =	sadd.s32 $0x80, s29  }
.Ltmp2:
0xcf: {  	[tilespmem:s30+$0x650] =	vst v0;
	(pc) =	sbr.rel @p0 .LBB2_6-.Ltmp2, $2  }
0xd0: {  	_ =	sdelay $0x2  }
0xd1: {  	s30 =	sshra.s32 s31, $0x2  }
0xd2: {  	[tilespmem:s30+$0x640] =	vst v0  }
0xd3: {  	[tilespmem:s30+$0x650] =	vst v0  }
0xd4: {  	[spmem:s7] =	stream.linear.scatter [tilespmem:s14], [sflag:$0x4], $0x3200, $0x38;
	[tilespmem:$0x1F140] =	vst v63  }
0xd5: {  	_ =	swait.ge [sflag:s15], $0x3200  }
0xd6: {  	[sflag:s15] =	ssyncset.done $0x0  }
0xd7: {  	s0 =	rddreg [dreg:$0x10];
	[sflag:s15] =	ssyncadd.s32 $0xFFFFCE00  }
0xd8: {  	[spmem:s0] =	stream.linear.scatter [tilespmem:s14], [sflag:$0x4], $0x3200, $0x38;
	[tilespmem:$0x1F140] =	vst v63  }
0xd9: {  	_ =	swait.ge [sflag:s15], $0x3200  }
0xda: {  	[sflag:s15] =	ssyncset.done $0x0  }
0xdb: {  	s2 =	rddreg [dreg:$0x11];
	[sflag:s15] =	ssyncadd.s32 $0xFFFFCE00  }
0xdc: {  	[spmem:s2] =	stream.linear.scatter [tilespmem:s14], [sflag:$0x4], $0x3200, $0x38;
	[tilespmem:$0x1F140] =	vst v63  }
0xdd: {  	_ =	swait.ge [sflag:s15], $0x3200  }
0xde: {  	[sflag:s15] =	ssyncset.done $0x0  }
0xdf: {  	s2 =	rddreg [dreg:$0x12];
	[sflag:s15] =	ssyncadd.s32 $0xFFFFCE00  }
0xe0: {  	[spmem:s2] =	stream.linear.scatter [tilespmem:s14], [sflag:$0x4], $0x3200, $0x38;
	[tilespmem:$0x1F140] =	vst v63  }
0xe1: {  	_ =	swait.ge [sflag:s15], $0x3200  }
0xe2: {  	[sflag:s15] =	ssyncset.done $0x0  }
0xe3: {  	s2 =	rddreg [dreg:$0x13];
	[sflag:s15] =	ssyncadd.s32 $0xFFFFCE00  }
0xe4: {  	[spmem:s2] =	stream.linear.scatter [tilespmem:s14], [sflag:$0x4], $0x3200, $0x38;
	[tilespmem:$0x1F140] =	vst v63  }
0xe5: {  	_ =	swait.ge [sflag:s15], $0x3200  }
0xe6: {  	[sflag:s15] =	ssyncset.done $0x0  }
0xe7: {  	s2 =	rddreg [dreg:$0x14];
	[sflag:s15] =	ssyncadd.s32 $0xFFFFCE00  }
0xe8: {  	[spmem:s2] =	stream.linear.scatter [tilespmem:s14], [sflag:$0x4], $0x3200, $0x38;
	[tilespmem:$0x1F140] =	vst v63  }
0xe9: {  	_ =	swait.ge [sflag:s15], $0x3200  }
0xea: {  	[sflag:s15] =	ssyncset.done $0x0  }
0xeb: {  	s2 =	rddreg [dreg:$0x15];
	[sflag:s15] =	ssyncadd.s32 $0xFFFFCE00  }
0xec: {  	[spmem:s2] =	stream.linear.scatter [tilespmem:s14], [sflag:$0x4], $0x3200, $0x38;
	[tilespmem:$0x1F140] =	vst v63  }
0xed: {  	_ =	swait.ge [sflag:s15], $0x3200  }
0xee: {  	[sflag:s15] =	ssyncset.done $0x0  }
0xef: {  	s2 =	rddreg [dreg:$0xf];
	[sflag:s15] =	ssyncadd.s32 $0xFFFFCE00  }
0xf0: {  	[spmem:s2] =	stream.linear.scatter [tilespmem:s14], [sflag:$0x4], $0x2900, $0x38;
	[tilespmem:$0x1F140] =	vst v63  }
0xf1: {  	_ =	swait.ge [sflag:s15], $0x2900  }
0xf2: {  	[sflag:s15] =	ssyncset.done $0x0  }
0xf3: {  	[sflag:s15] =	ssyncadd.s32 $0xFFFFD700  }
0xf4: {  	[bflag:$0x0] =	sbarrier.arrive $0xFFFF  }
0xf5: {  	s29 =	simm.s32 $0x0;
	s2 =	rddreg [dreg:$0x3]  }
0xf6: {  	[tilespmem:s29], [sflag:$0x4] =	stream.linear.gather [hbm4b:s2+s29], $0x190, $0x38;
	[tilespmem:$0x1F140] =	vst v63  }
0xf7: {  	_ =	swait.ge [sflag:s15], $0x190  }
0xf8: {  	[sflag:s15] =	ssyncset.done $0x0  }
0xf9: {  	s2 =	rddreg [dreg:$0x4];
	[sflag:s15] =	ssyncadd.s32 $0xFFFFFE70  }
0xfa: {  	[tilespmem:s17], [sflag:$0x4] =	stream.linear.gather [hbm4b:s2+s29], $0x190, $0x38;
	[tilespmem:$0x1F140] =	vst v63  }
0xfb: {  	_ =	swait.ge [sflag:s15], $0x190  }
0xfc: {  	[sflag:s15] =	ssyncset.done $0x0  }
0xfd: {  	[sflag:s15] =	ssyncadd.s32 $0xFFFFFE70  }
0xfe: {  	[tilespmem:s14], [sflag:$0x1] =	stream.indirect.gather [hbm4b:s16+s19], $0x20, s29, s19, $0xb8;
	[tilespmem:$0x1F140] =	vst v63  }
0xff: {  	s2 =	rddreg [dreg:$0x5]  }
0x100: {  	[tilespmem:s19], [sflag:$0x3] =	stream.linear.gather [hbm4b:s2+s29], $0x190, $0x38;
	[tilespmem:$0x1F140] =	vst v63  }
0x101: {  	s2 =	rddreg [dreg:$0x6]  }
0x102: {  	[tilespmem:s21], [sflag:$0x3] =	stream.linear.gather [hbm4b:s2+s29], $0x190, $0x38;
	[tilespmem:$0x1F140] =	vst v63  }
0x103: {  	_ =	swait.ge [sflag:s22], $0x3200  }
0x104: {  	[sflag:s22] =	ssyncset.done $0x0  }
0x105: {  	[sflag:s22] =	ssyncadd.s32 $0xFFFFCE00  }
0x106: {  	_ =	swait.ge [sflag:s8], $0x190  }
0x107: {  	[sflag:s8] =	ssyncset.done $0x0  }
0x108: {  	[sflag:s8] =	ssyncadd.s32 $0xFFFFFE70  }
0x109: {  	_ =	swait.ge [sflag:s8], $0x190  }
0x10a: {  	[sflag:s8] =	ssyncset.done $0x0  }
0x10b: {  	[sflag:s8] =	ssyncadd.s32 $0xFFFFFE70  }
0x10c: {  	[tilespmem:s9], [sflag:$0x1] =	stream.indirect.gather [hbm4b:s16+s19], $0x20, s19, s19, $0xb8;
	[tilespmem:$0x1F140] =	vst v63  }
0x10d: {  	_ = 	snop  }
0x10e: {  	[spmem:s1] =	stream.indirect.scatter.add.f32 [tilespmem:s14], [sflag:$0x2], $0x20, s17, s19, $0xb8;
	[tilespmem:$0x1F140] =	vst v63  }
0x10f: {  	_ =	swait.ge [sflag:s10], $0x3200  }
0x110: {  	[sflag:s10] =	ssyncset.done $0x0  }
0x111: {  	[sflag:s10] =	ssyncadd.s32 $0xFFFFCE00  }
0x112: {  	[tilespmem:s3], [sflag:$0x3] =	stream.linear.gather [hbm4b:s12+s3], $0x190, $0x38;
	[tilespmem:$0x1F140] =	vst v63  }
0x113: {  	_ = 	snop  }
0x114: {  	[tilespmem:s17], [sflag:$0x3] =	stream.linear.gather [hbm4b:s13+s3], $0x190, $0x38;
	[tilespmem:$0x1F140] =	vst v63  }
0x115: {  	_ =	swait.ge [sflag:s22], $0x3200  }
0x116: {  	[sflag:s22] =	ssyncset.done $0x0  }
0x117: {  	[sflag:s22] =	ssyncadd.s32 $0xFFFFCE00  }
0x118: {  	_ =	swait.ge [sflag:s8], $0x190  }
0x119: {  	[sflag:s8] =	ssyncset.done $0x0  }
0x11a: {  	[sflag:s8] =	ssyncadd.s32 $0xFFFFFE70  }
0x11b: {  	_ =	swait.ge [sflag:s8], $0x190  }
0x11c: {  	[sflag:s8] =	ssyncset.done $0x0  }
0x11d: {  	[sflag:s8] =	ssyncadd.s32 $0xFFFFFE70  }
0x11e: {  	[tilespmem:s14], [sflag:$0x1] =	stream.indirect.gather [hbm4b:s16+s19], $0x20, s3, s19, $0xb8;
	[tilespmem:$0x1F140] =	vst v63  }
0x11f: {  	_ = 	snop  }
0x120: {  	[spmem:s1] =	stream.indirect.scatter.add.f32 [tilespmem:s9], [sflag:$0x2], $0x20, s21, s19, $0xb8;
	[tilespmem:$0x1F140] =	vst v63  }
0x121: {  	_ =	swait.ge [sflag:s10], $0x3200  }
0x122: {  	[sflag:s10] =	ssyncset.done $0x0  }
0x123: {  	s29 =	sadd.s32 $0x0, s24;
	[sflag:s10] =	ssyncadd.s32 $0xFFFFCE00  }
0x124: {  	[tilespmem:s19], [sflag:$0x3] =	stream.linear.gather [hbm4b:s29+s3], $0x190, $0x38;
	[tilespmem:$0x1F140] =	vst v63  }
0x125: {  	s31 =	sadd.s32 $0x0, s23;
	s30 =	sadd.s32 $0x320, s25;
	s29 =	simm.s32 $0x64  }
.LBB2_8:
0x126: {  	[tilespmem:s21], [sflag:$0x3] =	stream.linear.gather [hbm4b:s31+s3], $0x190, $0x38;
	[tilespmem:$0x1F140] =	vst v63  }
0x127: {  	s31 =	smov.u32 s29  }
0x128: {  	p0 =	sne.s32 s29, $0x1770;
	s29 =	sadd.s32 $0x64, s29;
	_ =	swait.ge [sflag:s22], $0x3200  }
0x129: {  	[sflag:s22] =	ssyncset.done $0x0  }
0x12a: {  	[sflag:s22] =	ssyncadd.s32 $0xFFFFCE00  }
0x12b: {  	_ =	swait.ge [sflag:s8], $0x190  }
0x12c: {  	[sflag:s8] =	ssyncset.done $0x0  }
0x12d: {  	[sflag:s8] =	ssyncadd.s32 $0xFFFFFE70  }
0x12e: {  	_ =	swait.ge [sflag:s8], $0x190  }
0x12f: {  	[sflag:s8] =	ssyncset.done $0x0  }
0x130: {  	[sflag:s8] =	ssyncadd.s32 $0xFFFFFE70  }
0x131: {  	[tilespmem:s9], [sflag:$0x1] =	stream.indirect.gather [hbm4b:s16+s19], $0x20, s19, s19, $0xb8;
	[tilespmem:$0x1F140] =	vst v63  }
0x132: {  	_ = 	snop  }
0x133: {  	[spmem:s1] =	stream.indirect.scatter.add.f32 [tilespmem:s14], [sflag:$0x2], $0x20, s17, s19, $0xb8;
	[tilespmem:$0x1F140] =	vst v63  }
0x134: {  	_ =	swait.ge [sflag:s10], $0x3200  }
0x135: {  	s0 =	sshrl.u32 s30, $0x3;
	[sflag:s10] =	ssyncset.done $0x0  }
0x136: {  	s2 =	sadd.s32 s4, s0;
	[sflag:s10] =	ssyncadd.s32 $0xFFFFCE00  }
0x137: {  	[tilespmem:s3], [sflag:$0x3] =	stream.linear.gather [hbm4b:s2+s3], $0x190, $0x38;
	[tilespmem:$0x1F140] =	vst v63  }
0x138: {  	s0 =	sadd.s32 s5, s0  }
0x139: {  	[tilespmem:s17], [sflag:$0x3] =	stream.linear.gather [hbm4b:s0+s3], $0x190, $0x38;
	[tilespmem:$0x1F140] =	vst v63  }
0x13a: {  	_ =	swait.ge [sflag:s22], $0x3200  }
0x13b: {  	[sflag:s22] =	ssyncset.done $0x0  }
0x13c: {  	[sflag:s22] =	ssyncadd.s32 $0xFFFFCE00  }
0x13d: {  	_ =	swait.ge [sflag:s8], $0x190  }
0x13e: {  	[sflag:s8] =	ssyncset.done $0x0  }
0x13f: {  	[sflag:s8] =	ssyncadd.s32 $0xFFFFFE70  }
0x140: {  	_ =	swait.ge [sflag:s8], $0x190  }
0x141: {  	[sflag:s8] =	ssyncset.done $0x0  }
0x142: {  	[sflag:s8] =	ssyncadd.s32 $0xFFFFFE70  }
0x143: {  	[tilespmem:s14], [sflag:$0x1] =	stream.indirect.gather [hbm4b:s16+s19], $0x20, s3, s19, $0xb8;
	[tilespmem:$0x1F140] =	vst v63  }
0x144: {  	_ = 	snop  }
0x145: {  	[spmem:s1] =	stream.indirect.scatter.add.f32 [tilespmem:s9], [sflag:$0x2], $0x20, s21, s19, $0xb8;
	[tilespmem:$0x1F140] =	vst v63  }
.Ltmp3:
0x146: {  	_ =	swait.ge [sflag:s10], $0x3200;
	(pc) =	sbr.rel @p0 .LBB2_8-.Ltmp3, $4  }
0x147: {  	[sflag:s10] =	ssyncset.done $0x0  }
0x148: {  	s0 =	sadd.s32 s31, s24;
	[sflag:s10] =	ssyncadd.s32 $0xFFFFCE00  }
0x149: {  	[tilespmem:s19], [sflag:$0x3] =	stream.linear.gather [hbm4b:s0+s3], $0x190, $0x38;
	[tilespmem:$0x1F140] =	vst v63  }
0x14a: {  	s30 =	sadd.s32 $0x320, s30;
	s31 =	sadd.s32 s31, s23  }
0x14b: {  	[tilespmem:s21], [sflag:$0x3] =	stream.linear.gather [hbm4b:s31+s3], $0x190, $0x38;
	[tilespmem:$0x1F140] =	vst v63  }
0x14c: {  	_ =	swait.ge [sflag:s22], $0x3200  }
0x14d: {  	[sflag:s22] =	ssyncset.done $0x0  }
0x14e: {  	[sflag:s22] =	ssyncadd.s32 $0xFFFFCE00  }
0x14f: {  	_ =	swait.ge [sflag:s8], $0x190  }
0x150: {  	[sflag:s8] =	ssyncset.done $0x0  }
0x151: {  	[sflag:s8] =	ssyncadd.s32 $0xFFFFFE70  }
0x152: {  	_ =	swait.ge [sflag:s8], $0x190  }
0x153: {  	[sflag:s8] =	ssyncset.done $0x0  }
0x154: {  	[sflag:s8] =	ssyncadd.s32 $0xFFFFFE70  }
0x155: {  	[tilespmem:s9], [sflag:$0x1] =	stream.indirect.gather [hbm4b:s16+s19], $0x20, s19, s19, $0xb8;
	[tilespmem:$0x1F140] =	vst v63  }
0x156: {  	_ = 	snop  }
0x157: {  	[spmem:s1] =	stream.indirect.scatter.add.f32 [tilespmem:s14], [sflag:$0x2], $0x20, s17, s19, $0xb8;
	[tilespmem:$0x1F140] =	vst v63  }
0x158: {  	_ =	swait.ge [sflag:s10], $0x3200  }
0x159: {  	[sflag:s10] =	ssyncset.done $0x0  }
0x15a: {  	s0 =	simm.s32 $0x0;
	s2 =	rddreg [dreg:$0x7];
	[sflag:s10] =	ssyncadd.s32 $0xFFFFCE00  }
0x15b: {  	[tilespmem:s0], [sflag:$0x3] =	stream.linear.gather [hbm4b:s2+s0], $0x190, $0x38;
	[tilespmem:$0x1F140] =	vst v63  }
0x15c: {  	s31 =	rddreg [dreg:$0x8]  }
0x15d: {  	[tilespmem:s17], [sflag:$0x3] =	stream.linear.gather [hbm4b:s31+s0], $0x190, $0x38;
	[tilespmem:$0x1F140] =	vst v63  }
0x15e: {  	_ =	swait.ge [sflag:s22], $0x3200  }
0x15f: {  	[sflag:s22] =	ssyncset.done $0x0  }
0x160: {  	[sflag:s22] =	ssyncadd.s32 $0xFFFFCE00  }
0x161: {  	_ =	swait.ge [sflag:s8], $0x190  }
0x162: {  	[sflag:s8] =	ssyncset.done $0x0  }
0x163: {  	[sflag:s8] =	ssyncadd.s32 $0xFFFFFE70  }
0x164: {  	_ =	swait.ge [sflag:s8], $0x190  }
0x165: {  	[sflag:s8] =	ssyncset.done $0x0  }
0x166: {  	[sflag:s8] =	ssyncadd.s32 $0xFFFFFE70  }
0x167: {  	[tilespmem:s14], [sflag:$0x1] =	stream.indirect.gather [hbm4b:s16+s19], $0x20, s0, s19, $0xb8;
	[tilespmem:$0x1F140] =	vst v63  }
0x168: {  	_ = 	snop  }
0x169: {  	[spmem:s1] =	stream.indirect.scatter.add.f32 [tilespmem:s9], [sflag:$0x2], $0x20, s21, s19, $0xb8;
	[tilespmem:$0x1F140] =	vst v63  }
0x16a: {  	_ =	swait.ge [sflag:s10], $0x3200  }
0x16b: {  	[sflag:s10] =	ssyncset.done $0x0  }
0x16c: {  	[sflag:s10] =	ssyncadd.s32 $0xFFFFCE00  }
0x16d: {  	_ =	swait.ge [sflag:s22], $0x3200  }
0x16e: {  	[sflag:s22] =	ssyncset.done $0x0  }
0x16f: {  	[sflag:s22] =	ssyncadd.s32 $0xFFFFCE00  }
0x170: {  	[spmem:s1] =	stream.indirect.scatter.add.f32 [tilespmem:s14], [sflag:$0x2], $0x20, s17, s19, $0xb8;
	[tilespmem:$0x1F140] =	vst v63  }
0x171: {  	_ =	swait.ge [sflag:s10], $0x3200  }
0x172: {  	[sflag:s10] =	ssyncset.done $0x0  }
0x173: {  	[sflag:s10] =	ssyncadd.s32 $0xFFFFCE00  }
0x174: {  	[bflag:$0x0] =	sbarrier.arrive $0xFFFF  }
0x175: {  	s31 =	rddreg [dreg:$0xb]  }
0x176: {  	[hbm:s31], [sflag:s26] =	dma.local [spmem:s28], $0x30E0  }
0x177: {  	_ =	swait.ge [sflag:s15], $0x30E0  }
0x178: {  	[sflag:s15] =	ssyncset.done $0x0  }
0x179: {  	[sflag:s15] =	ssyncadd.s32 $0xFFFFCF20  }
0x17a: {  	s29 =	simm.s32 $0x80;
	s30 =	simm.s32 $0x0;
	[bflag:$0x0] =	sbarrier.arrive $0xFFFF  }
.LBB2_10:
0x17b: {  	p0 =	sne.s32 s29, $0xC780;
	[tilespmem:s30+$0x640] =	vst v0;
	s0 =	smov.u32 s29;
	s29 =	sadd.s32 $0x80, s29  }
.Ltmp4:
0x17c: {  	[tilespmem:s30+$0x650] =	vst v0;
	(pc) =	sbr.rel @p0 .LBB2_10-.Ltmp4, $2  }
0x17d: {  	_ =	sdelay $0x2  }
0x17e: {  	s30 =	sshra.s32 s0, $0x2  }
0x17f: {  	[tilespmem:s30+$0x640] =	vst v0  }
0x180: {  	[tilespmem:s30+$0x650] =	vst v0  }
0x181: {  	[spmem:s7] =	stream.linear.scatter [tilespmem:s14], [sflag:$0x4], $0x3200, $0x38;
	[tilespmem:$0x1F140] =	vst v63  }
0x182: {  	_ =	swait.ge [sflag:s15], $0x3200  }
0x183: {  	[sflag:s15] =	ssyncset.done $0x0  }
0x184: {  	s0 =	rddreg [dreg:$0x10];
	[sflag:s15] =	ssyncadd.s32 $0xFFFFCE00  }
0x185: {  	[spmem:s0] =	stream.linear.scatter [tilespmem:s14], [sflag:$0x4], $0x3200, $0x38;
	[tilespmem:$0x1F140] =	vst v63  }
0x186: {  	_ =	swait.ge [sflag:s15], $0x3200  }
0x187: {  	[sflag:s15] =	ssyncset.done $0x0  }
0x188: {  	s2 =	rddreg [dreg:$0x11];
	[sflag:s15] =	ssyncadd.s32 $0xFFFFCE00  }
0x189: {  	[spmem:s2] =	stream.linear.scatter [tilespmem:s14], [sflag:$0x4], $0x3200, $0x38;
	[tilespmem:$0x1F140] =	vst v63  }
0x18a: {  	_ =	swait.ge [sflag:s15], $0x3200  }
0x18b: {  	[sflag:s15] =	ssyncset.done $0x0  }
0x18c: {  	s2 =	rddreg [dreg:$0x12];
	[sflag:s15] =	ssyncadd.s32 $0xFFFFCE00  }
0x18d: {  	[spmem:s2] =	stream.linear.scatter [tilespmem:s14], [sflag:$0x4], $0x3200, $0x38;
	[tilespmem:$0x1F140] =	vst v63  }
0x18e: {  	_ =	swait.ge [sflag:s15], $0x3200  }
0x18f: {  	[sflag:s15] =	ssyncset.done $0x0  }
0x190: {  	s2 =	rddreg [dreg:$0x13];
	[sflag:s15] =	ssyncadd.s32 $0xFFFFCE00  }
0x191: {  	[spmem:s2] =	stream.linear.scatter [tilespmem:s14], [sflag:$0x4], $0x3200, $0x38;
	[tilespmem:$0x1F140] =	vst v63  }
0x192: {  	_ =	swait.ge [sflag:s15], $0x3200  }
0x193: {  	[sflag:s15] =	ssyncset.done $0x0  }
0x194: {  	s2 =	rddreg [dreg:$0x14];
	[sflag:s15] =	ssyncadd.s32 $0xFFFFCE00  }
0x195: {  	[spmem:s2] =	stream.linear.scatter [tilespmem:s14], [sflag:$0x4], $0x3200, $0x38;
	[tilespmem:$0x1F140] =	vst v63  }
0x196: {  	_ =	swait.ge [sflag:s15], $0x3200  }
0x197: {  	[sflag:s15] =	ssyncset.done $0x0  }
0x198: {  	s2 =	rddreg [dreg:$0x15];
	[sflag:s15] =	ssyncadd.s32 $0xFFFFCE00  }
0x199: {  	[spmem:s2] =	stream.linear.scatter [tilespmem:s14], [sflag:$0x4], $0x3200, $0x38;
	[tilespmem:$0x1F140] =	vst v63  }
0x19a: {  	_ =	swait.ge [sflag:s15], $0x3200  }
0x19b: {  	[sflag:s15] =	ssyncset.done $0x0  }
0x19c: {  	s2 =	rddreg [dreg:$0xf];
	[sflag:s15] =	ssyncadd.s32 $0xFFFFCE00  }
0x19d: {  	[spmem:s2] =	stream.linear.scatter [tilespmem:s14], [sflag:$0x4], $0x2900, $0x38;
	[tilespmem:$0x1F140] =	vst v63  }
0x19e: {  	_ =	swait.ge [sflag:s15], $0x2900  }
0x19f: {  	[sflag:s15] =	ssyncset.done $0x0  }
0x1a0: {  	[sflag:s15] =	ssyncadd.s32 $0xFFFFD700  }
0x1a1: {  	[bflag:$0x0] =	sbarrier.arrive $0xFFFF  }
0x1a2: {  	s0 =	simm.s32 $0x0;
	s2 =	rddreg [dreg:$0x3]  }
0x1a3: {  	[tilespmem:s0], [sflag:$0x4] =	stream.linear.gather [hbm4b:s2+s0], $0x190, $0x38;
	[tilespmem:$0x1F140] =	vst v63  }
0x1a4: {  	_ =	swait.ge [sflag:s15], $0x190  }
0x1a5: {  	[sflag:s15] =	ssyncset.done $0x0  }
0x1a6: {  	s2 =	rddreg [dreg:$0x4];
	[sflag:s15] =	ssyncadd.s32 $0xFFFFFE70  }
0x1a7: {  	[tilespmem:s17], [sflag:$0x4] =	stream.linear.gather [hbm4b:s2+s0], $0x190, $0x38;
	[tilespmem:$0x1F140] =	vst v63  }
0x1a8: {  	_ =	swait.ge [sflag:s15], $0x190  }
0x1a9: {  	[sflag:s15] =	ssyncset.done $0x0  }
0x1aa: {  	[sflag:s15] =	ssyncadd.s32 $0xFFFFFE70  }
0x1ab: {  	[tilespmem:s14], [sflag:$0x1] =	stream.indirect.gather [hbm4b:s18+s19], $0x20, s0, s19, $0xb8;
	[tilespmem:$0x1F140] =	vst v63  }
0x1ac: {  	s2 =	rddreg [dreg:$0x5]  }
0x1ad: {  	[tilespmem:s19], [sflag:$0x3] =	stream.linear.gather [hbm4b:s2+s0], $0x190, $0x38;
	[tilespmem:$0x1F140] =	vst v63  }
0x1ae: {  	s2 =	rddreg [dreg:$0x6]  }
0x1af: {  	[tilespmem:s21], [sflag:$0x3] =	stream.linear.gather [hbm4b:s2+s0], $0x190, $0x38;
	[tilespmem:$0x1F140] =	vst v63  }
0x1b0: {  	_ =	swait.ge [sflag:s22], $0x3200  }
0x1b1: {  	[sflag:s22] =	ssyncset.done $0x0  }
0x1b2: {  	[sflag:s22] =	ssyncadd.s32 $0xFFFFCE00  }
0x1b3: {  	_ =	swait.ge [sflag:s8], $0x190  }
0x1b4: {  	[sflag:s8] =	ssyncset.done $0x0  }
0x1b5: {  	[sflag:s8] =	ssyncadd.s32 $0xFFFFFE70  }
0x1b6: {  	_ =	swait.ge [sflag:s8], $0x190  }
0x1b7: {  	[sflag:s8] =	ssyncset.done $0x0  }
0x1b8: {  	[sflag:s8] =	ssyncadd.s32 $0xFFFFFE70  }
0x1b9: {  	[tilespmem:s9], [sflag:$0x1] =	stream.indirect.gather [hbm4b:s18+s19], $0x20, s19, s19, $0xb8;
	[tilespmem:$0x1F140] =	vst v63  }
0x1ba: {  	_ = 	snop  }
0x1bb: {  	[spmem:s1] =	stream.indirect.scatter.add.f32 [tilespmem:s14], [sflag:$0x2], $0x20, s17, s19, $0xb8;
	[tilespmem:$0x1F140] =	vst v63  }
0x1bc: {  	_ =	swait.ge [sflag:s10], $0x3200  }
0x1bd: {  	[sflag:s10] =	ssyncset.done $0x0  }
0x1be: {  	[sflag:s10] =	ssyncadd.s32 $0xFFFFCE00  }
0x1bf: {  	[tilespmem:s3], [sflag:$0x3] =	stream.linear.gather [hbm4b:s12+s3], $0x190, $0x38;
	[tilespmem:$0x1F140] =	vst v63  }
0x1c0: {  	_ = 	snop  }
0x1c1: {  	[tilespmem:s17], [sflag:$0x3] =	stream.linear.gather [hbm4b:s13+s3], $0x190, $0x38;
	[tilespmem:$0x1F140] =	vst v63  }
0x1c2: {  	_ =	swait.ge [sflag:s22], $0x3200  }
0x1c3: {  	[sflag:s22] =	ssyncset.done $0x0  }
0x1c4: {  	[sflag:s22] =	ssyncadd.s32 $0xFFFFCE00  }
0x1c5: {  	_ =	swait.ge [sflag:s8], $0x190  }
0x1c6: {  	[sflag:s8] =	ssyncset.done $0x0  }
0x1c7: {  	[sflag:s8] =	ssyncadd.s32 $0xFFFFFE70  }
0x1c8: {  	_ =	swait.ge [sflag:s8], $0x190  }
0x1c9: {  	[sflag:s8] =	ssyncset.done $0x0  }
0x1ca: {  	[sflag:s8] =	ssyncadd.s32 $0xFFFFFE70  }
0x1cb: {  	[tilespmem:s14], [sflag:$0x1] =	stream.indirect.gather [hbm4b:s18+s19], $0x20, s3, s19, $0xb8;
	[tilespmem:$0x1F140] =	vst v63  }
0x1cc: {  	_ = 	snop  }
0x1cd: {  	[spmem:s1] =	stream.indirect.scatter.add.f32 [tilespmem:s9], [sflag:$0x2], $0x20, s21, s19, $0xb8;
	[tilespmem:$0x1F140] =	vst v63  }
0x1ce: {  	_ =	swait.ge [sflag:s10], $0x3200  }
0x1cf: {  	s29 =	simm.s32 $0x64;
	s31 =	sadd.s32 $0x0, s23;
	[sflag:s10] =	ssyncset.done $0x0  }
0x1d0: {  	s30 =	sadd.s32 $0x320, s25;
	s2 =	sadd.s32 $0x0, s24;
	[sflag:s10] =	ssyncadd.s32 $0xFFFFCE00  }
0x1d1: {  	[tilespmem:s19], [sflag:$0x3] =	stream.linear.gather [hbm4b:s2+s3], $0x190, $0x38;
	[tilespmem:$0x1F140] =	vst v63  }
.LBB2_12:
0x1d2: {  	[tilespmem:s21], [sflag:$0x3] =	stream.linear.gather [hbm4b:s31+s3], $0x190, $0x38;
	[tilespmem:$0x1F140] =	vst v63  }
0x1d3: {  	s31 =	smov.u32 s29  }
0x1d4: {  	p0 =	sne.s32 s29, $0x1770;
	s29 =	sadd.s32 $0x64, s29;
	_ =	swait.ge [sflag:s22], $0x3200  }
0x1d5: {  	[sflag:s22] =	ssyncset.done $0x0  }
0x1d6: {  	[sflag:s22] =	ssyncadd.s32 $0xFFFFCE00  }
0x1d7: {  	_ =	swait.ge [sflag:s8], $0x190  }
0x1d8: {  	[sflag:s8] =	ssyncset.done $0x0  }
0x1d9: {  	[sflag:s8] =	ssyncadd.s32 $0xFFFFFE70  }
0x1da: {  	_ =	swait.ge [sflag:s8], $0x190  }
0x1db: {  	[sflag:s8] =	ssyncset.done $0x0  }
0x1dc: {  	[sflag:s8] =	ssyncadd.s32 $0xFFFFFE70  }
0x1dd: {  	[tilespmem:s9], [sflag:$0x1] =	stream.indirect.gather [hbm4b:s18+s19], $0x20, s19, s19, $0xb8;
	[tilespmem:$0x1F140] =	vst v63  }
0x1de: {  	_ = 	snop  }
0x1df: {  	[spmem:s1] =	stream.indirect.scatter.add.f32 [tilespmem:s14], [sflag:$0x2], $0x20, s17, s19, $0xb8;
	[tilespmem:$0x1F140] =	vst v63  }
0x1e0: {  	_ =	swait.ge [sflag:s10], $0x3200  }
0x1e1: {  	s0 =	sshrl.u32 s30, $0x3;
	[sflag:s10] =	ssyncset.done $0x0  }
0x1e2: {  	s2 =	sadd.s32 s4, s0;
	[sflag:s10] =	ssyncadd.s32 $0xFFFFCE00  }
0x1e3: {  	[tilespmem:s3], [sflag:$0x3] =	stream.linear.gather [hbm4b:s2+s3], $0x190, $0x38;
	[tilespmem:$0x1F140] =	vst v63  }
0x1e4: {  	s0 =	sadd.s32 s5, s0  }
0x1e5: {  	[tilespmem:s17], [sflag:$0x3] =	stream.linear.gather [hbm4b:s0+s3], $0x190, $0x38;
	[tilespmem:$0x1F140] =	vst v63  }
0x1e6: {  	_ =	swait.ge [sflag:s22], $0x3200  }
0x1e7: {  	[sflag:s22] =	ssyncset.done $0x0  }
0x1e8: {  	[sflag:s22] =	ssyncadd.s32 $0xFFFFCE00  }
0x1e9: {  	_ =	swait.ge [sflag:s8], $0x190  }
0x1ea: {  	[sflag:s8] =	ssyncset.done $0x0  }
0x1eb: {  	[sflag:s8] =	ssyncadd.s32 $0xFFFFFE70  }
0x1ec: {  	_ =	swait.ge [sflag:s8], $0x190  }
0x1ed: {  	[sflag:s8] =	ssyncset.done $0x0  }
0x1ee: {  	[sflag:s8] =	ssyncadd.s32 $0xFFFFFE70  }
0x1ef: {  	[tilespmem:s14], [sflag:$0x1] =	stream.indirect.gather [hbm4b:s18+s19], $0x20, s3, s19, $0xb8;
	[tilespmem:$0x1F140] =	vst v63  }
0x1f0: {  	_ = 	snop  }
0x1f1: {  	[spmem:s1] =	stream.indirect.scatter.add.f32 [tilespmem:s9], [sflag:$0x2], $0x20, s21, s19, $0xb8;
	[tilespmem:$0x1F140] =	vst v63  }
.Ltmp5:
0x1f2: {  	_ =	swait.ge [sflag:s10], $0x3200;
	(pc) =	sbr.rel @p0 .LBB2_12-.Ltmp5, $4  }
0x1f3: {  	[sflag:s10] =	ssyncset.done $0x0  }
0x1f4: {  	s0 =	sadd.s32 s31, s24;
	[sflag:s10] =	ssyncadd.s32 $0xFFFFCE00  }
0x1f5: {  	[tilespmem:s19], [sflag:$0x3] =	stream.linear.gather [hbm4b:s0+s3], $0x190, $0x38;
	[tilespmem:$0x1F140] =	vst v63  }
0x1f6: {  	s30 =	sadd.s32 $0x320, s30;
	s31 =	sadd.s32 s31, s23  }
0x1f7: {  	[tilespmem:s21], [sflag:$0x3] =	stream.linear.gather [hbm4b:s31+s3], $0x190, $0x38;
	[tilespmem:$0x1F140] =	vst v63  }
0x1f8: {  	_ =	swait.ge [sflag:s22], $0x3200  }
0x1f9: {  	[sflag:s22] =	ssyncset.done $0x0  }
0x1fa: {  	[sflag:s22] =	ssyncadd.s32 $0xFFFFCE00  }
0x1fb: {  	_ =	swait.ge [sflag:s8], $0x190  }
0x1fc: {  	[sflag:s8] =	ssyncset.done $0x0  }
0x1fd: {  	[sflag:s8] =	ssyncadd.s32 $0xFFFFFE70  }
0x1fe: {  	_ =	swait.ge [sflag:s8], $0x190  }
0x1ff: {  	[sflag:s8] =	ssyncset.done $0x0  }
0x200: {  	[sflag:s8] =	ssyncadd.s32 $0xFFFFFE70  }
0x201: {  	[tilespmem:s9], [sflag:$0x1] =	stream.indirect.gather [hbm4b:s18+s19], $0x20, s19, s19, $0xb8;
	[tilespmem:$0x1F140] =	vst v63  }
0x202: {  	_ = 	snop  }
0x203: {  	[spmem:s1] =	stream.indirect.scatter.add.f32 [tilespmem:s14], [sflag:$0x2], $0x20, s17, s19, $0xb8;
	[tilespmem:$0x1F140] =	vst v63  }
0x204: {  	_ =	swait.ge [sflag:s10], $0x3200  }
0x205: {  	[sflag:s10] =	ssyncset.done $0x0  }
0x206: {  	s0 =	simm.s32 $0x0;
	s2 =	rddreg [dreg:$0x7];
	[sflag:s10] =	ssyncadd.s32 $0xFFFFCE00  }
0x207: {  	[tilespmem:s0], [sflag:$0x3] =	stream.linear.gather [hbm4b:s2+s0], $0x190, $0x38;
	[tilespmem:$0x1F140] =	vst v63  }
0x208: {  	s31 =	rddreg [dreg:$0x8]  }
0x209: {  	[tilespmem:s17], [sflag:$0x3] =	stream.linear.gather [hbm4b:s31+s0], $0x190, $0x38;
	[tilespmem:$0x1F140] =	vst v63  }
0x20a: {  	_ =	swait.ge [sflag:s22], $0x3200  }
0x20b: {  	[sflag:s22] =	ssyncset.done $0x0  }
0x20c: {  	[sflag:s22] =	ssyncadd.s32 $0xFFFFCE00  }
0x20d: {  	_ =	swait.ge [sflag:s8], $0x190  }
0x20e: {  	[sflag:s8] =	ssyncset.done $0x0  }
0x20f: {  	[sflag:s8] =	ssyncadd.s32 $0xFFFFFE70  }
0x210: {  	_ =	swait.ge [sflag:s8], $0x190  }
0x211: {  	[sflag:s8] =	ssyncset.done $0x0  }
0x212: {  	[sflag:s8] =	ssyncadd.s32 $0xFFFFFE70  }
0x213: {  	[tilespmem:s14], [sflag:$0x1] =	stream.indirect.gather [hbm4b:s18+s19], $0x20, s0, s19, $0xb8;
	[tilespmem:$0x1F140] =	vst v63  }
0x214: {  	_ = 	snop  }
0x215: {  	[spmem:s1] =	stream.indirect.scatter.add.f32 [tilespmem:s9], [sflag:$0x2], $0x20, s21, s19, $0xb8;
	[tilespmem:$0x1F140] =	vst v63  }
0x216: {  	_ =	swait.ge [sflag:s10], $0x3200  }
0x217: {  	[sflag:s10] =	ssyncset.done $0x0  }
0x218: {  	[sflag:s10] =	ssyncadd.s32 $0xFFFFCE00  }
0x219: {  	_ =	swait.ge [sflag:s22], $0x3200  }
0x21a: {  	[sflag:s22] =	ssyncset.done $0x0  }
0x21b: {  	[sflag:s22] =	ssyncadd.s32 $0xFFFFCE00  }
0x21c: {  	[spmem:s1] =	stream.indirect.scatter.add.f32 [tilespmem:s14], [sflag:$0x2], $0x20, s17, s19, $0xb8;
	[tilespmem:$0x1F140] =	vst v63  }
0x21d: {  	_ =	swait.ge [sflag:s10], $0x3200  }
0x21e: {  	[sflag:s10] =	ssyncset.done $0x0  }
0x21f: {  	[sflag:s10] =	ssyncadd.s32 $0xFFFFCE00  }
0x220: {  	[bflag:$0x0] =	sbarrier.arrive $0xFFFF  }
0x221: {  	s31 =	rddreg [dreg:$0xc]  }
0x222: {  	[hbm:s31], [sflag:s26] =	dma.local [spmem:s28], $0x30E0  }
0x223: {  	_ =	swait.ge [sflag:s15], $0x30E0  }
0x224: {  	[sflag:s15] =	ssyncset.done $0x0  }
0x225: {  	[sflag:s15] =	ssyncadd.s32 $0xFFFFCF20  }
0x226: {  	s29 =	simm.s32 $0x80;
	s30 =	simm.s32 $0x0;
	[bflag:$0x0] =	sbarrier.arrive $0xFFFF  }
.LBB2_14:
0x227: {  	p0 =	sne.s32 s29, $0xC780;
	[tilespmem:s30+$0x640] =	vst v0;
	s0 =	smov.u32 s29;
	s29 =	sadd.s32 $0x80, s29  }
.Ltmp6:
0x228: {  	[tilespmem:s30+$0x650] =	vst v0;
	(pc) =	sbr.rel @p0 .LBB2_14-.Ltmp6, $2  }
0x229: {  	_ =	sdelay $0x2  }
0x22a: {  	s30 =	sshra.s32 s0, $0x2  }
0x22b: {  	[tilespmem:s30+$0x640] =	vst v0  }
0x22c: {  	[tilespmem:s30+$0x650] =	vst v0  }
0x22d: {  	[spmem:s7] =	stream.linear.scatter [tilespmem:s14], [sflag:$0x4], $0x3200, $0x38;
	[tilespmem:$0x1F140] =	vst v63  }
0x22e: {  	_ =	swait.ge [sflag:s15], $0x3200  }
0x22f: {  	[sflag:s15] =	ssyncset.done $0x0  }
0x230: {  	s0 =	rddreg [dreg:$0x10];
	[sflag:s15] =	ssyncadd.s32 $0xFFFFCE00  }
0x231: {  	[spmem:s0] =	stream.linear.scatter [tilespmem:s14], [sflag:$0x4], $0x3200, $0x38;
	[tilespmem:$0x1F140] =	vst v63  }
0x232: {  	_ =	swait.ge [sflag:s15], $0x3200  }
0x233: {  	[sflag:s15] =	ssyncset.done $0x0  }
0x234: {  	s30 =	rddreg [dreg:$0x11];
	[sflag:s15] =	ssyncadd.s32 $0xFFFFCE00  }
0x235: {  	[spmem:s30] =	stream.linear.scatter [tilespmem:s14], [sflag:$0x4], $0x3200, $0x38;
	[tilespmem:$0x1F140] =	vst v63  }
0x236: {  	_ =	swait.ge [sflag:s15], $0x3200  }
0x237: {  	[sflag:s15] =	ssyncset.done $0x0  }
0x238: {  	s31 =	rddreg [dreg:$0x12];
	[sflag:s15] =	ssyncadd.s32 $0xFFFFCE00  }
0x239: {  	[spmem:s31] =	stream.linear.scatter [tilespmem:s14], [sflag:$0x4], $0x3200, $0x38;
	[tilespmem:$0x1F140] =	vst v63  }
0x23a: {  	_ =	swait.ge [sflag:s15], $0x3200  }
0x23b: {  	[sflag:s15] =	ssyncset.done $0x0  }
0x23c: {  	s2 =	rddreg [dreg:$0x13];
	[sflag:s15] =	ssyncadd.s32 $0xFFFFCE00  }
0x23d: {  	[spmem:s2] =	stream.linear.scatter [tilespmem:s14], [sflag:$0x4], $0x3200, $0x38;
	[tilespmem:$0x1F140] =	vst v63  }
0x23e: {  	_ =	swait.ge [sflag:s15], $0x3200  }
0x23f: {  	[sflag:s15] =	ssyncset.done $0x0  }
0x240: {  	s30 =	rddreg [dreg:$0x14];
	[sflag:s15] =	ssyncadd.s32 $0xFFFFCE00  }
0x241: {  	[spmem:s30] =	stream.linear.scatter [tilespmem:s14], [sflag:$0x4], $0x3200, $0x38;
	[tilespmem:$0x1F140] =	vst v63  }
0x242: {  	_ =	swait.ge [sflag:s15], $0x3200  }
0x243: {  	[sflag:s15] =	ssyncset.done $0x0  }
0x244: {  	s31 =	rddreg [dreg:$0x15];
	[sflag:s15] =	ssyncadd.s32 $0xFFFFCE00  }
0x245: {  	[spmem:s31] =	stream.linear.scatter [tilespmem:s14], [sflag:$0x4], $0x3200, $0x38;
	[tilespmem:$0x1F140] =	vst v63  }
0x246: {  	_ =	swait.ge [sflag:s15], $0x3200  }
0x247: {  	[sflag:s15] =	ssyncset.done $0x0  }
0x248: {  	s2 =	rddreg [dreg:$0xf];
	[sflag:s15] =	ssyncadd.s32 $0xFFFFCE00  }
0x249: {  	[spmem:s2] =	stream.linear.scatter [tilespmem:s14], [sflag:$0x4], $0x2900, $0x38;
	[tilespmem:$0x1F140] =	vst v63  }
0x24a: {  	_ =	swait.ge [sflag:s15], $0x2900  }
0x24b: {  	[sflag:s15] =	ssyncset.done $0x0  }
0x24c: {  	[sflag:s15] =	ssyncadd.s32 $0xFFFFD700  }
0x24d: {  	[bflag:$0x0] =	sbarrier.arrive $0xFFFF  }
0x24e: {  	s0 =	simm.s32 $0x0;
	s2 =	rddreg [dreg:$0x3]  }
0x24f: {  	[tilespmem:s0], [sflag:$0x4] =	stream.linear.gather [hbm4b:s2+s0], $0x190, $0x38;
	[tilespmem:$0x1F140] =	vst v63  }
0x250: {  	_ =	swait.ge [sflag:s15], $0x190  }
0x251: {  	[sflag:s15] =	ssyncset.done $0x0  }
0x252: {  	s30 =	rddreg [dreg:$0x4];
	[sflag:s15] =	ssyncadd.s32 $0xFFFFFE70  }
0x253: {  	[tilespmem:s17], [sflag:$0x4] =	stream.linear.gather [hbm4b:s30+s0], $0x190, $0x38;
	[tilespmem:$0x1F140] =	vst v63  }
0x254: {  	_ =	swait.ge [sflag:s15], $0x190  }
0x255: {  	[sflag:s15] =	ssyncset.done $0x0  }
0x256: {  	[sflag:s15] =	ssyncadd.s32 $0xFFFFFE70  }
0x257: {  	[tilespmem:s14], [sflag:$0x1] =	stream.indirect.gather [hbm4b:s20+s19], $0x20, s0, s19, $0xb8;
	[tilespmem:$0x1F140] =	vst v63  }
0x258: {  	s31 =	rddreg [dreg:$0x5]  }
0x259: {  	[tilespmem:s19], [sflag:$0x3] =	stream.linear.gather [hbm4b:s31+s0], $0x190, $0x38;
	[tilespmem:$0x1F140] =	vst v63  }
0x25a: {  	s30 =	rddreg [dreg:$0x6]  }
0x25b: {  	[tilespmem:s21], [sflag:$0x3] =	stream.linear.gather [hbm4b:s30+s0], $0x190, $0x38;
	[tilespmem:$0x1F140] =	vst v63  }
0x25c: {  	_ =	swait.ge [sflag:s22], $0x3200  }
0x25d: {  	[sflag:s22] =	ssyncset.done $0x0  }
0x25e: {  	[sflag:s22] =	ssyncadd.s32 $0xFFFFCE00  }
0x25f: {  	_ =	swait.ge [sflag:s8], $0x190  }
0x260: {  	[sflag:s8] =	ssyncset.done $0x0  }
0x261: {  	[sflag:s8] =	ssyncadd.s32 $0xFFFFFE70  }
0x262: {  	_ =	swait.ge [sflag:s8], $0x190  }
0x263: {  	[sflag:s8] =	ssyncset.done $0x0  }
0x264: {  	[sflag:s8] =	ssyncadd.s32 $0xFFFFFE70  }
0x265: {  	[tilespmem:s9], [sflag:$0x1] =	stream.indirect.gather [hbm4b:s20+s19], $0x20, s19, s19, $0xb8;
	[tilespmem:$0x1F140] =	vst v63  }
0x266: {  	_ = 	snop  }
0x267: {  	[spmem:s1] =	stream.indirect.scatter.add.f32 [tilespmem:s14], [sflag:$0x2], $0x20, s17, s19, $0xb8;
	[tilespmem:$0x1F140] =	vst v63  }
0x268: {  	_ =	swait.ge [sflag:s10], $0x3200  }
0x269: {  	[sflag:s10] =	ssyncset.done $0x0  }
0x26a: {  	[sflag:s10] =	ssyncadd.s32 $0xFFFFCE00  }
0x26b: {  	[tilespmem:s3], [sflag:$0x3] =	stream.linear.gather [hbm4b:s12+s3], $0x190, $0x38;
	[tilespmem:$0x1F140] =	vst v63  }
0x26c: {  	_ = 	snop  }
0x26d: {  	[tilespmem:s17], [sflag:$0x3] =	stream.linear.gather [hbm4b:s13+s3], $0x190, $0x38;
	[tilespmem:$0x1F140] =	vst v63  }
0x26e: {  	_ =	swait.ge [sflag:s22], $0x3200  }
0x26f: {  	[sflag:s22] =	ssyncset.done $0x0  }
0x270: {  	[sflag:s22] =	ssyncadd.s32 $0xFFFFCE00  }
0x271: {  	_ =	swait.ge [sflag:s8], $0x190  }
0x272: {  	[sflag:s8] =	ssyncset.done $0x0  }
0x273: {  	[sflag:s8] =	ssyncadd.s32 $0xFFFFFE70  }
0x274: {  	_ =	swait.ge [sflag:s8], $0x190  }
0x275: {  	[sflag:s8] =	ssyncset.done $0x0  }
0x276: {  	[sflag:s8] =	ssyncadd.s32 $0xFFFFFE70  }
0x277: {  	[tilespmem:s14], [sflag:$0x1] =	stream.indirect.gather [hbm4b:s20+s19], $0x20, s3, s19, $0xb8;
	[tilespmem:$0x1F140] =	vst v63  }
0x278: {  	_ = 	snop  }
0x279: {  	[spmem:s1] =	stream.indirect.scatter.add.f32 [tilespmem:s9], [sflag:$0x2], $0x20, s21, s19, $0xb8;
	[tilespmem:$0x1F140] =	vst v63  }
0x27a: {  	_ =	swait.ge [sflag:s10], $0x3200  }
0x27b: {  	s29 =	sadd.s32 $0x0, s23;
	s31 =	sadd.s32 $0x0, s24;
	[sflag:s10] =	ssyncset.done $0x0  }
0x27c: {  	s12 =	simm.s32 $0x64;
	s13 =	sadd.s32 $0x320, s25;
	[sflag:s10] =	ssyncadd.s32 $0xFFFFCE00  }
0x27d: {  	[tilespmem:s19], [sflag:$0x3] =	stream.linear.gather [hbm4b:s31+s3], $0x190, $0x38;
	[tilespmem:$0x1F140] =	vst v63  }
.LBB2_16:
0x27e: {  	[tilespmem:s21], [sflag:$0x3] =	stream.linear.gather [hbm4b:s29+s3], $0x190, $0x38;
	[tilespmem:$0x1F140] =	vst v63  }
0x27f: {  	s29 =	smov.u32 s12  }
0x280: {  	p0 =	sne.s32 s12, $0x1770;
	s12 =	sadd.s32 $0x64, s12;
	_ =	swait.ge [sflag:s22], $0x3200  }
0x281: {  	[sflag:s22] =	ssyncset.done $0x0  }
0x282: {  	[sflag:s22] =	ssyncadd.s32 $0xFFFFCE00  }
0x283: {  	_ =	swait.ge [sflag:s8], $0x190  }
0x284: {  	[sflag:s8] =	ssyncset.done $0x0  }
0x285: {  	[sflag:s8] =	ssyncadd.s32 $0xFFFFFE70  }
0x286: {  	_ =	swait.ge [sflag:s8], $0x190  }
0x287: {  	[sflag:s8] =	ssyncset.done $0x0  }
0x288: {  	[sflag:s8] =	ssyncadd.s32 $0xFFFFFE70  }
0x289: {  	[tilespmem:s9], [sflag:$0x1] =	stream.indirect.gather [hbm4b:s20+s19], $0x20, s19, s19, $0xb8;
	[tilespmem:$0x1F140] =	vst v63  }
0x28a: {  	_ = 	snop  }
0x28b: {  	[spmem:s1] =	stream.indirect.scatter.add.f32 [tilespmem:s14], [sflag:$0x2], $0x20, s17, s19, $0xb8;
	[tilespmem:$0x1F140] =	vst v63  }
0x28c: {  	_ =	swait.ge [sflag:s10], $0x3200  }
0x28d: {  	s0 =	sshrl.u32 s13, $0x3;
	[sflag:s10] =	ssyncset.done $0x0  }
0x28e: {  	s2 =	sadd.s32 s4, s0;
	[sflag:s10] =	ssyncadd.s32 $0xFFFFCE00  }
0x28f: {  	[tilespmem:s3], [sflag:$0x3] =	stream.linear.gather [hbm4b:s2+s3], $0x190, $0x38;
	[tilespmem:$0x1F140] =	vst v63  }
0x290: {  	s0 =	sadd.s32 s5, s0  }
0x291: {  	[tilespmem:s17], [sflag:$0x3] =	stream.linear.gather [hbm4b:s0+s3], $0x190, $0x38;
	[tilespmem:$0x1F140] =	vst v63  }
0x292: {  	_ =	swait.ge [sflag:s22], $0x3200  }
0x293: {  	[sflag:s22] =	ssyncset.done $0x0  }
0x294: {  	[sflag:s22] =	ssyncadd.s32 $0xFFFFCE00  }
0x295: {  	_ =	swait.ge [sflag:s8], $0x190  }
0x296: {  	[sflag:s8] =	ssyncset.done $0x0  }
0x297: {  	[sflag:s8] =	ssyncadd.s32 $0xFFFFFE70  }
0x298: {  	_ =	swait.ge [sflag:s8], $0x190  }
0x299: {  	[sflag:s8] =	ssyncset.done $0x0  }
0x29a: {  	[sflag:s8] =	ssyncadd.s32 $0xFFFFFE70  }
0x29b: {  	[tilespmem:s14], [sflag:$0x1] =	stream.indirect.gather [hbm4b:s20+s19], $0x20, s3, s19, $0xb8;
	[tilespmem:$0x1F140] =	vst v63  }
0x29c: {  	_ = 	snop  }
0x29d: {  	[spmem:s1] =	stream.indirect.scatter.add.f32 [tilespmem:s9], [sflag:$0x2], $0x20, s21, s19, $0xb8;
	[tilespmem:$0x1F140] =	vst v63  }
.Ltmp7:
0x29e: {  	_ =	swait.ge [sflag:s10], $0x3200;
	(pc) =	sbr.rel @p0 .LBB2_16-.Ltmp7, $4  }
0x29f: {  	[sflag:s10] =	ssyncset.done $0x0  }
0x2a0: {  	s0 =	sadd.s32 s29, s24;
	[sflag:s10] =	ssyncadd.s32 $0xFFFFCE00  }
0x2a1: {  	[tilespmem:s19], [sflag:$0x3] =	stream.linear.gather [hbm4b:s0+s3], $0x190, $0x38;
	[tilespmem:$0x1F140] =	vst v63  }
0x2a2: {  	s13 =	sadd.s32 $0x320, s13;
	s29 =	sadd.s32 s29, s23  }
0x2a3: {  	[tilespmem:s21], [sflag:$0x3] =	stream.linear.gather [hbm4b:s29+s3], $0x190, $0x38;
	[tilespmem:$0x1F140] =	vst v63  }
0x2a4: {  	_ =	swait.ge [sflag:s22], $0x3200  }
0x2a5: {  	[sflag:s22] =	ssyncset.done $0x0  }
0x2a6: {  	[sflag:s22] =	ssyncadd.s32 $0xFFFFCE00  }
0x2a7: {  	_ =	swait.ge [sflag:s8], $0x190  }
0x2a8: {  	[sflag:s8] =	ssyncset.done $0x0  }
0x2a9: {  	[sflag:s8] =	ssyncadd.s32 $0xFFFFFE70  }
0x2aa: {  	_ =	swait.ge [sflag:s8], $0x190  }
0x2ab: {  	[sflag:s8] =	ssyncset.done $0x0  }
0x2ac: {  	[sflag:s8] =	ssyncadd.s32 $0xFFFFFE70  }
0x2ad: {  	[tilespmem:s9], [sflag:$0x1] =	stream.indirect.gather [hbm4b:s20+s19], $0x20, s19, s19, $0xb8;
	[tilespmem:$0x1F140] =	vst v63  }
0x2ae: {  	_ = 	snop  }
0x2af: {  	[spmem:s1] =	stream.indirect.scatter.add.f32 [tilespmem:s14], [sflag:$0x2], $0x20, s17, s19, $0xb8;
	[tilespmem:$0x1F140] =	vst v63  }
0x2b0: {  	_ =	swait.ge [sflag:s10], $0x3200  }
0x2b1: {  	[sflag:s10] =	ssyncset.done $0x0  }
0x2b2: {  	s0 =	rddreg [dreg:$0x7];
	[sflag:s10] =	ssyncadd.s32 $0xFFFFCE00  }
0x2b3: {  	[tilespmem:s3], [sflag:$0x3] =	stream.linear.gather [hbm4b:s0+s3], $0x190, $0x38;
	[tilespmem:$0x1F140] =	vst v63  }
0x2b4: {  	s29 =	rddreg [dreg:$0x8]  }
0x2b5: {  	[tilespmem:s17], [sflag:$0x3] =	stream.linear.gather [hbm4b:s29+s3], $0x190, $0x38;
	[tilespmem:$0x1F140] =	vst v63  }
0x2b6: {  	_ =	swait.ge [sflag:s22], $0x3200  }
0x2b7: {  	[sflag:s22] =	ssyncset.done $0x0  }
0x2b8: {  	[sflag:s22] =	ssyncadd.s32 $0xFFFFCE00  }
0x2b9: {  	_ =	swait.ge [sflag:s8], $0x190  }
0x2ba: {  	[sflag:s8] =	ssyncset.done $0x0  }
0x2bb: {  	[sflag:s8] =	ssyncadd.s32 $0xFFFFFE70  }
0x2bc: {  	_ =	swait.ge [sflag:s8], $0x190  }
0x2bd: {  	[sflag:s8] =	ssyncset.done $0x0  }
0x2be: {  	[sflag:s8] =	ssyncadd.s32 $0xFFFFFE70  }
0x2bf: {  	[tilespmem:s14], [sflag:$0x1] =	stream.indirect.gather [hbm4b:s20+s19], $0x20, s3, s19, $0xb8;
	[tilespmem:$0x1F140] =	vst v63  }
0x2c0: {  	_ = 	snop  }
0x2c1: {  	[spmem:s1] =	stream.indirect.scatter.add.f32 [tilespmem:s9], [sflag:$0x2], $0x20, s21, s19, $0xb8;
	[tilespmem:$0x1F140] =	vst v63  }
0x2c2: {  	_ =	swait.ge [sflag:s10], $0x3200  }
0x2c3: {  	[sflag:s10] =	ssyncset.done $0x0  }
0x2c4: {  	[sflag:s10] =	ssyncadd.s32 $0xFFFFCE00  }
0x2c5: {  	_ =	swait.ge [sflag:s22], $0x3200  }
0x2c6: {  	[sflag:s22] =	ssyncset.done $0x0  }
0x2c7: {  	[sflag:s22] =	ssyncadd.s32 $0xFFFFCE00  }
0x2c8: {  	[spmem:s1] =	stream.indirect.scatter.add.f32 [tilespmem:s14], [sflag:$0x2], $0x20, s17, s19, $0xb8;
	[tilespmem:$0x1F140] =	vst v63  }
0x2c9: {  	_ =	swait.ge [sflag:s10], $0x3200  }
0x2ca: {  	[sflag:s10] =	ssyncset.done $0x0  }
0x2cb: {  	[sflag:s10] =	ssyncadd.s32 $0xFFFFCE00  }
0x2cc: {  	[bflag:$0x0] =	sbarrier.arrive $0xFFFF  }
0x2cd: {  	s30 =	rddreg [dreg:$0xd]  }
0x2ce: {  	[hbm:s30], [sflag:s26] =	dma.local [spmem:s28], $0x30E0  }
0x2cf: {  	_ =	swait.ge [sflag:s15], $0x30E0  }
0x2d0: {  	s11 =	sadd.s32 $0x1, s11;
	s31 =	rddreg [dreg:$0xe]  }
0x2d1: {  	p0 =	sne.s32 s11, s31  }
.Ltmp8:
0x2d2: {  	_ = 	snop;
	(pc) =	sbr.rel @p0 .LBB2_1-.Ltmp8, $3  }
0x2d3: {  	[sflag:s15] =	ssyncset.done $0x0  }
0x2d4: {  	[sflag:s15] =	ssyncadd.s32 $0xFFFFCF20  }
0x2d5: {  	[bflag:$0x0] =	sbarrier.arrive $0xFFFF;
	_ =	sdelay $0x1  }
0x2d6: {  	_ =	sfence.sel $0x180000  }
0x2d7: {  	[bflag:$0x0] =	sbarrier.arrive $0xFFFF  }
0x2d8: {  	_ =	strace $0x9000004D  }
0x2d9: {  	s0 =	stileid.u32;
	[bflag:$0x2] =	sbarrier.arrive $0xFFFF  }
0x2da: {  	p0 =	sne.s32 s0, $0x0;
	s0 =	rddreg [dreg:$0x2]  }
0x2db: {  	s0 =	sadd.s32 @!p0 $0x100000, s0  }
0x2dc: {  	[sflag:s0] =	ssyncadd.tile.s32 @!p0 $0x1;
	_ =	shalt  }
.Lfunc_end2:
_tile_overlayer_lowered:
.L_overlay_start_2:
0x2dd: {  	(tag) =	ssettag $0x2  }
0x2de: {  	s0 =	rddreg [dreg:$0x0];
	s2 =	stileid.u32  }
0x2df: {  	s1 =	rddreg [dreg:$0x1];
	p0 =	sne.s32 s2, $0x0  }
0x2e0: {  	s3 =	rddreg [dreg:$0x2];
	[bflag:$0x3] =	sbarrier.arrive $0xFFFF;
	s2 =	simm.s32 @!p0 $0x1C04  }
0x2e1: {  	[timem:s3], [sflag:s2] =	dma.local @!p0 [hbm:s0], s1  }
0x2e2: {  	s0 =	simm.s32 @!p0 $0x4  }
0x2e3: {  	_ =	swait.ge @!p0 [sflag:s0], s1  }
0x2e4: {  	s1 =	ssub.s32 @!p0 $0x0, s1;
	[sflag:s0] =	ssyncset.done @!p0 $0x0  }
0x2e5: {  	[sflag:s0] =	ssyncadd.s32 @!p0 s1  }
0x2e6: {  	[bflag:$0x3] =	sbarrier.arrive $0xFFFF  }
0x2e7: {  	_ =	shalt  }

// kernel: kernel.8.cloned.1.call-start
scs
__scs_entry_jumppad:
0x0: {  	(pc) =	sbr.rel $0x88, $3  }
0x1: {  	(tag) =	ssettag $0x0;
	lr =	simm.s32 $0x1  }
0x2: {  	[smem:$0x3F95] =	sst lr;
	_ =	strace $0xD0000000  }
0x3: {  	_ = 	snop  }
0x4: {  	_ = 	snop  }
0x5: {  	_ = 	snop  }
0x6: {  	_ = 	snop  }
0x7: {  	_ = 	snop  }
__scs_overlays_trampoline_lowered:
0x8: {  	[smem:$0x3FA4] =	sst s0  }
0x9: {  	[smem:$0x3FA5] =	sst s1  }
0xa: {  	[smem:$0x3FA6] =	sst s2  }
0xb: {  	[smem:$0x3FA7] =	sst s3  }
0xc: {  	[smem:$0x3FA8] =	sst s4  }
0xd: {  	[smem:$0x3FA9] =	sst s5  }
0xe: {  	[smem:$0x3FAA] =	sst s6  }
0xf: {  	[smem:$0x3FAB] =	sst s7  }
0x10: {  	[smem:$0x3FAC] =	sst s8  }
0x11: {  	[smem:$0x3FAD] =	sst s9;
	s0 =	simm.s32 @!p0 $0x0  }
0x12: {  	s1 =	sld [smem:$0x3F93];
	s0 =	simm.s32 @p0 $0x1  }
0x13: {  	[smem:$0x3FAE] =	sst s0;
	s0 =	simm.s32 @!p1 $0x0  }
0x14: {  	s2 =	sld [smem:$0x3F92];
	s0 =	simm.s32 @p1 $0x1  }
0x15: {  	[smem:$0x3FAF] =	sst s0;
	s0 =	simm.s32 @!p2 $0x0  }
0x16: {  	s3 =	sld [smem:$0x3FDB];
	s0 =	simm.s32 @p2 $0x1  }
0x17: {  	s4 =	simm.s32 $0x1BF5;
	[smem:$0x3FB1] =	sst s0  }
0x18: {  	s0 =	sld [smem:$0x3F94];
	_ =	swait.ge [sflag:s4], $0x0  }
0x19: {  	s7 =	sld [smem:$0x3F95]  }
0x1a: {  	s8 =	sadd.s32 $0xFFFFE003, lr  }
0x1b: {  	s9 =	sadd.s32 $0xFFFFFEF7, lr;
	s5 =	simm.s32 $0xFFFFFFFF;
	p2 =	slt.u32 s8, $0xFFFFF086  }
0x1c: {  	p1 =	slt.u32 s9, $0xF7A;
	s5 =	simm.s32 @!p2 $0x0  }
0x1d: {  	s5 =	simm.s32 @p1 $0x1;
	p0 =	seq.s32 s7, s2  }
0x1e: {  	s7 =	smul.u32 @!p0 $0xF7A, s2;
	p2 =	seq.s32 @!p0 s5, $0x0  }
0x1f: {  	s9 =	smul.u32 $0xF7A, s1;
	s8 =	simm.s32 @!p0 $0x1BF5;
	p2 =	por !p2, p0  }
0x20: {  	[sflag:s8] =	ssyncset.s32 @!p0 $0xFFFFF086;
	s6 =	sadd.s32 @!p0 s3, s7;
	s7 =	simm.s32 @!p0 $0x108  }
0x21: {  	s3 =	sadd.s32 s3, s9;
	s6 =	sadd.s32 @!p0 $0x88, s6;
	s7 =	simm.s32 @p2 $0x1082  }
0x22: {  	[simem:s7], [sflag:s8] =	dma.local @!p0 [hbm:s6], $0xF7A  }
0x23: {  	s9 =	sor.u32 $0xD0000000, s2;
	s6 =	simm.s32 $0x108;
	_ =	swait.ge @!p0 [sflag:s8], $0x0  }
0x24: {  	s3 =	sadd.s32 $0x88, s3;
	s6 =	simm.s32 @!p1 $0x1082;
	[sflag:s4] =	ssyncset.s32 $0xFFFFF086  }
0x25: {  	[simem:s6], [sflag:s4] =	dma.local [hbm:s3], $0xF7A  }
0x26: {  	[smem:$0x3F95] =	sst s1;
	(tag) =	ssettag s2;
	_ =	strace s9  }
0x27: {  	s1 =	sld [smem:$0x3FA5]  }
0x28: {  	s2 =	sld [smem:$0x3FA6]  }
0x29: {  	s4 =	sld [smem:$0x3FA8]  }
0x2a: {  	p0 =	seq.s32 s5, $0x0;
	s5 =	sld [smem:$0x3FA9]  }
0x2b: {  	s6 =	sld [smem:$0x3FAA]  }
0x2c: {  	s7 =	sld [smem:$0x3FAB]  }
0x2d: {  	s3 =	simm.s32 $0x108;
	s8 =	sld [smem:$0x3FAC]  }
0x2e: {  	s3 =	simm.s32 @!p0 $0x1082;
	s9 =	sld [smem:$0x3FAD]  }
0x2f: {  	lr =	sadd.s32 s0, s3;
	s0 =	sld [smem:$0x3FA4]  }
0x30: {  	s3 =	sld [smem:$0x3FA7]  }
0x31: {  	[smem:$0x3FB0] =	sst s10  }
0x32: {  	s10 =	sld [smem:$0x3FAE];
	_ =	sdelay $0x3  }
0x33: {  	p0 =	seq.s32 s10, $0x1;
	s10 =	sld [smem:$0x3FB0];
	_ =	sdelay $0x3  }
0x34: {  	[smem:$0x3FB0] =	sst s10  }
0x35: {  	s10 =	sld [smem:$0x3FAF];
	_ =	sdelay $0x3  }
0x36: {  	p1 =	seq.s32 s10, $0x1;
	s10 =	sld [smem:$0x3FB0];
	_ =	sdelay $0x3  }
0x37: {  	[smem:$0x3FB0] =	sst s10  }
0x38: {  	s10 =	sld [smem:$0x3FB1]  }
0x39: {  	_ = 	snop;
	(pc) =	sbr.ind lr, $3  }
0x3a: {  	_ = 	snop  }
0x3b: {  	_ = 	snop  }
0x3c: {  	p2 =	seq.s32 s10, $0x1;
	s10 =	sld [smem:$0x3FB0]  }
0x3d: {  	_ =	shalt  }
0x3e: {  	_ =	shalt  }
0x3f: {  	_ =	shalt  }
0x40: {  	_ =	shalt  }
0x41: {  	_ =	shalt  }
0x42: {  	_ =	shalt  }
0x43: {  	_ =	shalt  }
0x44: {  	_ =	shalt  }
0x45: {  	_ =	shalt  }
0x46: {  	_ =	shalt  }
0x47: {  	_ =	shalt  }
0x48: {  	_ =	shalt  }
0x49: {  	_ =	shalt  }
0x4a: {  	_ =	shalt  }
0x4b: {  	_ =	shalt  }
0x4c: {  	_ =	shalt  }
0x4d: {  	_ =	shalt  }
0x4e: {  	_ =	shalt  }
0x4f: {  	_ =	shalt  }
0x50: {  	_ =	shalt  }
0x51: {  	_ =	shalt  }
0x52: {  	_ =	shalt  }
0x53: {  	_ =	shalt  }
0x54: {  	_ =	shalt  }
0x55: {  	_ =	shalt  }
0x56: {  	_ =	shalt  }
0x57: {  	_ =	shalt  }
0x58: {  	_ =	shalt  }
0x59: {  	_ =	shalt  }
0x5a: {  	_ =	shalt  }
0x5b: {  	_ =	shalt  }
0x5c: {  	_ =	shalt  }
0x5d: {  	_ =	shalt  }
0x5e: {  	_ =	shalt  }
0x5f: {  	_ =	shalt  }
0x60: {  	_ =	shalt  }
0x61: {  	_ =	shalt  }
0x62: {  	_ =	shalt  }
0x63: {  	_ =	shalt  }
0x64: {  	_ =	shalt  }
0x65: {  	_ =	shalt  }
0x66: {  	_ =	shalt  }
0x67: {  	_ =	shalt  }
0x68: {  	_ =	shalt  }
0x69: {  	_ =	shalt  }
0x6a: {  	_ =	shalt  }
0x6b: {  	_ =	shalt  }
0x6c: {  	_ =	shalt  }
0x6d: {  	_ =	shalt  }
0x6e: {  	_ =	shalt  }
0x6f: {  	_ =	shalt  }
0x70: {  	_ =	shalt  }
0x71: {  	_ =	shalt  }
0x72: {  	_ =	shalt  }
0x73: {  	_ =	shalt  }
0x74: {  	_ =	shalt  }
0x75: {  	_ =	shalt  }
0x76: {  	_ =	shalt  }
0x77: {  	_ =	shalt  }
0x78: {  	_ =	shalt  }
0x79: {  	_ =	shalt  }
0x7a: {  	_ =	shalt  }
0x7b: {  	_ =	shalt  }
0x7c: {  	_ =	shalt  }
0x7d: {  	_ =	shalt  }
0x7e: {  	_ =	shalt  }
0x7f: {  	_ =	shalt  }
0x80: {  	_ =	shalt  }
0x81: {  	_ =	shalt  }
0x82: {  	_ =	shalt  }
0x83: {  	_ =	shalt  }
0x84: {  	_ =	shalt  }
0x85: {  	_ =	shalt  }
0x86: {  	_ =	shalt  }
0x87: {  	_ =	shalt  }
.Lfunc_end0:
.L_simem_size_0:
called_computation_lowered:
.L_overlay_start_0:
0x88: {  	s2 =	sld [smem:$0x3FD9]  }
0x89: {  	s3 =	sld [smem:$0x3FFE];
	_ =	sdelay $0x1  }
0x8a: {  	s1 =	srdreg.scid  }
0x8b: {  	s0 =	sand.u32 $0x1, s1  }
0x8c: {  	s16 =	sshll.u32 s0, $0xA;
	s2 =	sadd.s32 s3, s2  }
0x8d: {  	s2 =	sadd.s32 s2, s16  }
0x8e: {  	[smem:$0x3FBC] =	sst s2  }
0x8f: {  	_ = 	snop  }
0x90: {  	(tm) =	ssettm $0x1  }
0x91: {  	s17 =	sld [smem:$0x3FFB];
	_ =	sdelay $0x3  }
0x92: {  	_ =	strace s17  }
0x93: {  	s2 =	sld [smem:$0x3FFC];
	_ =	sdelay $0x3  }
0x94: {  	_ =	strace s2  }
0x95: {  	s2 =	sld [smem:$0x3FFD];
	_ =	sdelay $0x3  }
0x96: {  	_ =	strace s2  }
0x97: {  	_ =	strace $0x8FFFFFFF  }
0x98: {  	s18 =	sld [smem:$0x3FDB];
	_ =	sdelay $0x1  }
0x99: {  	s19 =	simm.s32 $_scs_section_size  }
0x9a: {  	s4 =	simm.s32 $_size__tile_overlayer_lowered;
	s5 =	simm.s32 $_tile_overlayer_lowered  }
0x9b: {  	s22 =	simm.s32 $0x1BFF;
	s21 =	sshll.u32 s5, $0x1;
	s2 =	sadd.s32 s19, s18  }
0x9c: {  	s6 =	simm.s32 $0x0;
	s20 =	sshll.u32 s4, $0x1;
	s4 =	sadd.s32 s21, s2  }
0x9d: {  	[timem:s6], [sflag:s22] =	dma.local [hbm:s4], s20  }
0x9e: {  	_ =	swait.ge [sflag:s22], s20  }
0x9f: {  	s3 =	ssub.s32 $0x0, s20;
	[sflag:s22] =	ssyncset.done $0x0  }
0xa0: {  	[sflag:s22] =	ssyncadd.s32 s3;
	_ =	sdelay $0x1  }
0xa1: {  	s23 =	simm.s32 $0x1B8B  }
0xa2: {  	_ =	swait.ge [sflag:s23], $0x1  }
0xa3: {  	[sflag:s23] =	ssyncset.done $0x0  }
0xa4: {  	s25 =	simm.s32 $0x1B8E;
	s24 =	sld [smem:$0x3FFE];
	[sflag:s23] =	ssyncadd.s32 $0xFFFFFFFF  }
0xa5: {  	s26 =	simm.s32 $execute0_lowered;
	[smem:$0x3FD2] =	sst s25  }
0xa6: {  	s4 =	sshll.u32 s26, $0x1;
	_ =	strace $0x80000046;
	[dreg:$0x1] =	wrdreg $0xFFFFFFFF  }
0xa7: {  	s28 =	simm.s32 $_size_execute0_lowered;
	s2 =	sadd.s32 s2, s4;
	[dreg:$0x0] =	wrdreg $0x0  }
0xa8: {  	s4 =	sshll.u32 s28, $0x1;
	[dreg:$0x2] =	wrdreg s2  }
0xa9: {  	[dreg:$0x3] =	wrdreg s4  }
0xaa: {  	[dreg:$0x4] =	wrdreg $0xC0  }
0xab: {  	_ =	task [dreg:s6], $0x5FFFF  }
0xac: {  	[dreg:$0x1] =	wrdreg $0xFFFFFFFF  }
0xad: {  	[dreg:$0x0] =	wrdreg $0x60  }
0xae: {  	[dreg:$0x2] =	wrdreg s24  }
0xaf: {  	[dreg:$0x3] =	wrdreg $0x10A500  }
0xb0: {  	[dreg:$0x4] =	wrdreg $0x9  }
0xb1: {  	_ =	task.clear_ibuf [dreg:s6], $0x5FFFF;
	_ =	strace $0x90000046  }
0xb2: {  	s29 =	simm.s32 $0x9;
	_ =	strace $0x80000048  }
0xb3: {  	_ =	swait.ge [sflag:s29], $0x1  }
0xb4: {  	[sflag:s29] =	ssyncadd.s32 $0xFFFFFFFF  }
0xb5: {  	_ =	strace $0x90000048  }
0xb6: {  	_ =	sfence  }
0xb7: {  	s30 =	sld [smem:$0x0];
	_ =	sdelay $0x2  }
0xb8: {  	s31 =	sshll.u32 s1, $0xD;
	s1 =	sshrl.u32 s1, $0x2  }
0xb9: {  	s3 =	sand.u32 $0x4000, s31;
	s1 =	sadd.s32 s1, s30  }
0xba: {  	s0 =	sor.u32 s3, s0;
	s1 =	sshll.u32 s1, $0x11  }
0xbb: {  	s0 =	sor.u32 s1, s0  }
0xbc: {  	s0 =	sadd.s32 $0x8F2B, s0  }
0xbd: {  	[sflag:s0] =	ssyncadd.remote.s32 $0x1  }
0xbe: {  	_ =	sfence.sel $0xFFFF  }
0xbf: {  	[dreg:$0x0] =	wrdreg $0xFFFFFFFF;
	(pc) =	sbr.abs _section_cstart, $3  }
0xc0: {  	[dreg:$0x1] =	wrdreg $0xFFFFFFFF  }
0xc1: {  	_ =	task.clear_ibuf [dreg:s6], $0x2FFFF;
	_ =	strace $0x9FFFFFFF  }
0xc2: {  	(tm) =	ssettm $0x7FFFFFFF  }
0xc3: {  	_ =	shalt  }
tec
execute0_lowered:
.L_overlay_start_1:
0x0: {  	(tag) =	ssettag $0x1  }
0x1: {  	s4 =	rddreg [dreg:$0x0]  }
0x2: {  	s1 =	rddreg [dreg:$0x1]  }
0x3: {  	s2 =	srdreg.scid;
	s0 =	rddreg [dreg:$0x2]  }
0x4: {  	s3 =	simm.s32 $0x0;
	s11 =	simm.s32 $0xC350;
	s12 =	simm.s32 $0x1  }
0x5: {  	s15 =	simm.s32 $0x0;
	s5 =	sand.u32 $0x1, s2;
	s2 =	stileid.u32  }
0x6: {  	[smem:$0x7FF] =	sst s3;
	s6 =	smul.u32 $0xC3800, s5;
	s7 =	sshll.u32 s5, $0x4  }
0x7: {  	s8 =	smul.u32 $0xC380, s2;
	_ =	strace $0x80000047;
	s5 =	ssub.s32 $0x2, s5  }
0x8: {  	s10 =	smul.u32 $0x30E00, s2;
	s13 =	sshll.u32 s2, $0x6;
	s7 =	sor.u32 s2, s7  }
0x9: {  	s9 =	sshrl.u32 s5, $0x1;
	s13 =	sor.u32 $0x1C02, s13;
	s7 =	smul.u32 $0x186A, s7  }
0xa: {  	s6 =	sadd.s32 s8, s6;
	s9 =	ssub.s32 s5, s9;
	s31 =	sshrl.u32 s10, $0x2  }
0xb: {  	s14 =	sadd.s32 s8, s1;
	s8 =	simm.s32 $0x101D0;
	s6 =	sshrl.u32 s6, $0x3  }
0xc: {  	s10 =	simm.s32 $0x3E8;
	s7 =	sadd.s32 s7, s4;
	s6 =	sadd.s32 s6, s4  }
0xd: {  	s14 =	sshrl.u32 s14, $0x3;
	s4 =	sadd.s32 $0x1E00, s7;
	s5 =	sadd.s32 $0x63A00, s6  }
0xe: {  	v0 =	vimm.f32 $1.000000000e+00;
	v1 =	vimm.f32 $0.0e+00;
	s6 =	smax.u32 s9, $0x1;
	s7 =	sadd.s32 s31, s1;
	s9 =	simm.s32 $0x2  }
.LBB2_1:
0xf: {  	s16 =	simm.s32 $0x40;
	s17 =	simm.s32 $0x0  }
.LBB2_2:
0x10: {  	p0 =	sne.s32 s16, $0xF9C0;
	[tilespmem:s17+$0xC350] =	vst v0;
	s17 =	smov.u32 s16;
	s16 =	sadd.s32 $0x40, s16  }
.Ltmp0:
0x11: {  	(pc) =	sbr.rel @p0 .LBB2_2-.Ltmp0, $2  }
0x12: {  	_ =	sdelay $0x2  }
0x13: {  	s17 =	sshra.s32 s17, $0x2  }
0x14: {  	[tilespmem:s17+$0xC350] =	vst v0;
	s16 =	simm.s32 $0x40;
	s17 =	simm.s32 $0x0  }
.LBB2_4:
0x15: {  	p0 =	sne.s32 s16, $0x21C0;
	[tilespmem:s17+$0x101D0] =	vst v1;
	s17 =	smov.u32 s16;
	s16 =	sadd.s32 $0x40, s16  }
.Ltmp1:
0x16: {  	(pc) =	sbr.rel @p0 .LBB2_4-.Ltmp1, $2  }
0x17: {  	_ =	sdelay $0x2  }
0x18: {  	s17 =	sshra.s32 s17, $0x2  }
0x19: {  	[tilespmem:s17+$0x101D0] =	vst v1;
	s16 =	sadd.s32 $0x0, s7  }
0x1a: {  	[spmem:s16] =	stream.linear.scatter [tilespmem:s8], [sflag:$0x2], $0x880, $0x38;
	[tilespmem:$0x1CDD0] =	vst v63  }
0x1b: {  	s16 =	simm.s32 $0x2200;
	_ =	swait.ge [sflag:s9], $0x880  }
.LBB2_6:
0x1c: {  	s17 =	sshra.s32 s16, $0x2;
	[sflag:s9] =	ssyncset.done $0x0;
	p0 =	sne.s32 s16, $0x2EC00  }
.Ltmp2:
0x1d: {  	s17 =	sadd.s32 s17, s7;
	[sflag:s9] =	ssyncadd.s32 $0xFFFFF780;
	(pc) =	sbr.rel @p0 .LBB2_6-.Ltmp2, $3  }
0x1e: {  	[spmem:s17] =	stream.linear.scatter [tilespmem:s8], [sflag:$0x2], $0x880, $0x38;
	[tilespmem:$0x1CDD0] =	vst v63  }
0x1f: {  	s16 =	sadd.s32 $0x2200, s16;
	_ =	sdelay $0x1  }
0x20: {  	_ =	swait.ge [sflag:s9], $0x880  }
0x21: {  	[sflag:s9] =	ssyncset.done $0x0  }
0x22: {  	[sflag:s9] =	ssyncadd.s32 $0xFFFFF780  }
0x23: {  	[tilespmem:s3], [sflag:$0x2] =	stream.linear.gather [hbm4b:s4+s3], $0xC350, $0x38;
	[tilespmem:$0x1CDD0] =	vst v63  }
0x24: {  	_ =	swait.ge [sflag:s9], $0xC350  }
0x25: {  	[sflag:s9] =	ssyncset.done $0x0  }
0x26: {  	[sflag:s9] =	ssyncadd.s32 $0xFFFF3CB0  }
0x27: {  	[bflag:$0x0] =	sbarrier.arrive $0xFFFF  }
0x28: {  	[spmem:s1] =	stream.indirect.scatter.add.f32 [tilespmem:s11], [sflag:$0x1], $0x10, s3, s10, $0xb8;
	[tilespmem:$0x1CDD0] =	vst v63  }
0x29: {  	_ = 	snop  }
0x2a: {  	[spmem:s1] =	stream.indirect.scatter.add.f32 [tilespmem:s11], [sflag:$0x1], $0x10, s10, s10, $0xb8;
	[tilespmem:$0x1CDD0] =	vst v63  }
0x2b: {  	_ =	swait.ge [sflag:s12], $0x3E80  }
0x2c: {  	[sflag:s12] =	ssyncset.done $0x0  }
0x2d: {  	s16 =	simm.s32 $0x2EE0;
	s17 =	simm.s32 $0x7D0;
	[sflag:s12] =	ssyncadd.s32 $0xFFFFC180  }
.LBB2_8:
0x2e: {  	[spmem:s1] =	stream.indirect.scatter.add.f32 [tilespmem:s11], [sflag:$0x1], $0x10, s17, s10, $0xb8;
	[tilespmem:$0x1CDD0] =	vst v63  }
0x2f: {  	s17 =	smov.u32 s16;
	p0 =	sne.s32 s16, $0x2FDA0  }
.Ltmp3:
0x30: {  	s16 =	sadd.s32 $0xFA0, s16;
	(pc) =	sbr.rel @p0 .LBB2_8-.Ltmp3, $4  }
0x31: {  	_ = 	snop  }
0x32: {  	_ =	swait.ge [sflag:s12], $0x3E80  }
0x33: {  	[sflag:s12] =	ssyncset.done $0x0  }
0x34: {  	s17 =	sshra.s32 s17, $0x2;
	[sflag:s12] =	ssyncadd.s32 $0xFFFFC180  }
0x35: {  	[spmem:s1] =	stream.indirect.scatter.add.f32 [tilespmem:s11], [sflag:$0x1], $0x10, s17, s10, $0xb8;
	[tilespmem:$0x1CDD0] =	vst v63  }
0x36: {  	_ =	swait.ge [sflag:s12], $0x3E80  }
0x37: {  	[sflag:s12] =	ssyncset.done $0x0  }
0x38: {  	[sflag:s12] =	ssyncadd.s32 $0xFFFFC180  }
0x39: {  	_ =	swait.ge [sflag:s12], $0x3E80  }
0x3a: {  	s15 =	sadd.s32 $0x1, s15;
	[sflag:s12] =	ssyncset.done $0x0  }
0x3b: {  	p0 =	sne.s32 s15, s6;
	[sflag:s12] =	ssyncadd.s32 $0xFFFFC180  }
.Ltmp4:
0x3c: {  	[bflag:$0x0] =	sbarrier.arrive $0xFFFF;
	(pc) =	sbr.rel @p0 .LBB2_1-.Ltmp4, $4  }
0x3d: {  	[hbm:s5], [sflag:s13] =	dma.local [spmem:s14], $0x1870  }
0x3e: {  	_ =	swait.ge [sflag:s9], $0x1870  }
0x3f: {  	[sflag:s9] =	ssyncset.done $0x0  }
0x40: {  	[sflag:s9] =	ssyncadd.s32 $0xFFFFE790  }
0x41: {  	_ =	sfence.sel $0x180000  }
0x42: {  	[bflag:$0x0] =	sbarrier.arrive $0xFFFF  }
0x43: {  	p0 =	sne.s32 s2, $0x0;
	_ =	strace $0x90000047  }
0x44: {  	s0 =	sadd.s32 @!p0 $0x100000, s0;
	[bflag:$0x2] =	sbarrier.arrive $0xFFFF  }
0x45: {  	[sflag:s0] =	ssyncadd.tile.s32 @!p0 $0x1;
	_ =	shalt  }
.Lfunc_end2:
_tile_overlayer_lowered:
.L_overlay_start_2:
0x46: {  	(tag) =	ssettag $0x2  }
0x47: {  	s0 =	rddreg [dreg:$0x0];
	s2 =	stileid.u32  }
0x48: {  	s1 =	rddreg [dreg:$0x1];
	p0 =	sne.s32 s2, $0x0  }
0x49: {  	s3 =	rddreg [dreg:$0x2];
	[bflag:$0x3] =	sbarrier.arrive $0xFFFF;
	s2 =	simm.s32 @!p0 $0x1C02  }
0x4a: {  	[timem:s3], [sflag:s2] =	dma.local @!p0 [hbm:s0], s1  }
0x4b: {  	s0 =	simm.s32 @!p0 $0x2  }
0x4c: {  	_ =	swait.ge @!p0 [sflag:s0], s1  }
0x4d: {  	s1 =	ssub.s32 @!p0 $0x0, s1;
	[sflag:s0] =	ssyncset.done @!p0 $0x0  }
0x4e: {  	[sflag:s0] =	ssyncadd.s32 @!p0 s1  }
0x4f: {  	[bflag:$0x3] =	sbarrier.arrive $0xFFFF  }
0x50: {  	_ =	shalt  }

</sc_bundles>
